<compile_context>
chip_gen: v7x
topology: tpu7x:2x2x1
jax: 0.10.2.dev20260603
libtpu: 0.0.44.dev20260713+nightly
codegen_flags: <defaults>
</compile_context>

<pallas_src>
import functools

import jax
import jax.numpy as jnp
from jax import lax
from jax.experimental import pallas as pl
from jax.experimental.pallas import tpu as pltpu
from jax.experimental.pallas import tpu_sc as plsc

N0 = 10000
D0 = 512
H = 128
E = 320000

NC = 2
NS = 16
EPT = E // NS
K = 80
CH = 25
NBLK = EPT // (K * CH)
RPT = N0 // NS
ZR = 25

BM = 1000


def _mm(x, w):
    return lax.dot_general(x, w, (((1,), (1,)), ((), ())),
                           preferred_element_type=jnp.float32)



def _proj_body(x_ref, wfc_ref, bfc_ref, wg0_ref, wg1_ref, out_ref):
    h = _mm(x_ref[...], wfc_ref[...]) + bfc_ref[...]
    h = jnp.where(h > 0, h, jnp.exp(jnp.minimum(h, 0.0)) - 1.0)
    out_ref[0] = _mm(h, wg0_ref[...])
    out_ref[1] = _mm(h, wg1_ref[...])


def _project(feat0, wfc, bfc, wg0, wg1):
    grid = (N0 // BM,)
    return pl.pallas_call(
        _proj_body,
        grid=grid,
        in_specs=[
            pl.BlockSpec((BM, D0), lambda i: (i, 0)),
            pl.BlockSpec((H, D0), lambda i: (0, 0)),
            pl.BlockSpec((1, H), lambda i: (0, 0)),
            pl.BlockSpec((H, H), lambda i: (0, 0)),
            pl.BlockSpec((H, H), lambda i: (0, 0)),
        ],
        out_specs=pl.BlockSpec((2, BM, H), lambda i: (0, i, 0)),
        out_shape=jax.ShapeDtypeStruct((2, N0, H), jnp.float32),
    )(feat0, wfc, bfc, wg0, wg1)



def _segsum_body(seq_hbm, srcb_hbm, dstb_hbm, out_hbm,
                 src_v, dst_v, rows_v, zbuf_v, acc_sh, sem):
    cid = lax.axis_index("c")
    sid = lax.axis_index("s")

    zero16 = jnp.zeros((16,), jnp.float32)
    for r in range(ZR):
        for c in range(H // 16):
            zbuf_v[r, pl.ds(c * 16, 16)] = zero16
    row0 = sid * RPT
    for t in range(RPT // ZR):
        pltpu.sync_copy(zbuf_v, acc_sh.at[pl.ds(row0 + t * ZR, ZR)])
    plsc.subcore_barrier()

    cbase = sid * (EPT // K)

    def outer(b, carry):
        blk = cbase + b * CH
        pltpu.sync_copy(srcb_hbm.at[cid, pl.ds(blk, CH)], src_v)
        pltpu.sync_copy(dstb_hbm.at[cid, pl.ds(blk, CH)], dst_v)
        for j in range(CH):
            pltpu.async_copy(seq_hbm.at[src_v.at[j]], rows_v, sem).wait()
            pltpu.sync_copy(rows_v, acc_sh.at[dst_v.at[j]], add=True)
        return carry

    lax.fori_loop(0, NBLK, outer, 0)
    plsc.subcore_barrier()

    for t in range(RPT // ZR):
        r = row0 + t * ZR
        pltpu.sync_copy(acc_sh.at[pl.ds(r, ZR)], zbuf_v)
        pltpu.sync_copy(zbuf_v, out_hbm.at[cid, pl.ds(r, ZR)])


def _segment_sums(seq_flat, src_blocks, dst_blocks):
    mesh = plsc.VectorSubcoreMesh(core_axis_name="c", subcore_axis_name="s")
    run = pl.kernel(
        _segsum_body,
        out_type=jax.ShapeDtypeStruct((NC, N0, H), jnp.float32),
        mesh=mesh,
        scratch_types=[
            pltpu.VMEM((CH, K), jnp.int32),
            pltpu.VMEM((CH, K), jnp.int32),
            pltpu.VMEM((K, H), jnp.float32),
            pltpu.VMEM((ZR, H), jnp.float32),
            pltpu.VMEM_SHARED((N0, H), jnp.float32),
            pltpu.SemaphoreType.DMA,
        ],
        compiler_params=pltpu.CompilerParams(use_tc_tiling_on_sc=False),
    )
    return run(seq_flat, src_blocks, dst_blocks)



def _att_sums_body(agg_ref, bg0_ref, bg1_ref, a0_ref, a1_ref,
                   watt_ref, batt_ref, s0_ref, s1_ref):
    i = pl.program_id(0)

    @pl.when(i == 0)
    def _():
        s0_ref[...] = jnp.zeros_like(s0_ref)
        s1_ref[...] = jnp.zeros_like(s1_ref)

    def tile_sum(e, a_ref, bg_ref):
        e = e + bg_ref[...]
        e = jnp.where(e >= 0, e, a_ref[0, 0] * e)
        t = jnp.tanh(_mm(e, watt_ref[...]) + batt_ref[...])
        return jnp.sum(t.reshape(BM // 8, 8, H), axis=0)

    s0_ref[...] += tile_sum(agg_ref[0], a0_ref, bg0_ref)
    s1_ref[...] += tile_sum(agg_ref[1], a1_ref, bg1_ref)


def _att_sums(agg, bg0, bg1, a0, a1, watt, batt):
    grid = (N0 // BM,)
    return pl.pallas_call(
        _att_sums_body,
        grid=grid,
        in_specs=[
            pl.BlockSpec((2, BM, H), lambda i: (0, i, 0)),
            pl.BlockSpec((1, H), lambda i: (0, 0)),
            pl.BlockSpec((1, H), lambda i: (0, 0)),
            pl.BlockSpec((1, 1), lambda i: (0, 0)),
            pl.BlockSpec((1, 1), lambda i: (0, 0)),
            pl.BlockSpec((H, H), lambda i: (0, 0)),
            pl.BlockSpec((1, H), lambda i: (0, 0)),
        ],
        out_specs=[
            pl.BlockSpec((8, H), lambda i: (0, 0)),
            pl.BlockSpec((8, H), lambda i: (0, 0)),
        ],
        out_shape=[
            jax.ShapeDtypeStruct((8, H), jnp.float32),
            jax.ShapeDtypeStruct((8, H), jnp.float32),
        ],
    )(agg, bg0, bg1, a0, a1, watt, batt)


def _fuse_body(agg_ref, bg0_ref, bg1_ref, a0_ref, a1_ref,
               s0_ref, s1_ref, attv_ref, out_ref):
    sp0 = jnp.sum(s0_ref[...], axis=0) / N0
    sp1 = jnp.sum(s1_ref[...], axis=0) / N0
    l0 = jnp.sum(attv_ref[0] * sp0)
    l1 = jnp.sum(attv_ref[0] * sp1)
    m = jnp.maximum(l0, l1)
    w0 = jnp.exp(l0 - m)
    w1 = jnp.exp(l1 - m)
    inv = 1.0 / (w0 + w1)
    b0 = w0 * inv
    b1 = w1 * inv

    def act(e, a_ref, bg_ref):
        e = e + bg_ref[...]
        return jnp.where(e >= 0, e, a_ref[0, 0] * e)

    e0 = act(agg_ref[0], a0_ref, bg0_ref)
    e1 = act(agg_ref[1], a1_ref, bg1_ref)
    out_ref[...] = e0 * b0 + e1 * b1


def _fuse(agg, bg0, bg1, a0, a1, s0, s1, attv):
    grid = (N0 // BM,)
    return pl.pallas_call(
        _fuse_body,
        grid=grid,
        in_specs=[
            pl.BlockSpec((2, BM, H), lambda i: (0, i, 0)),
            pl.BlockSpec((1, H), lambda i: (0, 0)),
            pl.BlockSpec((1, H), lambda i: (0, 0)),
            pl.BlockSpec((1, 1), lambda i: (0, 0)),
            pl.BlockSpec((1, 1), lambda i: (0, 0)),
            pl.BlockSpec((8, H), lambda i: (0, 0)),
            pl.BlockSpec((8, H), lambda i: (0, 0)),
            pl.BlockSpec((1, H), lambda i: (0, 0)),
        ],
        out_specs=pl.BlockSpec((BM, H), lambda i: (i, 0)),
        out_shape=jax.ShapeDtypeStruct((N0, H), jnp.float32),
    )(agg, bg0, bg1, a0, a1, s0, s1, attv)



def kernel(feat0, feat1, edge_index0, edge_index1, W_fc0, b_fc0, W_fc1, b_fc1,
           W_gcn0, b_gcn0, a0, W_gcn1, b_gcn1, a1, W_att, b_att, att_vec):
    bfc0 = b_fc0.reshape(1, H)
    bg0 = b_gcn0.reshape(1, H)
    bg1 = b_gcn1.reshape(1, H)
    batt = b_att.reshape(1, H)
    a0r = a0.reshape(1, 1)
    a1r = a1.reshape(1, 1)

    seq = _project(feat0, W_fc0, bfc0, W_gcn0, W_gcn1)
    seq_flat = seq.reshape(NC * N0, H)

    src_blocks = jnp.stack(
        [edge_index0[0], edge_index1[0] + N0]).reshape(NC, E // K, K)
    dst_blocks = jnp.stack(
        [edge_index0[1], edge_index1[1]]).reshape(NC, E // K, K)

    agg = _segment_sums(seq_flat, src_blocks, dst_blocks)

    s0, s1 = _att_sums(agg, bg0, bg1, a0r, a1r, W_att, batt)
    z = _fuse(agg, bg0, bg1, a0r, a1r, s0, s1, att_vec)
    return z

# --- scband reference (transcript-rebuilt; emitter-appended) ---
"""Pipeline reference for scband-student-my-he-co-32220844655476 (READ-ONLY COPY).

The authoritative reference and input builder live on the scoring server;
editing this copy changes nothing except your own understanding.
"""

import jax, jax.numpy as jnp
import numpy as np

N0 = 10000
N1 = 5000
E = 320000
D0 = 512
D1 = 256
H = 128

def setup_inputs(seed: int = 0):
    key = jax.random.key(seed)
    ks = jax.random.split(key, 20)
    def glorot(k, shape):
        fan_in, fan_out = shape[-1], shape[0]
        std = 1.414 * (2.0 / (fan_in + fan_out)) ** 0.5
        return (std * jax.random.normal(k, shape)).astype(jnp.float32)
    inp = {}
    inp['feat0'] = jax.random.normal(ks[0], (N0, D0), dtype=jnp.float32)
    inp['feat1'] = jax.random.normal(ks[1], (N1, D1), dtype=jnp.float32)
    inp['edge_index0'] = jax.random.randint(ks[2], (2, E), 0, N0, dtype=jnp.int32)
    inp['edge_index1'] = jax.random.randint(ks[3], (2, E), 0, N0, dtype=jnp.int32)
    inp['W_fc0'] = glorot(ks[4], (H, D0)); inp['b_fc0'] = jnp.zeros((H,), jnp.float32)
    inp['W_fc1'] = glorot(ks[5], (H, D1)); inp['b_fc1'] = jnp.zeros((H,), jnp.float32)
    inp['W_gcn0'] = glorot(ks[6], (H, H)); inp['b_gcn0'] = jnp.zeros((H,), jnp.float32); inp['a0'] = jnp.float32(0.25)
    inp['W_gcn1'] = glorot(ks[7], (H, H)); inp['b_gcn1'] = jnp.zeros((H,), jnp.float32); inp['a1'] = jnp.float32(0.25)
    inp['W_att'] = glorot(ks[8], (H, H)); inp['b_att'] = jnp.zeros((H,), jnp.float32)
    inp['att_vec'] = glorot(ks[9], (1, H))
    return inp

def _prelu(x, a):
    return jnp.where(x >= 0, x, a * x)

def _gcn(h, edge_index, W, b, a):
    # GCN.forward: seq_fts = fc(seq); out = sparse.mm(adj, seq_fts); out += bias; act = PReLU
    seq_fts = h @ W.T
    src = edge_index[0]
    dst = edge_index[1]
    out = jax.ops.segment_sum(seq_fts[src], dst, num_segments=h.shape[0])
    return _prelu(out + b, a)

def reference(feat0, feat1, edge_index0, edge_index1, W_fc0, b_fc0, W_fc1, b_fc1, W_gcn0, b_gcn0, a0, W_gcn1, b_gcn1, a1, W_att, b_att, att_vec):
    # StudentMyHeCo.forward: per-type projection + ELU (feat_drop=0 -> identity)
    h0 = jax.nn.elu(feat0 @ W_fc0.T + b_fc0)
    h1 = jax.nn.elu(feat1 @ W_fc1.T + b_fc1)  # used by schema encoder in original; computed faithfully
    # myMp_encoder: P parallel GCNs over metapath adjacencies
    e0 = _gcn(h0, edge_index0, W_gcn0, b_gcn0, a0)
    e1 = _gcn(h0, edge_index1, W_gcn1, b_gcn1, a1)
    # Attention fusion (attn_drop=0 -> identity on att vector)
    sp0 = jnp.tanh(e0 @ W_att.T + b_att).mean(axis=0)
    sp1 = jnp.tanh(e1 @ W_att.T + b_att).mean(axis=0)
    beta = jnp.concatenate([att_vec @ sp0, att_vec @ sp1]).reshape(-1)
    beta = jax.nn.softmax(beta)
    z_mp = e0 * beta[0] + e1 * beta[1]
    return z_mp

if __name__ == "__main__":
    import jax
    _d = setup_inputs()
    print(jax.jit(kernel)(*tuple(_d.values())))

</pallas_src>

<mosaic_0001>
#map = affine_map<(d0, d1) -> (0, 0)>
#map1 = affine_map<(d0, d1) -> (0, 0, 0)>
module attributes {stable_mosaic.version = 14 : i64} {
  func.func @_segsum_body(%arg0: i32, %arg1: i32, %arg2: memref<20000x128xf32, #tpu.memory_space<hbm>>, %arg3: memref<2x4000x80xi32, #tpu.memory_space<hbm>>, %arg4: memref<2x4000x80xi32, #tpu.memory_space<hbm>>, %arg5: memref<2x10000x128xf32, #tpu.memory_space<hbm>>, %arg6: memref<25x80xi32, #tpu.memory_space<vmem>>, %arg7: memref<25x80xi32, #tpu.memory_space<vmem>>, %arg8: memref<80x128xf32, #tpu.memory_space<vmem>>, %arg9: memref<25x128xf32, #tpu.memory_space<vmem>>, %arg10: memref<10000x128xf32, #tpu.memory_space<vmem_shared>>, %arg11: memref<!tpu.dma_semaphore, #tpu.memory_space<semaphore_mem>>) attributes {dimension_semantics = [#tpu.dimension_semantics<core_parallel>, #tpu.dimension_semantics<subcore_parallel>], iteration_bounds = array<i64: 2, 16>, scalar_prefetch = 0 : i64, scratch_operands = 6 : i64, tpu.core_type = #tpu.core_type<sc_vector_subcore>, window_params = [{transform_indices = #map}, {transform_indices = #map1}, {transform_indices = #map1}, {transform_indices = #map1}]} {
    %broadcast_in_dim3A = arith.constant 0.000000e+00 : f32
    %broadcast_in_dim3A_0 = vector.broadcast %broadcast_in_dim3A : f32 to vector<16xf32>
    %swap3A = arith.constant 0 : i32
    %swap3A_1 = arith.index_cast %swap3A : i32 to index
    %swap3A_2 = arith.constant 0 : index
    %swap3A_3 = tpu.vector_load %arg9[%swap3A_1, %swap3A_2] {strides = array<i32>} : memref<25x128xf32, #tpu.memory_space<vmem>>, vector<1x16xf32>,
    %swap3A_4 = vector.shape_cast %swap3A_3 : vector<1x16xf32> to vector<16xf32>
    %swap3A_5 = vector.shape_cast %broadcast_in_dim3A_0 : vector<16xf32> to vector<1x16xf32>
    tpu.vector_store %arg9[%swap3A_1, %swap3A_2], %swap3A_5 {strides = array<i32>} : memref<25x128xf32, #tpu.memory_space<vmem>>, vector<1x16xf32>,
    %swap3A_6 = arith.constant 0 : i32
    %swap3A_7 = arith.index_cast %swap3A_6 : i32 to index
    %swap3A_8 = arith.constant 16 : index
    %swap3A_9 = tpu.vector_load %arg9[%swap3A_7, %swap3A_8] {strides = array<i32>} : memref<25x128xf32, #tpu.memory_space<vmem>>, vector<1x16xf32>,
    %swap3A_10 = vector.shape_cast %swap3A_9 : vector<1x16xf32> to vector<16xf32>
    %swap3A_11 = vector.shape_cast %broadcast_in_dim3A_0 : vector<16xf32> to vector<1x16xf32>
    tpu.vector_store %arg9[%swap3A_7, %swap3A_8], %swap3A_11 {strides = array<i32>} : memref<25x128xf32, #tpu.memory_space<vmem>>, vector<1x16xf32>,
    %swap3A_12 = arith.constant 0 : i32
    %swap3A_13 = arith.index_cast %swap3A_12 : i32 to index
    %swap3A_14 = arith.constant 32 : index
    %swap3A_15 = tpu.vector_load %arg9[%swap3A_13, %swap3A_14] {strides = array<i32>} : memref<25x128xf32, #tpu.memory_space<vmem>>, vector<1x16xf32>,
    %swap3A_16 = vector.shape_cast %swap3A_15 : vector<1x16xf32> to vector<16xf32>
    %swap3A_17 = vector.shape_cast %broadcast_in_dim3A_0 : vector<16xf32> to vector<1x16xf32>
    tpu.vector_store %arg9[%swap3A_13, %swap3A_14], %swap3A_17 {strides = array<i32>} : memref<25x128xf32, #tpu.memory_space<vmem>>, vector<1x16xf32>,
    %swap3A_18 = arith.constant 0 : i32
    %swap3A_19 = arith.index_cast %swap3A_18 : i32 to index
    %swap3A_20 = arith.constant 48 : index
    %swap3A_21 = tpu.vector_load %arg9[%swap3A_19, %swap3A_20] {strides = array<i32>} : memref<25x128xf32, #tpu.memory_space<vmem>>, vector<1x16xf32>,
    %swap3A_22 = vector.shape_cast %swap3A_21 : vector<1x16xf32> to vector<16xf32>
    %swap3A_23 = vector.shape_cast %broadcast_in_dim3A_0 : vector<16xf32> to vector<1x16xf32>
    tpu.vector_store %arg9[%swap3A_19, %swap3A_20], %swap3A_23 {strides = array<i32>} : memref<25x128xf32, #tpu.memory_space<vmem>>, vector<1x16xf32>,
    %swap3A_24 = arith.constant 0 : i32
    %swap3A_25 = arith.index_cast %swap3A_24 : i32 to index
    %swap3A_26 = arith.constant 64 : index
    %swap3A_27 = tpu.vector_load %arg9[%swap3A_25, %swap3A_26] {strides = array<i32>} : memref<25x128xf32, #tpu.memory_space<vmem>>, vector<1x16xf32>,
    %swap3A_28 = vector.shape_cast %swap3A_27 : vector<1x16xf32> to vector<16xf32>
    %swap3A_29 = vector.shape_cast %broadcast_in_dim3A_0 : vector<16xf32> to vector<1x16xf32>
    tpu.vector_store %arg9[%swap3A_25, %swap3A_26], %swap3A_29 {strides = array<i32>} : memref<25x128xf32, #tpu.memory_space<vmem>>, vector<1x16xf32>,
    %swap3A_30 = arith.constant 0 : i32
    %swap3A_31 = arith.index_cast %swap3A_30 : i32 to index
    %swap3A_32 = arith.constant 80 : index
    %swap3A_33 = tpu.vector_load %arg9[%swap3A_31, %swap3A_32] {strides = array<i32>} : memref<25x128xf32, #tpu.memory_space<vmem>>, vector<1x16xf32>,
    %swap3A_34 = vector.shape_cast %swap3A_33 : vector<1x16xf32> to vector<16xf32>
    %swap3A_35 = vector.shape_cast %broadcast_in_dim3A_0 : vector<16xf32> to vector<1x16xf32>
    tpu.vector_store %arg9[%swap3A_31, %swap3A_32], %swap3A_35 {strides = array<i32>} : memref<25x128xf32, #tpu.memory_space<vmem>>, vector<1x16xf32>,
    %swap3A_36 = arith.constant 0 : i32
    %swap3A_37 = arith.index_cast %swap3A_36 : i32 to index
    %swap3A_38 = arith.constant 96 : index
    %swap3A_39 = tpu.vector_load %arg9[%swap3A_37, %swap3A_38] {strides = array<i32>} : memref<25x128xf32, #tpu.memory_space<vmem>>, vector<1x16xf32>,
    %swap3A_40 = vector.shape_cast %swap3A_39 : vector<1x16xf32> to vector<16xf32>
    %swap3A_41 = vector.shape_cast %broadcast_in_dim3A_0 : vector<16xf32> to vector<1x16xf32>
    tpu.vector_store %arg9[%swap3A_37, %swap3A_38], %swap3A_41 {strides = array<i32>} : memref<25x128xf32, #tpu.memory_space<vmem>>, vector<1x16xf32>,
    %swap3A_42 = arith.constant 0 : i32
    %swap3A_43 = arith.index_cast %swap3A_42 : i32 to index
    %swap3A_44 = arith.constant 112 : index
    %swap3A_45 = tpu.vector_load %arg9[%swap3A_43, %swap3A_44] {strides = array<i32>} : memref<25x128xf32, #tpu.memory_space<vmem>>, vector<1x16xf32>,
    %swap3A_46 = vector.shape_cast %swap3A_45 : vector<1x16xf32> to vector<16xf32>
    %swap3A_47 = vector.shape_cast %broadcast_in_dim3A_0 : vector<16xf32> to vector<1x16xf32>
    tpu.vector_store %arg9[%swap3A_43, %swap3A_44], %swap3A_47 {strides = array<i32>} : memref<25x128xf32, #tpu.memory_space<vmem>>, vector<1x16xf32>,
    %swap3A_48 = arith.constant 1 : i32
    %swap3A_49 = arith.index_cast %swap3A_48 : i32 to index
    %swap3A_50 = arith.constant 0 : index
    %swap3A_51 = tpu.vector_load %arg9[%swap3A_49, %swap3A_50] {strides = array<i32>} : memref<25x128xf32, #tpu.memory_space<vmem>>, vector<1x16xf32>,
    %swap3A_52 = vector.shape_cast %swap3A_51 : vector<1x16xf32> to vector<16xf32>
    %swap3A_53 = vector.shape_cast %broadcast_in_dim3A_0 : vector<16xf32> to vector<1x16xf32>
    tpu.vector_store %arg9[%swap3A_49, %swap3A_50], %swap3A_53 {strides = array<i32>} : memref<25x128xf32, #tpu.memory_space<vmem>>, vector<1x16xf32>,
    %swap3A_54 = arith.constant 1 : i32
    %swap3A_55 = arith.index_cast %swap3A_54 : i32 to index
    %swap3A_56 = arith.constant 16 : index
    %swap3A_57 = tpu.vector_load %arg9[%swap3A_55, %swap3A_56] {strides = array<i32>} : memref<25x128xf32, #tpu.memory_space<vmem>>, vector<1x16xf32>,
    %swap3A_58 = vector.shape_cast %swap3A_57 : vector<1x16xf32> to vector<16xf32>
    %swap3A_59 = vector.shape_cast %broadcast_in_dim3A_0 : vector<16xf32> to vector<1x16xf32>
    tpu.vector_store %arg9[%swap3A_55, %swap3A_56], %swap3A_59 {strides = array<i32>} : memref<25x128xf32, #tpu.memory_space<vmem>>, vector<1x16xf32>,
    %swap3A_60 = arith.constant 1 : i32
    %swap3A_61 = arith.index_cast %swap3A_60 : i32 to index
    %swap3A_62 = arith.constant 32 : index
    %swap3A_63 = tpu.vector_load %arg9[%swap3A_61, %swap3A_62] {strides = array<i32>} : memref<25x128xf32, #tpu.memory_space<vmem>>, vector<1x16xf32>,
    %swap3A_64 = vector.shape_cast %swap3A_63 : vector<1x16xf32> to vector<16xf32>
    %swap3A_65 = vector.shape_cast %broadcast_in_dim3A_0 : vector<16xf32> to vector<1x16xf32>
    tpu.vector_store %arg9[%swap3A_61, %swap3A_62], %swap3A_65 {strides = array<i32>} : memref<25x128xf32, #tpu.memory_space<vmem>>, vector<1x16xf32>,
    %swap3A_66 = arith.constant 1 : i32
    %swap3A_67 = arith.index_cast %swap3A_66 : i32 to index
    %swap3A_68 = arith.constant 48 : index
    %swap3A_69 = tpu.vector_load %arg9[%swap3A_67, %swap3A_68] {strides = array<i32>} : memref<25x128xf32, #tpu.memory_space<vmem>>, vector<1x16xf32>,
    %swap3A_70 = vector.shape_cast %swap3A_69 : vector<1x16xf32> to vector<16xf32>
    %swap3A_71 = vector.shape_cast %broadcast_in_dim3A_0 : vector<16xf32> to vector<1x16xf32>
    tpu.vector_store %arg9[%swap3A_67, %swap3A_68], %swap3A_71 {strides = array<i32>} : memref<25x128xf32, #tpu.memory_space<vmem>>, vector<1x16xf32>,
    %swap3A_72 = arith.constant 1 : i32
    %swap3A_73 = arith.index_cast %swap3A_72 : i32 to index
    %swap3A_74 = arith.constant 64 : index
    %swap3A_75 = tpu.vector_load %arg9[%swap3A_73, %swap3A_74] {strides = array<i32>} : memref<25x128xf32, #tpu.memory_space<vmem>>, vector<1x16xf32>,
    %swap3A_76 = vector.shape_cast %swap3A_75 : vector<1x16xf32> to vector<16xf32>
    %swap3A_77 = vector.shape_cast %broadcast_in_dim3A_0 : vector<16xf32> to vector<1x16xf32>
    tpu.vector_store %arg9[%swap3A_73, %swap3A_74], %swap3A_77 {strides = array<i32>} : memref<25x128xf32, #tpu.memory_space<vmem>>, vector<1x16xf32>,
    %swap3A_78 = arith.constant 1 : i32
    %swap3A_79 = arith.index_cast %swap3A_78 : i32 to index
    %swap3A_80 = arith.constant 80 : index
    %swap3A_81 = tpu.vector_load %arg9[%swap3A_79, %swap3A_80] {strides = array<i32>} : memref<25x128xf32, #tpu.memory_space<vmem>>, vector<1x16xf32>,
    %swap3A_82 = vector.shape_cast %swap3A_81 : vector<1x16xf32> to vector<16xf32>
    %swap3A_83 = vector.shape_cast %broadcast_in_dim3A_0 : vector<16xf32> to vector<1x16xf32>
    tpu.vector_store %arg9[%swap3A_79, %swap3A_80], %swap3A_83 {strides = array<i32>} : memref<25x128xf32, #tpu.memory_space<vmem>>, vector<1x16xf32>,
    %swap3A_84 = arith.constant 1 : i32
    %swap3A_85 = arith.index_cast %swap3A_84 : i32 to index
    %swap3A_86 = arith.constant 96 : index
    %swap3A_87 = tpu.vector_load %arg9[%swap3A_85, %swap3A_86] {strides = array<i32>} : memref<25x128xf32, #tpu.memory_space<vmem>>, vector<1x16xf32>,
    %swap3A_88 = vector.shape_cast %swap3A_87 : vector<1x16xf32> to vector<16xf32>
    %swap3A_89 = vector.shape_cast %broadcast_in_dim3A_0 : vector<16xf32> to vector<1x16xf32>
    tpu.vector_store %arg9[%swap3A_85, %swap3A_86], %swap3A_89 {strides = array<i32>} : memref<25x128xf32, #tpu.memory_space<vmem>>, vector<1x16xf32>,
    %swap3A_90 = arith.constant 1 : i32
    %swap3A_91 = arith.index_cast %swap3A_90 : i32 to index
    %swap3A_92 = arith.constant 112 : index
    %swap3A_93 = tpu.vector_load %arg9[%swap3A_91, %swap3A_92] {strides = array<i32>} : memref<25x128xf32, #tpu.memory_space<vmem>>, vector<1x16xf32>,
    %swap3A_94 = vector.shape_cast %swap3A_93 : vector<1x16xf32> to vector<16xf32>
    %swap3A_95 = vector.shape_cast %broadcast_in_dim3A_0 : vector<16xf32> to vector<1x16xf32>
    tpu.vector_store %arg9[%swap3A_91, %swap3A_92], %swap3A_95 {strides = array<i32>} : memref<25x128xf32, #tpu.memory_space<vmem>>, vector<1x16xf32>,
    %swap3A_96 = arith.constant 2 : i32
    %swap3A_97 = arith.index_cast %swap3A_96 : i32 to index
    %swap3A_98 = arith.constant 0 : index
    %swap3A_99 = tpu.vector_load %arg9[%swap3A_97, %swap3A_98] {strides = array<i32>} : memref<25x128xf32, #tpu.memory_space<vmem>>, vector<1x16xf32>,
    %swap3A_100 = vector.shape_cast %swap3A_99 : vector<1x16xf32> to vector<16xf32>
    %swap3A_101 = vector.shape_cast %broadcast_in_dim3A_0 : vector<16xf32> to vector<1x16xf32>
    tpu.vector_store %arg9[%swap3A_97, %swap3A_98], %swap3A_101 {strides = array<i32>} : memref<25x128xf32, #tpu.memory_space<vmem>>, vector<1x16xf32>,
    %swap3A_102 = arith.constant 2 : i32
    %swap3A_103 = arith.index_cast %swap3A_102 : i32 to index
    %swap3A_104 = arith.constant 16 : index
    %swap3A_105 = tpu.vector_load %arg9[%swap3A_103, %swap3A_104] {strides = array<i32>} : memref<25x128xf32, #tpu.memory_space<vmem>>, vector<1x16xf32>,
    %swap3A_106 = vector.shape_cast %swap3A_105 : vector<1x16xf32> to vector<16xf32>
    %swap3A_107 = vector.shape_cast %broadcast_in_dim3A_0 : vector<16xf32> to vector<1x16xf32>
    tpu.vector_store %arg9[%swap3A_103, %swap3A_104], %swap3A_107 {strides = array<i32>} : memref<25x128xf32, #tpu.memory_space<vmem>>, vector<1x16xf32>,
    %swap3A_108 = arith.constant 2 : i32
    %swap3A_109 = arith.index_cast %swap3A_108 : i32 to index
    %swap3A_110 = arith.constant 32 : index
    %swap3A_111 = tpu.vector_load %arg9[%swap3A_109, %swap3A_110] {strides = array<i32>} : memref<25x128xf32, #tpu.memory_space<vmem>>, vector<1x16xf32>,
    %swap3A_112 = vector.shape_cast %swap3A_111 : vector<1x16xf32> to vector<16xf32>
    %swap3A_113 = vector.shape_cast %broadcast_in_dim3A_0 : vector<16xf32> to vector<1x16xf32>
    tpu.vector_store %arg9[%swap3A_109, %swap3A_110], %swap3A_113 {strides = array<i32>} : memref<25x128xf32, #tpu.memory_space<vmem>>, vector<1x16xf32>,
    %swap3A_114 = arith.constant 2 : i32
    %swap3A_115 = arith.index_cast %swap3A_114 : i32 to index
    %swap3A_116 = arith.constant 48 : index
    %swap3A_117 = tpu.vector_load %arg9[%swap3A_115, %swap3A_116] {strides = array<i32>} : memref<25x128xf32, #tpu.memory_space<vmem>>, vector<1x16xf32>,
    %swap3A_118 = vector.shape_cast %swap3A_117 : vector<1x16xf32> to vector<16xf32>
    %swap3A_119 = vector.shape_cast %broadcast_in_dim3A_0 : vector<16xf32> to vector<1x16xf32>
    tpu.vector_store %arg9[%swap3A_115, %swap3A_116], %swap3A_119 {strides = array<i32>} : memref<25x128xf32, #tpu.memory_space<vmem>>, vector<1x16xf32>,
    %swap3A_120 = arith.constant 2 : i32
    %swap3A_121 = arith.index_cast %swap3A_120 : i32 to index
    %swap3A_122 = arith.constant 64 : index
    %swap3A_123 = tpu.vector_load %arg9[%swap3A_121, %swap3A_122] {strides = array<i32>} : memref<25x128xf32, #tpu.memory_space<vmem>>, vector<1x16xf32>,
    %swap3A_124 = vector.shape_cast %swap3A_123 : vector<1x16xf32> to vector<16xf32>
    %swap3A_125 = vector.shape_cast %broadcast_in_dim3A_0 : vector<16xf32> to vector<1x16xf32>
    tpu.vector_store %arg9[%swap3A_121, %swap3A_122], %swap3A_125 {strides = array<i32>} : memref<25x128xf32, #tpu.memory_space<vmem>>, vector<1x16xf32>,
    %swap3A_126 = arith.constant 2 : i32
    %swap3A_127 = arith.index_cast %swap3A_126 : i32 to index
    %swap3A_128 = arith.constant 80 : index
    %swap3A_129 = tpu.vector_load %arg9[%swap3A_127, %swap3A_128] {strides = array<i32>} : memref<25x128xf32, #tpu.memory_space<vmem>>, vector<1x16xf32>,
    %swap3A_130 = vector.shape_cast %swap3A_129 : vector<1x16xf32> to vector<16xf32>
    %swap3A_131 = vector.shape_cast %broadcast_in_dim3A_0 : vector<16xf32> to vector<1x16xf32>
    tpu.vector_store %arg9[%swap3A_127, %swap3A_128], %swap3A_131 {strides = array<i32>} : memref<25x128xf32, #tpu.memory_space<vmem>>, vector<1x16xf32>,
    %swap3A_132 = arith.constant 2 : i32
    %swap3A_133 = arith.index_cast %swap3A_132 : i32 to index
    %swap3A_134 = arith.constant 96 : index
    %swap3A_135 = tpu.vector_load %arg9[%swap3A_133, %swap3A_134] {strides = array<i32>} : memref<25x128xf32, #tpu.memory_space<vmem>>, vector<1x16xf32>,
    %swap3A_136 = vector.shape_cast %swap3A_135 : vector<1x16xf32> to vector<16xf32>
    %swap3A_137 = vector.shape_cast %broadcast_in_dim3A_0 : vector<16xf32> to vector<1x16xf32>
    tpu.vector_store %arg9[%swap3A_133, %swap3A_134], %swap3A_137 {strides = array<i32>} : memref<25x128xf32, #tpu.memory_space<vmem>>, vector<1x16xf32>,
    %swap3A_138 = arith.constant 2 : i32
    %swap3A_139 = arith.index_cast %swap3A_138 : i32 to index
    %swap3A_140 = arith.constant 112 : index
    %swap3A_141 = tpu.vector_load %arg9[%swap3A_139, %swap3A_140] {strides = array<i32>} : memref<25x128xf32, #tpu.memory_space<vmem>>, vector<1x16xf32>,
    %swap3A_142 = vector.shape_cast %swap3A_141 : vector<1x16xf32> to vector<16xf32>
    %swap3A_143 = vector.shape_cast %broadcast_in_dim3A_0 : vector<16xf32> to vector<1x16xf32>
    tpu.vector_store %arg9[%swap3A_139, %swap3A_140], %swap3A_143 {strides = array<i32>} : memref<25x128xf32, #tpu.memory_space<vmem>>, vector<1x16xf32>,
    %swap3A_144 = arith.constant 3 : i32
    %swap3A_145 = arith.index_cast %swap3A_144 : i32 to index
    %swap3A_146 = arith.constant 0 : index
    %swap3A_147 = tpu.vector_load %arg9[%swap3A_145, %swap3A_146] {strides = array<i32>} : memref<25x128xf32, #tpu.memory_space<vmem>>, vector<1x16xf32>,
    %swap3A_148 = vector.shape_cast %swap3A_147 : vector<1x16xf32> to vector<16xf32>
    %swap3A_149 = vector.shape_cast %broadcast_in_dim3A_0 : vector<16xf32> to vector<1x16xf32>
    tpu.vector_store %arg9[%swap3A_145, %swap3A_146], %swap3A_149 {strides = array<i32>} : memref<25x128xf32, #tpu.memory_space<vmem>>, vector<1x16xf32>,
    %swap3A_150 = arith.constant 3 : i32
    %swap3A_151 = arith.index_cast %swap3A_150 : i32 to index
    %swap3A_152 = arith.constant 16 : index
    %swap3A_153 = tpu.vector_load %arg9[%swap3A_151, %swap3A_152] {strides = array<i32>} : memref<25x128xf32, #tpu.memory_space<vmem>>, vector<1x16xf32>,
    %swap3A_154 = vector.shape_cast %swap3A_153 : vector<1x16xf32> to vector<16xf32>
    %swap3A_155 = vector.shape_cast %broadcast_in_dim3A_0 : vector<16xf32> to vector<1x16xf32>
    tpu.vector_store %arg9[%swap3A_151, %swap3A_152], %swap3A_155 {strides = array<i32>} : memref<25x128xf32, #tpu.memory_space<vmem>>, vector<1x16xf32>,
    %swap3A_156 = arith.constant 3 : i32
    %swap3A_157 = arith.index_cast %swap3A_156 : i32 to index
    %swap3A_158 = arith.constant 32 : index
    %swap3A_159 = tpu.vector_load %arg9[%swap3A_157, %swap3A_158] {strides = array<i32>} : memref<25x128xf32, #tpu.memory_space<vmem>>, vector<1x16xf32>,
    %swap3A_160 = vector.shape_cast %swap3A_159 : vector<1x16xf32> to vector<16xf32>
    %swap3A_161 = vector.shape_cast %broadcast_in_dim3A_0 : vector<16xf32> to vector<1x16xf32>
    tpu.vector_store %arg9[%swap3A_157, %swap3A_158], %swap3A_161 {strides = array<i32>} : memref<25x128xf32, #tpu.memory_space<vmem>>, vector<1x16xf32>,
    %swap3A_162 = arith.constant 3 : i32
    %swap3A_163 = arith.index_cast %swap3A_162 : i32 to index
    %swap3A_164 = arith.constant 48 : index
    %swap3A_165 = tpu.vector_load %arg9[%swap3A_163, %swap3A_164] {strides = array<i32>} : memref<25x128xf32, #tpu.memory_space<vmem>>, vector<1x16xf32>,
    %swap3A_166 = vector.shape_cast %swap3A_165 : vector<1x16xf32> to vector<16xf32>
    %swap3A_167 = vector.shape_cast %broadcast_in_dim3A_0 : vector<16xf32> to vector<1x16xf32>
    tpu.vector_store %arg9[%swap3A_163, %swap3A_164], %swap3A_167 {strides = array<i32>} : memref<25x128xf32, #tpu.memory_space<vmem>>, vector<1x16xf32>,
    %swap3A_168 = arith.constant 3 : i32
    %swap3A_169 = arith.index_cast %swap3A_168 : i32 to index
    %swap3A_170 = arith.constant 64 : index
    %swap3A_171 = tpu.vector_load %arg9[%swap3A_169, %swap3A_170] {strides = array<i32>} : memref<25x128xf32, #tpu.memory_space<vmem>>, vector<1x16xf32>,
    %swap3A_172 = vector.shape_cast %swap3A_171 : vector<1x16xf32> to vector<16xf32>
    %swap3A_173 = vector.shape_cast %broadcast_in_dim3A_0 : vector<16xf32> to vector<1x16xf32>
    tpu.vector_store %arg9[%swap3A_169, %swap3A_170], %swap3A_173 {strides = array<i32>} : memref<25x128xf32, #tpu.memory_space<vmem>>, vector<1x16xf32>,
    %swap3A_174 = arith.constant 3 : i32
    %swap3A_175 = arith.index_cast %swap3A_174 : i32 to index
    %swap3A_176 = arith.constant 80 : index
    %swap3A_177 = tpu.vector_load %arg9[%swap3A_175, %swap3A_176] {strides = array<i32>} : memref<25x128xf32, #tpu.memory_space<vmem>>, vector<1x16xf32>,
    %swap3A_178 = vector.shape_cast %swap3A_177 : vector<1x16xf32> to vector<16xf32>
    %swap3A_179 = vector.shape_cast %broadcast_in_dim3A_0 : vector<16xf32> to vector<1x16xf32>
    tpu.vector_store %arg9[%swap3A_175, %swap3A_176], %swap3A_179 {strides = array<i32>} : memref<25x128xf32, #tpu.memory_space<vmem>>, vector<1x16xf32>,
    %swap3A_180 = arith.constant 3 : i32
    %swap3A_181 = arith.index_cast %swap3A_180 : i32 to index
    %swap3A_182 = arith.constant 96 : index
    %swap3A_183 = tpu.vector_load %arg9[%swap3A_181, %swap3A_182] {strides = array<i32>} : memref<25x128xf32, #tpu.memory_space<vmem>>, vector<1x16xf32>,
    %swap3A_184 = vector.shape_cast %swap3A_183 : vector<1x16xf32> to vector<16xf32>
    %swap3A_185 = vector.shape_cast %broadcast_in_dim3A_0 : vector<16xf32> to vector<1x16xf32>
    tpu.vector_store %arg9[%swap3A_181, %swap3A_182], %swap3A_185 {strides = array<i32>} : memref<25x128xf32, #tpu.memory_space<vmem>>, vector<1x16xf32>,
    %swap3A_186 = arith.constant 3 : i32
    %swap3A_187 = arith.index_cast %swap3A_186 : i32 to index
    %swap3A_188 = arith.constant 112 : index
    %swap3A_189 = tpu.vector_load %arg9[%swap3A_187, %swap3A_188] {strides = array<i32>} : memref<25x128xf32, #tpu.memory_space<vmem>>, vector<1x16xf32>,
    %swap3A_190 = vector.shape_cast %swap3A_189 : vector<1x16xf32> to vector<16xf32>
    %swap3A_191 = vector.shape_cast %broadcast_in_dim3A_0 : vector<16xf32> to vector<1x16xf32>
    tpu.vector_store %arg9[%swap3A_187, %swap3A_188], %swap3A_191 {strides = array<i32>} : memref<25x128xf32, #tpu.memory_space<vmem>>, vector<1x16xf32>,
    %swap3A_192 = arith.constant 4 : i32
    %swap3A_193 = arith.index_cast %swap3A_192 : i32 to index
    %swap3A_194 = arith.constant 0 : index
    %swap3A_195 = tpu.vector_load %arg9[%swap3A_193, %swap3A_194] {strides = array<i32>} : memref<25x128xf32, #tpu.memory_space<vmem>>, vector<1x16xf32>,
    %swap3A_196 = vector.shape_cast %swap3A_195 : vector<1x16xf32> to vector<16xf32>
    %swap3A_197 = vector.shape_cast %broadcast_in_dim3A_0 : vector<16xf32> to vector<1x16xf32>
    tpu.vector_store %arg9[%swap3A_193, %swap3A_194], %swap3A_197 {strides = array<i32>} : memref<25x128xf32, #tpu.memory_space<vmem>>, vector<1x16xf32>,
    %swap3A_198 = arith.constant 4 : i32
    %swap3A_199 = arith.index_cast %swap3A_198 : i32 to index
    %swap3A_200 = arith.constant 16 : index
    %swap3A_201 = tpu.vector_load %arg9[%swap3A_199, %swap3A_200] {strides = array<i32>} : memref<25x128xf32, #tpu.memory_space<vmem>>, vector<1x16xf32>,
    %swap3A_202 = vector.shape_cast %swap3A_201 : vector<1x16xf32> to vector<16xf32>
    %swap3A_203 = vector.shape_cast %broadcast_in_dim3A_0 : vector<16xf32> to vector<1x16xf32>
    tpu.vector_store %arg9[%swap3A_199, %swap3A_200], %swap3A_203 {strides = array<i32>} : memref<25x128xf32, #tpu.memory_space<vmem>>, vector<1x16xf32>,
    %swap3A_204 = arith.constant 4 : i32
    %swap3A_205 = arith.index_cast %swap3A_204 : i32 to index
    %swap3A_206 = arith.constant 32 : index
    %swap3A_207 = tpu.vector_load %arg9[%swap3A_205, %swap3A_206] {strides = array<i32>} : memref<25x128xf32, #tpu.memory_space<vmem>>, vector<1x16xf32>,
    %swap3A_208 = vector.shape_cast %swap3A_207 : vector<1x16xf32> to vector<16xf32>
    %swap3A_209 = vector.shape_cast %broadcast_in_dim3A_0 : vector<16xf32> to vector<1x16xf32>
    tpu.vector_store %arg9[%swap3A_205, %swap3A_206], %swap3A_209 {strides = array<i32>} : memref<25x128xf32, #tpu.memory_space<vmem>>, vector<1x16xf32>,
    %swap3A_210 = arith.constant 4 : i32
    %swap3A_211 = arith.index_cast %swap3A_210 : i32 to index
    %swap3A_212 = arith.constant 48 : index
    %swap3A_213 = tpu.vector_load %arg9[%swap3A_211, %swap3A_212] {strides = array<i32>} : memref<25x128xf32, #tpu.memory_space<vmem>>, vector<1x16xf32>,
    %swap3A_214 = vector.shape_cast %swap3A_213 : vector<1x16xf32> to vector<16xf32>
    %swap3A_215 = vector.shape_cast %broadcast_in_dim3A_0 : vector<16xf32> to vector<1x16xf32>
    tpu.vector_store %arg9[%swap3A_211, %swap3A_212], %swap3A_215 {strides = array<i32>} : memref<25x128xf32, #tpu.memory_space<vmem>>, vector<1x16xf32>,
    %swap3A_216 = arith.constant 4 : i32
    %swap3A_217 = arith.index_cast %swap3A_216 : i32 to index
    %swap3A_218 = arith.constant 64 : index
    %swap3A_219 = tpu.vector_load %arg9[%swap3A_217, %swap3A_218] {strides = array<i32>} : memref<25x128xf32, #tpu.memory_space<vmem>>, vector<1x16xf32>,
    %swap3A_220 = vector.shape_cast %swap3A_219 : vector<1x16xf32> to vector<16xf32>
    %swap3A_221 = vector.shape_cast %broadcast_in_dim3A_0 : vector<16xf32> to vector<1x16xf32>
    tpu.vector_store %arg9[%swap3A_217, %swap3A_218], %swap3A_221 {strides = array<i32>} : memref<25x128xf32, #tpu.memory_space<vmem>>, vector<1x16xf32>,
    %swap3A_222 = arith.constant 4 : i32
    %swap3A_223 = arith.index_cast %swap3A_222 : i32 to index
    %swap3A_224 = arith.constant 80 : index
    %swap3A_225 = tpu.vector_load %arg9[%swap3A_223, %swap3A_224] {strides = array<i32>} : memref<25x128xf32, #tpu.memory_space<vmem>>, vector<1x16xf32>,
    %swap3A_226 = vector.shape_cast %swap3A_225 : vector<1x16xf32> to vector<16xf32>
    %swap3A_227 = vector.shape_cast %broadcast_in_dim3A_0 : vector<16xf32> to vector<1x16xf32>
    tpu.vector_store %arg9[%swap3A_223, %swap3A_224], %swap3A_227 {strides = array<i32>} : memref<25x128xf32, #tpu.memory_space<vmem>>, vector<1x16xf32>,
    %swap3A_228 = arith.constant 4 : i32
    %swap3A_229 = arith.index_cast %swap3A_228 : i32 to index
    %swap3A_230 = arith.constant 96 : index
    %swap3A_231 = tpu.vector_load %arg9[%swap3A_229, %swap3A_230] {strides = array<i32>} : memref<25x128xf32, #tpu.memory_space<vmem>>, vector<1x16xf32>,
    %swap3A_232 = vector.shape_cast %swap3A_231 : vector<1x16xf32> to vector<16xf32>
    %swap3A_233 = vector.shape_cast %broadcast_in_dim3A_0 : vector<16xf32> to vector<1x16xf32>
    tpu.vector_store %arg9[%swap3A_229, %swap3A_230], %swap3A_233 {strides = array<i32>} : memref<25x128xf32, #tpu.memory_space<vmem>>, vector<1x16xf32>,
    %swap3A_234 = arith.constant 4 : i32
    %swap3A_235 = arith.index_cast %swap3A_234 : i32 to index
    %swap3A_236 = arith.constant 112 : index
    %swap3A_237 = tpu.vector_load %arg9[%swap3A_235, %swap3A_236] {strides = array<i32>} : memref<25x128xf32, #tpu.memory_space<vmem>>, vector<1x16xf32>,
    %swap3A_238 = vector.shape_cast %swap3A_237 : vector<1x16xf32> to vector<16xf32>
    %swap3A_239 = vector.shape_cast %broadcast_in_dim3A_0 : vector<16xf32> to vector<1x16xf32>
    tpu.vector_store %arg9[%swap3A_235, %swap3A_236], %swap3A_239 {strides = array<i32>} : memref<25x128xf32, #tpu.memory_space<vmem>>, vector<1x16xf32>,
    %swap3A_240 = arith.constant 5 : i32
    %swap3A_241 = arith.index_cast %swap3A_240 : i32 to index
    %swap3A_242 = arith.constant 0 : index
    %swap3A_243 = tpu.vector_load %arg9[%swap3A_241, %swap3A_242] {strides = array<i32>} : memref<25x128xf32, #tpu.memory_space<vmem>>, vector<1x16xf32>,
    %swap3A_244 = vector.shape_cast %swap3A_243 : vector<1x16xf32> to vector<16xf32>
    %swap3A_245 = vector.shape_cast %broadcast_in_dim3A_0 : vector<16xf32> to vector<1x16xf32>
    tpu.vector_store %arg9[%swap3A_241, %swap3A_242], %swap3A_245 {strides = array<i32>} : memref<25x128xf32, #tpu.memory_space<vmem>>, vector<1x16xf32>,
    %swap3A_246 = arith.constant 5 : i32
    %swap3A_247 = arith.index_cast %swap3A_246 : i32 to index
    %swap3A_248 = arith.constant 16 : index
    %swap3A_249 = tpu.vector_load %arg9[%swap3A_247, %swap3A_248] {strides = array<i32>} : memref<25x128xf32, #tpu.memory_space<vmem>>, vector<1x16xf32>,
    %swap3A_250 = vector.shape_cast %swap3A_249 : vector<1x16xf32> to vector<16xf32>
    %swap3A_251 = vector.shape_cast %broadcast_in_dim3A_0 : vector<16xf32> to vector<1x16xf32>
    tpu.vector_store %arg9[%swap3A_247, %swap3A_248], %swap3A_251 {strides = array<i32>} : memref<25x128xf32, #tpu.memory_space<vmem>>, vector<1x16xf32>,
    %swap3A_252 = arith.constant 5 : i32
    %swap3A_253 = arith.index_cast %swap3A_252 : i32 to index
    %swap3A_254 = arith.constant 32 : index
    %swap3A_255 = tpu.vector_load %arg9[%swap3A_253, %swap3A_254] {strides = array<i32>} : memref<25x128xf32, #tpu.memory_space<vmem>>, vector<1x16xf32>,
    %swap3A_256 = vector.shape_cast %swap3A_255 : vector<1x16xf32> to vector<16xf32>
    %swap3A_257 = vector.shape_cast %broadcast_in_dim3A_0 : vector<16xf32> to vector<1x16xf32>
    tpu.vector_store %arg9[%swap3A_253, %swap3A_254], %swap3A_257 {strides = array<i32>} : memref<25x128xf32, #tpu.memory_space<vmem>>, vector<1x16xf32>,
    %swap3A_258 = arith.constant 5 : i32
    %swap3A_259 = arith.index_cast %swap3A_258 : i32 to index
    %swap3A_260 = arith.constant 48 : index
    %swap3A_261 = tpu.vector_load %arg9[%swap3A_259, %swap3A_260] {strides = array<i32>} : memref<25x128xf32, #tpu.memory_space<vmem>>, vector<1x16xf32>,
    %swap3A_262 = vector.shape_cast %swap3A_261 : vector<1x16xf32> to vector<16xf32>
    %swap3A_263 = vector.shape_cast %broadcast_in_dim3A_0 : vector<16xf32> to vector<1x16xf32>
    tpu.vector_store %arg9[%swap3A_259, %swap3A_260], %swap3A_263 {strides = array<i32>} : memref<25x128xf32, #tpu.memory_space<vmem>>, vector<1x16xf32>,
    %swap3A_264 = arith.constant 5 : i32
    %swap3A_265 = arith.index_cast %swap3A_264 : i32 to index
    %swap3A_266 = arith.constant 64 : index
    %swap3A_267 = tpu.vector_load %arg9[%swap3A_265, %swap3A_266] {strides = array<i32>} : memref<25x128xf32, #tpu.memory_space<vmem>>, vector<1x16xf32>,
    %swap3A_268 = vector.shape_cast %swap3A_267 : vector<1x16xf32> to vector<16xf32>
    %swap3A_269 = vector.shape_cast %broadcast_in_dim3A_0 : vector<16xf32> to vector<1x16xf32>
    tpu.vector_store %arg9[%swap3A_265, %swap3A_266], %swap3A_269 {strides = array<i32>} : memref<25x128xf32, #tpu.memory_space<vmem>>, vector<1x16xf32>,
    %swap3A_270 = arith.constant 5 : i32
    %swap3A_271 = arith.index_cast %swap3A_270 : i32 to index
    %swap3A_272 = arith.constant 80 : index
    %swap3A_273 = tpu.vector_load %arg9[%swap3A_271, %swap3A_272] {strides = array<i32>} : memref<25x128xf32, #tpu.memory_space<vmem>>, vector<1x16xf32>,
    %swap3A_274 = vector.shape_cast %swap3A_273 : vector<1x16xf32> to vector<16xf32>
    %swap3A_275 = vector.shape_cast %broadcast_in_dim3A_0 : vector<16xf32> to vector<1x16xf32>
    tpu.vector_store %arg9[%swap3A_271, %swap3A_272], %swap3A_275 {strides = array<i32>} : memref<25x128xf32, #tpu.memory_space<vmem>>, vector<1x16xf32>,
    %swap3A_276 = arith.constant 5 : i32
    %swap3A_277 = arith.index_cast %swap3A_276 : i32 to index
    %swap3A_278 = arith.constant 96 : index
    %swap3A_279 = tpu.vector_load %arg9[%swap3A_277, %swap3A_278] {strides = array<i32>} : memref<25x128xf32, #tpu.memory_space<vmem>>, vector<1x16xf32>,
    %swap3A_280 = vector.shape_cast %swap3A_279 : vector<1x16xf32> to vector<16xf32>
    %swap3A_281 = vector.shape_cast %broadcast_in_dim3A_0 : vector<16xf32> to vector<1x16xf32>
    tpu.vector_store %arg9[%swap3A_277, %swap3A_278], %swap3A_281 {strides = array<i32>} : memref<25x128xf32, #tpu.memory_space<vmem>>, vector<1x16xf32>,
    %swap3A_282 = arith.constant 5 : i32
    %swap3A_283 = arith.index_cast %swap3A_282 : i32 to index
    %swap3A_284 = arith.constant 112 : index
    %swap3A_285 = tpu.vector_load %arg9[%swap3A_283, %swap3A_284] {strides = array<i32>} : memref<25x128xf32, #tpu.memory_space<vmem>>, vector<1x16xf32>,
    %swap3A_286 = vector.shape_cast %swap3A_285 : vector<1x16xf32> to vector<16xf32>
    %swap3A_287 = vector.shape_cast %broadcast_in_dim3A_0 : vector<16xf32> to vector<1x16xf32>
    tpu.vector_store %arg9[%swap3A_283, %swap3A_284], %swap3A_287 {strides = array<i32>} : memref<25x128xf32, #tpu.memory_space<vmem>>, vector<1x16xf32>,
    %swap3A_288 = arith.constant 6 : i32
    %swap3A_289 = arith.index_cast %swap3A_288 : i32 to index
    %swap3A_290 = arith.constant 0 : index
    %swap3A_291 = tpu.vector_load %arg9[%swap3A_289, %swap3A_290] {strides = array<i32>} : memref<25x128xf32, #tpu.memory_space<vmem>>, vector<1x16xf32>,
    %swap3A_292 = vector.shape_cast %swap3A_291 : vector<1x16xf32> to vector<16xf32>
    %swap3A_293 = vector.shape_cast %broadcast_in_dim3A_0 : vector<16xf32> to vector<1x16xf32>
    tpu.vector_store %arg9[%swap3A_289, %swap3A_290], %swap3A_293 {strides = array<i32>} : memref<25x128xf32, #tpu.memory_space<vmem>>, vector<1x16xf32>,
    %swap3A_294 = arith.constant 6 : i32
    %swap3A_295 = arith.index_cast %swap3A_294 : i32 to index
    %swap3A_296 = arith.constant 16 : index
    %swap3A_297 = tpu.vector_load %arg9[%swap3A_295, %swap3A_296] {strides = array<i32>} : memref<25x128xf32, #tpu.memory_space<vmem>>, vector<1x16xf32>,
    %swap3A_298 = vector.shape_cast %swap3A_297 : vector<1x16xf32> to vector<16xf32>
    %swap3A_299 = vector.shape_cast %broadcast_in_dim3A_0 : vector<16xf32> to vector<1x16xf32>
    tpu.vector_store %arg9[%swap3A_295, %swap3A_296], %swap3A_299 {strides = array<i32>} : memref<25x128xf32, #tpu.memory_space<vmem>>, vector<1x16xf32>,
    %swap3A_300 = arith.constant 6 : i32
    %swap3A_301 = arith.index_cast %swap3A_300 : i32 to index
    %swap3A_302 = arith.constant 32 : index
    %swap3A_303 = tpu.vector_load %arg9[%swap3A_301, %swap3A_302] {strides = array<i32>} : memref<25x128xf32, #tpu.memory_space<vmem>>, vector<1x16xf32>,
    %swap3A_304 = vector.shape_cast %swap3A_303 : vector<1x16xf32> to vector<16xf32>
    %swap3A_305 = vector.shape_cast %broadcast_in_dim3A_0 : vector<16xf32> to vector<1x16xf32>
    tpu.vector_store %arg9[%swap3A_301, %swap3A_302], %swap3A_305 {strides = array<i32>} : memref<25x128xf32, #tpu.memory_space<vmem>>, vector<1x16xf32>,
    %swap3A_306 = arith.constant 6 : i32
    %swap3A_307 = arith.index_cast %swap3A_306 : i32 to index
    %swap3A_308 = arith.constant 48 : index
    %swap3A_309 = tpu.vector_load %arg9[%swap3A_307, %swap3A_308] {strides = array<i32>} : memref<25x128xf32, #tpu.memory_space<vmem>>, vector<1x16xf32>,
    %swap3A_310 = vector.shape_cast %swap3A_309 : vector<1x16xf32> to vector<16xf32>
    %swap3A_311 = vector.shape_cast %broadcast_in_dim3A_0 : vector<16xf32> to vector<1x16xf32>
    tpu.vector_store %arg9[%swap3A_307, %swap3A_308], %swap3A_311 {strides = array<i32>} : memref<25x128xf32, #tpu.memory_space<vmem>>, vector<1x16xf32>,
    %swap3A_312 = arith.constant 6 : i32
    %swap3A_313 = arith.index_cast %swap3A_312 : i32 to index
    %swap3A_314 = arith.constant 64 : index
    %swap3A_315 = tpu.vector_load %arg9[%swap3A_313, %swap3A_314] {strides = array<i32>} : memref<25x128xf32, #tpu.memory_space<vmem>>, vector<1x16xf32>,
    %swap3A_316 = vector.shape_cast %swap3A_315 : vector<1x16xf32> to vector<16xf32>
    %swap3A_317 = vector.shape_cast %broadcast_in_dim3A_0 : vector<16xf32> to vector<1x16xf32>
    tpu.vector_store %arg9[%swap3A_313, %swap3A_314], %swap3A_317 {strides = array<i32>} : memref<25x128xf32, #tpu.memory_space<vmem>>, vector<1x16xf32>,
    %swap3A_318 = arith.constant 6 : i32
    %swap3A_319 = arith.index_cast %swap3A_318 : i32 to index
    %swap3A_320 = arith.constant 80 : index
    %swap3A_321 = tpu.vector_load %arg9[%swap3A_319, %swap3A_320] {strides = array<i32>} : memref<25x128xf32, #tpu.memory_space<vmem>>, vector<1x16xf32>,
    %swap3A_322 = vector.shape_cast %swap3A_321 : vector<1x16xf32> to vector<16xf32>
    %swap3A_323 = vector.shape_cast %broadcast_in_dim3A_0 : vector<16xf32> to vector<1x16xf32>
    tpu.vector_store %arg9[%swap3A_319, %swap3A_320], %swap3A_323 {strides = array<i32>} : memref<25x128xf32, #tpu.memory_space<vmem>>, vector<1x16xf32>,
    %swap3A_324 = arith.constant 6 : i32
    %swap3A_325 = arith.index_cast %swap3A_324 : i32 to index
    %swap3A_326 = arith.constant 96 : index
    %swap3A_327 = tpu.vector_load %arg9[%swap3A_325, %swap3A_326] {strides = array<i32>} : memref<25x128xf32, #tpu.memory_space<vmem>>, vector<1x16xf32>,
    %swap3A_328 = vector.shape_cast %swap3A_327 : vector<1x16xf32> to vector<16xf32>
    %swap3A_329 = vector.shape_cast %broadcast_in_dim3A_0 : vector<16xf32> to vector<1x16xf32>
    tpu.vector_store %arg9[%swap3A_325, %swap3A_326], %swap3A_329 {strides = array<i32>} : memref<25x128xf32, #tpu.memory_space<vmem>>, vector<1x16xf32>,
    %swap3A_330 = arith.constant 6 : i32
    %swap3A_331 = arith.index_cast %swap3A_330 : i32 to index
    %swap3A_332 = arith.constant 112 : index
    %swap3A_333 = tpu.vector_load %arg9[%swap3A_331, %swap3A_332] {strides = array<i32>} : memref<25x128xf32, #tpu.memory_space<vmem>>, vector<1x16xf32>,
    %swap3A_334 = vector.shape_cast %swap3A_333 : vector<1x16xf32> to vector<16xf32>
    %swap3A_335 = vector.shape_cast %broadcast_in_dim3A_0 : vector<16xf32> to vector<1x16xf32>
    tpu.vector_store %arg9[%swap3A_331, %swap3A_332], %swap3A_335 {strides = array<i32>} : memref<25x128xf32, #tpu.memory_space<vmem>>, vector<1x16xf32>,
    %swap3A_336 = arith.constant 7 : i32
    %swap3A_337 = arith.index_cast %swap3A_336 : i32 to index
    %swap3A_338 = arith.constant 0 : index
    %swap3A_339 = tpu.vector_load %arg9[%swap3A_337, %swap3A_338] {strides = array<i32>} : memref<25x128xf32, #tpu.memory_space<vmem>>, vector<1x16xf32>,
    %swap3A_340 = vector.shape_cast %swap3A_339 : vector<1x16xf32> to vector<16xf32>
    %swap3A_341 = vector.shape_cast %broadcast_in_dim3A_0 : vector<16xf32> to vector<1x16xf32>
    tpu.vector_store %arg9[%swap3A_337, %swap3A_338], %swap3A_341 {strides = array<i32>} : memref<25x128xf32, #tpu.memory_space<vmem>>, vector<1x16xf32>,
    %swap3A_342 = arith.constant 7 : i32
    %swap3A_343 = arith.index_cast %swap3A_342 : i32 to index
    %swap3A_344 = arith.constant 16 : index
    %swap3A_345 = tpu.vector_load %arg9[%swap3A_343, %swap3A_344] {strides = array<i32>} : memref<25x128xf32, #tpu.memory_space<vmem>>, vector<1x16xf32>,
    %swap3A_346 = vector.shape_cast %swap3A_345 : vector<1x16xf32> to vector<16xf32>
    %swap3A_347 = vector.shape_cast %broadcast_in_dim3A_0 : vector<16xf32> to vector<1x16xf32>
    tpu.vector_store %arg9[%swap3A_343, %swap3A_344], %swap3A_347 {strides = array<i32>} : memref<25x128xf32, #tpu.memory_space<vmem>>, vector<1x16xf32>,
    %swap3A_348 = arith.constant 7 : i32
    %swap3A_349 = arith.index_cast %swap3A_348 : i32 to index
    %swap3A_350 = arith.constant 32 : index
    %swap3A_351 = tpu.vector_load %arg9[%swap3A_349, %swap3A_350] {strides = array<i32>} : memref<25x128xf32, #tpu.memory_space<vmem>>, vector<1x16xf32>,
    %swap3A_352 = vector.shape_cast %swap3A_351 : vector<1x16xf32> to vector<16xf32>
    %swap3A_353 = vector.shape_cast %broadcast_in_dim3A_0 : vector<16xf32> to vector<1x16xf32>
    tpu.vector_store %arg9[%swap3A_349, %swap3A_350], %swap3A_353 {strides = array<i32>} : memref<25x128xf32, #tpu.memory_space<vmem>>, vector<1x16xf32>,
    %swap3A_354 = arith.constant 7 : i32
    %swap3A_355 = arith.index_cast %swap3A_354 : i32 to index
    %swap3A_356 = arith.constant 48 : index
    %swap3A_357 = tpu.vector_load %arg9[%swap3A_355, %swap3A_356] {strides = array<i32>} : memref<25x128xf32, #tpu.memory_space<vmem>>, vector<1x16xf32>,
    %swap3A_358 = vector.shape_cast %swap3A_357 : vector<1x16xf32> to vector<16xf32>
    %swap3A_359 = vector.shape_cast %broadcast_in_dim3A_0 : vector<16xf32> to vector<1x16xf32>
    tpu.vector_store %arg9[%swap3A_355, %swap3A_356], %swap3A_359 {strides = array<i32>} : memref<25x128xf32, #tpu.memory_space<vmem>>, vector<1x16xf32>,
    %swap3A_360 = arith.constant 7 : i32
    %swap3A_361 = arith.index_cast %swap3A_360 : i32 to index
    %swap3A_362 = arith.constant 64 : index
    %swap3A_363 = tpu.vector_load %arg9[%swap3A_361, %swap3A_362] {strides = array<i32>} : memref<25x128xf32, #tpu.memory_space<vmem>>, vector<1x16xf32>,
    %swap3A_364 = vector.shape_cast %swap3A_363 : vector<1x16xf32> to vector<16xf32>
    %swap3A_365 = vector.shape_cast %broadcast_in_dim3A_0 : vector<16xf32> to vector<1x16xf32>
    tpu.vector_store %arg9[%swap3A_361, %swap3A_362], %swap3A_365 {strides = array<i32>} : memref<25x128xf32, #tpu.memory_space<vmem>>, vector<1x16xf32>,
    %swap3A_366 = arith.constant 7 : i32
    %swap3A_367 = arith.index_cast %swap3A_366 : i32 to index
    %swap3A_368 = arith.constant 80 : index
    %swap3A_369 = tpu.vector_load %arg9[%swap3A_367, %swap3A_368] {strides = array<i32>} : memref<25x128xf32, #tpu.memory_space<vmem>>, vector<1x16xf32>,
    %swap3A_370 = vector.shape_cast %swap3A_369 : vector<1x16xf32> to vector<16xf32>
    %swap3A_371 = vector.shape_cast %broadcast_in_dim3A_0 : vector<16xf32> to vector<1x16xf32>
    tpu.vector_store %arg9[%swap3A_367, %swap3A_368], %swap3A_371 {strides = array<i32>} : memref<25x128xf32, #tpu.memory_space<vmem>>, vector<1x16xf32>,
    %swap3A_372 = arith.constant 7 : i32
    %swap3A_373 = arith.index_cast %swap3A_372 : i32 to index
    %swap3A_374 = arith.constant 96 : index
    %swap3A_375 = tpu.vector_load %arg9[%swap3A_373, %swap3A_374] {strides = array<i32>} : memref<25x128xf32, #tpu.memory_space<vmem>>, vector<1x16xf32>,
    %swap3A_376 = vector.shape_cast %swap3A_375 : vector<1x16xf32> to vector<16xf32>
    %swap3A_377 = vector.shape_cast %broadcast_in_dim3A_0 : vector<16xf32> to vector<1x16xf32>
    tpu.vector_store %arg9[%swap3A_373, %swap3A_374], %swap3A_377 {strides = array<i32>} : memref<25x128xf32, #tpu.memory_space<vmem>>, vector<1x16xf32>,
    %swap3A_378 = arith.constant 7 : i32
    %swap3A_379 = arith.index_cast %swap3A_378 : i32 to index
    %swap3A_380 = arith.constant 112 : index
    %swap3A_381 = tpu.vector_load %arg9[%swap3A_379, %swap3A_380] {strides = array<i32>} : memref<25x128xf32, #tpu.memory_space<vmem>>, vector<1x16xf32>,
    %swap3A_382 = vector.shape_cast %swap3A_381 : vector<1x16xf32> to vector<16xf32>
    %swap3A_383 = vector.shape_cast %broadcast_in_dim3A_0 : vector<16xf32> to vector<1x16xf32>
    tpu.vector_store %arg9[%swap3A_379, %swap3A_380], %swap3A_383 {strides = array<i32>} : memref<25x128xf32, #tpu.memory_space<vmem>>, vector<1x16xf32>,
    %swap3A_384 = arith.constant 8 : i32
    %swap3A_385 = arith.index_cast %swap3A_384 : i32 to index
    %swap3A_386 = arith.constant 0 : index
    %swap3A_387 = tpu.vector_load %arg9[%swap3A_385, %swap3A_386] {strides = array<i32>} : memref<25x128xf32, #tpu.memory_space<vmem>>, vector<1x16xf32>,
    %swap3A_388 = vector.shape_cast %swap3A_387 : vector<1x16xf32> to vector<16xf32>
    %swap3A_389 = vector.shape_cast %broadcast_in_dim3A_0 : vector<16xf32> to vector<1x16xf32>
    tpu.vector_store %arg9[%swap3A_385, %swap3A_386], %swap3A_389 {strides = array<i32>} : memref<25x128xf32, #tpu.memory_space<vmem>>, vector<1x16xf32>,
    %swap3A_390 = arith.constant 8 : i32
    %swap3A_391 = arith.index_cast %swap3A_390 : i32 to index
    %swap3A_392 = arith.constant 16 : index
    %swap3A_393 = tpu.vector_load %arg9[%swap3A_391, %swap3A_392] {strides = array<i32>} : memref<25x128xf32, #tpu.memory_space<vmem>>, vector<1x16xf32>,
    %swap3A_394 = vector.shape_cast %swap3A_393 : vector<1x16xf32> to vector<16xf32>
    %swap3A_395 = vector.shape_cast %broadcast_in_dim3A_0 : vector<16xf32> to vector<1x16xf32>
    tpu.vector_store %arg9[%swap3A_391, %swap3A_392], %swap3A_395 {strides = array<i32>} : memref<25x128xf32, #tpu.memory_space<vmem>>, vector<1x16xf32>,
    %swap3A_396 = arith.constant 8 : i32
    %swap3A_397 = arith.index_cast %swap3A_396 : i32 to index
    %swap3A_398 = arith.constant 32 : index
    %swap3A_399 = tpu.vector_load %arg9[%swap3A_397, %swap3A_398] {strides = array<i32>} : memref<25x128xf32, #tpu.memory_space<vmem>>, vector<1x16xf32>,
    %swap3A_400 = vector.shape_cast %swap3A_399 : vector<1x16xf32> to vector<16xf32>
    %swap3A_401 = vector.shape_cast %broadcast_in_dim3A_0 : vector<16xf32> to vector<1x16xf32>
    tpu.vector_store %arg9[%swap3A_397, %swap3A_398], %swap3A_401 {strides = array<i32>} : memref<25x128xf32, #tpu.memory_space<vmem>>, vector<1x16xf32>,
    %swap3A_402 = arith.constant 8 : i32
    %swap3A_403 = arith.index_cast %swap3A_402 : i32 to index
    %swap3A_404 = arith.constant 48 : index
    %swap3A_405 = tpu.vector_load %arg9[%swap3A_403, %swap3A_404] {strides = array<i32>} : memref<25x128xf32, #tpu.memory_space<vmem>>, vector<1x16xf32>,
    %swap3A_406 = vector.shape_cast %swap3A_405 : vector<1x16xf32> to vector<16xf32>
    %swap3A_407 = vector.shape_cast %broadcast_in_dim3A_0 : vector<16xf32> to vector<1x16xf32>
    tpu.vector_store %arg9[%swap3A_403, %swap3A_404], %swap3A_407 {strides = array<i32>} : memref<25x128xf32, #tpu.memory_space<vmem>>, vector<1x16xf32>,
    %swap3A_408 = arith.constant 8 : i32
    %swap3A_409 = arith.index_cast %swap3A_408 : i32 to index
    %swap3A_410 = arith.constant 64 : index
    %swap3A_411 = tpu.vector_load %arg9[%swap3A_409, %swap3A_410] {strides = array<i32>} : memref<25x128xf32, #tpu.memory_space<vmem>>, vector<1x16xf32>,
    %swap3A_412 = vector.shape_cast %swap3A_411 : vector<1x16xf32> to vector<16xf32>
    %swap3A_413 = vector.shape_cast %broadcast_in_dim3A_0 : vector<16xf32> to vector<1x16xf32>
    tpu.vector_store %arg9[%swap3A_409, %swap3A_410], %swap3A_413 {strides = array<i32>} : memref<25x128xf32, #tpu.memory_space<vmem>>, vector<1x16xf32>,
    %swap3A_414 = arith.constant 8 : i32
    %swap3A_415 = arith.index_cast %swap3A_414 : i32 to index
    %swap3A_416 = arith.constant 80 : index
    %swap3A_417 = tpu.vector_load %arg9[%swap3A_415, %swap3A_416] {strides = array<i32>} : memref<25x128xf32, #tpu.memory_space<vmem>>, vector<1x16xf32>,
    %swap3A_418 = vector.shape_cast %swap3A_417 : vector<1x16xf32> to vector<16xf32>
    %swap3A_419 = vector.shape_cast %broadcast_in_dim3A_0 : vector<16xf32> to vector<1x16xf32>
    tpu.vector_store %arg9[%swap3A_415, %swap3A_416], %swap3A_419 {strides = array<i32>} : memref<25x128xf32, #tpu.memory_space<vmem>>, vector<1x16xf32>,
    %swap3A_420 = arith.constant 8 : i32
    %swap3A_421 = arith.index_cast %swap3A_420 : i32 to index
    %swap3A_422 = arith.constant 96 : index
    %swap3A_423 = tpu.vector_load %arg9[%swap3A_421, %swap3A_422] {strides = array<i32>} : memref<25x128xf32, #tpu.memory_space<vmem>>, vector<1x16xf32>,
    %swap3A_424 = vector.shape_cast %swap3A_423 : vector<1x16xf32> to vector<16xf32>
    %swap3A_425 = vector.shape_cast %broadcast_in_dim3A_0 : vector<16xf32> to vector<1x16xf32>
    tpu.vector_store %arg9[%swap3A_421, %swap3A_422], %swap3A_425 {strides = array<i32>} : memref<25x128xf32, #tpu.memory_space<vmem>>, vector<1x16xf32>,
    %swap3A_426 = arith.constant 8 : i32
    %swap3A_427 = arith.index_cast %swap3A_426 : i32 to index
    %swap3A_428 = arith.constant 112 : index
    %swap3A_429 = tpu.vector_load %arg9[%swap3A_427, %swap3A_428] {strides = array<i32>} : memref<25x128xf32, #tpu.memory_space<vmem>>, vector<1x16xf32>,
    %swap3A_430 = vector.shape_cast %swap3A_429 : vector<1x16xf32> to vector<16xf32>
    %swap3A_431 = vector.shape_cast %broadcast_in_dim3A_0 : vector<16xf32> to vector<1x16xf32>
    tpu.vector_store %arg9[%swap3A_427, %swap3A_428], %swap3A_431 {strides = array<i32>} : memref<25x128xf32, #tpu.memory_space<vmem>>, vector<1x16xf32>,
    %swap3A_432 = arith.constant 9 : i32
    %swap3A_433 = arith.index_cast %swap3A_432 : i32 to index
    %swap3A_434 = arith.constant 0 : index
    %swap3A_435 = tpu.vector_load %arg9[%swap3A_433, %swap3A_434] {strides = array<i32>} : memref<25x128xf32, #tpu.memory_space<vmem>>, vector<1x16xf32>,
    %swap3A_436 = vector.shape_cast %swap3A_435 : vector<1x16xf32> to vector<16xf32>
    %swap3A_437 = vector.shape_cast %broadcast_in_dim3A_0 : vector<16xf32> to vector<1x16xf32>
    tpu.vector_store %arg9[%swap3A_433, %swap3A_434], %swap3A_437 {strides = array<i32>} : memref<25x128xf32, #tpu.memory_space<vmem>>, vector<1x16xf32>,
    %swap3A_438 = arith.constant 9 : i32
    %swap3A_439 = arith.index_cast %swap3A_438 : i32 to index
    %swap3A_440 = arith.constant 16 : index
    %swap3A_441 = tpu.vector_load %arg9[%swap3A_439, %swap3A_440] {strides = array<i32>} : memref<25x128xf32, #tpu.memory_space<vmem>>, vector<1x16xf32>,
    %swap3A_442 = vector.shape_cast %swap3A_441 : vector<1x16xf32> to vector<16xf32>
    %swap3A_443 = vector.shape_cast %broadcast_in_dim3A_0 : vector<16xf32> to vector<1x16xf32>
    tpu.vector_store %arg9[%swap3A_439, %swap3A_440], %swap3A_443 {strides = array<i32>} : memref<25x128xf32, #tpu.memory_space<vmem>>, vector<1x16xf32>,
    %swap3A_444 = arith.constant 9 : i32
    %swap3A_445 = arith.index_cast %swap3A_444 : i32 to index
    %swap3A_446 = arith.constant 32 : index
    %swap3A_447 = tpu.vector_load %arg9[%swap3A_445, %swap3A_446] {strides = array<i32>} : memref<25x128xf32, #tpu.memory_space<vmem>>, vector<1x16xf32>,
    %swap3A_448 = vector.shape_cast %swap3A_447 : vector<1x16xf32> to vector<16xf32>
    %swap3A_449 = vector.shape_cast %broadcast_in_dim3A_0 : vector<16xf32> to vector<1x16xf32>
    tpu.vector_store %arg9[%swap3A_445, %swap3A_446], %swap3A_449 {strides = array<i32>} : memref<25x128xf32, #tpu.memory_space<vmem>>, vector<1x16xf32>,
    %swap3A_450 = arith.constant 9 : i32
    %swap3A_451 = arith.index_cast %swap3A_450 : i32 to index
    %swap3A_452 = arith.constant 48 : index
    %swap3A_453 = tpu.vector_load %arg9[%swap3A_451, %swap3A_452] {strides = array<i32>} : memref<25x128xf32, #tpu.memory_space<vmem>>, vector<1x16xf32>,
    %swap3A_454 = vector.shape_cast %swap3A_453 : vector<1x16xf32> to vector<16xf32>
    %swap3A_455 = vector.shape_cast %broadcast_in_dim3A_0 : vector<16xf32> to vector<1x16xf32>
    tpu.vector_store %arg9[%swap3A_451, %swap3A_452], %swap3A_455 {strides = array<i32>} : memref<25x128xf32, #tpu.memory_space<vmem>>, vector<1x16xf32>,
    %swap3A_456 = arith.constant 9 : i32
    %swap3A_457 = arith.index_cast %swap3A_456 : i32 to index
    %swap3A_458 = arith.constant 64 : index
    %swap3A_459 = tpu.vector_load %arg9[%swap3A_457, %swap3A_458] {strides = array<i32>} : memref<25x128xf32, #tpu.memory_space<vmem>>, vector<1x16xf32>,
    %swap3A_460 = vector.shape_cast %swap3A_459 : vector<1x16xf32> to vector<16xf32>
    %swap3A_461 = vector.shape_cast %broadcast_in_dim3A_0 : vector<16xf32> to vector<1x16xf32>
    tpu.vector_store %arg9[%swap3A_457, %swap3A_458], %swap3A_461 {strides = array<i32>} : memref<25x128xf32, #tpu.memory_space<vmem>>, vector<1x16xf32>,
    %swap3A_462 = arith.constant 9 : i32
    %swap3A_463 = arith.index_cast %swap3A_462 : i32 to index
    %swap3A_464 = arith.constant 80 : index
    %swap3A_465 = tpu.vector_load %arg9[%swap3A_463, %swap3A_464] {strides = array<i32>} : memref<25x128xf32, #tpu.memory_space<vmem>>, vector<1x16xf32>,
    %swap3A_466 = vector.shape_cast %swap3A_465 : vector<1x16xf32> to vector<16xf32>
    %swap3A_467 = vector.shape_cast %broadcast_in_dim3A_0 : vector<16xf32> to vector<1x16xf32>
    tpu.vector_store %arg9[%swap3A_463, %swap3A_464], %swap3A_467 {strides = array<i32>} : memref<25x128xf32, #tpu.memory_space<vmem>>, vector<1x16xf32>,
    %swap3A_468 = arith.constant 9 : i32
    %swap3A_469 = arith.index_cast %swap3A_468 : i32 to index
    %swap3A_470 = arith.constant 96 : index
    %swap3A_471 = tpu.vector_load %arg9[%swap3A_469, %swap3A_470] {strides = array<i32>} : memref<25x128xf32, #tpu.memory_space<vmem>>, vector<1x16xf32>,
    %swap3A_472 = vector.shape_cast %swap3A_471 : vector<1x16xf32> to vector<16xf32>
    %swap3A_473 = vector.shape_cast %broadcast_in_dim3A_0 : vector<16xf32> to vector<1x16xf32>
    tpu.vector_store %arg9[%swap3A_469, %swap3A_470], %swap3A_473 {strides = array<i32>} : memref<25x128xf32, #tpu.memory_space<vmem>>, vector<1x16xf32>,
    %swap3A_474 = arith.constant 9 : i32
    %swap3A_475 = arith.index_cast %swap3A_474 : i32 to index
    %swap3A_476 = arith.constant 112 : index
    %swap3A_477 = tpu.vector_load %arg9[%swap3A_475, %swap3A_476] {strides = array<i32>} : memref<25x128xf32, #tpu.memory_space<vmem>>, vector<1x16xf32>,
    %swap3A_478 = vector.shape_cast %swap3A_477 : vector<1x16xf32> to vector<16xf32>
    %swap3A_479 = vector.shape_cast %broadcast_in_dim3A_0 : vector<16xf32> to vector<1x16xf32>
    tpu.vector_store %arg9[%swap3A_475, %swap3A_476], %swap3A_479 {strides = array<i32>} : memref<25x128xf32, #tpu.memory_space<vmem>>, vector<1x16xf32>,
    %swap3A_480 = arith.constant 10 : i32
    %swap3A_481 = arith.index_cast %swap3A_480 : i32 to index
    %swap3A_482 = arith.constant 0 : index
    %swap3A_483 = tpu.vector_load %arg9[%swap3A_481, %swap3A_482] {strides = array<i32>} : memref<25x128xf32, #tpu.memory_space<vmem>>, vector<1x16xf32>,
    %swap3A_484 = vector.shape_cast %swap3A_483 : vector<1x16xf32> to vector<16xf32>
    %swap3A_485 = vector.shape_cast %broadcast_in_dim3A_0 : vector<16xf32> to vector<1x16xf32>
    tpu.vector_store %arg9[%swap3A_481, %swap3A_482], %swap3A_485 {strides = array<i32>} : memref<25x128xf32, #tpu.memory_space<vmem>>, vector<1x16xf32>,
    %swap3A_486 = arith.constant 10 : i32
    %swap3A_487 = arith.index_cast %swap3A_486 : i32 to index
    %swap3A_488 = arith.constant 16 : index
    %swap3A_489 = tpu.vector_load %arg9[%swap3A_487, %swap3A_488] {strides = array<i32>} : memref<25x128xf32, #tpu.memory_space<vmem>>, vector<1x16xf32>,
    %swap3A_490 = vector.shape_cast %swap3A_489 : vector<1x16xf32> to vector<16xf32>
    %swap3A_491 = vector.shape_cast %broadcast_in_dim3A_0 : vector<16xf32> to vector<1x16xf32>
    tpu.vector_store %arg9[%swap3A_487, %swap3A_488], %swap3A_491 {strides = array<i32>} : memref<25x128xf32, #tpu.memory_space<vmem>>, vector<1x16xf32>,
    %swap3A_492 = arith.constant 10 : i32
    %swap3A_493 = arith.index_cast %swap3A_492 : i32 to index
    %swap3A_494 = arith.constant 32 : index
    %swap3A_495 = tpu.vector_load %arg9[%swap3A_493, %swap3A_494] {strides = array<i32>} : memref<25x128xf32, #tpu.memory_space<vmem>>, vector<1x16xf32>,
    %swap3A_496 = vector.shape_cast %swap3A_495 : vector<1x16xf32> to vector<16xf32>
    %swap3A_497 = vector.shape_cast %broadcast_in_dim3A_0 : vector<16xf32> to vector<1x16xf32>
    tpu.vector_store %arg9[%swap3A_493, %swap3A_494], %swap3A_497 {strides = array<i32>} : memref<25x128xf32, #tpu.memory_space<vmem>>, vector<1x16xf32>,
    %swap3A_498 = arith.constant 10 : i32
    %swap3A_499 = arith.index_cast %swap3A_498 : i32 to index
    %swap3A_500 = arith.constant 48 : index
    %swap3A_501 = tpu.vector_load %arg9[%swap3A_499, %swap3A_500] {strides = array<i32>} : memref<25x128xf32, #tpu.memory_space<vmem>>, vector<1x16xf32>,
    %swap3A_502 = vector.shape_cast %swap3A_501 : vector<1x16xf32> to vector<16xf32>
    %swap3A_503 = vector.shape_cast %broadcast_in_dim3A_0 : vector<16xf32> to vector<1x16xf32>
    tpu.vector_store %arg9[%swap3A_499, %swap3A_500], %swap3A_503 {strides = array<i32>} : memref<25x128xf32, #tpu.memory_space<vmem>>, vector<1x16xf32>,
    %swap3A_504 = arith.constant 10 : i32
    %swap3A_505 = arith.index_cast %swap3A_504 : i32 to index
    %swap3A_506 = arith.constant 64 : index
    %swap3A_507 = tpu.vector_load %arg9[%swap3A_505, %swap3A_506] {strides = array<i32>} : memref<25x128xf32, #tpu.memory_space<vmem>>, vector<1x16xf32>,
    %swap3A_508 = vector.shape_cast %swap3A_507 : vector<1x16xf32> to vector<16xf32>
    %swap3A_509 = vector.shape_cast %broadcast_in_dim3A_0 : vector<16xf32> to vector<1x16xf32>
    tpu.vector_store %arg9[%swap3A_505, %swap3A_506], %swap3A_509 {strides = array<i32>} : memref<25x128xf32, #tpu.memory_space<vmem>>, vector<1x16xf32>,
    %swap3A_510 = arith.constant 10 : i32
    %swap3A_511 = arith.index_cast %swap3A_510 : i32 to index
    %swap3A_512 = arith.constant 80 : index
    %swap3A_513 = tpu.vector_load %arg9[%swap3A_511, %swap3A_512] {strides = array<i32>} : memref<25x128xf32, #tpu.memory_space<vmem>>, vector<1x16xf32>,
    %swap3A_514 = vector.shape_cast %swap3A_513 : vector<1x16xf32> to vector<16xf32>
    %swap3A_515 = vector.shape_cast %broadcast_in_dim3A_0 : vector<16xf32> to vector<1x16xf32>
    tpu.vector_store %arg9[%swap3A_511, %swap3A_512], %swap3A_515 {strides = array<i32>} : memref<25x128xf32, #tpu.memory_space<vmem>>, vector<1x16xf32>,
    %swap3A_516 = arith.constant 10 : i32
    %swap3A_517 = arith.index_cast %swap3A_516 : i32 to index
    %swap3A_518 = arith.constant 96 : index
    %swap3A_519 = tpu.vector_load %arg9[%swap3A_517, %swap3A_518] {strides = array<i32>} : memref<25x128xf32, #tpu.memory_space<vmem>>, vector<1x16xf32>,
    %swap3A_520 = vector.shape_cast %swap3A_519 : vector<1x16xf32> to vector<16xf32>
    %swap3A_521 = vector.shape_cast %broadcast_in_dim3A_0 : vector<16xf32> to vector<1x16xf32>
    tpu.vector_store %arg9[%swap3A_517, %swap3A_518], %swap3A_521 {strides = array<i32>} : memref<25x128xf32, #tpu.memory_space<vmem>>, vector<1x16xf32>,
    %swap3A_522 = arith.constant 10 : i32
    %swap3A_523 = arith.index_cast %swap3A_522 : i32 to index
    %swap3A_524 = arith.constant 112 : index
    %swap3A_525 = tpu.vector_load %arg9[%swap3A_523, %swap3A_524] {strides = array<i32>} : memref<25x128xf32, #tpu.memory_space<vmem>>, vector<1x16xf32>,
    %swap3A_526 = vector.shape_cast %swap3A_525 : vector<1x16xf32> to vector<16xf32>
    %swap3A_527 = vector.shape_cast %broadcast_in_dim3A_0 : vector<16xf32> to vector<1x16xf32>
    tpu.vector_store %arg9[%swap3A_523, %swap3A_524], %swap3A_527 {strides = array<i32>} : memref<25x128xf32, #tpu.memory_space<vmem>>, vector<1x16xf32>,
    %swap3A_528 = arith.constant 11 : i32
    %swap3A_529 = arith.index_cast %swap3A_528 : i32 to index
    %swap3A_530 = arith.constant 0 : index
    %swap3A_531 = tpu.vector_load %arg9[%swap3A_529, %swap3A_530] {strides = array<i32>} : memref<25x128xf32, #tpu.memory_space<vmem>>, vector<1x16xf32>,
    %swap3A_532 = vector.shape_cast %swap3A_531 : vector<1x16xf32> to vector<16xf32>
    %swap3A_533 = vector.shape_cast %broadcast_in_dim3A_0 : vector<16xf32> to vector<1x16xf32>
    tpu.vector_store %arg9[%swap3A_529, %swap3A_530], %swap3A_533 {strides = array<i32>} : memref<25x128xf32, #tpu.memory_space<vmem>>, vector<1x16xf32>,
    %swap3A_534 = arith.constant 11 : i32
    %swap3A_535 = arith.index_cast %swap3A_534 : i32 to index
    %swap3A_536 = arith.constant 16 : index
    %swap3A_537 = tpu.vector_load %arg9[%swap3A_535, %swap3A_536] {strides = array<i32>} : memref<25x128xf32, #tpu.memory_space<vmem>>, vector<1x16xf32>,
    %swap3A_538 = vector.shape_cast %swap3A_537 : vector<1x16xf32> to vector<16xf32>
    %swap3A_539 = vector.shape_cast %broadcast_in_dim3A_0 : vector<16xf32> to vector<1x16xf32>
    tpu.vector_store %arg9[%swap3A_535, %swap3A_536], %swap3A_539 {strides = array<i32>} : memref<25x128xf32, #tpu.memory_space<vmem>>, vector<1x16xf32>,
    %swap3A_540 = arith.constant 11 : i32
    %swap3A_541 = arith.index_cast %swap3A_540 : i32 to index
    %swap3A_542 = arith.constant 32 : index
    %swap3A_543 = tpu.vector_load %arg9[%swap3A_541, %swap3A_542] {strides = array<i32>} : memref<25x128xf32, #tpu.memory_space<vmem>>, vector<1x16xf32>,
    %swap3A_544 = vector.shape_cast %swap3A_543 : vector<1x16xf32> to vector<16xf32>
    %swap3A_545 = vector.shape_cast %broadcast_in_dim3A_0 : vector<16xf32> to vector<1x16xf32>
    tpu.vector_store %arg9[%swap3A_541, %swap3A_542], %swap3A_545 {strides = array<i32>} : memref<25x128xf32, #tpu.memory_space<vmem>>, vector<1x16xf32>,
    %swap3A_546 = arith.constant 11 : i32
    %swap3A_547 = arith.index_cast %swap3A_546 : i32 to index
    %swap3A_548 = arith.constant 48 : index
    %swap3A_549 = tpu.vector_load %arg9[%swap3A_547, %swap3A_548] {strides = array<i32>} : memref<25x128xf32, #tpu.memory_space<vmem>>, vector<1x16xf32>,
    %swap3A_550 = vector.shape_cast %swap3A_549 : vector<1x16xf32> to vector<16xf32>
    %swap3A_551 = vector.shape_cast %broadcast_in_dim3A_0 : vector<16xf32> to vector<1x16xf32>
    tpu.vector_store %arg9[%swap3A_547, %swap3A_548], %swap3A_551 {strides = array<i32>} : memref<25x128xf32, #tpu.memory_space<vmem>>, vector<1x16xf32>,
    %swap3A_552 = arith.constant 11 : i32
    %swap3A_553 = arith.index_cast %swap3A_552 : i32 to index
    %swap3A_554 = arith.constant 64 : index
    %swap3A_555 = tpu.vector_load %arg9[%swap3A_553, %swap3A_554] {strides = array<i32>} : memref<25x128xf32, #tpu.memory_space<vmem>>, vector<1x16xf32>,
    %swap3A_556 = vector.shape_cast %swap3A_555 : vector<1x16xf32> to vector<16xf32>
    %swap3A_557 = vector.shape_cast %broadcast_in_dim3A_0 : vector<16xf32> to vector<1x16xf32>
    tpu.vector_store %arg9[%swap3A_553, %swap3A_554], %swap3A_557 {strides = array<i32>} : memref<25x128xf32, #tpu.memory_space<vmem>>, vector<1x16xf32>,
    %swap3A_558 = arith.constant 11 : i32
    %swap3A_559 = arith.index_cast %swap3A_558 : i32 to index
    %swap3A_560 = arith.constant 80 : index
    %swap3A_561 = tpu.vector_load %arg9[%swap3A_559, %swap3A_560] {strides = array<i32>} : memref<25x128xf32, #tpu.memory_space<vmem>>, vector<1x16xf32>,
    %swap3A_562 = vector.shape_cast %swap3A_561 : vector<1x16xf32> to vector<16xf32>
    %swap3A_563 = vector.shape_cast %broadcast_in_dim3A_0 : vector<16xf32> to vector<1x16xf32>
    tpu.vector_store %arg9[%swap3A_559, %swap3A_560], %swap3A_563 {strides = array<i32>} : memref<25x128xf32, #tpu.memory_space<vmem>>, vector<1x16xf32>,
    %swap3A_564 = arith.constant 11 : i32
    %swap3A_565 = arith.index_cast %swap3A_564 : i32 to index
    %swap3A_566 = arith.constant 96 : index
    %swap3A_567 = tpu.vector_load %arg9[%swap3A_565, %swap3A_566] {strides = array<i32>} : memref<25x128xf32, #tpu.memory_space<vmem>>, vector<1x16xf32>,
    %swap3A_568 = vector.shape_cast %swap3A_567 : vector<1x16xf32> to vector<16xf32>
    %swap3A_569 = vector.shape_cast %broadcast_in_dim3A_0 : vector<16xf32> to vector<1x16xf32>
    tpu.vector_store %arg9[%swap3A_565, %swap3A_566], %swap3A_569 {strides = array<i32>} : memref<25x128xf32, #tpu.memory_space<vmem>>, vector<1x16xf32>,
    %swap3A_570 = arith.constant 11 : i32
    %swap3A_571 = arith.index_cast %swap3A_570 : i32 to index
    %swap3A_572 = arith.constant 112 : index
    %swap3A_573 = tpu.vector_load %arg9[%swap3A_571, %swap3A_572] {strides = array<i32>} : memref<25x128xf32, #tpu.memory_space<vmem>>, vector<1x16xf32>,
    %swap3A_574 = vector.shape_cast %swap3A_573 : vector<1x16xf32> to vector<16xf32>
    %swap3A_575 = vector.shape_cast %broadcast_in_dim3A_0 : vector<16xf32> to vector<1x16xf32>
    tpu.vector_store %arg9[%swap3A_571, %swap3A_572], %swap3A_575 {strides = array<i32>} : memref<25x128xf32, #tpu.memory_space<vmem>>, vector<1x16xf32>,
    %swap3A_576 = arith.constant 12 : i32
    %swap3A_577 = arith.index_cast %swap3A_576 : i32 to index
    %swap3A_578 = arith.constant 0 : index
    %swap3A_579 = tpu.vector_load %arg9[%swap3A_577, %swap3A_578] {strides = array<i32>} : memref<25x128xf32, #tpu.memory_space<vmem>>, vector<1x16xf32>,
    %swap3A_580 = vector.shape_cast %swap3A_579 : vector<1x16xf32> to vector<16xf32>
    %swap3A_581 = vector.shape_cast %broadcast_in_dim3A_0 : vector<16xf32> to vector<1x16xf32>
    tpu.vector_store %arg9[%swap3A_577, %swap3A_578], %swap3A_581 {strides = array<i32>} : memref<25x128xf32, #tpu.memory_space<vmem>>, vector<1x16xf32>,
    %swap3A_582 = arith.constant 12 : i32
    %swap3A_583 = arith.index_cast %swap3A_582 : i32 to index
    %swap3A_584 = arith.constant 16 : index
    %swap3A_585 = tpu.vector_load %arg9[%swap3A_583, %swap3A_584] {strides = array<i32>} : memref<25x128xf32, #tpu.memory_space<vmem>>, vector<1x16xf32>,
    %swap3A_586 = vector.shape_cast %swap3A_585 : vector<1x16xf32> to vector<16xf32>
    %swap3A_587 = vector.shape_cast %broadcast_in_dim3A_0 : vector<16xf32> to vector<1x16xf32>
    tpu.vector_store %arg9[%swap3A_583, %swap3A_584], %swap3A_587 {strides = array<i32>} : memref<25x128xf32, #tpu.memory_space<vmem>>, vector<1x16xf32>,
    %swap3A_588 = arith.constant 12 : i32
    %swap3A_589 = arith.index_cast %swap3A_588 : i32 to index
    %swap3A_590 = arith.constant 32 : index
    %swap3A_591 = tpu.vector_load %arg9[%swap3A_589, %swap3A_590] {strides = array<i32>} : memref<25x128xf32, #tpu.memory_space<vmem>>, vector<1x16xf32>,
    %swap3A_592 = vector.shape_cast %swap3A_591 : vector<1x16xf32> to vector<16xf32>
    %swap3A_593 = vector.shape_cast %broadcast_in_dim3A_0 : vector<16xf32> to vector<1x16xf32>
    tpu.vector_store %arg9[%swap3A_589, %swap3A_590], %swap3A_593 {strides = array<i32>} : memref<25x128xf32, #tpu.memory_space<vmem>>, vector<1x16xf32>,
    %swap3A_594 = arith.constant 12 : i32
    %swap3A_595 = arith.index_cast %swap3A_594 : i32 to index
    %swap3A_596 = arith.constant 48 : index
    %swap3A_597 = tpu.vector_load %arg9[%swap3A_595, %swap3A_596] {strides = array<i32>} : memref<25x128xf32, #tpu.memory_space<vmem>>, vector<1x16xf32>,
    %swap3A_598 = vector.shape_cast %swap3A_597 : vector<1x16xf32> to vector<16xf32>
    %swap3A_599 = vector.shape_cast %broadcast_in_dim3A_0 : vector<16xf32> to vector<1x16xf32>
    tpu.vector_store %arg9[%swap3A_595, %swap3A_596], %swap3A_599 {strides = array<i32>} : memref<25x128xf32, #tpu.memory_space<vmem>>, vector<1x16xf32>,
    %swap3A_600 = arith.constant 12 : i32
    %swap3A_601 = arith.index_cast %swap3A_600 : i32 to index
    %swap3A_602 = arith.constant 64 : index
    %swap3A_603 = tpu.vector_load %arg9[%swap3A_601, %swap3A_602] {strides = array<i32>} : memref<25x128xf32, #tpu.memory_space<vmem>>, vector<1x16xf32>,
    %swap3A_604 = vector.shape_cast %swap3A_603 : vector<1x16xf32> to vector<16xf32>
    %swap3A_605 = vector.shape_cast %broadcast_in_dim3A_0 : vector<16xf32> to vector<1x16xf32>
    tpu.vector_store %arg9[%swap3A_601, %swap3A_602], %swap3A_605 {strides = array<i32>} : memref<25x128xf32, #tpu.memory_space<vmem>>, vector<1x16xf32>,
    %swap3A_606 = arith.constant 12 : i32
    %swap3A_607 = arith.index_cast %swap3A_606 : i32 to index
    %swap3A_608 = arith.constant 80 : index
    %swap3A_609 = tpu.vector_load %arg9[%swap3A_607, %swap3A_608] {strides = array<i32>} : memref<25x128xf32, #tpu.memory_space<vmem>>, vector<1x16xf32>,
    %swap3A_610 = vector.shape_cast %swap3A_609 : vector<1x16xf32> to vector<16xf32>
    %swap3A_611 = vector.shape_cast %broadcast_in_dim3A_0 : vector<16xf32> to vector<1x16xf32>
    tpu.vector_store %arg9[%swap3A_607, %swap3A_608], %swap3A_611 {strides = array<i32>} : memref<25x128xf32, #tpu.memory_space<vmem>>, vector<1x16xf32>,
    %swap3A_612 = arith.constant 12 : i32
    %swap3A_613 = arith.index_cast %swap3A_612 : i32 to index
    %swap3A_614 = arith.constant 96 : index
    %swap3A_615 = tpu.vector_load %arg9[%swap3A_613, %swap3A_614] {strides = array<i32>} : memref<25x128xf32, #tpu.memory_space<vmem>>, vector<1x16xf32>,
    %swap3A_616 = vector.shape_cast %swap3A_615 : vector<1x16xf32> to vector<16xf32>
    %swap3A_617 = vector.shape_cast %broadcast_in_dim3A_0 : vector<16xf32> to vector<1x16xf32>
    tpu.vector_store %arg9[%swap3A_613, %swap3A_614], %swap3A_617 {strides = array<i32>} : memref<25x128xf32, #tpu.memory_space<vmem>>, vector<1x16xf32>,
    %swap3A_618 = arith.constant 12 : i32
    %swap3A_619 = arith.index_cast %swap3A_618 : i32 to index
    %swap3A_620 = arith.constant 112 : index
    %swap3A_621 = tpu.vector_load %arg9[%swap3A_619, %swap3A_620] {strides = array<i32>} : memref<25x128xf32, #tpu.memory_space<vmem>>, vector<1x16xf32>,
    %swap3A_622 = vector.shape_cast %swap3A_621 : vector<1x16xf32> to vector<16xf32>
    %swap3A_623 = vector.shape_cast %broadcast_in_dim3A_0 : vector<16xf32> to vector<1x16xf32>
    tpu.vector_store %arg9[%swap3A_619, %swap3A_620], %swap3A_623 {strides = array<i32>} : memref<25x128xf32, #tpu.memory_space<vmem>>, vector<1x16xf32>,
    %swap3A_624 = arith.constant 13 : i32
    %swap3A_625 = arith.index_cast %swap3A_624 : i32 to index
    %swap3A_626 = arith.constant 0 : index
    %swap3A_627 = tpu.vector_load %arg9[%swap3A_625, %swap3A_626] {strides = array<i32>} : memref<25x128xf32, #tpu.memory_space<vmem>>, vector<1x16xf32>,
    %swap3A_628 = vector.shape_cast %swap3A_627 : vector<1x16xf32> to vector<16xf32>
    %swap3A_629 = vector.shape_cast %broadcast_in_dim3A_0 : vector<16xf32> to vector<1x16xf32>
    tpu.vector_store %arg9[%swap3A_625, %swap3A_626], %swap3A_629 {strides = array<i32>} : memref<25x128xf32, #tpu.memory_space<vmem>>, vector<1x16xf32>,
    %swap3A_630 = arith.constant 13 : i32
    %swap3A_631 = arith.index_cast %swap3A_630 : i32 to index
    %swap3A_632 = arith.constant 16 : index
    %swap3A_633 = tpu.vector_load %arg9[%swap3A_631, %swap3A_632] {strides = array<i32>} : memref<25x128xf32, #tpu.memory_space<vmem>>, vector<1x16xf32>,
    %swap3A_634 = vector.shape_cast %swap3A_633 : vector<1x16xf32> to vector<16xf32>
    %swap3A_635 = vector.shape_cast %broadcast_in_dim3A_0 : vector<16xf32> to vector<1x16xf32>
    tpu.vector_store %arg9[%swap3A_631, %swap3A_632], %swap3A_635 {strides = array<i32>} : memref<25x128xf32, #tpu.memory_space<vmem>>, vector<1x16xf32>,
    %swap3A_636 = arith.constant 13 : i32
    %swap3A_637 = arith.index_cast %swap3A_636 : i32 to index
    %swap3A_638 = arith.constant 32 : index
    %swap3A_639 = tpu.vector_load %arg9[%swap3A_637, %swap3A_638] {strides = array<i32>} : memref<25x128xf32, #tpu.memory_space<vmem>>, vector<1x16xf32>,
    %swap3A_640 = vector.shape_cast %swap3A_639 : vector<1x16xf32> to vector<16xf32>
    %swap3A_641 = vector.shape_cast %broadcast_in_dim3A_0 : vector<16xf32> to vector<1x16xf32>
    tpu.vector_store %arg9[%swap3A_637, %swap3A_638], %swap3A_641 {strides = array<i32>} : memref<25x128xf32, #tpu.memory_space<vmem>>, vector<1x16xf32>,
    %swap3A_642 = arith.constant 13 : i32
    %swap3A_643 = arith.index_cast %swap3A_642 : i32 to index
    %swap3A_644 = arith.constant 48 : index
    %swap3A_645 = tpu.vector_load %arg9[%swap3A_643, %swap3A_644] {strides = array<i32>} : memref<25x128xf32, #tpu.memory_space<vmem>>, vector<1x16xf32>,
    %swap3A_646 = vector.shape_cast %swap3A_645 : vector<1x16xf32> to vector<16xf32>
    %swap3A_647 = vector.shape_cast %broadcast_in_dim3A_0 : vector<16xf32> to vector<1x16xf32>
    tpu.vector_store %arg9[%swap3A_643, %swap3A_644], %swap3A_647 {strides = array<i32>} : memref<25x128xf32, #tpu.memory_space<vmem>>, vector<1x16xf32>,
    %swap3A_648 = arith.constant 13 : i32
    %swap3A_649 = arith.index_cast %swap3A_648 : i32 to index
    %swap3A_650 = arith.constant 64 : index
    %swap3A_651 = tpu.vector_load %arg9[%swap3A_649, %swap3A_650] {strides = array<i32>} : memref<25x128xf32, #tpu.memory_space<vmem>>, vector<1x16xf32>,
    %swap3A_652 = vector.shape_cast %swap3A_651 : vector<1x16xf32> to vector<16xf32>
    %swap3A_653 = vector.shape_cast %broadcast_in_dim3A_0 : vector<16xf32> to vector<1x16xf32>
    tpu.vector_store %arg9[%swap3A_649, %swap3A_650], %swap3A_653 {strides = array<i32>} : memref<25x128xf32, #tpu.memory_space<vmem>>, vector<1x16xf32>,
    %swap3A_654 = arith.constant 13 : i32
    %swap3A_655 = arith.index_cast %swap3A_654 : i32 to index
    %swap3A_656 = arith.constant 80 : index
    %swap3A_657 = tpu.vector_load %arg9[%swap3A_655, %swap3A_656] {strides = array<i32>} : memref<25x128xf32, #tpu.memory_space<vmem>>, vector<1x16xf32>,
    %swap3A_658 = vector.shape_cast %swap3A_657 : vector<1x16xf32> to vector<16xf32>
    %swap3A_659 = vector.shape_cast %broadcast_in_dim3A_0 : vector<16xf32> to vector<1x16xf32>
    tpu.vector_store %arg9[%swap3A_655, %swap3A_656], %swap3A_659 {strides = array<i32>} : memref<25x128xf32, #tpu.memory_space<vmem>>, vector<1x16xf32>,
    %swap3A_660 = arith.constant 13 : i32
    %swap3A_661 = arith.index_cast %swap3A_660 : i32 to index
    %swap3A_662 = arith.constant 96 : index
    %swap3A_663 = tpu.vector_load %arg9[%swap3A_661, %swap3A_662] {strides = array<i32>} : memref<25x128xf32, #tpu.memory_space<vmem>>, vector<1x16xf32>,
    %swap3A_664 = vector.shape_cast %swap3A_663 : vector<1x16xf32> to vector<16xf32>
    %swap3A_665 = vector.shape_cast %broadcast_in_dim3A_0 : vector<16xf32> to vector<1x16xf32>
    tpu.vector_store %arg9[%swap3A_661, %swap3A_662], %swap3A_665 {strides = array<i32>} : memref<25x128xf32, #tpu.memory_space<vmem>>, vector<1x16xf32>,
    %swap3A_666 = arith.constant 13 : i32
    %swap3A_667 = arith.index_cast %swap3A_666 : i32 to index
    %swap3A_668 = arith.constant 112 : index
    %swap3A_669 = tpu.vector_load %arg9[%swap3A_667, %swap3A_668] {strides = array<i32>} : memref<25x128xf32, #tpu.memory_space<vmem>>, vector<1x16xf32>,
    %swap3A_670 = vector.shape_cast %swap3A_669 : vector<1x16xf32> to vector<16xf32>
    %swap3A_671 = vector.shape_cast %broadcast_in_dim3A_0 : vector<16xf32> to vector<1x16xf32>
    tpu.vector_store %arg9[%swap3A_667, %swap3A_668], %swap3A_671 {strides = array<i32>} : memref<25x128xf32, #tpu.memory_space<vmem>>, vector<1x16xf32>,
    %swap3A_672 = arith.constant 14 : i32
    %swap3A_673 = arith.index_cast %swap3A_672 : i32 to index
    %swap3A_674 = arith.constant 0 : index
    %swap3A_675 = tpu.vector_load %arg9[%swap3A_673, %swap3A_674] {strides = array<i32>} : memref<25x128xf32, #tpu.memory_space<vmem>>, vector<1x16xf32>,
    %swap3A_676 = vector.shape_cast %swap3A_675 : vector<1x16xf32> to vector<16xf32>
    %swap3A_677 = vector.shape_cast %broadcast_in_dim3A_0 : vector<16xf32> to vector<1x16xf32>
    tpu.vector_store %arg9[%swap3A_673, %swap3A_674], %swap3A_677 {strides = array<i32>} : memref<25x128xf32, #tpu.memory_space<vmem>>, vector<1x16xf32>,
    %swap3A_678 = arith.constant 14 : i32
    %swap3A_679 = arith.index_cast %swap3A_678 : i32 to index
    %swap3A_680 = arith.constant 16 : index
    %swap3A_681 = tpu.vector_load %arg9[%swap3A_679, %swap3A_680] {strides = array<i32>} : memref<25x128xf32, #tpu.memory_space<vmem>>, vector<1x16xf32>,
    %swap3A_682 = vector.shape_cast %swap3A_681 : vector<1x16xf32> to vector<16xf32>
    %swap3A_683 = vector.shape_cast %broadcast_in_dim3A_0 : vector<16xf32> to vector<1x16xf32>
    tpu.vector_store %arg9[%swap3A_679, %swap3A_680], %swap3A_683 {strides = array<i32>} : memref<25x128xf32, #tpu.memory_space<vmem>>, vector<1x16xf32>,
    %swap3A_684 = arith.constant 14 : i32
    %swap3A_685 = arith.index_cast %swap3A_684 : i32 to index
    %swap3A_686 = arith.constant 32 : index
    %swap3A_687 = tpu.vector_load %arg9[%swap3A_685, %swap3A_686] {strides = array<i32>} : memref<25x128xf32, #tpu.memory_space<vmem>>, vector<1x16xf32>,
    %swap3A_688 = vector.shape_cast %swap3A_687 : vector<1x16xf32> to vector<16xf32>
    %swap3A_689 = vector.shape_cast %broadcast_in_dim3A_0 : vector<16xf32> to vector<1x16xf32>
    tpu.vector_store %arg9[%swap3A_685, %swap3A_686], %swap3A_689 {strides = array<i32>} : memref<25x128xf32, #tpu.memory_space<vmem>>, vector<1x16xf32>,
    %swap3A_690 = arith.constant 14 : i32
    %swap3A_691 = arith.index_cast %swap3A_690 : i32 to index
    %swap3A_692 = arith.constant 48 : index
    %swap3A_693 = tpu.vector_load %arg9[%swap3A_691, %swap3A_692] {strides = array<i32>} : memref<25x128xf32, #tpu.memory_space<vmem>>, vector<1x16xf32>,
    %swap3A_694 = vector.shape_cast %swap3A_693 : vector<1x16xf32> to vector<16xf32>
    %swap3A_695 = vector.shape_cast %broadcast_in_dim3A_0 : vector<16xf32> to vector<1x16xf32>
    tpu.vector_store %arg9[%swap3A_691, %swap3A_692], %swap3A_695 {strides = array<i32>} : memref<25x128xf32, #tpu.memory_space<vmem>>, vector<1x16xf32>,
    %swap3A_696 = arith.constant 14 : i32
    %swap3A_697 = arith.index_cast %swap3A_696 : i32 to index
    %swap3A_698 = arith.constant 64 : index
    %swap3A_699 = tpu.vector_load %arg9[%swap3A_697, %swap3A_698] {strides = array<i32>} : memref<25x128xf32, #tpu.memory_space<vmem>>, vector<1x16xf32>,
    %swap3A_700 = vector.shape_cast %swap3A_699 : vector<1x16xf32> to vector<16xf32>
    %swap3A_701 = vector.shape_cast %broadcast_in_dim3A_0 : vector<16xf32> to vector<1x16xf32>
    tpu.vector_store %arg9[%swap3A_697, %swap3A_698], %swap3A_701 {strides = array<i32>} : memref<25x128xf32, #tpu.memory_space<vmem>>, vector<1x16xf32>,
    %swap3A_702 = arith.constant 14 : i32
    %swap3A_703 = arith.index_cast %swap3A_702 : i32 to index
    %swap3A_704 = arith.constant 80 : index
    %swap3A_705 = tpu.vector_load %arg9[%swap3A_703, %swap3A_704] {strides = array<i32>} : memref<25x128xf32, #tpu.memory_space<vmem>>, vector<1x16xf32>,
    %swap3A_706 = vector.shape_cast %swap3A_705 : vector<1x16xf32> to vector<16xf32>
    %swap3A_707 = vector.shape_cast %broadcast_in_dim3A_0 : vector<16xf32> to vector<1x16xf32>
    tpu.vector_store %arg9[%swap3A_703, %swap3A_704], %swap3A_707 {strides = array<i32>} : memref<25x128xf32, #tpu.memory_space<vmem>>, vector<1x16xf32>,
    %swap3A_708 = arith.constant 14 : i32
    %swap3A_709 = arith.index_cast %swap3A_708 : i32 to index
    %swap3A_710 = arith.constant 96 : index
    %swap3A_711 = tpu.vector_load %arg9[%swap3A_709, %swap3A_710] {strides = array<i32>} : memref<25x128xf32, #tpu.memory_space<vmem>>, vector<1x16xf32>,
    %swap3A_712 = vector.shape_cast %swap3A_711 : vector<1x16xf32> to vector<16xf32>
    %swap3A_713 = vector.shape_cast %broadcast_in_dim3A_0 : vector<16xf32> to vector<1x16xf32>
    tpu.vector_store %arg9[%swap3A_709, %swap3A_710], %swap3A_713 {strides = array<i32>} : memref<25x128xf32, #tpu.memory_space<vmem>>, vector<1x16xf32>,
    %swap3A_714 = arith.constant 14 : i32
    %swap3A_715 = arith.index_cast %swap3A_714 : i32 to index
    %swap3A_716 = arith.constant 112 : index
    %swap3A_717 = tpu.vector_load %arg9[%swap3A_715, %swap3A_716] {strides = array<i32>} : memref<25x128xf32, #tpu.memory_space<vmem>>, vector<1x16xf32>,
    %swap3A_718 = vector.shape_cast %swap3A_717 : vector<1x16xf32> to vector<16xf32>
    %swap3A_719 = vector.shape_cast %broadcast_in_dim3A_0 : vector<16xf32> to vector<1x16xf32>
    tpu.vector_store %arg9[%swap3A_715, %swap3A_716], %swap3A_719 {strides = array<i32>} : memref<25x128xf32, #tpu.memory_space<vmem>>, vector<1x16xf32>,
    %swap3A_720 = arith.constant 15 : i32
    %swap3A_721 = arith.index_cast %swap3A_720 : i32 to index
    %swap3A_722 = arith.constant 0 : index
    %swap3A_723 = tpu.vector_load %arg9[%swap3A_721, %swap3A_722] {strides = array<i32>} : memref<25x128xf32, #tpu.memory_space<vmem>>, vector<1x16xf32>,
    %swap3A_724 = vector.shape_cast %swap3A_723 : vector<1x16xf32> to vector<16xf32>
    %swap3A_725 = vector.shape_cast %broadcast_in_dim3A_0 : vector<16xf32> to vector<1x16xf32>
    tpu.vector_store %arg9[%swap3A_721, %swap3A_722], %swap3A_725 {strides = array<i32>} : memref<25x128xf32, #tpu.memory_space<vmem>>, vector<1x16xf32>,
    %swap3A_726 = arith.constant 15 : i32
    %swap3A_727 = arith.index_cast %swap3A_726 : i32 to index
    %swap3A_728 = arith.constant 16 : index
    %swap3A_729 = tpu.vector_load %arg9[%swap3A_727, %swap3A_728] {strides = array<i32>} : memref<25x128xf32, #tpu.memory_space<vmem>>, vector<1x16xf32>,
    %swap3A_730 = vector.shape_cast %swap3A_729 : vector<1x16xf32> to vector<16xf32>
    %swap3A_731 = vector.shape_cast %broadcast_in_dim3A_0 : vector<16xf32> to vector<1x16xf32>
    tpu.vector_store %arg9[%swap3A_727, %swap3A_728], %swap3A_731 {strides = array<i32>} : memref<25x128xf32, #tpu.memory_space<vmem>>, vector<1x16xf32>,
    %swap3A_732 = arith.constant 15 : i32
    %swap3A_733 = arith.index_cast %swap3A_732 : i32 to index
    %swap3A_734 = arith.constant 32 : index
    %swap3A_735 = tpu.vector_load %arg9[%swap3A_733, %swap3A_734] {strides = array<i32>} : memref<25x128xf32, #tpu.memory_space<vmem>>, vector<1x16xf32>,
    %swap3A_736 = vector.shape_cast %swap3A_735 : vector<1x16xf32> to vector<16xf32>
    %swap3A_737 = vector.shape_cast %broadcast_in_dim3A_0 : vector<16xf32> to vector<1x16xf32>
    tpu.vector_store %arg9[%swap3A_733, %swap3A_734], %swap3A_737 {strides = array<i32>} : memref<25x128xf32, #tpu.memory_space<vmem>>, vector<1x16xf32>,
    %swap3A_738 = arith.constant 15 : i32
    %swap3A_739 = arith.index_cast %swap3A_738 : i32 to index
    %swap3A_740 = arith.constant 48 : index
    %swap3A_741 = tpu.vector_load %arg9[%swap3A_739, %swap3A_740] {strides = array<i32>} : memref<25x128xf32, #tpu.memory_space<vmem>>, vector<1x16xf32>,
    %swap3A_742 = vector.shape_cast %swap3A_741 : vector<1x16xf32> to vector<16xf32>
    %swap3A_743 = vector.shape_cast %broadcast_in_dim3A_0 : vector<16xf32> to vector<1x16xf32>
    tpu.vector_store %arg9[%swap3A_739, %swap3A_740], %swap3A_743 {strides = array<i32>} : memref<25x128xf32, #tpu.memory_space<vmem>>, vector<1x16xf32>,
    %swap3A_744 = arith.constant 15 : i32
    %swap3A_745 = arith.index_cast %swap3A_744 : i32 to index
    %swap3A_746 = arith.constant 64 : index
    %swap3A_747 = tpu.vector_load %arg9[%swap3A_745, %swap3A_746] {strides = array<i32>} : memref<25x128xf32, #tpu.memory_space<vmem>>, vector<1x16xf32>,
    %swap3A_748 = vector.shape_cast %swap3A_747 : vector<1x16xf32> to vector<16xf32>
    %swap3A_749 = vector.shape_cast %broadcast_in_dim3A_0 : vector<16xf32> to vector<1x16xf32>
    tpu.vector_store %arg9[%swap3A_745, %swap3A_746], %swap3A_749 {strides = array<i32>} : memref<25x128xf32, #tpu.memory_space<vmem>>, vector<1x16xf32>,
    %swap3A_750 = arith.constant 15 : i32
    %swap3A_751 = arith.index_cast %swap3A_750 : i32 to index
    %swap3A_752 = arith.constant 80 : index
    %swap3A_753 = tpu.vector_load %arg9[%swap3A_751, %swap3A_752] {strides = array<i32>} : memref<25x128xf32, #tpu.memory_space<vmem>>, vector<1x16xf32>,
    %swap3A_754 = vector.shape_cast %swap3A_753 : vector<1x16xf32> to vector<16xf32>
    %swap3A_755 = vector.shape_cast %broadcast_in_dim3A_0 : vector<16xf32> to vector<1x16xf32>
    tpu.vector_store %arg9[%swap3A_751, %swap3A_752], %swap3A_755 {strides = array<i32>} : memref<25x128xf32, #tpu.memory_space<vmem>>, vector<1x16xf32>,
    %swap3A_756 = arith.constant 15 : i32
    %swap3A_757 = arith.index_cast %swap3A_756 : i32 to index
    %swap3A_758 = arith.constant 96 : index
    %swap3A_759 = tpu.vector_load %arg9[%swap3A_757, %swap3A_758] {strides = array<i32>} : memref<25x128xf32, #tpu.memory_space<vmem>>, vector<1x16xf32>,
    %swap3A_760 = vector.shape_cast %swap3A_759 : vector<1x16xf32> to vector<16xf32>
    %swap3A_761 = vector.shape_cast %broadcast_in_dim3A_0 : vector<16xf32> to vector<1x16xf32>
    tpu.vector_store %arg9[%swap3A_757, %swap3A_758], %swap3A_761 {strides = array<i32>} : memref<25x128xf32, #tpu.memory_space<vmem>>, vector<1x16xf32>,
    %swap3A_762 = arith.constant 15 : i32
    %swap3A_763 = arith.index_cast %swap3A_762 : i32 to index
    %swap3A_764 = arith.constant 112 : index
    %swap3A_765 = tpu.vector_load %arg9[%swap3A_763, %swap3A_764] {strides = array<i32>} : memref<25x128xf32, #tpu.memory_space<vmem>>, vector<1x16xf32>,
    %swap3A_766 = vector.shape_cast %swap3A_765 : vector<1x16xf32> to vector<16xf32>
    %swap3A_767 = vector.shape_cast %broadcast_in_dim3A_0 : vector<16xf32> to vector<1x16xf32>
    tpu.vector_store %arg9[%swap3A_763, %swap3A_764], %swap3A_767 {strides = array<i32>} : memref<25x128xf32, #tpu.memory_space<vmem>>, vector<1x16xf32>,
    %swap3A_768 = arith.constant 16 : i32
    %swap3A_769 = arith.index_cast %swap3A_768 : i32 to index
    %swap3A_770 = arith.constant 0 : index
    %swap3A_771 = tpu.vector_load %arg9[%swap3A_769, %swap3A_770] {strides = array<i32>} : memref<25x128xf32, #tpu.memory_space<vmem>>, vector<1x16xf32>,
    %swap3A_772 = vector.shape_cast %swap3A_771 : vector<1x16xf32> to vector<16xf32>
    %swap3A_773 = vector.shape_cast %broadcast_in_dim3A_0 : vector<16xf32> to vector<1x16xf32>
    tpu.vector_store %arg9[%swap3A_769, %swap3A_770], %swap3A_773 {strides = array<i32>} : memref<25x128xf32, #tpu.memory_space<vmem>>, vector<1x16xf32>,
    %swap3A_774 = arith.constant 16 : i32
    %swap3A_775 = arith.index_cast %swap3A_774 : i32 to index
    %swap3A_776 = arith.constant 16 : index
    %swap3A_777 = tpu.vector_load %arg9[%swap3A_775, %swap3A_776] {strides = array<i32>} : memref<25x128xf32, #tpu.memory_space<vmem>>, vector<1x16xf32>,
    %swap3A_778 = vector.shape_cast %swap3A_777 : vector<1x16xf32> to vector<16xf32>
    %swap3A_779 = vector.shape_cast %broadcast_in_dim3A_0 : vector<16xf32> to vector<1x16xf32>
    tpu.vector_store %arg9[%swap3A_775, %swap3A_776], %swap3A_779 {strides = array<i32>} : memref<25x128xf32, #tpu.memory_space<vmem>>, vector<1x16xf32>,
    %swap3A_780 = arith.constant 16 : i32
    %swap3A_781 = arith.index_cast %swap3A_780 : i32 to index
    %swap3A_782 = arith.constant 32 : index
    %swap3A_783 = tpu.vector_load %arg9[%swap3A_781, %swap3A_782] {strides = array<i32>} : memref<25x128xf32, #tpu.memory_space<vmem>>, vector<1x16xf32>,
    %swap3A_784 = vector.shape_cast %swap3A_783 : vector<1x16xf32> to vector<16xf32>
    %swap3A_785 = vector.shape_cast %broadcast_in_dim3A_0 : vector<16xf32> to vector<1x16xf32>
    tpu.vector_store %arg9[%swap3A_781, %swap3A_782], %swap3A_785 {strides = array<i32>} : memref<25x128xf32, #tpu.memory_space<vmem>>, vector<1x16xf32>,
    %swap3A_786 = arith.constant 16 : i32
    %swap3A_787 = arith.index_cast %swap3A_786 : i32 to index
    %swap3A_788 = arith.constant 48 : index
    %swap3A_789 = tpu.vector_load %arg9[%swap3A_787, %swap3A_788] {strides = array<i32>} : memref<25x128xf32, #tpu.memory_space<vmem>>, vector<1x16xf32>,
    %swap3A_790 = vector.shape_cast %swap3A_789 : vector<1x16xf32> to vector<16xf32>
    %swap3A_791 = vector.shape_cast %broadcast_in_dim3A_0 : vector<16xf32> to vector<1x16xf32>
    tpu.vector_store %arg9[%swap3A_787, %swap3A_788], %swap3A_791 {strides = array<i32>} : memref<25x128xf32, #tpu.memory_space<vmem>>, vector<1x16xf32>,
    %swap3A_792 = arith.constant 16 : i32
    %swap3A_793 = arith.index_cast %swap3A_792 : i32 to index
    %swap3A_794 = arith.constant 64 : index
    %swap3A_795 = tpu.vector_load %arg9[%swap3A_793, %swap3A_794] {strides = array<i32>} : memref<25x128xf32, #tpu.memory_space<vmem>>, vector<1x16xf32>,
    %swap3A_796 = vector.shape_cast %swap3A_795 : vector<1x16xf32> to vector<16xf32>
    %swap3A_797 = vector.shape_cast %broadcast_in_dim3A_0 : vector<16xf32> to vector<1x16xf32>
    tpu.vector_store %arg9[%swap3A_793, %swap3A_794], %swap3A_797 {strides = array<i32>} : memref<25x128xf32, #tpu.memory_space<vmem>>, vector<1x16xf32>,
    %swap3A_798 = arith.constant 16 : i32
    %swap3A_799 = arith.index_cast %swap3A_798 : i32 to index
    %swap3A_800 = arith.constant 80 : index
    %swap3A_801 = tpu.vector_load %arg9[%swap3A_799, %swap3A_800] {strides = array<i32>} : memref<25x128xf32, #tpu.memory_space<vmem>>, vector<1x16xf32>,
    %swap3A_802 = vector.shape_cast %swap3A_801 : vector<1x16xf32> to vector<16xf32>
    %swap3A_803 = vector.shape_cast %broadcast_in_dim3A_0 : vector<16xf32> to vector<1x16xf32>
    tpu.vector_store %arg9[%swap3A_799, %swap3A_800], %swap3A_803 {strides = array<i32>} : memref<25x128xf32, #tpu.memory_space<vmem>>, vector<1x16xf32>,
    %swap3A_804 = arith.constant 16 : i32
    %swap3A_805 = arith.index_cast %swap3A_804 : i32 to index
    %swap3A_806 = arith.constant 96 : index
    %swap3A_807 = tpu.vector_load %arg9[%swap3A_805, %swap3A_806] {strides = array<i32>} : memref<25x128xf32, #tpu.memory_space<vmem>>, vector<1x16xf32>,
    %swap3A_808 = vector.shape_cast %swap3A_807 : vector<1x16xf32> to vector<16xf32>
    %swap3A_809 = vector.shape_cast %broadcast_in_dim3A_0 : vector<16xf32> to vector<1x16xf32>
    tpu.vector_store %arg9[%swap3A_805, %swap3A_806], %swap3A_809 {strides = array<i32>} : memref<25x128xf32, #tpu.memory_space<vmem>>, vector<1x16xf32>,
    %swap3A_810 = arith.constant 16 : i32
    %swap3A_811 = arith.index_cast %swap3A_810 : i32 to index
    %swap3A_812 = arith.constant 112 : index
    %swap3A_813 = tpu.vector_load %arg9[%swap3A_811, %swap3A_812] {strides = array<i32>} : memref<25x128xf32, #tpu.memory_space<vmem>>, vector<1x16xf32>,
    %swap3A_814 = vector.shape_cast %swap3A_813 : vector<1x16xf32> to vector<16xf32>
    %swap3A_815 = vector.shape_cast %broadcast_in_dim3A_0 : vector<16xf32> to vector<1x16xf32>
    tpu.vector_store %arg9[%swap3A_811, %swap3A_812], %swap3A_815 {strides = array<i32>} : memref<25x128xf32, #tpu.memory_space<vmem>>, vector<1x16xf32>,
    %swap3A_816 = arith.constant 17 : i32
    %swap3A_817 = arith.index_cast %swap3A_816 : i32 to index
    %swap3A_818 = arith.constant 0 : index
    %swap3A_819 = tpu.vector_load %arg9[%swap3A_817, %swap3A_818] {strides = array<i32>} : memref<25x128xf32, #tpu.memory_space<vmem>>, vector<1x16xf32>,
    %swap3A_820 = vector.shape_cast %swap3A_819 : vector<1x16xf32> to vector<16xf32>
    %swap3A_821 = vector.shape_cast %broadcast_in_dim3A_0 : vector<16xf32> to vector<1x16xf32>
    tpu.vector_store %arg9[%swap3A_817, %swap3A_818], %swap3A_821 {strides = array<i32>} : memref<25x128xf32, #tpu.memory_space<vmem>>, vector<1x16xf32>,
    %swap3A_822 = arith.constant 17 : i32
    %swap3A_823 = arith.index_cast %swap3A_822 : i32 to index
    %swap3A_824 = arith.constant 16 : index
    %swap3A_825 = tpu.vector_load %arg9[%swap3A_823, %swap3A_824] {strides = array<i32>} : memref<25x128xf32, #tpu.memory_space<vmem>>, vector<1x16xf32>,
    %swap3A_826 = vector.shape_cast %swap3A_825 : vector<1x16xf32> to vector<16xf32>
    %swap3A_827 = vector.shape_cast %broadcast_in_dim3A_0 : vector<16xf32> to vector<1x16xf32>
    tpu.vector_store %arg9[%swap3A_823, %swap3A_824], %swap3A_827 {strides = array<i32>} : memref<25x128xf32, #tpu.memory_space<vmem>>, vector<1x16xf32>,
    %swap3A_828 = arith.constant 17 : i32
    %swap3A_829 = arith.index_cast %swap3A_828 : i32 to index
    %swap3A_830 = arith.constant 32 : index
    %swap3A_831 = tpu.vector_load %arg9[%swap3A_829, %swap3A_830] {strides = array<i32>} : memref<25x128xf32, #tpu.memory_space<vmem>>, vector<1x16xf32>,
    %swap3A_832 = vector.shape_cast %swap3A_831 : vector<1x16xf32> to vector<16xf32>
    %swap3A_833 = vector.shape_cast %broadcast_in_dim3A_0 : vector<16xf32> to vector<1x16xf32>
    tpu.vector_store %arg9[%swap3A_829, %swap3A_830], %swap3A_833 {strides = array<i32>} : memref<25x128xf32, #tpu.memory_space<vmem>>, vector<1x16xf32>,
    %swap3A_834 = arith.constant 17 : i32
    %swap3A_835 = arith.index_cast %swap3A_834 : i32 to index
    %swap3A_836 = arith.constant 48 : index
    %swap3A_837 = tpu.vector_load %arg9[%swap3A_835, %swap3A_836] {strides = array<i32>} : memref<25x128xf32, #tpu.memory_space<vmem>>, vector<1x16xf32>,
    %swap3A_838 = vector.shape_cast %swap3A_837 : vector<1x16xf32> to vector<16xf32>
    %swap3A_839 = vector.shape_cast %broadcast_in_dim3A_0 : vector<16xf32> to vector<1x16xf32>
    tpu.vector_store %arg9[%swap3A_835, %swap3A_836], %swap3A_839 {strides = array<i32>} : memref<25x128xf32, #tpu.memory_space<vmem>>, vector<1x16xf32>,
    %swap3A_840 = arith.constant 17 : i32
    %swap3A_841 = arith.index_cast %swap3A_840 : i32 to index
    %swap3A_842 = arith.constant 64 : index
    %swap3A_843 = tpu.vector_load %arg9[%swap3A_841, %swap3A_842] {strides = array<i32>} : memref<25x128xf32, #tpu.memory_space<vmem>>, vector<1x16xf32>,
    %swap3A_844 = vector.shape_cast %swap3A_843 : vector<1x16xf32> to vector<16xf32>
    %swap3A_845 = vector.shape_cast %broadcast_in_dim3A_0 : vector<16xf32> to vector<1x16xf32>
    tpu.vector_store %arg9[%swap3A_841, %swap3A_842], %swap3A_845 {strides = array<i32>} : memref<25x128xf32, #tpu.memory_space<vmem>>, vector<1x16xf32>,
    %swap3A_846 = arith.constant 17 : i32
    %swap3A_847 = arith.index_cast %swap3A_846 : i32 to index
    %swap3A_848 = arith.constant 80 : index
    %swap3A_849 = tpu.vector_load %arg9[%swap3A_847, %swap3A_848] {strides = array<i32>} : memref<25x128xf32, #tpu.memory_space<vmem>>, vector<1x16xf32>,
    %swap3A_850 = vector.shape_cast %swap3A_849 : vector<1x16xf32> to vector<16xf32>
    %swap3A_851 = vector.shape_cast %broadcast_in_dim3A_0 : vector<16xf32> to vector<1x16xf32>
    tpu.vector_store %arg9[%swap3A_847, %swap3A_848], %swap3A_851 {strides = array<i32>} : memref<25x128xf32, #tpu.memory_space<vmem>>, vector<1x16xf32>,
    %swap3A_852 = arith.constant 17 : i32
    %swap3A_853 = arith.index_cast %swap3A_852 : i32 to index
    %swap3A_854 = arith.constant 96 : index
    %swap3A_855 = tpu.vector_load %arg9[%swap3A_853, %swap3A_854] {strides = array<i32>} : memref<25x128xf32, #tpu.memory_space<vmem>>, vector<1x16xf32>,
    %swap3A_856 = vector.shape_cast %swap3A_855 : vector<1x16xf32> to vector<16xf32>
    %swap3A_857 = vector.shape_cast %broadcast_in_dim3A_0 : vector<16xf32> to vector<1x16xf32>
    tpu.vector_store %arg9[%swap3A_853, %swap3A_854], %swap3A_857 {strides = array<i32>} : memref<25x128xf32, #tpu.memory_space<vmem>>, vector<1x16xf32>,
    %swap3A_858 = arith.constant 17 : i32
    %swap3A_859 = arith.index_cast %swap3A_858 : i32 to index
    %swap3A_860 = arith.constant 112 : index
    %swap3A_861 = tpu.vector_load %arg9[%swap3A_859, %swap3A_860] {strides = array<i32>} : memref<25x128xf32, #tpu.memory_space<vmem>>, vector<1x16xf32>,
    %swap3A_862 = vector.shape_cast %swap3A_861 : vector<1x16xf32> to vector<16xf32>
    %swap3A_863 = vector.shape_cast %broadcast_in_dim3A_0 : vector<16xf32> to vector<1x16xf32>
    tpu.vector_store %arg9[%swap3A_859, %swap3A_860], %swap3A_863 {strides = array<i32>} : memref<25x128xf32, #tpu.memory_space<vmem>>, vector<1x16xf32>,
    %swap3A_864 = arith.constant 18 : i32
    %swap3A_865 = arith.index_cast %swap3A_864 : i32 to index
    %swap3A_866 = arith.constant 0 : index
    %swap3A_867 = tpu.vector_load %arg9[%swap3A_865, %swap3A_866] {strides = array<i32>} : memref<25x128xf32, #tpu.memory_space<vmem>>, vector<1x16xf32>,
    %swap3A_868 = vector.shape_cast %swap3A_867 : vector<1x16xf32> to vector<16xf32>
    %swap3A_869 = vector.shape_cast %broadcast_in_dim3A_0 : vector<16xf32> to vector<1x16xf32>
    tpu.vector_store %arg9[%swap3A_865, %swap3A_866], %swap3A_869 {strides = array<i32>} : memref<25x128xf32, #tpu.memory_space<vmem>>, vector<1x16xf32>,
    %swap3A_870 = arith.constant 18 : i32
    %swap3A_871 = arith.index_cast %swap3A_870 : i32 to index
    %swap3A_872 = arith.constant 16 : index
    %swap3A_873 = tpu.vector_load %arg9[%swap3A_871, %swap3A_872] {strides = array<i32>} : memref<25x128xf32, #tpu.memory_space<vmem>>, vector<1x16xf32>,
    %swap3A_874 = vector.shape_cast %swap3A_873 : vector<1x16xf32> to vector<16xf32>
    %swap3A_875 = vector.shape_cast %broadcast_in_dim3A_0 : vector<16xf32> to vector<1x16xf32>
    tpu.vector_store %arg9[%swap3A_871, %swap3A_872], %swap3A_875 {strides = array<i32>} : memref<25x128xf32, #tpu.memory_space<vmem>>, vector<1x16xf32>,
    %swap3A_876 = arith.constant 18 : i32
    %swap3A_877 = arith.index_cast %swap3A_876 : i32 to index
    %swap3A_878 = arith.constant 32 : index
    %swap3A_879 = tpu.vector_load %arg9[%swap3A_877, %swap3A_878] {strides = array<i32>} : memref<25x128xf32, #tpu.memory_space<vmem>>, vector<1x16xf32>,
    %swap3A_880 = vector.shape_cast %swap3A_879 : vector<1x16xf32> to vector<16xf32>
    %swap3A_881 = vector.shape_cast %broadcast_in_dim3A_0 : vector<16xf32> to vector<1x16xf32>
    tpu.vector_store %arg9[%swap3A_877, %swap3A_878], %swap3A_881 {strides = array<i32>} : memref<25x128xf32, #tpu.memory_space<vmem>>, vector<1x16xf32>,
    %swap3A_882 = arith.constant 18 : i32
    %swap3A_883 = arith.index_cast %swap3A_882 : i32 to index
    %swap3A_884 = arith.constant 48 : index
    %swap3A_885 = tpu.vector_load %arg9[%swap3A_883, %swap3A_884] {strides = array<i32>} : memref<25x128xf32, #tpu.memory_space<vmem>>, vector<1x16xf32>,
    %swap3A_886 = vector.shape_cast %swap3A_885 : vector<1x16xf32> to vector<16xf32>
    %swap3A_887 = vector.shape_cast %broadcast_in_dim3A_0 : vector<16xf32> to vector<1x16xf32>
    tpu.vector_store %arg9[%swap3A_883, %swap3A_884], %swap3A_887 {strides = array<i32>} : memref<25x128xf32, #tpu.memory_space<vmem>>, vector<1x16xf32>,
    %swap3A_888 = arith.constant 18 : i32
    %swap3A_889 = arith.index_cast %swap3A_888 : i32 to index
    %swap3A_890 = arith.constant 64 : index
    %swap3A_891 = tpu.vector_load %arg9[%swap3A_889, %swap3A_890] {strides = array<i32>} : memref<25x128xf32, #tpu.memory_space<vmem>>, vector<1x16xf32>,
    %swap3A_892 = vector.shape_cast %swap3A_891 : vector<1x16xf32> to vector<16xf32>
    %swap3A_893 = vector.shape_cast %broadcast_in_dim3A_0 : vector<16xf32> to vector<1x16xf32>
    tpu.vector_store %arg9[%swap3A_889, %swap3A_890], %swap3A_893 {strides = array<i32>} : memref<25x128xf32, #tpu.memory_space<vmem>>, vector<1x16xf32>,
    %swap3A_894 = arith.constant 18 : i32
    %swap3A_895 = arith.index_cast %swap3A_894 : i32 to index
    %swap3A_896 = arith.constant 80 : index
    %swap3A_897 = tpu.vector_load %arg9[%swap3A_895, %swap3A_896] {strides = array<i32>} : memref<25x128xf32, #tpu.memory_space<vmem>>, vector<1x16xf32>,
    %swap3A_898 = vector.shape_cast %swap3A_897 : vector<1x16xf32> to vector<16xf32>
    %swap3A_899 = vector.shape_cast %broadcast_in_dim3A_0 : vector<16xf32> to vector<1x16xf32>
    tpu.vector_store %arg9[%swap3A_895, %swap3A_896], %swap3A_899 {strides = array<i32>} : memref<25x128xf32, #tpu.memory_space<vmem>>, vector<1x16xf32>,
    %swap3A_900 = arith.constant 18 : i32
    %swap3A_901 = arith.index_cast %swap3A_900 : i32 to index
    %swap3A_902 = arith.constant 96 : index
    %swap3A_903 = tpu.vector_load %arg9[%swap3A_901, %swap3A_902] {strides = array<i32>} : memref<25x128xf32, #tpu.memory_space<vmem>>, vector<1x16xf32>,
    %swap3A_904 = vector.shape_cast %swap3A_903 : vector<1x16xf32> to vector<16xf32>
    %swap3A_905 = vector.shape_cast %broadcast_in_dim3A_0 : vector<16xf32> to vector<1x16xf32>
    tpu.vector_store %arg9[%swap3A_901, %swap3A_902], %swap3A_905 {strides = array<i32>} : memref<25x128xf32, #tpu.memory_space<vmem>>, vector<1x16xf32>,
    %swap3A_906 = arith.constant 18 : i32
    %swap3A_907 = arith.index_cast %swap3A_906 : i32 to index
    %swap3A_908 = arith.constant 112 : index
    %swap3A_909 = tpu.vector_load %arg9[%swap3A_907, %swap3A_908] {strides = array<i32>} : memref<25x128xf32, #tpu.memory_space<vmem>>, vector<1x16xf32>,
    %swap3A_910 = vector.shape_cast %swap3A_909 : vector<1x16xf32> to vector<16xf32>
    %swap3A_911 = vector.shape_cast %broadcast_in_dim3A_0 : vector<16xf32> to vector<1x16xf32>
    tpu.vector_store %arg9[%swap3A_907, %swap3A_908], %swap3A_911 {strides = array<i32>} : memref<25x128xf32, #tpu.memory_space<vmem>>, vector<1x16xf32>,
    %swap3A_912 = arith.constant 19 : i32
    %swap3A_913 = arith.index_cast %swap3A_912 : i32 to index
    %swap3A_914 = arith.constant 0 : index
    %swap3A_915 = tpu.vector_load %arg9[%swap3A_913, %swap3A_914] {strides = array<i32>} : memref<25x128xf32, #tpu.memory_space<vmem>>, vector<1x16xf32>,
    %swap3A_916 = vector.shape_cast %swap3A_915 : vector<1x16xf32> to vector<16xf32>
    %swap3A_917 = vector.shape_cast %broadcast_in_dim3A_0 : vector<16xf32> to vector<1x16xf32>
    tpu.vector_store %arg9[%swap3A_913, %swap3A_914], %swap3A_917 {strides = array<i32>} : memref<25x128xf32, #tpu.memory_space<vmem>>, vector<1x16xf32>,
    %swap3A_918 = arith.constant 19 : i32
    %swap3A_919 = arith.index_cast %swap3A_918 : i32 to index
    %swap3A_920 = arith.constant 16 : index
    %swap3A_921 = tpu.vector_load %arg9[%swap3A_919, %swap3A_920] {strides = array<i32>} : memref<25x128xf32, #tpu.memory_space<vmem>>, vector<1x16xf32>,
    %swap3A_922 = vector.shape_cast %swap3A_921 : vector<1x16xf32> to vector<16xf32>
    %swap3A_923 = vector.shape_cast %broadcast_in_dim3A_0 : vector<16xf32> to vector<1x16xf32>
    tpu.vector_store %arg9[%swap3A_919, %swap3A_920], %swap3A_923 {strides = array<i32>} : memref<25x128xf32, #tpu.memory_space<vmem>>, vector<1x16xf32>,
    %swap3A_924 = arith.constant 19 : i32
    %swap3A_925 = arith.index_cast %swap3A_924 : i32 to index
    %swap3A_926 = arith.constant 32 : index
    %swap3A_927 = tpu.vector_load %arg9[%swap3A_925, %swap3A_926] {strides = array<i32>} : memref<25x128xf32, #tpu.memory_space<vmem>>, vector<1x16xf32>,
    %swap3A_928 = vector.shape_cast %swap3A_927 : vector<1x16xf32> to vector<16xf32>
    %swap3A_929 = vector.shape_cast %broadcast_in_dim3A_0 : vector<16xf32> to vector<1x16xf32>
    tpu.vector_store %arg9[%swap3A_925, %swap3A_926], %swap3A_929 {strides = array<i32>} : memref<25x128xf32, #tpu.memory_space<vmem>>, vector<1x16xf32>,
    %swap3A_930 = arith.constant 19 : i32
    %swap3A_931 = arith.index_cast %swap3A_930 : i32 to index
    %swap3A_932 = arith.constant 48 : index
    %swap3A_933 = tpu.vector_load %arg9[%swap3A_931, %swap3A_932] {strides = array<i32>} : memref<25x128xf32, #tpu.memory_space<vmem>>, vector<1x16xf32>,
    %swap3A_934 = vector.shape_cast %swap3A_933 : vector<1x16xf32> to vector<16xf32>
    %swap3A_935 = vector.shape_cast %broadcast_in_dim3A_0 : vector<16xf32> to vector<1x16xf32>
    tpu.vector_store %arg9[%swap3A_931, %swap3A_932], %swap3A_935 {strides = array<i32>} : memref<25x128xf32, #tpu.memory_space<vmem>>, vector<1x16xf32>,
    %swap3A_936 = arith.constant 19 : i32
    %swap3A_937 = arith.index_cast %swap3A_936 : i32 to index
    %swap3A_938 = arith.constant 64 : index
    %swap3A_939 = tpu.vector_load %arg9[%swap3A_937, %swap3A_938] {strides = array<i32>} : memref<25x128xf32, #tpu.memory_space<vmem>>, vector<1x16xf32>,
    %swap3A_940 = vector.shape_cast %swap3A_939 : vector<1x16xf32> to vector<16xf32>
    %swap3A_941 = vector.shape_cast %broadcast_in_dim3A_0 : vector<16xf32> to vector<1x16xf32>
    tpu.vector_store %arg9[%swap3A_937, %swap3A_938], %swap3A_941 {strides = array<i32>} : memref<25x128xf32, #tpu.memory_space<vmem>>, vector<1x16xf32>,
    %swap3A_942 = arith.constant 19 : i32
    %swap3A_943 = arith.index_cast %swap3A_942 : i32 to index
    %swap3A_944 = arith.constant 80 : index
    %swap3A_945 = tpu.vector_load %arg9[%swap3A_943, %swap3A_944] {strides = array<i32>} : memref<25x128xf32, #tpu.memory_space<vmem>>, vector<1x16xf32>,
    %swap3A_946 = vector.shape_cast %swap3A_945 : vector<1x16xf32> to vector<16xf32>
    %swap3A_947 = vector.shape_cast %broadcast_in_dim3A_0 : vector<16xf32> to vector<1x16xf32>
    tpu.vector_store %arg9[%swap3A_943, %swap3A_944], %swap3A_947 {strides = array<i32>} : memref<25x128xf32, #tpu.memory_space<vmem>>, vector<1x16xf32>,
    %swap3A_948 = arith.constant 19 : i32
    %swap3A_949 = arith.index_cast %swap3A_948 : i32 to index
    %swap3A_950 = arith.constant 96 : index
    %swap3A_951 = tpu.vector_load %arg9[%swap3A_949, %swap3A_950] {strides = array<i32>} : memref<25x128xf32, #tpu.memory_space<vmem>>, vector<1x16xf32>,
    %swap3A_952 = vector.shape_cast %swap3A_951 : vector<1x16xf32> to vector<16xf32>
    %swap3A_953 = vector.shape_cast %broadcast_in_dim3A_0 : vector<16xf32> to vector<1x16xf32>
    tpu.vector_store %arg9[%swap3A_949, %swap3A_950], %swap3A_953 {strides = array<i32>} : memref<25x128xf32, #tpu.memory_space<vmem>>, vector<1x16xf32>,
    %swap3A_954 = arith.constant 19 : i32
    %swap3A_955 = arith.index_cast %swap3A_954 : i32 to index
    %swap3A_956 = arith.constant 112 : index
    %swap3A_957 = tpu.vector_load %arg9[%swap3A_955, %swap3A_956] {strides = array<i32>} : memref<25x128xf32, #tpu.memory_space<vmem>>, vector<1x16xf32>,
    %swap3A_958 = vector.shape_cast %swap3A_957 : vector<1x16xf32> to vector<16xf32>
    %swap3A_959 = vector.shape_cast %broadcast_in_dim3A_0 : vector<16xf32> to vector<1x16xf32>
    tpu.vector_store %arg9[%swap3A_955, %swap3A_956], %swap3A_959 {strides = array<i32>} : memref<25x128xf32, #tpu.memory_space<vmem>>, vector<1x16xf32>,
    %swap3A_960 = arith.constant 20 : i32
    %swap3A_961 = arith.index_cast %swap3A_960 : i32 to index
    %swap3A_962 = arith.constant 0 : index
    %swap3A_963 = tpu.vector_load %arg9[%swap3A_961, %swap3A_962] {strides = array<i32>} : memref<25x128xf32, #tpu.memory_space<vmem>>, vector<1x16xf32>,
    %swap3A_964 = vector.shape_cast %swap3A_963 : vector<1x16xf32> to vector<16xf32>
    %swap3A_965 = vector.shape_cast %broadcast_in_dim3A_0 : vector<16xf32> to vector<1x16xf32>
    tpu.vector_store %arg9[%swap3A_961, %swap3A_962], %swap3A_965 {strides = array<i32>} : memref<25x128xf32, #tpu.memory_space<vmem>>, vector<1x16xf32>,
    %swap3A_966 = arith.constant 20 : i32
    %swap3A_967 = arith.index_cast %swap3A_966 : i32 to index
    %swap3A_968 = arith.constant 16 : index
    %swap3A_969 = tpu.vector_load %arg9[%swap3A_967, %swap3A_968] {strides = array<i32>} : memref<25x128xf32, #tpu.memory_space<vmem>>, vector<1x16xf32>,
    %swap3A_970 = vector.shape_cast %swap3A_969 : vector<1x16xf32> to vector<16xf32>
    %swap3A_971 = vector.shape_cast %broadcast_in_dim3A_0 : vector<16xf32> to vector<1x16xf32>
    tpu.vector_store %arg9[%swap3A_967, %swap3A_968], %swap3A_971 {strides = array<i32>} : memref<25x128xf32, #tpu.memory_space<vmem>>, vector<1x16xf32>,
    %swap3A_972 = arith.constant 20 : i32
    %swap3A_973 = arith.index_cast %swap3A_972 : i32 to index
    %swap3A_974 = arith.constant 32 : index
    %swap3A_975 = tpu.vector_load %arg9[%swap3A_973, %swap3A_974] {strides = array<i32>} : memref<25x128xf32, #tpu.memory_space<vmem>>, vector<1x16xf32>,
    %swap3A_976 = vector.shape_cast %swap3A_975 : vector<1x16xf32> to vector<16xf32>
    %swap3A_977 = vector.shape_cast %broadcast_in_dim3A_0 : vector<16xf32> to vector<1x16xf32>
    tpu.vector_store %arg9[%swap3A_973, %swap3A_974], %swap3A_977 {strides = array<i32>} : memref<25x128xf32, #tpu.memory_space<vmem>>, vector<1x16xf32>,
    %swap3A_978 = arith.constant 20 : i32
    %swap3A_979 = arith.index_cast %swap3A_978 : i32 to index
    %swap3A_980 = arith.constant 48 : index
    %swap3A_981 = tpu.vector_load %arg9[%swap3A_979, %swap3A_980] {strides = array<i32>} : memref<25x128xf32, #tpu.memory_space<vmem>>, vector<1x16xf32>,
    %swap3A_982 = vector.shape_cast %swap3A_981 : vector<1x16xf32> to vector<16xf32>
    %swap3A_983 = vector.shape_cast %broadcast_in_dim3A_0 : vector<16xf32> to vector<1x16xf32>
    tpu.vector_store %arg9[%swap3A_979, %swap3A_980], %swap3A_983 {strides = array<i32>} : memref<25x128xf32, #tpu.memory_space<vmem>>, vector<1x16xf32>,
    %swap3A_984 = arith.constant 20 : i32
    %swap3A_985 = arith.index_cast %swap3A_984 : i32 to index
    %swap3A_986 = arith.constant 64 : index
    %swap3A_987 = tpu.vector_load %arg9[%swap3A_985, %swap3A_986] {strides = array<i32>} : memref<25x128xf32, #tpu.memory_space<vmem>>, vector<1x16xf32>,
    %swap3A_988 = vector.shape_cast %swap3A_987 : vector<1x16xf32> to vector<16xf32>
    %swap3A_989 = vector.shape_cast %broadcast_in_dim3A_0 : vector<16xf32> to vector<1x16xf32>
    tpu.vector_store %arg9[%swap3A_985, %swap3A_986], %swap3A_989 {strides = array<i32>} : memref<25x128xf32, #tpu.memory_space<vmem>>, vector<1x16xf32>,
    %swap3A_990 = arith.constant 20 : i32
    %swap3A_991 = arith.index_cast %swap3A_990 : i32 to index
    %swap3A_992 = arith.constant 80 : index
    %swap3A_993 = tpu.vector_load %arg9[%swap3A_991, %swap3A_992] {strides = array<i32>} : memref<25x128xf32, #tpu.memory_space<vmem>>, vector<1x16xf32>,
    %swap3A_994 = vector.shape_cast %swap3A_993 : vector<1x16xf32> to vector<16xf32>
    %swap3A_995 = vector.shape_cast %broadcast_in_dim3A_0 : vector<16xf32> to vector<1x16xf32>
    tpu.vector_store %arg9[%swap3A_991, %swap3A_992], %swap3A_995 {strides = array<i32>} : memref<25x128xf32, #tpu.memory_space<vmem>>, vector<1x16xf32>,
    %swap3A_996 = arith.constant 20 : i32
    %swap3A_997 = arith.index_cast %swap3A_996 : i32 to index
    %swap3A_998 = arith.constant 96 : index
    %swap3A_999 = tpu.vector_load %arg9[%swap3A_997, %swap3A_998] {strides = array<i32>} : memref<25x128xf32, #tpu.memory_space<vmem>>, vector<1x16xf32>,
    %swap3A_1000 = vector.shape_cast %swap3A_999 : vector<1x16xf32> to vector<16xf32>
    %swap3A_1001 = vector.shape_cast %broadcast_in_dim3A_0 : vector<16xf32> to vector<1x16xf32>
    tpu.vector_store %arg9[%swap3A_997, %swap3A_998], %swap3A_1001 {strides = array<i32>} : memref<25x128xf32, #tpu.memory_space<vmem>>, vector<1x16xf32>,
    %swap3A_1002 = arith.constant 20 : i32
    %swap3A_1003 = arith.index_cast %swap3A_1002 : i32 to index
    %swap3A_1004 = arith.constant 112 : index
    %swap3A_1005 = tpu.vector_load %arg9[%swap3A_1003, %swap3A_1004] {strides = array<i32>} : memref<25x128xf32, #tpu.memory_space<vmem>>, vector<1x16xf32>,
    %swap3A_1006 = vector.shape_cast %swap3A_1005 : vector<1x16xf32> to vector<16xf32>
    %swap3A_1007 = vector.shape_cast %broadcast_in_dim3A_0 : vector<16xf32> to vector<1x16xf32>
    tpu.vector_store %arg9[%swap3A_1003, %swap3A_1004], %swap3A_1007 {strides = array<i32>} : memref<25x128xf32, #tpu.memory_space<vmem>>, vector<1x16xf32>,
    %swap3A_1008 = arith.constant 21 : i32
    %swap3A_1009 = arith.index_cast %swap3A_1008 : i32 to index
    %swap3A_1010 = arith.constant 0 : index
    %swap3A_1011 = tpu.vector_load %arg9[%swap3A_1009, %swap3A_1010] {strides = array<i32>} : memref<25x128xf32, #tpu.memory_space<vmem>>, vector<1x16xf32>,
    %swap3A_1012 = vector.shape_cast %swap3A_1011 : vector<1x16xf32> to vector<16xf32>
    %swap3A_1013 = vector.shape_cast %broadcast_in_dim3A_0 : vector<16xf32> to vector<1x16xf32>
    tpu.vector_store %arg9[%swap3A_1009, %swap3A_1010], %swap3A_1013 {strides = array<i32>} : memref<25x128xf32, #tpu.memory_space<vmem>>, vector<1x16xf32>,
    %swap3A_1014 = arith.constant 21 : i32
    %swap3A_1015 = arith.index_cast %swap3A_1014 : i32 to index
    %swap3A_1016 = arith.constant 16 : index
    %swap3A_1017 = tpu.vector_load %arg9[%swap3A_1015, %swap3A_1016] {strides = array<i32>} : memref<25x128xf32, #tpu.memory_space<vmem>>, vector<1x16xf32>,
    %swap3A_1018 = vector.shape_cast %swap3A_1017 : vector<1x16xf32> to vector<16xf32>
    %swap3A_1019 = vector.shape_cast %broadcast_in_dim3A_0 : vector<16xf32> to vector<1x16xf32>
    tpu.vector_store %arg9[%swap3A_1015, %swap3A_1016], %swap3A_1019 {strides = array<i32>} : memref<25x128xf32, #tpu.memory_space<vmem>>, vector<1x16xf32>,
    %swap3A_1020 = arith.constant 21 : i32
    %swap3A_1021 = arith.index_cast %swap3A_1020 : i32 to index
    %swap3A_1022 = arith.constant 32 : index
    %swap3A_1023 = tpu.vector_load %arg9[%swap3A_1021, %swap3A_1022] {strides = array<i32>} : memref<25x128xf32, #tpu.memory_space<vmem>>, vector<1x16xf32>,
    %swap3A_1024 = vector.shape_cast %swap3A_1023 : vector<1x16xf32> to vector<16xf32>
    %swap3A_1025 = vector.shape_cast %broadcast_in_dim3A_0 : vector<16xf32> to vector<1x16xf32>
    tpu.vector_store %arg9[%swap3A_1021, %swap3A_1022], %swap3A_1025 {strides = array<i32>} : memref<25x128xf32, #tpu.memory_space<vmem>>, vector<1x16xf32>,
    %swap3A_1026 = arith.constant 21 : i32
    %swap3A_1027 = arith.index_cast %swap3A_1026 : i32 to index
    %swap3A_1028 = arith.constant 48 : index
    %swap3A_1029 = tpu.vector_load %arg9[%swap3A_1027, %swap3A_1028] {strides = array<i32>} : memref<25x128xf32, #tpu.memory_space<vmem>>, vector<1x16xf32>,
    %swap3A_1030 = vector.shape_cast %swap3A_1029 : vector<1x16xf32> to vector<16xf32>
    %swap3A_1031 = vector.shape_cast %broadcast_in_dim3A_0 : vector<16xf32> to vector<1x16xf32>
    tpu.vector_store %arg9[%swap3A_1027, %swap3A_1028], %swap3A_1031 {strides = array<i32>} : memref<25x128xf32, #tpu.memory_space<vmem>>, vector<1x16xf32>,
    %swap3A_1032 = arith.constant 21 : i32
    %swap3A_1033 = arith.index_cast %swap3A_1032 : i32 to index
    %swap3A_1034 = arith.constant 64 : index
    %swap3A_1035 = tpu.vector_load %arg9[%swap3A_1033, %swap3A_1034] {strides = array<i32>} : memref<25x128xf32, #tpu.memory_space<vmem>>, vector<1x16xf32>,
    %swap3A_1036 = vector.shape_cast %swap3A_1035 : vector<1x16xf32> to vector<16xf32>
    %swap3A_1037 = vector.shape_cast %broadcast_in_dim3A_0 : vector<16xf32> to vector<1x16xf32>
    tpu.vector_store %arg9[%swap3A_1033, %swap3A_1034], %swap3A_1037 {strides = array<i32>} : memref<25x128xf32, #tpu.memory_space<vmem>>, vector<1x16xf32>,
    %swap3A_1038 = arith.constant 21 : i32
    %swap3A_1039 = arith.index_cast %swap3A_1038 : i32 to index
    %swap3A_1040 = arith.constant 80 : index
    %swap3A_1041 = tpu.vector_load %arg9[%swap3A_1039, %swap3A_1040] {strides = array<i32>} : memref<25x128xf32, #tpu.memory_space<vmem>>, vector<1x16xf32>,
    %swap3A_1042 = vector.shape_cast %swap3A_1041 : vector<1x16xf32> to vector<16xf32>
    %swap3A_1043 = vector.shape_cast %broadcast_in_dim3A_0 : vector<16xf32> to vector<1x16xf32>
    tpu.vector_store %arg9[%swap3A_1039, %swap3A_1040], %swap3A_1043 {strides = array<i32>} : memref<25x128xf32, #tpu.memory_space<vmem>>, vector<1x16xf32>,
    %swap3A_1044 = arith.constant 21 : i32
    %swap3A_1045 = arith.index_cast %swap3A_1044 : i32 to index
    %swap3A_1046 = arith.constant 96 : index
    %swap3A_1047 = tpu.vector_load %arg9[%swap3A_1045, %swap3A_1046] {strides = array<i32>} : memref<25x128xf32, #tpu.memory_space<vmem>>, vector<1x16xf32>,
    %swap3A_1048 = vector.shape_cast %swap3A_1047 : vector<1x16xf32> to vector<16xf32>
    %swap3A_1049 = vector.shape_cast %broadcast_in_dim3A_0 : vector<16xf32> to vector<1x16xf32>
    tpu.vector_store %arg9[%swap3A_1045, %swap3A_1046], %swap3A_1049 {strides = array<i32>} : memref<25x128xf32, #tpu.memory_space<vmem>>, vector<1x16xf32>,
    %swap3A_1050 = arith.constant 21 : i32
    %swap3A_1051 = arith.index_cast %swap3A_1050 : i32 to index
    %swap3A_1052 = arith.constant 112 : index
    %swap3A_1053 = tpu.vector_load %arg9[%swap3A_1051, %swap3A_1052] {strides = array<i32>} : memref<25x128xf32, #tpu.memory_space<vmem>>, vector<1x16xf32>,
    %swap3A_1054 = vector.shape_cast %swap3A_1053 : vector<1x16xf32> to vector<16xf32>
    %swap3A_1055 = vector.shape_cast %broadcast_in_dim3A_0 : vector<16xf32> to vector<1x16xf32>
    tpu.vector_store %arg9[%swap3A_1051, %swap3A_1052], %swap3A_1055 {strides = array<i32>} : memref<25x128xf32, #tpu.memory_space<vmem>>, vector<1x16xf32>,
    %swap3A_1056 = arith.constant 22 : i32
    %swap3A_1057 = arith.index_cast %swap3A_1056 : i32 to index
    %swap3A_1058 = arith.constant 0 : index
    %swap3A_1059 = tpu.vector_load %arg9[%swap3A_1057, %swap3A_1058] {strides = array<i32>} : memref<25x128xf32, #tpu.memory_space<vmem>>, vector<1x16xf32>,
    %swap3A_1060 = vector.shape_cast %swap3A_1059 : vector<1x16xf32> to vector<16xf32>
    %swap3A_1061 = vector.shape_cast %broadcast_in_dim3A_0 : vector<16xf32> to vector<1x16xf32>
    tpu.vector_store %arg9[%swap3A_1057, %swap3A_1058], %swap3A_1061 {strides = array<i32>} : memref<25x128xf32, #tpu.memory_space<vmem>>, vector<1x16xf32>,
    %swap3A_1062 = arith.constant 22 : i32
    %swap3A_1063 = arith.index_cast %swap3A_1062 : i32 to index
    %swap3A_1064 = arith.constant 16 : index
    %swap3A_1065 = tpu.vector_load %arg9[%swap3A_1063, %swap3A_1064] {strides = array<i32>} : memref<25x128xf32, #tpu.memory_space<vmem>>, vector<1x16xf32>,
    %swap3A_1066 = vector.shape_cast %swap3A_1065 : vector<1x16xf32> to vector<16xf32>
    %swap3A_1067 = vector.shape_cast %broadcast_in_dim3A_0 : vector<16xf32> to vector<1x16xf32>
    tpu.vector_store %arg9[%swap3A_1063, %swap3A_1064], %swap3A_1067 {strides = array<i32>} : memref<25x128xf32, #tpu.memory_space<vmem>>, vector<1x16xf32>,
    %swap3A_1068 = arith.constant 22 : i32
    %swap3A_1069 = arith.index_cast %swap3A_1068 : i32 to index
    %swap3A_1070 = arith.constant 32 : index
    %swap3A_1071 = tpu.vector_load %arg9[%swap3A_1069, %swap3A_1070] {strides = array<i32>} : memref<25x128xf32, #tpu.memory_space<vmem>>, vector<1x16xf32>,
    %swap3A_1072 = vector.shape_cast %swap3A_1071 : vector<1x16xf32> to vector<16xf32>
    %swap3A_1073 = vector.shape_cast %broadcast_in_dim3A_0 : vector<16xf32> to vector<1x16xf32>
    tpu.vector_store %arg9[%swap3A_1069, %swap3A_1070], %swap3A_1073 {strides = array<i32>} : memref<25x128xf32, #tpu.memory_space<vmem>>, vector<1x16xf32>,
    %swap3A_1074 = arith.constant 22 : i32
    %swap3A_1075 = arith.index_cast %swap3A_1074 : i32 to index
    %swap3A_1076 = arith.constant 48 : index
    %swap3A_1077 = tpu.vector_load %arg9[%swap3A_1075, %swap3A_1076] {strides = array<i32>} : memref<25x128xf32, #tpu.memory_space<vmem>>, vector<1x16xf32>,
    %swap3A_1078 = vector.shape_cast %swap3A_1077 : vector<1x16xf32> to vector<16xf32>
    %swap3A_1079 = vector.shape_cast %broadcast_in_dim3A_0 : vector<16xf32> to vector<1x16xf32>
    tpu.vector_store %arg9[%swap3A_1075, %swap3A_1076], %swap3A_1079 {strides = array<i32>} : memref<25x128xf32, #tpu.memory_space<vmem>>, vector<1x16xf32>,
    %swap3A_1080 = arith.constant 22 : i32
    %swap3A_1081 = arith.index_cast %swap3A_1080 : i32 to index
    %swap3A_1082 = arith.constant 64 : index
    %swap3A_1083 = tpu.vector_load %arg9[%swap3A_1081, %swap3A_1082] {strides = array<i32>} : memref<25x128xf32, #tpu.memory_space<vmem>>, vector<1x16xf32>,
    %swap3A_1084 = vector.shape_cast %swap3A_1083 : vector<1x16xf32> to vector<16xf32>
    %swap3A_1085 = vector.shape_cast %broadcast_in_dim3A_0 : vector<16xf32> to vector<1x16xf32>
    tpu.vector_store %arg9[%swap3A_1081, %swap3A_1082], %swap3A_1085 {strides = array<i32>} : memref<25x128xf32, #tpu.memory_space<vmem>>, vector<1x16xf32>,
    %swap3A_1086 = arith.constant 22 : i32
    %swap3A_1087 = arith.index_cast %swap3A_1086 : i32 to index
    %swap3A_1088 = arith.constant 80 : index
    %swap3A_1089 = tpu.vector_load %arg9[%swap3A_1087, %swap3A_1088] {strides = array<i32>} : memref<25x128xf32, #tpu.memory_space<vmem>>, vector<1x16xf32>,
    %swap3A_1090 = vector.shape_cast %swap3A_1089 : vector<1x16xf32> to vector<16xf32>
    %swap3A_1091 = vector.shape_cast %broadcast_in_dim3A_0 : vector<16xf32> to vector<1x16xf32>
    tpu.vector_store %arg9[%swap3A_1087, %swap3A_1088], %swap3A_1091 {strides = array<i32>} : memref<25x128xf32, #tpu.memory_space<vmem>>, vector<1x16xf32>,
    %swap3A_1092 = arith.constant 22 : i32
    %swap3A_1093 = arith.index_cast %swap3A_1092 : i32 to index
    %swap3A_1094 = arith.constant 96 : index
    %swap3A_1095 = tpu.vector_load %arg9[%swap3A_1093, %swap3A_1094] {strides = array<i32>} : memref<25x128xf32, #tpu.memory_space<vmem>>, vector<1x16xf32>,
    %swap3A_1096 = vector.shape_cast %swap3A_1095 : vector<1x16xf32> to vector<16xf32>
    %swap3A_1097 = vector.shape_cast %broadcast_in_dim3A_0 : vector<16xf32> to vector<1x16xf32>
    tpu.vector_store %arg9[%swap3A_1093, %swap3A_1094], %swap3A_1097 {strides = array<i32>} : memref<25x128xf32, #tpu.memory_space<vmem>>, vector<1x16xf32>,
    %swap3A_1098 = arith.constant 22 : i32
    %swap3A_1099 = arith.index_cast %swap3A_1098 : i32 to index
    %swap3A_1100 = arith.constant 112 : index
    %swap3A_1101 = tpu.vector_load %arg9[%swap3A_1099, %swap3A_1100] {strides = array<i32>} : memref<25x128xf32, #tpu.memory_space<vmem>>, vector<1x16xf32>,
    %swap3A_1102 = vector.shape_cast %swap3A_1101 : vector<1x16xf32> to vector<16xf32>
    %swap3A_1103 = vector.shape_cast %broadcast_in_dim3A_0 : vector<16xf32> to vector<1x16xf32>
    tpu.vector_store %arg9[%swap3A_1099, %swap3A_1100], %swap3A_1103 {strides = array<i32>} : memref<25x128xf32, #tpu.memory_space<vmem>>, vector<1x16xf32>,
    %swap3A_1104 = arith.constant 23 : i32
    %swap3A_1105 = arith.index_cast %swap3A_1104 : i32 to index
    %swap3A_1106 = arith.constant 0 : index
    %swap3A_1107 = tpu.vector_load %arg9[%swap3A_1105, %swap3A_1106] {strides = array<i32>} : memref<25x128xf32, #tpu.memory_space<vmem>>, vector<1x16xf32>,
    %swap3A_1108 = vector.shape_cast %swap3A_1107 : vector<1x16xf32> to vector<16xf32>
    %swap3A_1109 = vector.shape_cast %broadcast_in_dim3A_0 : vector<16xf32> to vector<1x16xf32>
    tpu.vector_store %arg9[%swap3A_1105, %swap3A_1106], %swap3A_1109 {strides = array<i32>} : memref<25x128xf32, #tpu.memory_space<vmem>>, vector<1x16xf32>,
    %swap3A_1110 = arith.constant 23 : i32
    %swap3A_1111 = arith.index_cast %swap3A_1110 : i32 to index
    %swap3A_1112 = arith.constant 16 : index
    %swap3A_1113 = tpu.vector_load %arg9[%swap3A_1111, %swap3A_1112] {strides = array<i32>} : memref<25x128xf32, #tpu.memory_space<vmem>>, vector<1x16xf32>,
    %swap3A_1114 = vector.shape_cast %swap3A_1113 : vector<1x16xf32> to vector<16xf32>
    %swap3A_1115 = vector.shape_cast %broadcast_in_dim3A_0 : vector<16xf32> to vector<1x16xf32>
    tpu.vector_store %arg9[%swap3A_1111, %swap3A_1112], %swap3A_1115 {strides = array<i32>} : memref<25x128xf32, #tpu.memory_space<vmem>>, vector<1x16xf32>,
    %swap3A_1116 = arith.constant 23 : i32
    %swap3A_1117 = arith.index_cast %swap3A_1116 : i32 to index
    %swap3A_1118 = arith.constant 32 : index
    %swap3A_1119 = tpu.vector_load %arg9[%swap3A_1117, %swap3A_1118] {strides = array<i32>} : memref<25x128xf32, #tpu.memory_space<vmem>>, vector<1x16xf32>,
    %swap3A_1120 = vector.shape_cast %swap3A_1119 : vector<1x16xf32> to vector<16xf32>
    %swap3A_1121 = vector.shape_cast %broadcast_in_dim3A_0 : vector<16xf32> to vector<1x16xf32>
    tpu.vector_store %arg9[%swap3A_1117, %swap3A_1118], %swap3A_1121 {strides = array<i32>} : memref<25x128xf32, #tpu.memory_space<vmem>>, vector<1x16xf32>,
    %swap3A_1122 = arith.constant 23 : i32
    %swap3A_1123 = arith.index_cast %swap3A_1122 : i32 to index
    %swap3A_1124 = arith.constant 48 : index
    %swap3A_1125 = tpu.vector_load %arg9[%swap3A_1123, %swap3A_1124] {strides = array<i32>} : memref<25x128xf32, #tpu.memory_space<vmem>>, vector<1x16xf32>,
    %swap3A_1126 = vector.shape_cast %swap3A_1125 : vector<1x16xf32> to vector<16xf32>
    %swap3A_1127 = vector.shape_cast %broadcast_in_dim3A_0 : vector<16xf32> to vector<1x16xf32>
    tpu.vector_store %arg9[%swap3A_1123, %swap3A_1124], %swap3A_1127 {strides = array<i32>} : memref<25x128xf32, #tpu.memory_space<vmem>>, vector<1x16xf32>,
    %swap3A_1128 = arith.constant 23 : i32
    %swap3A_1129 = arith.index_cast %swap3A_1128 : i32 to index
    %swap3A_1130 = arith.constant 64 : index
    %swap3A_1131 = tpu.vector_load %arg9[%swap3A_1129, %swap3A_1130] {strides = array<i32>} : memref<25x128xf32, #tpu.memory_space<vmem>>, vector<1x16xf32>,
    %swap3A_1132 = vector.shape_cast %swap3A_1131 : vector<1x16xf32> to vector<16xf32>
    %swap3A_1133 = vector.shape_cast %broadcast_in_dim3A_0 : vector<16xf32> to vector<1x16xf32>
    tpu.vector_store %arg9[%swap3A_1129, %swap3A_1130], %swap3A_1133 {strides = array<i32>} : memref<25x128xf32, #tpu.memory_space<vmem>>, vector<1x16xf32>,
    %swap3A_1134 = arith.constant 23 : i32
    %swap3A_1135 = arith.index_cast %swap3A_1134 : i32 to index
    %swap3A_1136 = arith.constant 80 : index
    %swap3A_1137 = tpu.vector_load %arg9[%swap3A_1135, %swap3A_1136] {strides = array<i32>} : memref<25x128xf32, #tpu.memory_space<vmem>>, vector<1x16xf32>,
    %swap3A_1138 = vector.shape_cast %swap3A_1137 : vector<1x16xf32> to vector<16xf32>
    %swap3A_1139 = vector.shape_cast %broadcast_in_dim3A_0 : vector<16xf32> to vector<1x16xf32>
    tpu.vector_store %arg9[%swap3A_1135, %swap3A_1136], %swap3A_1139 {strides = array<i32>} : memref<25x128xf32, #tpu.memory_space<vmem>>, vector<1x16xf32>,
    %swap3A_1140 = arith.constant 23 : i32
    %swap3A_1141 = arith.index_cast %swap3A_1140 : i32 to index
    %swap3A_1142 = arith.constant 96 : index
    %swap3A_1143 = tpu.vector_load %arg9[%swap3A_1141, %swap3A_1142] {strides = array<i32>} : memref<25x128xf32, #tpu.memory_space<vmem>>, vector<1x16xf32>,
    %swap3A_1144 = vector.shape_cast %swap3A_1143 : vector<1x16xf32> to vector<16xf32>
    %swap3A_1145 = vector.shape_cast %broadcast_in_dim3A_0 : vector<16xf32> to vector<1x16xf32>
    tpu.vector_store %arg9[%swap3A_1141, %swap3A_1142], %swap3A_1145 {strides = array<i32>} : memref<25x128xf32, #tpu.memory_space<vmem>>, vector<1x16xf32>,
    %swap3A_1146 = arith.constant 23 : i32
    %swap3A_1147 = arith.index_cast %swap3A_1146 : i32 to index
    %swap3A_1148 = arith.constant 112 : index
    %swap3A_1149 = tpu.vector_load %arg9[%swap3A_1147, %swap3A_1148] {strides = array<i32>} : memref<25x128xf32, #tpu.memory_space<vmem>>, vector<1x16xf32>,
    %swap3A_1150 = vector.shape_cast %swap3A_1149 : vector<1x16xf32> to vector<16xf32>
    %swap3A_1151 = vector.shape_cast %broadcast_in_dim3A_0 : vector<16xf32> to vector<1x16xf32>
    tpu.vector_store %arg9[%swap3A_1147, %swap3A_1148], %swap3A_1151 {strides = array<i32>} : memref<25x128xf32, #tpu.memory_space<vmem>>, vector<1x16xf32>,
    %swap3A_1152 = arith.constant 24 : i32
    %swap3A_1153 = arith.index_cast %swap3A_1152 : i32 to index
    %swap3A_1154 = arith.constant 0 : index
    %swap3A_1155 = tpu.vector_load %arg9[%swap3A_1153, %swap3A_1154] {strides = array<i32>} : memref<25x128xf32, #tpu.memory_space<vmem>>, vector<1x16xf32>,
    %swap3A_1156 = vector.shape_cast %swap3A_1155 : vector<1x16xf32> to vector<16xf32>
    %swap3A_1157 = vector.shape_cast %broadcast_in_dim3A_0 : vector<16xf32> to vector<1x16xf32>
    tpu.vector_store %arg9[%swap3A_1153, %swap3A_1154], %swap3A_1157 {strides = array<i32>} : memref<25x128xf32, #tpu.memory_space<vmem>>, vector<1x16xf32>,
    %swap3A_1158 = arith.constant 24 : i32
    %swap3A_1159 = arith.index_cast %swap3A_1158 : i32 to index
    %swap3A_1160 = arith.constant 16 : index
    %swap3A_1161 = tpu.vector_load %arg9[%swap3A_1159, %swap3A_1160] {strides = array<i32>} : memref<25x128xf32, #tpu.memory_space<vmem>>, vector<1x16xf32>,
    %swap3A_1162 = vector.shape_cast %swap3A_1161 : vector<1x16xf32> to vector<16xf32>
    %swap3A_1163 = vector.shape_cast %broadcast_in_dim3A_0 : vector<16xf32> to vector<1x16xf32>
    tpu.vector_store %arg9[%swap3A_1159, %swap3A_1160], %swap3A_1163 {strides = array<i32>} : memref<25x128xf32, #tpu.memory_space<vmem>>, vector<1x16xf32>,
    %swap3A_1164 = arith.constant 24 : i32
    %swap3A_1165 = arith.index_cast %swap3A_1164 : i32 to index
    %swap3A_1166 = arith.constant 32 : index
    %swap3A_1167 = tpu.vector_load %arg9[%swap3A_1165, %swap3A_1166] {strides = array<i32>} : memref<25x128xf32, #tpu.memory_space<vmem>>, vector<1x16xf32>,
    %swap3A_1168 = vector.shape_cast %swap3A_1167 : vector<1x16xf32> to vector<16xf32>
    %swap3A_1169 = vector.shape_cast %broadcast_in_dim3A_0 : vector<16xf32> to vector<1x16xf32>
    tpu.vector_store %arg9[%swap3A_1165, %swap3A_1166], %swap3A_1169 {strides = array<i32>} : memref<25x128xf32, #tpu.memory_space<vmem>>, vector<1x16xf32>,
    %swap3A_1170 = arith.constant 24 : i32
    %swap3A_1171 = arith.index_cast %swap3A_1170 : i32 to index
    %swap3A_1172 = arith.constant 48 : index
    %swap3A_1173 = tpu.vector_load %arg9[%swap3A_1171, %swap3A_1172] {strides = array<i32>} : memref<25x128xf32, #tpu.memory_space<vmem>>, vector<1x16xf32>,
    %swap3A_1174 = vector.shape_cast %swap3A_1173 : vector<1x16xf32> to vector<16xf32>
    %swap3A_1175 = vector.shape_cast %broadcast_in_dim3A_0 : vector<16xf32> to vector<1x16xf32>
    tpu.vector_store %arg9[%swap3A_1171, %swap3A_1172], %swap3A_1175 {strides = array<i32>} : memref<25x128xf32, #tpu.memory_space<vmem>>, vector<1x16xf32>,
    %swap3A_1176 = arith.constant 24 : i32
    %swap3A_1177 = arith.index_cast %swap3A_1176 : i32 to index
    %swap3A_1178 = arith.constant 64 : index
    %swap3A_1179 = tpu.vector_load %arg9[%swap3A_1177, %swap3A_1178] {strides = array<i32>} : memref<25x128xf32, #tpu.memory_space<vmem>>, vector<1x16xf32>,
    %swap3A_1180 = vector.shape_cast %swap3A_1179 : vector<1x16xf32> to vector<16xf32>
    %swap3A_1181 = vector.shape_cast %broadcast_in_dim3A_0 : vector<16xf32> to vector<1x16xf32>
    tpu.vector_store %arg9[%swap3A_1177, %swap3A_1178], %swap3A_1181 {strides = array<i32>} : memref<25x128xf32, #tpu.memory_space<vmem>>, vector<1x16xf32>,
    %swap3A_1182 = arith.constant 24 : i32
    %swap3A_1183 = arith.index_cast %swap3A_1182 : i32 to index
    %swap3A_1184 = arith.constant 80 : index
    %swap3A_1185 = tpu.vector_load %arg9[%swap3A_1183, %swap3A_1184] {strides = array<i32>} : memref<25x128xf32, #tpu.memory_space<vmem>>, vector<1x16xf32>,
    %swap3A_1186 = vector.shape_cast %swap3A_1185 : vector<1x16xf32> to vector<16xf32>
    %swap3A_1187 = vector.shape_cast %broadcast_in_dim3A_0 : vector<16xf32> to vector<1x16xf32>
    tpu.vector_store %arg9[%swap3A_1183, %swap3A_1184], %swap3A_1187 {strides = array<i32>} : memref<25x128xf32, #tpu.memory_space<vmem>>, vector<1x16xf32>,
    %swap3A_1188 = arith.constant 24 : i32
    %swap3A_1189 = arith.index_cast %swap3A_1188 : i32 to index
    %swap3A_1190 = arith.constant 96 : index
    %swap3A_1191 = tpu.vector_load %arg9[%swap3A_1189, %swap3A_1190] {strides = array<i32>} : memref<25x128xf32, #tpu.memory_space<vmem>>, vector<1x16xf32>,
    %swap3A_1192 = vector.shape_cast %swap3A_1191 : vector<1x16xf32> to vector<16xf32>
    %swap3A_1193 = vector.shape_cast %broadcast_in_dim3A_0 : vector<16xf32> to vector<1x16xf32>
    tpu.vector_store %arg9[%swap3A_1189, %swap3A_1190], %swap3A_1193 {strides = array<i32>} : memref<25x128xf32, #tpu.memory_space<vmem>>, vector<1x16xf32>,
    %swap3A_1194 = arith.constant 24 : i32
    %swap3A_1195 = arith.index_cast %swap3A_1194 : i32 to index
    %swap3A_1196 = arith.constant 112 : index
    %swap3A_1197 = tpu.vector_load %arg9[%swap3A_1195, %swap3A_1196] {strides = array<i32>} : memref<25x128xf32, #tpu.memory_space<vmem>>, vector<1x16xf32>,
    %swap3A_1198 = vector.shape_cast %swap3A_1197 : vector<1x16xf32> to vector<16xf32>
    %swap3A_1199 = vector.shape_cast %broadcast_in_dim3A_0 : vector<16xf32> to vector<1x16xf32>
    tpu.vector_store %arg9[%swap3A_1195, %swap3A_1196], %swap3A_1199 {strides = array<i32>} : memref<25x128xf32, #tpu.memory_space<vmem>>, vector<1x16xf32>,
    %mul3A = arith.constant 625 : i32
    %mul3A_1200 = arith.muli %arg1, %mul3A : i32
    %add3A = arith.constant 0 : i32
    %add3A_1201 = arith.addi %mul3A_1200, %add3A : i32
    "tpu.region"() ({
      %run_scoped3A = tpu.sem_alloc : memref<!tpu.dma_semaphore, #tpu.memory_space<semaphore_mem>>
      %dma_start3A = arith.constant 0 : i32
      %dma_start3A_1308 = tpu.memref_slice %arg10[%add3A_1201, %dma_start3A] : memref<10000x128xf32, #tpu.memory_space<vmem_shared>> -> memref<25x128xf32, #tpu.memory_space<vmem_shared>>
      %dma_start3A_1309 = arith.constant 0 : i32
      %dma_start3A_1310 = tpu.memref_slice %arg10[%add3A_1201, %dma_start3A_1309] : memref<10000x128xf32, #tpu.memory_space<vmem_shared>> -> memref<25x128xf32, #tpu.memory_space<vmem_shared>>
      tpu.enqueue_dma source(%arg9 : memref<25x128xf32, #tpu.memory_space<vmem>>) target(%dma_start3A_1310 : memref<25x128xf32, #tpu.memory_space<vmem_shared>>) target_semaphore(%run_scoped3A : memref<!tpu.dma_semaphore, #tpu.memory_space<semaphore_mem>>)
      %dma_wait3A = arith.constant 0 : i32
      %dma_wait3A_1311 = tpu.memref_slice %arg10[%add3A_1201, %dma_wait3A] : memref<10000x128xf32, #tpu.memory_space<vmem_shared>> -> memref<25x128xf32, #tpu.memory_space<vmem_shared>>
      %dma_wait3A_1312 = arith.constant 0 : i32
      %dma_wait3A_1313 = tpu.memref_slice %arg10[%add3A_1201, %dma_wait3A_1312] : memref<10000x128xf32, #tpu.memory_space<vmem_shared>> -> memref<25x128xf32, #tpu.memory_space<vmem_shared>>
      tpu.wait_dma2 semaphore(%run_scoped3A : memref<!tpu.dma_semaphore, #tpu.memory_space<semaphore_mem>>) src(%arg9 : memref<25x128xf32, #tpu.memory_space<vmem>>) dst(%dma_wait3A_1313 : memref<25x128xf32, #tpu.memory_space<vmem_shared>>)
      tpu.yield
    }) : () -> ()
    %add3A_1202 = arith.constant 25 : i32
    %add3A_1203 = arith.addi %mul3A_1200, %add3A_1202 : i32
    "tpu.region"() ({
      %run_scoped3A = tpu.sem_alloc : memref<!tpu.dma_semaphore, #tpu.memory_space<semaphore_mem>>
      %dma_start3A = arith.constant 0 : i32
      %dma_start3A_1308 = tpu.memref_slice %arg10[%add3A_1203, %dma_start3A] : memref<10000x128xf32, #tpu.memory_space<vmem_shared>> -> memref<25x128xf32, #tpu.memory_space<vmem_shared>>
      %dma_start3A_1309 = arith.constant 0 : i32
      %dma_start3A_1310 = tpu.memref_slice %arg10[%add3A_1203, %dma_start3A_1309] : memref<10000x128xf32, #tpu.memory_space<vmem_shared>> -> memref<25x128xf32, #tpu.memory_space<vmem_shared>>
      tpu.enqueue_dma source(%arg9 : memref<25x128xf32, #tpu.memory_space<vmem>>) target(%dma_start3A_1310 : memref<25x128xf32, #tpu.memory_space<vmem_shared>>) target_semaphore(%run_scoped3A : memref<!tpu.dma_semaphore, #tpu.memory_space<semaphore_mem>>)
      %dma_wait3A = arith.constant 0 : i32
      %dma_wait3A_1311 = tpu.memref_slice %arg10[%add3A_1203, %dma_wait3A] : memref<10000x128xf32, #tpu.memory_space<vmem_shared>> -> memref<25x128xf32, #tpu.memory_space<vmem_shared>>
      %dma_wait3A_1312 = arith.constant 0 : i32
      %dma_wait3A_1313 = tpu.memref_slice %arg10[%add3A_1203, %dma_wait3A_1312] : memref<10000x128xf32, #tpu.memory_space<vmem_shared>> -> memref<25x128xf32, #tpu.memory_space<vmem_shared>>
      tpu.wait_dma2 semaphore(%run_scoped3A : memref<!tpu.dma_semaphore, #tpu.memory_space<semaphore_mem>>) src(%arg9 : memref<25x128xf32, #tpu.memory_space<vmem>>) dst(%dma_wait3A_1313 : memref<25x128xf32, #tpu.memory_space<vmem_shared>>)
      tpu.yield
    }) : () -> ()
    %add3A_1204 = arith.constant 50 : i32
    %add3A_1205 = arith.addi %mul3A_1200, %add3A_1204 : i32
    "tpu.region"() ({
      %run_scoped3A = tpu.sem_alloc : memref<!tpu.dma_semaphore, #tpu.memory_space<semaphore_mem>>
      %dma_start3A = arith.constant 0 : i32
      %dma_start3A_1308 = tpu.memref_slice %arg10[%add3A_1205, %dma_start3A] : memref<10000x128xf32, #tpu.memory_space<vmem_shared>> -> memref<25x128xf32, #tpu.memory_space<vmem_shared>>
      %dma_start3A_1309 = arith.constant 0 : i32
      %dma_start3A_1310 = tpu.memref_slice %arg10[%add3A_1205, %dma_start3A_1309] : memref<10000x128xf32, #tpu.memory_space<vmem_shared>> -> memref<25x128xf32, #tpu.memory_space<vmem_shared>>
      tpu.enqueue_dma source(%arg9 : memref<25x128xf32, #tpu.memory_space<vmem>>) target(%dma_start3A_1310 : memref<25x128xf32, #tpu.memory_space<vmem_shared>>) target_semaphore(%run_scoped3A : memref<!tpu.dma_semaphore, #tpu.memory_space<semaphore_mem>>)
      %dma_wait3A = arith.constant 0 : i32
      %dma_wait3A_1311 = tpu.memref_slice %arg10[%add3A_1205, %dma_wait3A] : memref<10000x128xf32, #tpu.memory_space<vmem_shared>> -> memref<25x128xf32, #tpu.memory_space<vmem_shared>>
      %dma_wait3A_1312 = arith.constant 0 : i32
      %dma_wait3A_1313 = tpu.memref_slice %arg10[%add3A_1205, %dma_wait3A_1312] : memref<10000x128xf32, #tpu.memory_space<vmem_shared>> -> memref<25x128xf32, #tpu.memory_space<vmem_shared>>
      tpu.wait_dma2 semaphore(%run_scoped3A : memref<!tpu.dma_semaphore, #tpu.memory_space<semaphore_mem>>) src(%arg9 : memref<25x128xf32, #tpu.memory_space<vmem>>) dst(%dma_wait3A_1313 : memref<25x128xf32, #tpu.memory_space<vmem_shared>>)
      tpu.yield
    }) : () -> ()
    %add3A_1206 = arith.constant 75 : i32
    %add3A_1207 = arith.addi %mul3A_1200, %add3A_1206 : i32
    "tpu.region"() ({
      %run_scoped3A = tpu.sem_alloc : memref<!tpu.dma_semaphore, #tpu.memory_space<semaphore_mem>>
      %dma_start3A = arith.constant 0 : i32
      %dma_start3A_1308 = tpu.memref_slice %arg10[%add3A_1207, %dma_start3A] : memref<10000x128xf32, #tpu.memory_space<vmem_shared>> -> memref<25x128xf32, #tpu.memory_space<vmem_shared>>
      %dma_start3A_1309 = arith.constant 0 : i32
      %dma_start3A_1310 = tpu.memref_slice %arg10[%add3A_1207, %dma_start3A_1309] : memref<10000x128xf32, #tpu.memory_space<vmem_shared>> -> memref<25x128xf32, #tpu.memory_space<vmem_shared>>
      tpu.enqueue_dma source(%arg9 : memref<25x128xf32, #tpu.memory_space<vmem>>) target(%dma_start3A_1310 : memref<25x128xf32, #tpu.memory_space<vmem_shared>>) target_semaphore(%run_scoped3A : memref<!tpu.dma_semaphore, #tpu.memory_space<semaphore_mem>>)
      %dma_wait3A = arith.constant 0 : i32
      %dma_wait3A_1311 = tpu.memref_slice %arg10[%add3A_1207, %dma_wait3A] : memref<10000x128xf32, #tpu.memory_space<vmem_shared>> -> memref<25x128xf32, #tpu.memory_space<vmem_shared>>
      %dma_wait3A_1312 = arith.constant 0 : i32
      %dma_wait3A_1313 = tpu.memref_slice %arg10[%add3A_1207, %dma_wait3A_1312] : memref<10000x128xf32, #tpu.memory_space<vmem_shared>> -> memref<25x128xf32, #tpu.memory_space<vmem_shared>>
      tpu.wait_dma2 semaphore(%run_scoped3A : memref<!tpu.dma_semaphore, #tpu.memory_space<semaphore_mem>>) src(%arg9 : memref<25x128xf32, #tpu.memory_space<vmem>>) dst(%dma_wait3A_1313 : memref<25x128xf32, #tpu.memory_space<vmem_shared>>)
      tpu.yield
    }) : () -> ()
    %add3A_1208 = arith.constant 100 : i32
    %add3A_1209 = arith.addi %mul3A_1200, %add3A_1208 : i32
    "tpu.region"() ({
      %run_scoped3A = tpu.sem_alloc : memref<!tpu.dma_semaphore, #tpu.memory_space<semaphore_mem>>
      %dma_start3A = arith.constant 0 : i32
      %dma_start3A_1308 = tpu.memref_slice %arg10[%add3A_1209, %dma_start3A] : memref<10000x128xf32, #tpu.memory_space<vmem_shared>> -> memref<25x128xf32, #tpu.memory_space<vmem_shared>>
      %dma_start3A_1309 = arith.constant 0 : i32
      %dma_start3A_1310 = tpu.memref_slice %arg10[%add3A_1209, %dma_start3A_1309] : memref<10000x128xf32, #tpu.memory_space<vmem_shared>> -> memref<25x128xf32, #tpu.memory_space<vmem_shared>>
      tpu.enqueue_dma source(%arg9 : memref<25x128xf32, #tpu.memory_space<vmem>>) target(%dma_start3A_1310 : memref<25x128xf32, #tpu.memory_space<vmem_shared>>) target_semaphore(%run_scoped3A : memref<!tpu.dma_semaphore, #tpu.memory_space<semaphore_mem>>)
      %dma_wait3A = arith.constant 0 : i32
      %dma_wait3A_1311 = tpu.memref_slice %arg10[%add3A_1209, %dma_wait3A] : memref<10000x128xf32, #tpu.memory_space<vmem_shared>> -> memref<25x128xf32, #tpu.memory_space<vmem_shared>>
      %dma_wait3A_1312 = arith.constant 0 : i32
      %dma_wait3A_1313 = tpu.memref_slice %arg10[%add3A_1209, %dma_wait3A_1312] : memref<10000x128xf32, #tpu.memory_space<vmem_shared>> -> memref<25x128xf32, #tpu.memory_space<vmem_shared>>
      tpu.wait_dma2 semaphore(%run_scoped3A : memref<!tpu.dma_semaphore, #tpu.memory_space<semaphore_mem>>) src(%arg9 : memref<25x128xf32, #tpu.memory_space<vmem>>) dst(%dma_wait3A_1313 : memref<25x128xf32, #tpu.memory_space<vmem_shared>>)
      tpu.yield
    }) : () -> ()
    %add3A_1210 = arith.constant 125 : i32
    %add3A_1211 = arith.addi %mul3A_1200, %add3A_1210 : i32
    "tpu.region"() ({
      %run_scoped3A = tpu.sem_alloc : memref<!tpu.dma_semaphore, #tpu.memory_space<semaphore_mem>>
      %dma_start3A = arith.constant 0 : i32
      %dma_start3A_1308 = tpu.memref_slice %arg10[%add3A_1211, %dma_start3A] : memref<10000x128xf32, #tpu.memory_space<vmem_shared>> -> memref<25x128xf32, #tpu.memory_space<vmem_shared>>
      %dma_start3A_1309 = arith.constant 0 : i32
      %dma_start3A_1310 = tpu.memref_slice %arg10[%add3A_1211, %dma_start3A_1309] : memref<10000x128xf32, #tpu.memory_space<vmem_shared>> -> memref<25x128xf32, #tpu.memory_space<vmem_shared>>
      tpu.enqueue_dma source(%arg9 : memref<25x128xf32, #tpu.memory_space<vmem>>) target(%dma_start3A_1310 : memref<25x128xf32, #tpu.memory_space<vmem_shared>>) target_semaphore(%run_scoped3A : memref<!tpu.dma_semaphore, #tpu.memory_space<semaphore_mem>>)
      %dma_wait3A = arith.constant 0 : i32
      %dma_wait3A_1311 = tpu.memref_slice %arg10[%add3A_1211, %dma_wait3A] : memref<10000x128xf32, #tpu.memory_space<vmem_shared>> -> memref<25x128xf32, #tpu.memory_space<vmem_shared>>
      %dma_wait3A_1312 = arith.constant 0 : i32
      %dma_wait3A_1313 = tpu.memref_slice %arg10[%add3A_1211, %dma_wait3A_1312] : memref<10000x128xf32, #tpu.memory_space<vmem_shared>> -> memref<25x128xf32, #tpu.memory_space<vmem_shared>>
      tpu.wait_dma2 semaphore(%run_scoped3A : memref<!tpu.dma_semaphore, #tpu.memory_space<semaphore_mem>>) src(%arg9 : memref<25x128xf32, #tpu.memory_space<vmem>>) dst(%dma_wait3A_1313 : memref<25x128xf32, #tpu.memory_space<vmem_shared>>)
      tpu.yield
    }) : () -> ()
    %add3A_1212 = arith.constant 150 : i32
    %add3A_1213 = arith.addi %mul3A_1200, %add3A_1212 : i32
    "tpu.region"() ({
      %run_scoped3A = tpu.sem_alloc : memref<!tpu.dma_semaphore, #tpu.memory_space<semaphore_mem>>
      %dma_start3A = arith.constant 0 : i32
      %dma_start3A_1308 = tpu.memref_slice %arg10[%add3A_1213, %dma_start3A] : memref<10000x128xf32, #tpu.memory_space<vmem_shared>> -> memref<25x128xf32, #tpu.memory_space<vmem_shared>>
      %dma_start3A_1309 = arith.constant 0 : i32
      %dma_start3A_1310 = tpu.memref_slice %arg10[%add3A_1213, %dma_start3A_1309] : memref<10000x128xf32, #tpu.memory_space<vmem_shared>> -> memref<25x128xf32, #tpu.memory_space<vmem_shared>>
      tpu.enqueue_dma source(%arg9 : memref<25x128xf32, #tpu.memory_space<vmem>>) target(%dma_start3A_1310 : memref<25x128xf32, #tpu.memory_space<vmem_shared>>) target_semaphore(%run_scoped3A : memref<!tpu.dma_semaphore, #tpu.memory_space<semaphore_mem>>)
      %dma_wait3A = arith.constant 0 : i32
      %dma_wait3A_1311 = tpu.memref_slice %arg10[%add3A_1213, %dma_wait3A] : memref<10000x128xf32, #tpu.memory_space<vmem_shared>> -> memref<25x128xf32, #tpu.memory_space<vmem_shared>>
      %dma_wait3A_1312 = arith.constant 0 : i32
      %dma_wait3A_1313 = tpu.memref_slice %arg10[%add3A_1213, %dma_wait3A_1312] : memref<10000x128xf32, #tpu.memory_space<vmem_shared>> -> memref<25x128xf32, #tpu.memory_space<vmem_shared>>
      tpu.wait_dma2 semaphore(%run_scoped3A : memref<!tpu.dma_semaphore, #tpu.memory_space<semaphore_mem>>) src(%arg9 : memref<25x128xf32, #tpu.memory_space<vmem>>) dst(%dma_wait3A_1313 : memref<25x128xf32, #tpu.memory_space<vmem_shared>>)
      tpu.yield
    }) : () -> ()
    %add3A_1214 = arith.constant 175 : i32
    %add3A_1215 = arith.addi %mul3A_1200, %add3A_1214 : i32
    "tpu.region"() ({
      %run_scoped3A = tpu.sem_alloc : memref<!tpu.dma_semaphore, #tpu.memory_space<semaphore_mem>>
      %dma_start3A = arith.constant 0 : i32
      %dma_start3A_1308 = tpu.memref_slice %arg10[%add3A_1215, %dma_start3A] : memref<10000x128xf32, #tpu.memory_space<vmem_shared>> -> memref<25x128xf32, #tpu.memory_space<vmem_shared>>
      %dma_start3A_1309 = arith.constant 0 : i32
      %dma_start3A_1310 = tpu.memref_slice %arg10[%add3A_1215, %dma_start3A_1309] : memref<10000x128xf32, #tpu.memory_space<vmem_shared>> -> memref<25x128xf32, #tpu.memory_space<vmem_shared>>
      tpu.enqueue_dma source(%arg9 : memref<25x128xf32, #tpu.memory_space<vmem>>) target(%dma_start3A_1310 : memref<25x128xf32, #tpu.memory_space<vmem_shared>>) target_semaphore(%run_scoped3A : memref<!tpu.dma_semaphore, #tpu.memory_space<semaphore_mem>>)
      %dma_wait3A = arith.constant 0 : i32
      %dma_wait3A_1311 = tpu.memref_slice %arg10[%add3A_1215, %dma_wait3A] : memref<10000x128xf32, #tpu.memory_space<vmem_shared>> -> memref<25x128xf32, #tpu.memory_space<vmem_shared>>
      %dma_wait3A_1312 = arith.constant 0 : i32
      %dma_wait3A_1313 = tpu.memref_slice %arg10[%add3A_1215, %dma_wait3A_1312] : memref<10000x128xf32, #tpu.memory_space<vmem_shared>> -> memref<25x128xf32, #tpu.memory_space<vmem_shared>>
      tpu.wait_dma2 semaphore(%run_scoped3A : memref<!tpu.dma_semaphore, #tpu.memory_space<semaphore_mem>>) src(%arg9 : memref<25x128xf32, #tpu.memory_space<vmem>>) dst(%dma_wait3A_1313 : memref<25x128xf32, #tpu.memory_space<vmem_shared>>)
      tpu.yield
    }) : () -> ()
    %add3A_1216 = arith.constant 200 : i32
    %add3A_1217 = arith.addi %mul3A_1200, %add3A_1216 : i32
    "tpu.region"() ({
      %run_scoped3A = tpu.sem_alloc : memref<!tpu.dma_semaphore, #tpu.memory_space<semaphore_mem>>
      %dma_start3A = arith.constant 0 : i32
      %dma_start3A_1308 = tpu.memref_slice %arg10[%add3A_1217, %dma_start3A] : memref<10000x128xf32, #tpu.memory_space<vmem_shared>> -> memref<25x128xf32, #tpu.memory_space<vmem_shared>>
      %dma_start3A_1309 = arith.constant 0 : i32
      %dma_start3A_1310 = tpu.memref_slice %arg10[%add3A_1217, %dma_start3A_1309] : memref<10000x128xf32, #tpu.memory_space<vmem_shared>> -> memref<25x128xf32, #tpu.memory_space<vmem_shared>>
      tpu.enqueue_dma source(%arg9 : memref<25x128xf32, #tpu.memory_space<vmem>>) target(%dma_start3A_1310 : memref<25x128xf32, #tpu.memory_space<vmem_shared>>) target_semaphore(%run_scoped3A : memref<!tpu.dma_semaphore, #tpu.memory_space<semaphore_mem>>)
      %dma_wait3A = arith.constant 0 : i32
      %dma_wait3A_1311 = tpu.memref_slice %arg10[%add3A_1217, %dma_wait3A] : memref<10000x128xf32, #tpu.memory_space<vmem_shared>> -> memref<25x128xf32, #tpu.memory_space<vmem_shared>>
      %dma_wait3A_1312 = arith.constant 0 : i32
      %dma_wait3A_1313 = tpu.memref_slice %arg10[%add3A_1217, %dma_wait3A_1312] : memref<10000x128xf32, #tpu.memory_space<vmem_shared>> -> memref<25x128xf32, #tpu.memory_space<vmem_shared>>
      tpu.wait_dma2 semaphore(%run_scoped3A : memref<!tpu.dma_semaphore, #tpu.memory_space<semaphore_mem>>) src(%arg9 : memref<25x128xf32, #tpu.memory_space<vmem>>) dst(%dma_wait3A_1313 : memref<25x128xf32, #tpu.memory_space<vmem_shared>>)
      tpu.yield
    }) : () -> ()
    %add3A_1218 = arith.constant 225 : i32
    %add3A_1219 = arith.addi %mul3A_1200, %add3A_1218 : i32
    "tpu.region"() ({
      %run_scoped3A = tpu.sem_alloc : memref<!tpu.dma_semaphore, #tpu.memory_space<semaphore_mem>>
      %dma_start3A = arith.constant 0 : i32
      %dma_start3A_1308 = tpu.memref_slice %arg10[%add3A_1219, %dma_start3A] : memref<10000x128xf32, #tpu.memory_space<vmem_shared>> -> memref<25x128xf32, #tpu.memory_space<vmem_shared>>
      %dma_start3A_1309 = arith.constant 0 : i32
      %dma_start3A_1310 = tpu.memref_slice %arg10[%add3A_1219, %dma_start3A_1309] : memref<10000x128xf32, #tpu.memory_space<vmem_shared>> -> memref<25x128xf32, #tpu.memory_space<vmem_shared>>
      tpu.enqueue_dma source(%arg9 : memref<25x128xf32, #tpu.memory_space<vmem>>) target(%dma_start3A_1310 : memref<25x128xf32, #tpu.memory_space<vmem_shared>>) target_semaphore(%run_scoped3A : memref<!tpu.dma_semaphore, #tpu.memory_space<semaphore_mem>>)
      %dma_wait3A = arith.constant 0 : i32
      %dma_wait3A_1311 = tpu.memref_slice %arg10[%add3A_1219, %dma_wait3A] : memref<10000x128xf32, #tpu.memory_space<vmem_shared>> -> memref<25x128xf32, #tpu.memory_space<vmem_shared>>
      %dma_wait3A_1312 = arith.constant 0 : i32
      %dma_wait3A_1313 = tpu.memref_slice %arg10[%add3A_1219, %dma_wait3A_1312] : memref<10000x128xf32, #tpu.memory_space<vmem_shared>> -> memref<25x128xf32, #tpu.memory_space<vmem_shared>>
      tpu.wait_dma2 semaphore(%run_scoped3A : memref<!tpu.dma_semaphore, #tpu.memory_space<semaphore_mem>>) src(%arg9 : memref<25x128xf32, #tpu.memory_space<vmem>>) dst(%dma_wait3A_1313 : memref<25x128xf32, #tpu.memory_space<vmem_shared>>)
      tpu.yield
    }) : () -> ()
    %add3A_1220 = arith.constant 250 : i32
    %add3A_1221 = arith.addi %mul3A_1200, %add3A_1220 : i32
    "tpu.region"() ({
      %run_scoped3A = tpu.sem_alloc : memref<!tpu.dma_semaphore, #tpu.memory_space<semaphore_mem>>
      %dma_start3A = arith.constant 0 : i32
      %dma_start3A_1308 = tpu.memref_slice %arg10[%add3A_1221, %dma_start3A] : memref<10000x128xf32, #tpu.memory_space<vmem_shared>> -> memref<25x128xf32, #tpu.memory_space<vmem_shared>>
      %dma_start3A_1309 = arith.constant 0 : i32
      %dma_start3A_1310 = tpu.memref_slice %arg10[%add3A_1221, %dma_start3A_1309] : memref<10000x128xf32, #tpu.memory_space<vmem_shared>> -> memref<25x128xf32, #tpu.memory_space<vmem_shared>>
      tpu.enqueue_dma source(%arg9 : memref<25x128xf32, #tpu.memory_space<vmem>>) target(%dma_start3A_1310 : memref<25x128xf32, #tpu.memory_space<vmem_shared>>) target_semaphore(%run_scoped3A : memref<!tpu.dma_semaphore, #tpu.memory_space<semaphore_mem>>)
      %dma_wait3A = arith.constant 0 : i32
      %dma_wait3A_1311 = tpu.memref_slice %arg10[%add3A_1221, %dma_wait3A] : memref<10000x128xf32, #tpu.memory_space<vmem_shared>> -> memref<25x128xf32, #tpu.memory_space<vmem_shared>>
      %dma_wait3A_1312 = arith.constant 0 : i32
      %dma_wait3A_1313 = tpu.memref_slice %arg10[%add3A_1221, %dma_wait3A_1312] : memref<10000x128xf32, #tpu.memory_space<vmem_shared>> -> memref<25x128xf32, #tpu.memory_space<vmem_shared>>
      tpu.wait_dma2 semaphore(%run_scoped3A : memref<!tpu.dma_semaphore, #tpu.memory_space<semaphore_mem>>) src(%arg9 : memref<25x128xf32, #tpu.memory_space<vmem>>) dst(%dma_wait3A_1313 : memref<25x128xf32, #tpu.memory_space<vmem_shared>>)
      tpu.yield
    }) : () -> ()
    %add3A_1222 = arith.constant 275 : i32
    %add3A_1223 = arith.addi %mul3A_1200, %add3A_1222 : i32
    "tpu.region"() ({
      %run_scoped3A = tpu.sem_alloc : memref<!tpu.dma_semaphore, #tpu.memory_space<semaphore_mem>>
      %dma_start3A = arith.constant 0 : i32
      %dma_start3A_1308 = tpu.memref_slice %arg10[%add3A_1223, %dma_start3A] : memref<10000x128xf32, #tpu.memory_space<vmem_shared>> -> memref<25x128xf32, #tpu.memory_space<vmem_shared>>
      %dma_start3A_1309 = arith.constant 0 : i32
      %dma_start3A_1310 = tpu.memref_slice %arg10[%add3A_1223, %dma_start3A_1309] : memref<10000x128xf32, #tpu.memory_space<vmem_shared>> -> memref<25x128xf32, #tpu.memory_space<vmem_shared>>
      tpu.enqueue_dma source(%arg9 : memref<25x128xf32, #tpu.memory_space<vmem>>) target(%dma_start3A_1310 : memref<25x128xf32, #tpu.memory_space<vmem_shared>>) target_semaphore(%run_scoped3A : memref<!tpu.dma_semaphore, #tpu.memory_space<semaphore_mem>>)
      %dma_wait3A = arith.constant 0 : i32
      %dma_wait3A_1311 = tpu.memref_slice %arg10[%add3A_1223, %dma_wait3A] : memref<10000x128xf32, #tpu.memory_space<vmem_shared>> -> memref<25x128xf32, #tpu.memory_space<vmem_shared>>
      %dma_wait3A_1312 = arith.constant 0 : i32
      %dma_wait3A_1313 = tpu.memref_slice %arg10[%add3A_1223, %dma_wait3A_1312] : memref<10000x128xf32, #tpu.memory_space<vmem_shared>> -> memref<25x128xf32, #tpu.memory_space<vmem_shared>>
      tpu.wait_dma2 semaphore(%run_scoped3A : memref<!tpu.dma_semaphore, #tpu.memory_space<semaphore_mem>>) src(%arg9 : memref<25x128xf32, #tpu.memory_space<vmem>>) dst(%dma_wait3A_1313 : memref<25x128xf32, #tpu.memory_space<vmem_shared>>)
      tpu.yield
    }) : () -> ()
    %add3A_1224 = arith.constant 300 : i32
    %add3A_1225 = arith.addi %mul3A_1200, %add3A_1224 : i32
    "tpu.region"() ({
      %run_scoped3A = tpu.sem_alloc : memref<!tpu.dma_semaphore, #tpu.memory_space<semaphore_mem>>
      %dma_start3A = arith.constant 0 : i32
      %dma_start3A_1308 = tpu.memref_slice %arg10[%add3A_1225, %dma_start3A] : memref<10000x128xf32, #tpu.memory_space<vmem_shared>> -> memref<25x128xf32, #tpu.memory_space<vmem_shared>>
      %dma_start3A_1309 = arith.constant 0 : i32
      %dma_start3A_1310 = tpu.memref_slice %arg10[%add3A_1225, %dma_start3A_1309] : memref<10000x128xf32, #tpu.memory_space<vmem_shared>> -> memref<25x128xf32, #tpu.memory_space<vmem_shared>>
      tpu.enqueue_dma source(%arg9 : memref<25x128xf32, #tpu.memory_space<vmem>>) target(%dma_start3A_1310 : memref<25x128xf32, #tpu.memory_space<vmem_shared>>) target_semaphore(%run_scoped3A : memref<!tpu.dma_semaphore, #tpu.memory_space<semaphore_mem>>)
      %dma_wait3A = arith.constant 0 : i32
      %dma_wait3A_1311 = tpu.memref_slice %arg10[%add3A_1225, %dma_wait3A] : memref<10000x128xf32, #tpu.memory_space<vmem_shared>> -> memref<25x128xf32, #tpu.memory_space<vmem_shared>>
      %dma_wait3A_1312 = arith.constant 0 : i32
      %dma_wait3A_1313 = tpu.memref_slice %arg10[%add3A_1225, %dma_wait3A_1312] : memref<10000x128xf32, #tpu.memory_space<vmem_shared>> -> memref<25x128xf32, #tpu.memory_space<vmem_shared>>
      tpu.wait_dma2 semaphore(%run_scoped3A : memref<!tpu.dma_semaphore, #tpu.memory_space<semaphore_mem>>) src(%arg9 : memref<25x128xf32, #tpu.memory_space<vmem>>) dst(%dma_wait3A_1313 : memref<25x128xf32, #tpu.memory_space<vmem_shared>>)
      tpu.yield
    }) : () -> ()
    %add3A_1226 = arith.constant 325 : i32
    %add3A_1227 = arith.addi %mul3A_1200, %add3A_1226 : i32
    "tpu.region"() ({
      %run_scoped3A = tpu.sem_alloc : memref<!tpu.dma_semaphore, #tpu.memory_space<semaphore_mem>>
      %dma_start3A = arith.constant 0 : i32
      %dma_start3A_1308 = tpu.memref_slice %arg10[%add3A_1227, %dma_start3A] : memref<10000x128xf32, #tpu.memory_space<vmem_shared>> -> memref<25x128xf32, #tpu.memory_space<vmem_shared>>
      %dma_start3A_1309 = arith.constant 0 : i32
      %dma_start3A_1310 = tpu.memref_slice %arg10[%add3A_1227, %dma_start3A_1309] : memref<10000x128xf32, #tpu.memory_space<vmem_shared>> -> memref<25x128xf32, #tpu.memory_space<vmem_shared>>
      tpu.enqueue_dma source(%arg9 : memref<25x128xf32, #tpu.memory_space<vmem>>) target(%dma_start3A_1310 : memref<25x128xf32, #tpu.memory_space<vmem_shared>>) target_semaphore(%run_scoped3A : memref<!tpu.dma_semaphore, #tpu.memory_space<semaphore_mem>>)
      %dma_wait3A = arith.constant 0 : i32
      %dma_wait3A_1311 = tpu.memref_slice %arg10[%add3A_1227, %dma_wait3A] : memref<10000x128xf32, #tpu.memory_space<vmem_shared>> -> memref<25x128xf32, #tpu.memory_space<vmem_shared>>
      %dma_wait3A_1312 = arith.constant 0 : i32
      %dma_wait3A_1313 = tpu.memref_slice %arg10[%add3A_1227, %dma_wait3A_1312] : memref<10000x128xf32, #tpu.memory_space<vmem_shared>> -> memref<25x128xf32, #tpu.memory_space<vmem_shared>>
      tpu.wait_dma2 semaphore(%run_scoped3A : memref<!tpu.dma_semaphore, #tpu.memory_space<semaphore_mem>>) src(%arg9 : memref<25x128xf32, #tpu.memory_space<vmem>>) dst(%dma_wait3A_1313 : memref<25x128xf32, #tpu.memory_space<vmem_shared>>)
      tpu.yield
    }) : () -> ()
    %add3A_1228 = arith.constant 350 : i32
    %add3A_1229 = arith.addi %mul3A_1200, %add3A_1228 : i32
    "tpu.region"() ({
      %run_scoped3A = tpu.sem_alloc : memref<!tpu.dma_semaphore, #tpu.memory_space<semaphore_mem>>
      %dma_start3A = arith.constant 0 : i32
      %dma_start3A_1308 = tpu.memref_slice %arg10[%add3A_1229, %dma_start3A] : memref<10000x128xf32, #tpu.memory_space<vmem_shared>> -> memref<25x128xf32, #tpu.memory_space<vmem_shared>>
      %dma_start3A_1309 = arith.constant 0 : i32
      %dma_start3A_1310 = tpu.memref_slice %arg10[%add3A_1229, %dma_start3A_1309] : memref<10000x128xf32, #tpu.memory_space<vmem_shared>> -> memref<25x128xf32, #tpu.memory_space<vmem_shared>>
      tpu.enqueue_dma source(%arg9 : memref<25x128xf32, #tpu.memory_space<vmem>>) target(%dma_start3A_1310 : memref<25x128xf32, #tpu.memory_space<vmem_shared>>) target_semaphore(%run_scoped3A : memref<!tpu.dma_semaphore, #tpu.memory_space<semaphore_mem>>)
      %dma_wait3A = arith.constant 0 : i32
      %dma_wait3A_1311 = tpu.memref_slice %arg10[%add3A_1229, %dma_wait3A] : memref<10000x128xf32, #tpu.memory_space<vmem_shared>> -> memref<25x128xf32, #tpu.memory_space<vmem_shared>>
      %dma_wait3A_1312 = arith.constant 0 : i32
      %dma_wait3A_1313 = tpu.memref_slice %arg10[%add3A_1229, %dma_wait3A_1312] : memref<10000x128xf32, #tpu.memory_space<vmem_shared>> -> memref<25x128xf32, #tpu.memory_space<vmem_shared>>
      tpu.wait_dma2 semaphore(%run_scoped3A : memref<!tpu.dma_semaphore, #tpu.memory_space<semaphore_mem>>) src(%arg9 : memref<25x128xf32, #tpu.memory_space<vmem>>) dst(%dma_wait3A_1313 : memref<25x128xf32, #tpu.memory_space<vmem_shared>>)
      tpu.yield
    }) : () -> ()
    %add3A_1230 = arith.constant 375 : i32
    %add3A_1231 = arith.addi %mul3A_1200, %add3A_1230 : i32
    "tpu.region"() ({
      %run_scoped3A = tpu.sem_alloc : memref<!tpu.dma_semaphore, #tpu.memory_space<semaphore_mem>>
      %dma_start3A = arith.constant 0 : i32
      %dma_start3A_1308 = tpu.memref_slice %arg10[%add3A_1231, %dma_start3A] : memref<10000x128xf32, #tpu.memory_space<vmem_shared>> -> memref<25x128xf32, #tpu.memory_space<vmem_shared>>
      %dma_start3A_1309 = arith.constant 0 : i32
      %dma_start3A_1310 = tpu.memref_slice %arg10[%add3A_1231, %dma_start3A_1309] : memref<10000x128xf32, #tpu.memory_space<vmem_shared>> -> memref<25x128xf32, #tpu.memory_space<vmem_shared>>
      tpu.enqueue_dma source(%arg9 : memref<25x128xf32, #tpu.memory_space<vmem>>) target(%dma_start3A_1310 : memref<25x128xf32, #tpu.memory_space<vmem_shared>>) target_semaphore(%run_scoped3A : memref<!tpu.dma_semaphore, #tpu.memory_space<semaphore_mem>>)
      %dma_wait3A = arith.constant 0 : i32
      %dma_wait3A_1311 = tpu.memref_slice %arg10[%add3A_1231, %dma_wait3A] : memref<10000x128xf32, #tpu.memory_space<vmem_shared>> -> memref<25x128xf32, #tpu.memory_space<vmem_shared>>
      %dma_wait3A_1312 = arith.constant 0 : i32
      %dma_wait3A_1313 = tpu.memref_slice %arg10[%add3A_1231, %dma_wait3A_1312] : memref<10000x128xf32, #tpu.memory_space<vmem_shared>> -> memref<25x128xf32, #tpu.memory_space<vmem_shared>>
      tpu.wait_dma2 semaphore(%run_scoped3A : memref<!tpu.dma_semaphore, #tpu.memory_space<semaphore_mem>>) src(%arg9 : memref<25x128xf32, #tpu.memory_space<vmem>>) dst(%dma_wait3A_1313 : memref<25x128xf32, #tpu.memory_space<vmem_shared>>)
      tpu.yield
    }) : () -> ()
    %add3A_1232 = arith.constant 400 : i32
    %add3A_1233 = arith.addi %mul3A_1200, %add3A_1232 : i32
    "tpu.region"() ({
      %run_scoped3A = tpu.sem_alloc : memref<!tpu.dma_semaphore, #tpu.memory_space<semaphore_mem>>
      %dma_start3A = arith.constant 0 : i32
      %dma_start3A_1308 = tpu.memref_slice %arg10[%add3A_1233, %dma_start3A] : memref<10000x128xf32, #tpu.memory_space<vmem_shared>> -> memref<25x128xf32, #tpu.memory_space<vmem_shared>>
      %dma_start3A_1309 = arith.constant 0 : i32
      %dma_start3A_1310 = tpu.memref_slice %arg10[%add3A_1233, %dma_start3A_1309] : memref<10000x128xf32, #tpu.memory_space<vmem_shared>> -> memref<25x128xf32, #tpu.memory_space<vmem_shared>>
      tpu.enqueue_dma source(%arg9 : memref<25x128xf32, #tpu.memory_space<vmem>>) target(%dma_start3A_1310 : memref<25x128xf32, #tpu.memory_space<vmem_shared>>) target_semaphore(%run_scoped3A : memref<!tpu.dma_semaphore, #tpu.memory_space<semaphore_mem>>)
      %dma_wait3A = arith.constant 0 : i32
      %dma_wait3A_1311 = tpu.memref_slice %arg10[%add3A_1233, %dma_wait3A] : memref<10000x128xf32, #tpu.memory_space<vmem_shared>> -> memref<25x128xf32, #tpu.memory_space<vmem_shared>>
      %dma_wait3A_1312 = arith.constant 0 : i32
      %dma_wait3A_1313 = tpu.memref_slice %arg10[%add3A_1233, %dma_wait3A_1312] : memref<10000x128xf32, #tpu.memory_space<vmem_shared>> -> memref<25x128xf32, #tpu.memory_space<vmem_shared>>
      tpu.wait_dma2 semaphore(%run_scoped3A : memref<!tpu.dma_semaphore, #tpu.memory_space<semaphore_mem>>) src(%arg9 : memref<25x128xf32, #tpu.memory_space<vmem>>) dst(%dma_wait3A_1313 : memref<25x128xf32, #tpu.memory_space<vmem_shared>>)
      tpu.yield
    }) : () -> ()
    %add3A_1234 = arith.constant 425 : i32
    %add3A_1235 = arith.addi %mul3A_1200, %add3A_1234 : i32
    "tpu.region"() ({
      %run_scoped3A = tpu.sem_alloc : memref<!tpu.dma_semaphore, #tpu.memory_space<semaphore_mem>>
      %dma_start3A = arith.constant 0 : i32
      %dma_start3A_1308 = tpu.memref_slice %arg10[%add3A_1235, %dma_start3A] : memref<10000x128xf32, #tpu.memory_space<vmem_shared>> -> memref<25x128xf32, #tpu.memory_space<vmem_shared>>
      %dma_start3A_1309 = arith.constant 0 : i32
      %dma_start3A_1310 = tpu.memref_slice %arg10[%add3A_1235, %dma_start3A_1309] : memref<10000x128xf32, #tpu.memory_space<vmem_shared>> -> memref<25x128xf32, #tpu.memory_space<vmem_shared>>
      tpu.enqueue_dma source(%arg9 : memref<25x128xf32, #tpu.memory_space<vmem>>) target(%dma_start3A_1310 : memref<25x128xf32, #tpu.memory_space<vmem_shared>>) target_semaphore(%run_scoped3A : memref<!tpu.dma_semaphore, #tpu.memory_space<semaphore_mem>>)
      %dma_wait3A = arith.constant 0 : i32
      %dma_wait3A_1311 = tpu.memref_slice %arg10[%add3A_1235, %dma_wait3A] : memref<10000x128xf32, #tpu.memory_space<vmem_shared>> -> memref<25x128xf32, #tpu.memory_space<vmem_shared>>
      %dma_wait3A_1312 = arith.constant 0 : i32
      %dma_wait3A_1313 = tpu.memref_slice %arg10[%add3A_1235, %dma_wait3A_1312] : memref<10000x128xf32, #tpu.memory_space<vmem_shared>> -> memref<25x128xf32, #tpu.memory_space<vmem_shared>>
      tpu.wait_dma2 semaphore(%run_scoped3A : memref<!tpu.dma_semaphore, #tpu.memory_space<semaphore_mem>>) src(%arg9 : memref<25x128xf32, #tpu.memory_space<vmem>>) dst(%dma_wait3A_1313 : memref<25x128xf32, #tpu.memory_space<vmem_shared>>)
      tpu.yield
    }) : () -> ()
    %add3A_1236 = arith.constant 450 : i32
    %add3A_1237 = arith.addi %mul3A_1200, %add3A_1236 : i32
    "tpu.region"() ({
      %run_scoped3A = tpu.sem_alloc : memref<!tpu.dma_semaphore, #tpu.memory_space<semaphore_mem>>
      %dma_start3A = arith.constant 0 : i32
      %dma_start3A_1308 = tpu.memref_slice %arg10[%add3A_1237, %dma_start3A] : memref<10000x128xf32, #tpu.memory_space<vmem_shared>> -> memref<25x128xf32, #tpu.memory_space<vmem_shared>>
      %dma_start3A_1309 = arith.constant 0 : i32
      %dma_start3A_1310 = tpu.memref_slice %arg10[%add3A_1237, %dma_start3A_1309] : memref<10000x128xf32, #tpu.memory_space<vmem_shared>> -> memref<25x128xf32, #tpu.memory_space<vmem_shared>>
      tpu.enqueue_dma source(%arg9 : memref<25x128xf32, #tpu.memory_space<vmem>>) target(%dma_start3A_1310 : memref<25x128xf32, #tpu.memory_space<vmem_shared>>) target_semaphore(%run_scoped3A : memref<!tpu.dma_semaphore, #tpu.memory_space<semaphore_mem>>)
      %dma_wait3A = arith.constant 0 : i32
      %dma_wait3A_1311 = tpu.memref_slice %arg10[%add3A_1237, %dma_wait3A] : memref<10000x128xf32, #tpu.memory_space<vmem_shared>> -> memref<25x128xf32, #tpu.memory_space<vmem_shared>>
      %dma_wait3A_1312 = arith.constant 0 : i32
      %dma_wait3A_1313 = tpu.memref_slice %arg10[%add3A_1237, %dma_wait3A_1312] : memref<10000x128xf32, #tpu.memory_space<vmem_shared>> -> memref<25x128xf32, #tpu.memory_space<vmem_shared>>
      tpu.wait_dma2 semaphore(%run_scoped3A : memref<!tpu.dma_semaphore, #tpu.memory_space<semaphore_mem>>) src(%arg9 : memref<25x128xf32, #tpu.memory_space<vmem>>) dst(%dma_wait3A_1313 : memref<25x128xf32, #tpu.memory_space<vmem_shared>>)
      tpu.yield
    }) : () -> ()
    %add3A_1238 = arith.constant 475 : i32
    %add3A_1239 = arith.addi %mul3A_1200, %add3A_1238 : i32
    "tpu.region"() ({
      %run_scoped3A = tpu.sem_alloc : memref<!tpu.dma_semaphore, #tpu.memory_space<semaphore_mem>>
      %dma_start3A = arith.constant 0 : i32
      %dma_start3A_1308 = tpu.memref_slice %arg10[%add3A_1239, %dma_start3A] : memref<10000x128xf32, #tpu.memory_space<vmem_shared>> -> memref<25x128xf32, #tpu.memory_space<vmem_shared>>
      %dma_start3A_1309 = arith.constant 0 : i32
      %dma_start3A_1310 = tpu.memref_slice %arg10[%add3A_1239, %dma_start3A_1309] : memref<10000x128xf32, #tpu.memory_space<vmem_shared>> -> memref<25x128xf32, #tpu.memory_space<vmem_shared>>
      tpu.enqueue_dma source(%arg9 : memref<25x128xf32, #tpu.memory_space<vmem>>) target(%dma_start3A_1310 : memref<25x128xf32, #tpu.memory_space<vmem_shared>>) target_semaphore(%run_scoped3A : memref<!tpu.dma_semaphore, #tpu.memory_space<semaphore_mem>>)
      %dma_wait3A = arith.constant 0 : i32
      %dma_wait3A_1311 = tpu.memref_slice %arg10[%add3A_1239, %dma_wait3A] : memref<10000x128xf32, #tpu.memory_space<vmem_shared>> -> memref<25x128xf32, #tpu.memory_space<vmem_shared>>
      %dma_wait3A_1312 = arith.constant 0 : i32
      %dma_wait3A_1313 = tpu.memref_slice %arg10[%add3A_1239, %dma_wait3A_1312] : memref<10000x128xf32, #tpu.memory_space<vmem_shared>> -> memref<25x128xf32, #tpu.memory_space<vmem_shared>>
      tpu.wait_dma2 semaphore(%run_scoped3A : memref<!tpu.dma_semaphore, #tpu.memory_space<semaphore_mem>>) src(%arg9 : memref<25x128xf32, #tpu.memory_space<vmem>>) dst(%dma_wait3A_1313 : memref<25x128xf32, #tpu.memory_space<vmem_shared>>)
      tpu.yield
    }) : () -> ()
    %add3A_1240 = arith.constant 500 : i32
    %add3A_1241 = arith.addi %mul3A_1200, %add3A_1240 : i32
    "tpu.region"() ({
      %run_scoped3A = tpu.sem_alloc : memref<!tpu.dma_semaphore, #tpu.memory_space<semaphore_mem>>
      %dma_start3A = arith.constant 0 : i32
      %dma_start3A_1308 = tpu.memref_slice %arg10[%add3A_1241, %dma_start3A] : memref<10000x128xf32, #tpu.memory_space<vmem_shared>> -> memref<25x128xf32, #tpu.memory_space<vmem_shared>>
      %dma_start3A_1309 = arith.constant 0 : i32
      %dma_start3A_1310 = tpu.memref_slice %arg10[%add3A_1241, %dma_start3A_1309] : memref<10000x128xf32, #tpu.memory_space<vmem_shared>> -> memref<25x128xf32, #tpu.memory_space<vmem_shared>>
      tpu.enqueue_dma source(%arg9 : memref<25x128xf32, #tpu.memory_space<vmem>>) target(%dma_start3A_1310 : memref<25x128xf32, #tpu.memory_space<vmem_shared>>) target_semaphore(%run_scoped3A : memref<!tpu.dma_semaphore, #tpu.memory_space<semaphore_mem>>)
      %dma_wait3A = arith.constant 0 : i32
      %dma_wait3A_1311 = tpu.memref_slice %arg10[%add3A_1241, %dma_wait3A] : memref<10000x128xf32, #tpu.memory_space<vmem_shared>> -> memref<25x128xf32, #tpu.memory_space<vmem_shared>>
      %dma_wait3A_1312 = arith.constant 0 : i32
      %dma_wait3A_1313 = tpu.memref_slice %arg10[%add3A_1241, %dma_wait3A_1312] : memref<10000x128xf32, #tpu.memory_space<vmem_shared>> -> memref<25x128xf32, #tpu.memory_space<vmem_shared>>
      tpu.wait_dma2 semaphore(%run_scoped3A : memref<!tpu.dma_semaphore, #tpu.memory_space<semaphore_mem>>) src(%arg9 : memref<25x128xf32, #tpu.memory_space<vmem>>) dst(%dma_wait3A_1313 : memref<25x128xf32, #tpu.memory_space<vmem_shared>>)
      tpu.yield
    }) : () -> ()
    %add3A_1242 = arith.constant 525 : i32
    %add3A_1243 = arith.addi %mul3A_1200, %add3A_1242 : i32
    "tpu.region"() ({
      %run_scoped3A = tpu.sem_alloc : memref<!tpu.dma_semaphore, #tpu.memory_space<semaphore_mem>>
      %dma_start3A = arith.constant 0 : i32
      %dma_start3A_1308 = tpu.memref_slice %arg10[%add3A_1243, %dma_start3A] : memref<10000x128xf32, #tpu.memory_space<vmem_shared>> -> memref<25x128xf32, #tpu.memory_space<vmem_shared>>
      %dma_start3A_1309 = arith.constant 0 : i32
      %dma_start3A_1310 = tpu.memref_slice %arg10[%add3A_1243, %dma_start3A_1309] : memref<10000x128xf32, #tpu.memory_space<vmem_shared>> -> memref<25x128xf32, #tpu.memory_space<vmem_shared>>
      tpu.enqueue_dma source(%arg9 : memref<25x128xf32, #tpu.memory_space<vmem>>) target(%dma_start3A_1310 : memref<25x128xf32, #tpu.memory_space<vmem_shared>>) target_semaphore(%run_scoped3A : memref<!tpu.dma_semaphore, #tpu.memory_space<semaphore_mem>>)
      %dma_wait3A = arith.constant 0 : i32
      %dma_wait3A_1311 = tpu.memref_slice %arg10[%add3A_1243, %dma_wait3A] : memref<10000x128xf32, #tpu.memory_space<vmem_shared>> -> memref<25x128xf32, #tpu.memory_space<vmem_shared>>
      %dma_wait3A_1312 = arith.constant 0 : i32
      %dma_wait3A_1313 = tpu.memref_slice %arg10[%add3A_1243, %dma_wait3A_1312] : memref<10000x128xf32, #tpu.memory_space<vmem_shared>> -> memref<25x128xf32, #tpu.memory_space<vmem_shared>>
      tpu.wait_dma2 semaphore(%run_scoped3A : memref<!tpu.dma_semaphore, #tpu.memory_space<semaphore_mem>>) src(%arg9 : memref<25x128xf32, #tpu.memory_space<vmem>>) dst(%dma_wait3A_1313 : memref<25x128xf32, #tpu.memory_space<vmem_shared>>)
      tpu.yield
    }) : () -> ()
    %add3A_1244 = arith.constant 550 : i32
    %add3A_1245 = arith.addi %mul3A_1200, %add3A_1244 : i32
    "tpu.region"() ({
      %run_scoped3A = tpu.sem_alloc : memref<!tpu.dma_semaphore, #tpu.memory_space<semaphore_mem>>
      %dma_start3A = arith.constant 0 : i32
      %dma_start3A_1308 = tpu.memref_slice %arg10[%add3A_1245, %dma_start3A] : memref<10000x128xf32, #tpu.memory_space<vmem_shared>> -> memref<25x128xf32, #tpu.memory_space<vmem_shared>>
      %dma_start3A_1309 = arith.constant 0 : i32
      %dma_start3A_1310 = tpu.memref_slice %arg10[%add3A_1245, %dma_start3A_1309] : memref<10000x128xf32, #tpu.memory_space<vmem_shared>> -> memref<25x128xf32, #tpu.memory_space<vmem_shared>>
      tpu.enqueue_dma source(%arg9 : memref<25x128xf32, #tpu.memory_space<vmem>>) target(%dma_start3A_1310 : memref<25x128xf32, #tpu.memory_space<vmem_shared>>) target_semaphore(%run_scoped3A : memref<!tpu.dma_semaphore, #tpu.memory_space<semaphore_mem>>)
      %dma_wait3A = arith.constant 0 : i32
      %dma_wait3A_1311 = tpu.memref_slice %arg10[%add3A_1245, %dma_wait3A] : memref<10000x128xf32, #tpu.memory_space<vmem_shared>> -> memref<25x128xf32, #tpu.memory_space<vmem_shared>>
      %dma_wait3A_1312 = arith.constant 0 : i32
      %dma_wait3A_1313 = tpu.memref_slice %arg10[%add3A_1245, %dma_wait3A_1312] : memref<10000x128xf32, #tpu.memory_space<vmem_shared>> -> memref<25x128xf32, #tpu.memory_space<vmem_shared>>
      tpu.wait_dma2 semaphore(%run_scoped3A : memref<!tpu.dma_semaphore, #tpu.memory_space<semaphore_mem>>) src(%arg9 : memref<25x128xf32, #tpu.memory_space<vmem>>) dst(%dma_wait3A_1313 : memref<25x128xf32, #tpu.memory_space<vmem_shared>>)
      tpu.yield
    }) : () -> ()
    %add3A_1246 = arith.constant 575 : i32
    %add3A_1247 = arith.addi %mul3A_1200, %add3A_1246 : i32
    "tpu.region"() ({
      %run_scoped3A = tpu.sem_alloc : memref<!tpu.dma_semaphore, #tpu.memory_space<semaphore_mem>>
      %dma_start3A = arith.constant 0 : i32
      %dma_start3A_1308 = tpu.memref_slice %arg10[%add3A_1247, %dma_start3A] : memref<10000x128xf32, #tpu.memory_space<vmem_shared>> -> memref<25x128xf32, #tpu.memory_space<vmem_shared>>
      %dma_start3A_1309 = arith.constant 0 : i32
      %dma_start3A_1310 = tpu.memref_slice %arg10[%add3A_1247, %dma_start3A_1309] : memref<10000x128xf32, #tpu.memory_space<vmem_shared>> -> memref<25x128xf32, #tpu.memory_space<vmem_shared>>
      tpu.enqueue_dma source(%arg9 : memref<25x128xf32, #tpu.memory_space<vmem>>) target(%dma_start3A_1310 : memref<25x128xf32, #tpu.memory_space<vmem_shared>>) target_semaphore(%run_scoped3A : memref<!tpu.dma_semaphore, #tpu.memory_space<semaphore_mem>>)
      %dma_wait3A = arith.constant 0 : i32
      %dma_wait3A_1311 = tpu.memref_slice %arg10[%add3A_1247, %dma_wait3A] : memref<10000x128xf32, #tpu.memory_space<vmem_shared>> -> memref<25x128xf32, #tpu.memory_space<vmem_shared>>
      %dma_wait3A_1312 = arith.constant 0 : i32
      %dma_wait3A_1313 = tpu.memref_slice %arg10[%add3A_1247, %dma_wait3A_1312] : memref<10000x128xf32, #tpu.memory_space<vmem_shared>> -> memref<25x128xf32, #tpu.memory_space<vmem_shared>>
      tpu.wait_dma2 semaphore(%run_scoped3A : memref<!tpu.dma_semaphore, #tpu.memory_space<semaphore_mem>>) src(%arg9 : memref<25x128xf32, #tpu.memory_space<vmem>>) dst(%dma_wait3A_1313 : memref<25x128xf32, #tpu.memory_space<vmem_shared>>)
      tpu.yield
    }) : () -> ()
    %add3A_1248 = arith.constant 600 : i32
    %add3A_1249 = arith.addi %mul3A_1200, %add3A_1248 : i32
    "tpu.region"() ({
      %run_scoped3A = tpu.sem_alloc : memref<!tpu.dma_semaphore, #tpu.memory_space<semaphore_mem>>
      %dma_start3A = arith.constant 0 : i32
      %dma_start3A_1308 = tpu.memref_slice %arg10[%add3A_1249, %dma_start3A] : memref<10000x128xf32, #tpu.memory_space<vmem_shared>> -> memref<25x128xf32, #tpu.memory_space<vmem_shared>>
      %dma_start3A_1309 = arith.constant 0 : i32
      %dma_start3A_1310 = tpu.memref_slice %arg10[%add3A_1249, %dma_start3A_1309] : memref<10000x128xf32, #tpu.memory_space<vmem_shared>> -> memref<25x128xf32, #tpu.memory_space<vmem_shared>>
      tpu.enqueue_dma source(%arg9 : memref<25x128xf32, #tpu.memory_space<vmem>>) target(%dma_start3A_1310 : memref<25x128xf32, #tpu.memory_space<vmem_shared>>) target_semaphore(%run_scoped3A : memref<!tpu.dma_semaphore, #tpu.memory_space<semaphore_mem>>)
      %dma_wait3A = arith.constant 0 : i32
      %dma_wait3A_1311 = tpu.memref_slice %arg10[%add3A_1249, %dma_wait3A] : memref<10000x128xf32, #tpu.memory_space<vmem_shared>> -> memref<25x128xf32, #tpu.memory_space<vmem_shared>>
      %dma_wait3A_1312 = arith.constant 0 : i32
      %dma_wait3A_1313 = tpu.memref_slice %arg10[%add3A_1249, %dma_wait3A_1312] : memref<10000x128xf32, #tpu.memory_space<vmem_shared>> -> memref<25x128xf32, #tpu.memory_space<vmem_shared>>
      tpu.wait_dma2 semaphore(%run_scoped3A : memref<!tpu.dma_semaphore, #tpu.memory_space<semaphore_mem>>) src(%arg9 : memref<25x128xf32, #tpu.memory_space<vmem>>) dst(%dma_wait3A_1313 : memref<25x128xf32, #tpu.memory_space<vmem_shared>>)
      tpu.yield
    }) : () -> ()
    %barrier3A = arith.constant 0 : index
    tpu.barrier barrier_id(%barrier3A)
    %mul3A_1250 = arith.constant 250 : i32
    %mul3A_1251 = arith.muli %arg1, %mul3A_1250 : i32
    %scan3A = arith.constant 0 : i32
    %scan3A_1252 = arith.constant 0 : i32
    %scan3A_1253 = arith.constant 10 : i32
    %scan3A_1254 = arith.addi %scan3A_1252, %scan3A_1253 : i32
    %scan3A_1255 = arith.constant 1 : i32
    scf.for %scan3A_1308 = %scan3A_1252 to %scan3A_1254 step %scan3A_1255  : i32 {
      %mul3A_1309 = arith.constant 25 : i32
      %mul3A_1310 = arith.muli %scan3A_1308, %mul3A_1309 : i32
      %add3A_1311 = arith.addi %mul3A_1251, %mul3A_1310 : i32
      "tpu.region"() ({
        %run_scoped3A_1684 = tpu.sem_alloc : memref<!tpu.dma_semaphore, #tpu.memory_space<semaphore_mem>>
        %dma_start3A_1685 = arith.constant 0 : i32
        %dma_start3A_1686 = tpu.memref_slice %arg3[%arg0, %add3A_1311, %dma_start3A_1685] : memref<2x4000x80xi32, #tpu.memory_space<hbm>> -> memref<1x25x80xi32, #tpu.memory_space<hbm>>
        %dma_start3A_1687 = tpu.memref_squeeze %dma_start3A_1686 : memref<1x25x80xi32, #tpu.memory_space<hbm>> -> memref<25x80xi32, #tpu.memory_space<hbm>>
        %dma_start3A_1688 = arith.constant 0 : i32
        %dma_start3A_1689 = tpu.memref_slice %arg3[%arg0, %add3A_1311, %dma_start3A_1688] : memref<2x4000x80xi32, #tpu.memory_space<hbm>> -> memref<1x25x80xi32, #tpu.memory_space<hbm>>
        %dma_start3A_1690 = tpu.memref_squeeze %dma_start3A_1689 : memref<1x25x80xi32, #tpu.memory_space<hbm>> -> memref<25x80xi32, #tpu.memory_space<hbm>>
        tpu.enqueue_dma source(%dma_start3A_1690 : memref<25x80xi32, #tpu.memory_space<hbm>>) target(%arg6 : memref<25x80xi32, #tpu.memory_space<vmem>>) target_semaphore(%run_scoped3A_1684 : memref<!tpu.dma_semaphore, #tpu.memory_space<semaphore_mem>>)
        %dma_wait3A_1691 = arith.constant 0 : i32
        %dma_wait3A_1692 = tpu.memref_slice %arg3[%arg0, %add3A_1311, %dma_wait3A_1691] : memref<2x4000x80xi32, #tpu.memory_space<hbm>> -> memref<1x25x80xi32, #tpu.memory_space<hbm>>
        %dma_wait3A_1693 = tpu.memref_squeeze %dma_wait3A_1692 : memref<1x25x80xi32, #tpu.memory_space<hbm>> -> memref<25x80xi32, #tpu.memory_space<hbm>>
        %dma_wait3A_1694 = arith.constant 0 : i32
        %dma_wait3A_1695 = tpu.memref_slice %arg3[%arg0, %add3A_1311, %dma_wait3A_1694] : memref<2x4000x80xi32, #tpu.memory_space<hbm>> -> memref<1x25x80xi32, #tpu.memory_space<hbm>>
        %dma_wait3A_1696 = tpu.memref_squeeze %dma_wait3A_1695 : memref<1x25x80xi32, #tpu.memory_space<hbm>> -> memref<25x80xi32, #tpu.memory_space<hbm>>
        tpu.wait_dma2 semaphore(%run_scoped3A_1684 : memref<!tpu.dma_semaphore, #tpu.memory_space<semaphore_mem>>) src(%dma_wait3A_1696 : memref<25x80xi32, #tpu.memory_space<hbm>>) dst(%arg6 : memref<25x80xi32, #tpu.memory_space<vmem>>)
        tpu.yield
      }) : () -> ()
      "tpu.region"() ({
        %run_scoped3A_1684 = tpu.sem_alloc : memref<!tpu.dma_semaphore, #tpu.memory_space<semaphore_mem>>
        %dma_start3A_1685 = arith.constant 0 : i32
        %dma_start3A_1686 = tpu.memref_slice %arg4[%arg0, %add3A_1311, %dma_start3A_1685] : memref<2x4000x80xi32, #tpu.memory_space<hbm>> -> memref<1x25x80xi32, #tpu.memory_space<hbm>>
        %dma_start3A_1687 = tpu.memref_squeeze %dma_start3A_1686 : memref<1x25x80xi32, #tpu.memory_space<hbm>> -> memref<25x80xi32, #tpu.memory_space<hbm>>
        %dma_start3A_1688 = arith.constant 0 : i32
        %dma_start3A_1689 = tpu.memref_slice %arg4[%arg0, %add3A_1311, %dma_start3A_1688] : memref<2x4000x80xi32, #tpu.memory_space<hbm>> -> memref<1x25x80xi32, #tpu.memory_space<hbm>>
        %dma_start3A_1690 = tpu.memref_squeeze %dma_start3A_1689 : memref<1x25x80xi32, #tpu.memory_space<hbm>> -> memref<25x80xi32, #tpu.memory_space<hbm>>
        tpu.enqueue_dma source(%dma_start3A_1690 : memref<25x80xi32, #tpu.memory_space<hbm>>) target(%arg7 : memref<25x80xi32, #tpu.memory_space<vmem>>) target_semaphore(%run_scoped3A_1684 : memref<!tpu.dma_semaphore, #tpu.memory_space<semaphore_mem>>)
        %dma_wait3A_1691 = arith.constant 0 : i32
        %dma_wait3A_1692 = tpu.memref_slice %arg4[%arg0, %add3A_1311, %dma_wait3A_1691] : memref<2x4000x80xi32, #tpu.memory_space<hbm>> -> memref<1x25x80xi32, #tpu.memory_space<hbm>>
        %dma_wait3A_1693 = tpu.memref_squeeze %dma_wait3A_1692 : memref<1x25x80xi32, #tpu.memory_space<hbm>> -> memref<25x80xi32, #tpu.memory_space<hbm>>
        %dma_wait3A_1694 = arith.constant 0 : i32
        %dma_wait3A_1695 = tpu.memref_slice %arg4[%arg0, %add3A_1311, %dma_wait3A_1694] : memref<2x4000x80xi32, #tpu.memory_space<hbm>> -> memref<1x25x80xi32, #tpu.memory_space<hbm>>
        %dma_wait3A_1696 = tpu.memref_squeeze %dma_wait3A_1695 : memref<1x25x80xi32, #tpu.memory_space<hbm>> -> memref<25x80xi32, #tpu.memory_space<hbm>>
        tpu.wait_dma2 semaphore(%run_scoped3A_1684 : memref<!tpu.dma_semaphore, #tpu.memory_space<semaphore_mem>>) src(%dma_wait3A_1696 : memref<25x80xi32, #tpu.memory_space<hbm>>) dst(%arg7 : memref<25x80xi32, #tpu.memory_space<vmem>>)
        tpu.yield
      }) : () -> ()
      %dma_start3A = arith.constant 0 : i32
      %dma_start3A_1312 = arith.constant 0 : i32
      %dma_start3A_1313 = tpu.memref_slice %arg6[%dma_start3A, %dma_start3A_1312] : memref<25x80xi32, #tpu.memory_space<vmem>> -> memref<1x80xi32, #tpu.memory_space<vmem>>
      %dma_start3A_1314 = tpu.memref_squeeze %dma_start3A_1313 : memref<1x80xi32, #tpu.memory_space<vmem>> -> memref<80xi32, #tpu.memory_space<vmem>>
      %dma_start3A_1315 = arith.constant 0 : i32
      %dma_start3A_1316 = arith.constant 0 : i32
      %dma_start3A_1317 = tpu.memref_slice %arg2[%dma_start3A_1315, %dma_start3A_1316] : memref<20000x128xf32, #tpu.memory_space<hbm>> -> memref<20000x128xf32, #tpu.memory_space<hbm>>
      tpu.enqueue_indirect_dma source(%dma_start3A_1317 : memref<20000x128xf32, #tpu.memory_space<hbm>>) target(%arg8 : memref<80x128xf32, #tpu.memory_space<vmem>>) offsets(%dma_start3A_1314 : memref<80xi32, #tpu.memory_space<vmem>>) semaphore(%arg11 : memref<!tpu.dma_semaphore, #tpu.memory_space<semaphore_mem>>)
      %dma_wait3A = arith.constant 0 : i32
      %dma_wait3A_1318 = arith.constant 0 : i32
      %dma_wait3A_1319 = tpu.memref_slice %arg6[%dma_wait3A, %dma_wait3A_1318] : memref<25x80xi32, #tpu.memory_space<vmem>> -> memref<1x80xi32, #tpu.memory_space<vmem>>
      %dma_wait3A_1320 = tpu.memref_squeeze %dma_wait3A_1319 : memref<1x80xi32, #tpu.memory_space<vmem>> -> memref<80xi32, #tpu.memory_space<vmem>>
      %dma_wait3A_1321 = arith.constant 0 : i32
      %dma_wait3A_1322 = arith.constant 0 : i32
      %dma_wait3A_1323 = tpu.memref_slice %arg2[%dma_wait3A_1321, %dma_wait3A_1322] : memref<20000x128xf32, #tpu.memory_space<hbm>> -> memref<20000x128xf32, #tpu.memory_space<hbm>>
      tpu.wait_indirect_dma semaphore(%arg11 : memref<!tpu.dma_semaphore, #tpu.memory_space<semaphore_mem>>) src(%dma_wait3A_1323 : memref<20000x128xf32, #tpu.memory_space<hbm>>) dst(%arg8 : memref<80x128xf32, #tpu.memory_space<vmem>>)
      %run_scoped3A = arith.constant 0 : i32
      "tpu.region"() ({
        %run_scoped3A_1684 = tpu.sem_alloc : memref<!tpu.dma_semaphore, #tpu.memory_space<semaphore_mem>>
        %dma_start3A_1685 = arith.constant 0 : i32
        %dma_start3A_1686 = tpu.memref_slice %arg7[%run_scoped3A, %dma_start3A_1685] : memref<25x80xi32, #tpu.memory_space<vmem>> -> memref<1x80xi32, #tpu.memory_space<vmem>>
        %dma_start3A_1687 = tpu.memref_squeeze %dma_start3A_1686 : memref<1x80xi32, #tpu.memory_space<vmem>> -> memref<80xi32, #tpu.memory_space<vmem>>
        %dma_start3A_1688 = arith.constant 0 : i32
        %dma_start3A_1689 = arith.constant 0 : i32
        %dma_start3A_1690 = tpu.memref_slice %arg10[%dma_start3A_1688, %dma_start3A_1689] : memref<10000x128xf32, #tpu.memory_space<vmem_shared>> -> memref<10000x128xf32, #tpu.memory_space<vmem_shared>>
        tpu.enqueue_indirect_dma source(%arg8 : memref<80x128xf32, #tpu.memory_space<vmem>>) target(%dma_start3A_1690 : memref<10000x128xf32, #tpu.memory_space<vmem_shared>>) offsets(%dma_start3A_1687 : memref<80xi32, #tpu.memory_space<vmem>>) semaphore(%run_scoped3A_1684 : memref<!tpu.dma_semaphore, #tpu.memory_space<semaphore_mem>>) {add = true}
        %dma_wait3A_1691 = arith.constant 0 : i32
        %dma_wait3A_1692 = tpu.memref_slice %arg7[%run_scoped3A, %dma_wait3A_1691] : memref<25x80xi32, #tpu.memory_space<vmem>> -> memref<1x80xi32, #tpu.memory_space<vmem>>
        %dma_wait3A_1693 = tpu.memref_squeeze %dma_wait3A_1692 : memref<1x80xi32, #tpu.memory_space<vmem>> -> memref<80xi32, #tpu.memory_space<vmem>>
        %dma_wait3A_1694 = arith.constant 0 : i32
        %dma_wait3A_1695 = arith.constant 0 : i32
        %dma_wait3A_1696 = tpu.memref_slice %arg10[%dma_wait3A_1694, %dma_wait3A_1695] : memref<10000x128xf32, #tpu.memory_space<vmem_shared>> -> memref<10000x128xf32, #tpu.memory_space<vmem_shared>>
        tpu.wait_indirect_dma semaphore(%run_scoped3A_1684 : memref<!tpu.dma_semaphore, #tpu.memory_space<semaphore_mem>>) src(%arg8 : memref<80x128xf32, #tpu.memory_space<vmem>>) dst(%dma_wait3A_1696 : memref<10000x128xf32, #tpu.memory_space<vmem_shared>>)
        tpu.yield
      }) : () -> ()
      %dma_start3A_1324 = arith.constant 1 : i32
      %dma_start3A_1325 = arith.constant 0 : i32
      %dma_start3A_1326 = tpu.memref_slice %arg6[%dma_start3A_1324, %dma_start3A_1325] : memref<25x80xi32, #tpu.memory_space<vmem>> -> memref<1x80xi32, #tpu.memory_space<vmem>>
      %dma_start3A_1327 = tpu.memref_squeeze %dma_start3A_1326 : memref<1x80xi32, #tpu.memory_space<vmem>> -> memref<80xi32, #tpu.memory_space<vmem>>
      %dma_start3A_1328 = arith.constant 0 : i32
      %dma_start3A_1329 = arith.constant 0 : i32
      %dma_start3A_1330 = tpu.memref_slice %arg2[%dma_start3A_1328, %dma_start3A_1329] : memref<20000x128xf32, #tpu.memory_space<hbm>> -> memref<20000x128xf32, #tpu.memory_space<hbm>>
      tpu.enqueue_indirect_dma source(%dma_start3A_1330 : memref<20000x128xf32, #tpu.memory_space<hbm>>) target(%arg8 : memref<80x128xf32, #tpu.memory_space<vmem>>) offsets(%dma_start3A_1327 : memref<80xi32, #tpu.memory_space<vmem>>) semaphore(%arg11 : memref<!tpu.dma_semaphore, #tpu.memory_space<semaphore_mem>>)
      %dma_wait3A_1331 = arith.constant 1 : i32
      %dma_wait3A_1332 = arith.constant 0 : i32
      %dma_wait3A_1333 = tpu.memref_slice %arg6[%dma_wait3A_1331, %dma_wait3A_1332] : memref<25x80xi32, #tpu.memory_space<vmem>> -> memref<1x80xi32, #tpu.memory_space<vmem>>
      %dma_wait3A_1334 = tpu.memref_squeeze %dma_wait3A_1333 : memref<1x80xi32, #tpu.memory_space<vmem>> -> memref<80xi32, #tpu.memory_space<vmem>>
      %dma_wait3A_1335 = arith.constant 0 : i32
      %dma_wait3A_1336 = arith.constant 0 : i32
      %dma_wait3A_1337 = tpu.memref_slice %arg2[%dma_wait3A_1335, %dma_wait3A_1336] : memref<20000x128xf32, #tpu.memory_space<hbm>> -> memref<20000x128xf32, #tpu.memory_space<hbm>>
      tpu.wait_indirect_dma semaphore(%arg11 : memref<!tpu.dma_semaphore, #tpu.memory_space<semaphore_mem>>) src(%dma_wait3A_1337 : memref<20000x128xf32, #tpu.memory_space<hbm>>) dst(%arg8 : memref<80x128xf32, #tpu.memory_space<vmem>>)
      %run_scoped3A_1338 = arith.constant 1 : i32
      "tpu.region"() ({
        %run_scoped3A_1684 = tpu.sem_alloc : memref<!tpu.dma_semaphore, #tpu.memory_space<semaphore_mem>>
        %dma_start3A_1685 = arith.constant 0 : i32
        %dma_start3A_1686 = tpu.memref_slice %arg7[%run_scoped3A_1338, %dma_start3A_1685] : memref<25x80xi32, #tpu.memory_space<vmem>> -> memref<1x80xi32, #tpu.memory_space<vmem>>
        %dma_start3A_1687 = tpu.memref_squeeze %dma_start3A_1686 : memref<1x80xi32, #tpu.memory_space<vmem>> -> memref<80xi32, #tpu.memory_space<vmem>>
        %dma_start3A_1688 = arith.constant 0 : i32
        %dma_start3A_1689 = arith.constant 0 : i32
        %dma_start3A_1690 = tpu.memref_slice %arg10[%dma_start3A_1688, %dma_start3A_1689] : memref<10000x128xf32, #tpu.memory_space<vmem_shared>> -> memref<10000x128xf32, #tpu.memory_space<vmem_shared>>
        tpu.enqueue_indirect_dma source(%arg8 : memref<80x128xf32, #tpu.memory_space<vmem>>) target(%dma_start3A_1690 : memref<10000x128xf32, #tpu.memory_space<vmem_shared>>) offsets(%dma_start3A_1687 : memref<80xi32, #tpu.memory_space<vmem>>) semaphore(%run_scoped3A_1684 : memref<!tpu.dma_semaphore, #tpu.memory_space<semaphore_mem>>) {add = true}
        %dma_wait3A_1691 = arith.constant 0 : i32
        %dma_wait3A_1692 = tpu.memref_slice %arg7[%run_scoped3A_1338, %dma_wait3A_1691] : memref<25x80xi32, #tpu.memory_space<vmem>> -> memref<1x80xi32, #tpu.memory_space<vmem>>
        %dma_wait3A_1693 = tpu.memref_squeeze %dma_wait3A_1692 : memref<1x80xi32, #tpu.memory_space<vmem>> -> memref<80xi32, #tpu.memory_space<vmem>>
        %dma_wait3A_1694 = arith.constant 0 : i32
        %dma_wait3A_1695 = arith.constant 0 : i32
        %dma_wait3A_1696 = tpu.memref_slice %arg10[%dma_wait3A_1694, %dma_wait3A_1695] : memref<10000x128xf32, #tpu.memory_space<vmem_shared>> -> memref<10000x128xf32, #tpu.memory_space<vmem_shared>>
        tpu.wait_indirect_dma semaphore(%run_scoped3A_1684 : memref<!tpu.dma_semaphore, #tpu.memory_space<semaphore_mem>>) src(%arg8 : memref<80x128xf32, #tpu.memory_space<vmem>>) dst(%dma_wait3A_1696 : memref<10000x128xf32, #tpu.memory_space<vmem_shared>>)
        tpu.yield
      }) : () -> ()
      %dma_start3A_1339 = arith.constant 2 : i32
      %dma_start3A_1340 = arith.constant 0 : i32
      %dma_start3A_1341 = tpu.memref_slice %arg6[%dma_start3A_1339, %dma_start3A_1340] : memref<25x80xi32, #tpu.memory_space<vmem>> -> memref<1x80xi32, #tpu.memory_space<vmem>>
      %dma_start3A_1342 = tpu.memref_squeeze %dma_start3A_1341 : memref<1x80xi32, #tpu.memory_space<vmem>> -> memref<80xi32, #tpu.memory_space<vmem>>
      %dma_start3A_1343 = arith.constant 0 : i32
      %dma_start3A_1344 = arith.constant 0 : i32
      %dma_start3A_1345 = tpu.memref_slice %arg2[%dma_start3A_1343, %dma_start3A_1344] : memref<20000x128xf32, #tpu.memory_space<hbm>> -> memref<20000x128xf32, #tpu.memory_space<hbm>>
      tpu.enqueue_indirect_dma source(%dma_start3A_1345 : memref<20000x128xf32, #tpu.memory_space<hbm>>) target(%arg8 : memref<80x128xf32, #tpu.memory_space<vmem>>) offsets(%dma_start3A_1342 : memref<80xi32, #tpu.memory_space<vmem>>) semaphore(%arg11 : memref<!tpu.dma_semaphore, #tpu.memory_space<semaphore_mem>>)
      %dma_wait3A_1346 = arith.constant 2 : i32
      %dma_wait3A_1347 = arith.constant 0 : i32
      %dma_wait3A_1348 = tpu.memref_slice %arg6[%dma_wait3A_1346, %dma_wait3A_1347] : memref<25x80xi32, #tpu.memory_space<vmem>> -> memref<1x80xi32, #tpu.memory_space<vmem>>
      %dma_wait3A_1349 = tpu.memref_squeeze %dma_wait3A_1348 : memref<1x80xi32, #tpu.memory_space<vmem>> -> memref<80xi32, #tpu.memory_space<vmem>>
      %dma_wait3A_1350 = arith.constant 0 : i32
      %dma_wait3A_1351 = arith.constant 0 : i32
      %dma_wait3A_1352 = tpu.memref_slice %arg2[%dma_wait3A_1350, %dma_wait3A_1351] : memref<20000x128xf32, #tpu.memory_space<hbm>> -> memref<20000x128xf32, #tpu.memory_space<hbm>>
      tpu.wait_indirect_dma semaphore(%arg11 : memref<!tpu.dma_semaphore, #tpu.memory_space<semaphore_mem>>) src(%dma_wait3A_1352 : memref<20000x128xf32, #tpu.memory_space<hbm>>) dst(%arg8 : memref<80x128xf32, #tpu.memory_space<vmem>>)
      %run_scoped3A_1353 = arith.constant 2 : i32
      "tpu.region"() ({
        %run_scoped3A_1684 = tpu.sem_alloc : memref<!tpu.dma_semaphore, #tpu.memory_space<semaphore_mem>>
        %dma_start3A_1685 = arith.constant 0 : i32
        %dma_start3A_1686 = tpu.memref_slice %arg7[%run_scoped3A_1353, %dma_start3A_1685] : memref<25x80xi32, #tpu.memory_space<vmem>> -> memref<1x80xi32, #tpu.memory_space<vmem>>
        %dma_start3A_1687 = tpu.memref_squeeze %dma_start3A_1686 : memref<1x80xi32, #tpu.memory_space<vmem>> -> memref<80xi32, #tpu.memory_space<vmem>>
        %dma_start3A_1688 = arith.constant 0 : i32
        %dma_start3A_1689 = arith.constant 0 : i32
        %dma_start3A_1690 = tpu.memref_slice %arg10[%dma_start3A_1688, %dma_start3A_1689] : memref<10000x128xf32, #tpu.memory_space<vmem_shared>> -> memref<10000x128xf32, #tpu.memory_space<vmem_shared>>
        tpu.enqueue_indirect_dma source(%arg8 : memref<80x128xf32, #tpu.memory_space<vmem>>) target(%dma_start3A_1690 : memref<10000x128xf32, #tpu.memory_space<vmem_shared>>) offsets(%dma_start3A_1687 : memref<80xi32, #tpu.memory_space<vmem>>) semaphore(%run_scoped3A_1684 : memref<!tpu.dma_semaphore, #tpu.memory_space<semaphore_mem>>) {add = true}
        %dma_wait3A_1691 = arith.constant 0 : i32
        %dma_wait3A_1692 = tpu.memref_slice %arg7[%run_scoped3A_1353, %dma_wait3A_1691] : memref<25x80xi32, #tpu.memory_space<vmem>> -> memref<1x80xi32, #tpu.memory_space<vmem>>
        %dma_wait3A_1693 = tpu.memref_squeeze %dma_wait3A_1692 : memref<1x80xi32, #tpu.memory_space<vmem>> -> memref<80xi32, #tpu.memory_space<vmem>>
        %dma_wait3A_1694 = arith.constant 0 : i32
        %dma_wait3A_1695 = arith.constant 0 : i32
        %dma_wait3A_1696 = tpu.memref_slice %arg10[%dma_wait3A_1694, %dma_wait3A_1695] : memref<10000x128xf32, #tpu.memory_space<vmem_shared>> -> memref<10000x128xf32, #tpu.memory_space<vmem_shared>>
        tpu.wait_indirect_dma semaphore(%run_scoped3A_1684 : memref<!tpu.dma_semaphore, #tpu.memory_space<semaphore_mem>>) src(%arg8 : memref<80x128xf32, #tpu.memory_space<vmem>>) dst(%dma_wait3A_1696 : memref<10000x128xf32, #tpu.memory_space<vmem_shared>>)
        tpu.yield
      }) : () -> ()
      %dma_start3A_1354 = arith.constant 3 : i32
      %dma_start3A_1355 = arith.constant 0 : i32
      %dma_start3A_1356 = tpu.memref_slice %arg6[%dma_start3A_1354, %dma_start3A_1355] : memref<25x80xi32, #tpu.memory_space<vmem>> -> memref<1x80xi32, #tpu.memory_space<vmem>>
      %dma_start3A_1357 = tpu.memref_squeeze %dma_start3A_1356 : memref<1x80xi32, #tpu.memory_space<vmem>> -> memref<80xi32, #tpu.memory_space<vmem>>
      %dma_start3A_1358 = arith.constant 0 : i32
      %dma_start3A_1359 = arith.constant 0 : i32
      %dma_start3A_1360 = tpu.memref_slice %arg2[%dma_start3A_1358, %dma_start3A_1359] : memref<20000x128xf32, #tpu.memory_space<hbm>> -> memref<20000x128xf32, #tpu.memory_space<hbm>>
      tpu.enqueue_indirect_dma source(%dma_start3A_1360 : memref<20000x128xf32, #tpu.memory_space<hbm>>) target(%arg8 : memref<80x128xf32, #tpu.memory_space<vmem>>) offsets(%dma_start3A_1357 : memref<80xi32, #tpu.memory_space<vmem>>) semaphore(%arg11 : memref<!tpu.dma_semaphore, #tpu.memory_space<semaphore_mem>>)
      %dma_wait3A_1361 = arith.constant 3 : i32
      %dma_wait3A_1362 = arith.constant 0 : i32
      %dma_wait3A_1363 = tpu.memref_slice %arg6[%dma_wait3A_1361, %dma_wait3A_1362] : memref<25x80xi32, #tpu.memory_space<vmem>> -> memref<1x80xi32, #tpu.memory_space<vmem>>
      %dma_wait3A_1364 = tpu.memref_squeeze %dma_wait3A_1363 : memref<1x80xi32, #tpu.memory_space<vmem>> -> memref<80xi32, #tpu.memory_space<vmem>>
      %dma_wait3A_1365 = arith.constant 0 : i32
      %dma_wait3A_1366 = arith.constant 0 : i32
      %dma_wait3A_1367 = tpu.memref_slice %arg2[%dma_wait3A_1365, %dma_wait3A_1366] : memref<20000x128xf32, #tpu.memory_space<hbm>> -> memref<20000x128xf32, #tpu.memory_space<hbm>>
      tpu.wait_indirect_dma semaphore(%arg11 : memref<!tpu.dma_semaphore, #tpu.memory_space<semaphore_mem>>) src(%dma_wait3A_1367 : memref<20000x128xf32, #tpu.memory_space<hbm>>) dst(%arg8 : memref<80x128xf32, #tpu.memory_space<vmem>>)
      %run_scoped3A_1368 = arith.constant 3 : i32
      "tpu.region"() ({
        %run_scoped3A_1684 = tpu.sem_alloc : memref<!tpu.dma_semaphore, #tpu.memory_space<semaphore_mem>>
        %dma_start3A_1685 = arith.constant 0 : i32
        %dma_start3A_1686 = tpu.memref_slice %arg7[%run_scoped3A_1368, %dma_start3A_1685] : memref<25x80xi32, #tpu.memory_space<vmem>> -> memref<1x80xi32, #tpu.memory_space<vmem>>
        %dma_start3A_1687 = tpu.memref_squeeze %dma_start3A_1686 : memref<1x80xi32, #tpu.memory_space<vmem>> -> memref<80xi32, #tpu.memory_space<vmem>>
        %dma_start3A_1688 = arith.constant 0 : i32
        %dma_start3A_1689 = arith.constant 0 : i32
        %dma_start3A_1690 = tpu.memref_slice %arg10[%dma_start3A_1688, %dma_start3A_1689] : memref<10000x128xf32, #tpu.memory_space<vmem_shared>> -> memref<10000x128xf32, #tpu.memory_space<vmem_shared>>
        tpu.enqueue_indirect_dma source(%arg8 : memref<80x128xf32, #tpu.memory_space<vmem>>) target(%dma_start3A_1690 : memref<10000x128xf32, #tpu.memory_space<vmem_shared>>) offsets(%dma_start3A_1687 : memref<80xi32, #tpu.memory_space<vmem>>) semaphore(%run_scoped3A_1684 : memref<!tpu.dma_semaphore, #tpu.memory_space<semaphore_mem>>) {add = true}
        %dma_wait3A_1691 = arith.constant 0 : i32
        %dma_wait3A_1692 = tpu.memref_slice %arg7[%run_scoped3A_1368, %dma_wait3A_1691] : memref<25x80xi32, #tpu.memory_space<vmem>> -> memref<1x80xi32, #tpu.memory_space<vmem>>
        %dma_wait3A_1693 = tpu.memref_squeeze %dma_wait3A_1692 : memref<1x80xi32, #tpu.memory_space<vmem>> -> memref<80xi32, #tpu.memory_space<vmem>>
        %dma_wait3A_1694 = arith.constant 0 : i32
        %dma_wait3A_1695 = arith.constant 0 : i32
        %dma_wait3A_1696 = tpu.memref_slice %arg10[%dma_wait3A_1694, %dma_wait3A_1695] : memref<10000x128xf32, #tpu.memory_space<vmem_shared>> -> memref<10000x128xf32, #tpu.memory_space<vmem_shared>>
        tpu.wait_indirect_dma semaphore(%run_scoped3A_1684 : memref<!tpu.dma_semaphore, #tpu.memory_space<semaphore_mem>>) src(%arg8 : memref<80x128xf32, #tpu.memory_space<vmem>>) dst(%dma_wait3A_1696 : memref<10000x128xf32, #tpu.memory_space<vmem_shared>>)
        tpu.yield
      }) : () -> ()
      %dma_start3A_1369 = arith.constant 4 : i32
      %dma_start3A_1370 = arith.constant 0 : i32
      %dma_start3A_1371 = tpu.memref_slice %arg6[%dma_start3A_1369, %dma_start3A_1370] : memref<25x80xi32, #tpu.memory_space<vmem>> -> memref<1x80xi32, #tpu.memory_space<vmem>>
      %dma_start3A_1372 = tpu.memref_squeeze %dma_start3A_1371 : memref<1x80xi32, #tpu.memory_space<vmem>> -> memref<80xi32, #tpu.memory_space<vmem>>
      %dma_start3A_1373 = arith.constant 0 : i32
      %dma_start3A_1374 = arith.constant 0 : i32
      %dma_start3A_1375 = tpu.memref_slice %arg2[%dma_start3A_1373, %dma_start3A_1374] : memref<20000x128xf32, #tpu.memory_space<hbm>> -> memref<20000x128xf32, #tpu.memory_space<hbm>>
      tpu.enqueue_indirect_dma source(%dma_start3A_1375 : memref<20000x128xf32, #tpu.memory_space<hbm>>) target(%arg8 : memref<80x128xf32, #tpu.memory_space<vmem>>) offsets(%dma_start3A_1372 : memref<80xi32, #tpu.memory_space<vmem>>) semaphore(%arg11 : memref<!tpu.dma_semaphore, #tpu.memory_space<semaphore_mem>>)
      %dma_wait3A_1376 = arith.constant 4 : i32
      %dma_wait3A_1377 = arith.constant 0 : i32
      %dma_wait3A_1378 = tpu.memref_slice %arg6[%dma_wait3A_1376, %dma_wait3A_1377] : memref<25x80xi32, #tpu.memory_space<vmem>> -> memref<1x80xi32, #tpu.memory_space<vmem>>
      %dma_wait3A_1379 = tpu.memref_squeeze %dma_wait3A_1378 : memref<1x80xi32, #tpu.memory_space<vmem>> -> memref<80xi32, #tpu.memory_space<vmem>>
      %dma_wait3A_1380 = arith.constant 0 : i32
      %dma_wait3A_1381 = arith.constant 0 : i32
      %dma_wait3A_1382 = tpu.memref_slice %arg2[%dma_wait3A_1380, %dma_wait3A_1381] : memref<20000x128xf32, #tpu.memory_space<hbm>> -> memref<20000x128xf32, #tpu.memory_space<hbm>>
      tpu.wait_indirect_dma semaphore(%arg11 : memref<!tpu.dma_semaphore, #tpu.memory_space<semaphore_mem>>) src(%dma_wait3A_1382 : memref<20000x128xf32, #tpu.memory_space<hbm>>) dst(%arg8 : memref<80x128xf32, #tpu.memory_space<vmem>>)
      %run_scoped3A_1383 = arith.constant 4 : i32
      "tpu.region"() ({
        %run_scoped3A_1684 = tpu.sem_alloc : memref<!tpu.dma_semaphore, #tpu.memory_space<semaphore_mem>>
        %dma_start3A_1685 = arith.constant 0 : i32
        %dma_start3A_1686 = tpu.memref_slice %arg7[%run_scoped3A_1383, %dma_start3A_1685] : memref<25x80xi32, #tpu.memory_space<vmem>> -> memref<1x80xi32, #tpu.memory_space<vmem>>
        %dma_start3A_1687 = tpu.memref_squeeze %dma_start3A_1686 : memref<1x80xi32, #tpu.memory_space<vmem>> -> memref<80xi32, #tpu.memory_space<vmem>>
        %dma_start3A_1688 = arith.constant 0 : i32
        %dma_start3A_1689 = arith.constant 0 : i32
        %dma_start3A_1690 = tpu.memref_slice %arg10[%dma_start3A_1688, %dma_start3A_1689] : memref<10000x128xf32, #tpu.memory_space<vmem_shared>> -> memref<10000x128xf32, #tpu.memory_space<vmem_shared>>
        tpu.enqueue_indirect_dma source(%arg8 : memref<80x128xf32, #tpu.memory_space<vmem>>) target(%dma_start3A_1690 : memref<10000x128xf32, #tpu.memory_space<vmem_shared>>) offsets(%dma_start3A_1687 : memref<80xi32, #tpu.memory_space<vmem>>) semaphore(%run_scoped3A_1684 : memref<!tpu.dma_semaphore, #tpu.memory_space<semaphore_mem>>) {add = true}
        %dma_wait3A_1691 = arith.constant 0 : i32
        %dma_wait3A_1692 = tpu.memref_slice %arg7[%run_scoped3A_1383, %dma_wait3A_1691] : memref<25x80xi32, #tpu.memory_space<vmem>> -> memref<1x80xi32, #tpu.memory_space<vmem>>
        %dma_wait3A_1693 = tpu.memref_squeeze %dma_wait3A_1692 : memref<1x80xi32, #tpu.memory_space<vmem>> -> memref<80xi32, #tpu.memory_space<vmem>>
        %dma_wait3A_1694 = arith.constant 0 : i32
        %dma_wait3A_1695 = arith.constant 0 : i32
        %dma_wait3A_1696 = tpu.memref_slice %arg10[%dma_wait3A_1694, %dma_wait3A_1695] : memref<10000x128xf32, #tpu.memory_space<vmem_shared>> -> memref<10000x128xf32, #tpu.memory_space<vmem_shared>>
        tpu.wait_indirect_dma semaphore(%run_scoped3A_1684 : memref<!tpu.dma_semaphore, #tpu.memory_space<semaphore_mem>>) src(%arg8 : memref<80x128xf32, #tpu.memory_space<vmem>>) dst(%dma_wait3A_1696 : memref<10000x128xf32, #tpu.memory_space<vmem_shared>>)
        tpu.yield
      }) : () -> ()
      %dma_start3A_1384 = arith.constant 5 : i32
      %dma_start3A_1385 = arith.constant 0 : i32
      %dma_start3A_1386 = tpu.memref_slice %arg6[%dma_start3A_1384, %dma_start3A_1385] : memref<25x80xi32, #tpu.memory_space<vmem>> -> memref<1x80xi32, #tpu.memory_space<vmem>>
      %dma_start3A_1387 = tpu.memref_squeeze %dma_start3A_1386 : memref<1x80xi32, #tpu.memory_space<vmem>> -> memref<80xi32, #tpu.memory_space<vmem>>
      %dma_start3A_1388 = arith.constant 0 : i32
      %dma_start3A_1389 = arith.constant 0 : i32
      %dma_start3A_1390 = tpu.memref_slice %arg2[%dma_start3A_1388, %dma_start3A_1389] : memref<20000x128xf32, #tpu.memory_space<hbm>> -> memref<20000x128xf32, #tpu.memory_space<hbm>>
      tpu.enqueue_indirect_dma source(%dma_start3A_1390 : memref<20000x128xf32, #tpu.memory_space<hbm>>) target(%arg8 : memref<80x128xf32, #tpu.memory_space<vmem>>) offsets(%dma_start3A_1387 : memref<80xi32, #tpu.memory_space<vmem>>) semaphore(%arg11 : memref<!tpu.dma_semaphore, #tpu.memory_space<semaphore_mem>>)
      %dma_wait3A_1391 = arith.constant 5 : i32
      %dma_wait3A_1392 = arith.constant 0 : i32
      %dma_wait3A_1393 = tpu.memref_slice %arg6[%dma_wait3A_1391, %dma_wait3A_1392] : memref<25x80xi32, #tpu.memory_space<vmem>> -> memref<1x80xi32, #tpu.memory_space<vmem>>
      %dma_wait3A_1394 = tpu.memref_squeeze %dma_wait3A_1393 : memref<1x80xi32, #tpu.memory_space<vmem>> -> memref<80xi32, #tpu.memory_space<vmem>>
      %dma_wait3A_1395 = arith.constant 0 : i32
      %dma_wait3A_1396 = arith.constant 0 : i32
      %dma_wait3A_1397 = tpu.memref_slice %arg2[%dma_wait3A_1395, %dma_wait3A_1396] : memref<20000x128xf32, #tpu.memory_space<hbm>> -> memref<20000x128xf32, #tpu.memory_space<hbm>>
      tpu.wait_indirect_dma semaphore(%arg11 : memref<!tpu.dma_semaphore, #tpu.memory_space<semaphore_mem>>) src(%dma_wait3A_1397 : memref<20000x128xf32, #tpu.memory_space<hbm>>) dst(%arg8 : memref<80x128xf32, #tpu.memory_space<vmem>>)
      %run_scoped3A_1398 = arith.constant 5 : i32
      "tpu.region"() ({
        %run_scoped3A_1684 = tpu.sem_alloc : memref<!tpu.dma_semaphore, #tpu.memory_space<semaphore_mem>>
        %dma_start3A_1685 = arith.constant 0 : i32
        %dma_start3A_1686 = tpu.memref_slice %arg7[%run_scoped3A_1398, %dma_start3A_1685] : memref<25x80xi32, #tpu.memory_space<vmem>> -> memref<1x80xi32, #tpu.memory_space<vmem>>
        %dma_start3A_1687 = tpu.memref_squeeze %dma_start3A_1686 : memref<1x80xi32, #tpu.memory_space<vmem>> -> memref<80xi32, #tpu.memory_space<vmem>>
        %dma_start3A_1688 = arith.constant 0 : i32
        %dma_start3A_1689 = arith.constant 0 : i32
        %dma_start3A_1690 = tpu.memref_slice %arg10[%dma_start3A_1688, %dma_start3A_1689] : memref<10000x128xf32, #tpu.memory_space<vmem_shared>> -> memref<10000x128xf32, #tpu.memory_space<vmem_shared>>
        tpu.enqueue_indirect_dma source(%arg8 : memref<80x128xf32, #tpu.memory_space<vmem>>) target(%dma_start3A_1690 : memref<10000x128xf32, #tpu.memory_space<vmem_shared>>) offsets(%dma_start3A_1687 : memref<80xi32, #tpu.memory_space<vmem>>) semaphore(%run_scoped3A_1684 : memref<!tpu.dma_semaphore, #tpu.memory_space<semaphore_mem>>) {add = true}
        %dma_wait3A_1691 = arith.constant 0 : i32
        %dma_wait3A_1692 = tpu.memref_slice %arg7[%run_scoped3A_1398, %dma_wait3A_1691] : memref<25x80xi32, #tpu.memory_space<vmem>> -> memref<1x80xi32, #tpu.memory_space<vmem>>
        %dma_wait3A_1693 = tpu.memref_squeeze %dma_wait3A_1692 : memref<1x80xi32, #tpu.memory_space<vmem>> -> memref<80xi32, #tpu.memory_space<vmem>>
        %dma_wait3A_1694 = arith.constant 0 : i32
        %dma_wait3A_1695 = arith.constant 0 : i32
        %dma_wait3A_1696 = tpu.memref_slice %arg10[%dma_wait3A_1694, %dma_wait3A_1695] : memref<10000x128xf32, #tpu.memory_space<vmem_shared>> -> memref<10000x128xf32, #tpu.memory_space<vmem_shared>>
        tpu.wait_indirect_dma semaphore(%run_scoped3A_1684 : memref<!tpu.dma_semaphore, #tpu.memory_space<semaphore_mem>>) src(%arg8 : memref<80x128xf32, #tpu.memory_space<vmem>>) dst(%dma_wait3A_1696 : memref<10000x128xf32, #tpu.memory_space<vmem_shared>>)
        tpu.yield
      }) : () -> ()
      %dma_start3A_1399 = arith.constant 6 : i32
      %dma_start3A_1400 = arith.constant 0 : i32
      %dma_start3A_1401 = tpu.memref_slice %arg6[%dma_start3A_1399, %dma_start3A_1400] : memref<25x80xi32, #tpu.memory_space<vmem>> -> memref<1x80xi32, #tpu.memory_space<vmem>>
      %dma_start3A_1402 = tpu.memref_squeeze %dma_start3A_1401 : memref<1x80xi32, #tpu.memory_space<vmem>> -> memref<80xi32, #tpu.memory_space<vmem>>
      %dma_start3A_1403 = arith.constant 0 : i32
      %dma_start3A_1404 = arith.constant 0 : i32
      %dma_start3A_1405 = tpu.memref_slice %arg2[%dma_start3A_1403, %dma_start3A_1404] : memref<20000x128xf32, #tpu.memory_space<hbm>> -> memref<20000x128xf32, #tpu.memory_space<hbm>>
      tpu.enqueue_indirect_dma source(%dma_start3A_1405 : memref<20000x128xf32, #tpu.memory_space<hbm>>) target(%arg8 : memref<80x128xf32, #tpu.memory_space<vmem>>) offsets(%dma_start3A_1402 : memref<80xi32, #tpu.memory_space<vmem>>) semaphore(%arg11 : memref<!tpu.dma_semaphore, #tpu.memory_space<semaphore_mem>>)
      %dma_wait3A_1406 = arith.constant 6 : i32
      %dma_wait3A_1407 = arith.constant 0 : i32
      %dma_wait3A_1408 = tpu.memref_slice %arg6[%dma_wait3A_1406, %dma_wait3A_1407] : memref<25x80xi32, #tpu.memory_space<vmem>> -> memref<1x80xi32, #tpu.memory_space<vmem>>
      %dma_wait3A_1409 = tpu.memref_squeeze %dma_wait3A_1408 : memref<1x80xi32, #tpu.memory_space<vmem>> -> memref<80xi32, #tpu.memory_space<vmem>>
      %dma_wait3A_1410 = arith.constant 0 : i32
      %dma_wait3A_1411 = arith.constant 0 : i32
      %dma_wait3A_1412 = tpu.memref_slice %arg2[%dma_wait3A_1410, %dma_wait3A_1411] : memref<20000x128xf32, #tpu.memory_space<hbm>> -> memref<20000x128xf32, #tpu.memory_space<hbm>>
      tpu.wait_indirect_dma semaphore(%arg11 : memref<!tpu.dma_semaphore, #tpu.memory_space<semaphore_mem>>) src(%dma_wait3A_1412 : memref<20000x128xf32, #tpu.memory_space<hbm>>) dst(%arg8 : memref<80x128xf32, #tpu.memory_space<vmem>>)
      %run_scoped3A_1413 = arith.constant 6 : i32
      "tpu.region"() ({
        %run_scoped3A_1684 = tpu.sem_alloc : memref<!tpu.dma_semaphore, #tpu.memory_space<semaphore_mem>>
        %dma_start3A_1685 = arith.constant 0 : i32
        %dma_start3A_1686 = tpu.memref_slice %arg7[%run_scoped3A_1413, %dma_start3A_1685] : memref<25x80xi32, #tpu.memory_space<vmem>> -> memref<1x80xi32, #tpu.memory_space<vmem>>
        %dma_start3A_1687 = tpu.memref_squeeze %dma_start3A_1686 : memref<1x80xi32, #tpu.memory_space<vmem>> -> memref<80xi32, #tpu.memory_space<vmem>>
        %dma_start3A_1688 = arith.constant 0 : i32
        %dma_start3A_1689 = arith.constant 0 : i32
        %dma_start3A_1690 = tpu.memref_slice %arg10[%dma_start3A_1688, %dma_start3A_1689] : memref<10000x128xf32, #tpu.memory_space<vmem_shared>> -> memref<10000x128xf32, #tpu.memory_space<vmem_shared>>
        tpu.enqueue_indirect_dma source(%arg8 : memref<80x128xf32, #tpu.memory_space<vmem>>) target(%dma_start3A_1690 : memref<10000x128xf32, #tpu.memory_space<vmem_shared>>) offsets(%dma_start3A_1687 : memref<80xi32, #tpu.memory_space<vmem>>) semaphore(%run_scoped3A_1684 : memref<!tpu.dma_semaphore, #tpu.memory_space<semaphore_mem>>) {add = true}
        %dma_wait3A_1691 = arith.constant 0 : i32
        %dma_wait3A_1692 = tpu.memref_slice %arg7[%run_scoped3A_1413, %dma_wait3A_1691] : memref<25x80xi32, #tpu.memory_space<vmem>> -> memref<1x80xi32, #tpu.memory_space<vmem>>
        %dma_wait3A_1693 = tpu.memref_squeeze %dma_wait3A_1692 : memref<1x80xi32, #tpu.memory_space<vmem>> -> memref<80xi32, #tpu.memory_space<vmem>>
        %dma_wait3A_1694 = arith.constant 0 : i32
        %dma_wait3A_1695 = arith.constant 0 : i32
        %dma_wait3A_1696 = tpu.memref_slice %arg10[%dma_wait3A_1694, %dma_wait3A_1695] : memref<10000x128xf32, #tpu.memory_space<vmem_shared>> -> memref<10000x128xf32, #tpu.memory_space<vmem_shared>>
        tpu.wait_indirect_dma semaphore(%run_scoped3A_1684 : memref<!tpu.dma_semaphore, #tpu.memory_space<semaphore_mem>>) src(%arg8 : memref<80x128xf32, #tpu.memory_space<vmem>>) dst(%dma_wait3A_1696 : memref<10000x128xf32, #tpu.memory_space<vmem_shared>>)
        tpu.yield
      }) : () -> ()
      %dma_start3A_1414 = arith.constant 7 : i32
      %dma_start3A_1415 = arith.constant 0 : i32
      %dma_start3A_1416 = tpu.memref_slice %arg6[%dma_start3A_1414, %dma_start3A_1415] : memref<25x80xi32, #tpu.memory_space<vmem>> -> memref<1x80xi32, #tpu.memory_space<vmem>>
      %dma_start3A_1417 = tpu.memref_squeeze %dma_start3A_1416 : memref<1x80xi32, #tpu.memory_space<vmem>> -> memref<80xi32, #tpu.memory_space<vmem>>
      %dma_start3A_1418 = arith.constant 0 : i32
      %dma_start3A_1419 = arith.constant 0 : i32
      %dma_start3A_1420 = tpu.memref_slice %arg2[%dma_start3A_1418, %dma_start3A_1419] : memref<20000x128xf32, #tpu.memory_space<hbm>> -> memref<20000x128xf32, #tpu.memory_space<hbm>>
      tpu.enqueue_indirect_dma source(%dma_start3A_1420 : memref<20000x128xf32, #tpu.memory_space<hbm>>) target(%arg8 : memref<80x128xf32, #tpu.memory_space<vmem>>) offsets(%dma_start3A_1417 : memref<80xi32, #tpu.memory_space<vmem>>) semaphore(%arg11 : memref<!tpu.dma_semaphore, #tpu.memory_space<semaphore_mem>>)
      %dma_wait3A_1421 = arith.constant 7 : i32
      %dma_wait3A_1422 = arith.constant 0 : i32
      %dma_wait3A_1423 = tpu.memref_slice %arg6[%dma_wait3A_1421, %dma_wait3A_1422] : memref<25x80xi32, #tpu.memory_space<vmem>> -> memref<1x80xi32, #tpu.memory_space<vmem>>
      %dma_wait3A_1424 = tpu.memref_squeeze %dma_wait3A_1423 : memref<1x80xi32, #tpu.memory_space<vmem>> -> memref<80xi32, #tpu.memory_space<vmem>>
      %dma_wait3A_1425 = arith.constant 0 : i32
      %dma_wait3A_1426 = arith.constant 0 : i32
      %dma_wait3A_1427 = tpu.memref_slice %arg2[%dma_wait3A_1425, %dma_wait3A_1426] : memref<20000x128xf32, #tpu.memory_space<hbm>> -> memref<20000x128xf32, #tpu.memory_space<hbm>>
      tpu.wait_indirect_dma semaphore(%arg11 : memref<!tpu.dma_semaphore, #tpu.memory_space<semaphore_mem>>) src(%dma_wait3A_1427 : memref<20000x128xf32, #tpu.memory_space<hbm>>) dst(%arg8 : memref<80x128xf32, #tpu.memory_space<vmem>>)
      %run_scoped3A_1428 = arith.constant 7 : i32
      "tpu.region"() ({
        %run_scoped3A_1684 = tpu.sem_alloc : memref<!tpu.dma_semaphore, #tpu.memory_space<semaphore_mem>>
        %dma_start3A_1685 = arith.constant 0 : i32
        %dma_start3A_1686 = tpu.memref_slice %arg7[%run_scoped3A_1428, %dma_start3A_1685] : memref<25x80xi32, #tpu.memory_space<vmem>> -> memref<1x80xi32, #tpu.memory_space<vmem>>
        %dma_start3A_1687 = tpu.memref_squeeze %dma_start3A_1686 : memref<1x80xi32, #tpu.memory_space<vmem>> -> memref<80xi32, #tpu.memory_space<vmem>>
        %dma_start3A_1688 = arith.constant 0 : i32
        %dma_start3A_1689 = arith.constant 0 : i32
        %dma_start3A_1690 = tpu.memref_slice %arg10[%dma_start3A_1688, %dma_start3A_1689] : memref<10000x128xf32, #tpu.memory_space<vmem_shared>> -> memref<10000x128xf32, #tpu.memory_space<vmem_shared>>
        tpu.enqueue_indirect_dma source(%arg8 : memref<80x128xf32, #tpu.memory_space<vmem>>) target(%dma_start3A_1690 : memref<10000x128xf32, #tpu.memory_space<vmem_shared>>) offsets(%dma_start3A_1687 : memref<80xi32, #tpu.memory_space<vmem>>) semaphore(%run_scoped3A_1684 : memref<!tpu.dma_semaphore, #tpu.memory_space<semaphore_mem>>) {add = true}
        %dma_wait3A_1691 = arith.constant 0 : i32
        %dma_wait3A_1692 = tpu.memref_slice %arg7[%run_scoped3A_1428, %dma_wait3A_1691] : memref<25x80xi32, #tpu.memory_space<vmem>> -> memref<1x80xi32, #tpu.memory_space<vmem>>
        %dma_wait3A_1693 = tpu.memref_squeeze %dma_wait3A_1692 : memref<1x80xi32, #tpu.memory_space<vmem>> -> memref<80xi32, #tpu.memory_space<vmem>>
        %dma_wait3A_1694 = arith.constant 0 : i32
        %dma_wait3A_1695 = arith.constant 0 : i32
        %dma_wait3A_1696 = tpu.memref_slice %arg10[%dma_wait3A_1694, %dma_wait3A_1695] : memref<10000x128xf32, #tpu.memory_space<vmem_shared>> -> memref<10000x128xf32, #tpu.memory_space<vmem_shared>>
        tpu.wait_indirect_dma semaphore(%run_scoped3A_1684 : memref<!tpu.dma_semaphore, #tpu.memory_space<semaphore_mem>>) src(%arg8 : memref<80x128xf32, #tpu.memory_space<vmem>>) dst(%dma_wait3A_1696 : memref<10000x128xf32, #tpu.memory_space<vmem_shared>>)
        tpu.yield
      }) : () -> ()
      %dma_start3A_1429 = arith.constant 8 : i32
      %dma_start3A_1430 = arith.constant 0 : i32
      %dma_start3A_1431 = tpu.memref_slice %arg6[%dma_start3A_1429, %dma_start3A_1430] : memref<25x80xi32, #tpu.memory_space<vmem>> -> memref<1x80xi32, #tpu.memory_space<vmem>>
      %dma_start3A_1432 = tpu.memref_squeeze %dma_start3A_1431 : memref<1x80xi32, #tpu.memory_space<vmem>> -> memref<80xi32, #tpu.memory_space<vmem>>
      %dma_start3A_1433 = arith.constant 0 : i32
      %dma_start3A_1434 = arith.constant 0 : i32
      %dma_start3A_1435 = tpu.memref_slice %arg2[%dma_start3A_1433, %dma_start3A_1434] : memref<20000x128xf32, #tpu.memory_space<hbm>> -> memref<20000x128xf32, #tpu.memory_space<hbm>>
      tpu.enqueue_indirect_dma source(%dma_start3A_1435 : memref<20000x128xf32, #tpu.memory_space<hbm>>) target(%arg8 : memref<80x128xf32, #tpu.memory_space<vmem>>) offsets(%dma_start3A_1432 : memref<80xi32, #tpu.memory_space<vmem>>) semaphore(%arg11 : memref<!tpu.dma_semaphore, #tpu.memory_space<semaphore_mem>>)
      %dma_wait3A_1436 = arith.constant 8 : i32
      %dma_wait3A_1437 = arith.constant 0 : i32
      %dma_wait3A_1438 = tpu.memref_slice %arg6[%dma_wait3A_1436, %dma_wait3A_1437] : memref<25x80xi32, #tpu.memory_space<vmem>> -> memref<1x80xi32, #tpu.memory_space<vmem>>
      %dma_wait3A_1439 = tpu.memref_squeeze %dma_wait3A_1438 : memref<1x80xi32, #tpu.memory_space<vmem>> -> memref<80xi32, #tpu.memory_space<vmem>>
      %dma_wait3A_1440 = arith.constant 0 : i32
      %dma_wait3A_1441 = arith.constant 0 : i32
      %dma_wait3A_1442 = tpu.memref_slice %arg2[%dma_wait3A_1440, %dma_wait3A_1441] : memref<20000x128xf32, #tpu.memory_space<hbm>> -> memref<20000x128xf32, #tpu.memory_space<hbm>>
      tpu.wait_indirect_dma semaphore(%arg11 : memref<!tpu.dma_semaphore, #tpu.memory_space<semaphore_mem>>) src(%dma_wait3A_1442 : memref<20000x128xf32, #tpu.memory_space<hbm>>) dst(%arg8 : memref<80x128xf32, #tpu.memory_space<vmem>>)
      %run_scoped3A_1443 = arith.constant 8 : i32
      "tpu.region"() ({
        %run_scoped3A_1684 = tpu.sem_alloc : memref<!tpu.dma_semaphore, #tpu.memory_space<semaphore_mem>>
        %dma_start3A_1685 = arith.constant 0 : i32
        %dma_start3A_1686 = tpu.memref_slice %arg7[%run_scoped3A_1443, %dma_start3A_1685] : memref<25x80xi32, #tpu.memory_space<vmem>> -> memref<1x80xi32, #tpu.memory_space<vmem>>
        %dma_start3A_1687 = tpu.memref_squeeze %dma_start3A_1686 : memref<1x80xi32, #tpu.memory_space<vmem>> -> memref<80xi32, #tpu.memory_space<vmem>>
        %dma_start3A_1688 = arith.constant 0 : i32
        %dma_start3A_1689 = arith.constant 0 : i32
        %dma_start3A_1690 = tpu.memref_slice %arg10[%dma_start3A_1688, %dma_start3A_1689] : memref<10000x128xf32, #tpu.memory_space<vmem_shared>> -> memref<10000x128xf32, #tpu.memory_space<vmem_shared>>
        tpu.enqueue_indirect_dma source(%arg8 : memref<80x128xf32, #tpu.memory_space<vmem>>) target(%dma_start3A_1690 : memref<10000x128xf32, #tpu.memory_space<vmem_shared>>) offsets(%dma_start3A_1687 : memref<80xi32, #tpu.memory_space<vmem>>) semaphore(%run_scoped3A_1684 : memref<!tpu.dma_semaphore, #tpu.memory_space<semaphore_mem>>) {add = true}
        %dma_wait3A_1691 = arith.constant 0 : i32
        %dma_wait3A_1692 = tpu.memref_slice %arg7[%run_scoped3A_1443, %dma_wait3A_1691] : memref<25x80xi32, #tpu.memory_space<vmem>> -> memref<1x80xi32, #tpu.memory_space<vmem>>
        %dma_wait3A_1693 = tpu.memref_squeeze %dma_wait3A_1692 : memref<1x80xi32, #tpu.memory_space<vmem>> -> memref<80xi32, #tpu.memory_space<vmem>>
        %dma_wait3A_1694 = arith.constant 0 : i32
        %dma_wait3A_1695 = arith.constant 0 : i32
        %dma_wait3A_1696 = tpu.memref_slice %arg10[%dma_wait3A_1694, %dma_wait3A_1695] : memref<10000x128xf32, #tpu.memory_space<vmem_shared>> -> memref<10000x128xf32, #tpu.memory_space<vmem_shared>>
        tpu.wait_indirect_dma semaphore(%run_scoped3A_1684 : memref<!tpu.dma_semaphore, #tpu.memory_space<semaphore_mem>>) src(%arg8 : memref<80x128xf32, #tpu.memory_space<vmem>>) dst(%dma_wait3A_1696 : memref<10000x128xf32, #tpu.memory_space<vmem_shared>>)
        tpu.yield
      }) : () -> ()
      %dma_start3A_1444 = arith.constant 9 : i32
      %dma_start3A_1445 = arith.constant 0 : i32
      %dma_start3A_1446 = tpu.memref_slice %arg6[%dma_start3A_1444, %dma_start3A_1445] : memref<25x80xi32, #tpu.memory_space<vmem>> -> memref<1x80xi32, #tpu.memory_space<vmem>>
      %dma_start3A_1447 = tpu.memref_squeeze %dma_start3A_1446 : memref<1x80xi32, #tpu.memory_space<vmem>> -> memref<80xi32, #tpu.memory_space<vmem>>
      %dma_start3A_1448 = arith.constant 0 : i32
      %dma_start3A_1449 = arith.constant 0 : i32
      %dma_start3A_1450 = tpu.memref_slice %arg2[%dma_start3A_1448, %dma_start3A_1449] : memref<20000x128xf32, #tpu.memory_space<hbm>> -> memref<20000x128xf32, #tpu.memory_space<hbm>>
      tpu.enqueue_indirect_dma source(%dma_start3A_1450 : memref<20000x128xf32, #tpu.memory_space<hbm>>) target(%arg8 : memref<80x128xf32, #tpu.memory_space<vmem>>) offsets(%dma_start3A_1447 : memref<80xi32, #tpu.memory_space<vmem>>) semaphore(%arg11 : memref<!tpu.dma_semaphore, #tpu.memory_space<semaphore_mem>>)
      %dma_wait3A_1451 = arith.constant 9 : i32
      %dma_wait3A_1452 = arith.constant 0 : i32
      %dma_wait3A_1453 = tpu.memref_slice %arg6[%dma_wait3A_1451, %dma_wait3A_1452] : memref<25x80xi32, #tpu.memory_space<vmem>> -> memref<1x80xi32, #tpu.memory_space<vmem>>
      %dma_wait3A_1454 = tpu.memref_squeeze %dma_wait3A_1453 : memref<1x80xi32, #tpu.memory_space<vmem>> -> memref<80xi32, #tpu.memory_space<vmem>>
      %dma_wait3A_1455 = arith.constant 0 : i32
      %dma_wait3A_1456 = arith.constant 0 : i32
      %dma_wait3A_1457 = tpu.memref_slice %arg2[%dma_wait3A_1455, %dma_wait3A_1456] : memref<20000x128xf32, #tpu.memory_space<hbm>> -> memref<20000x128xf32, #tpu.memory_space<hbm>>
      tpu.wait_indirect_dma semaphore(%arg11 : memref<!tpu.dma_semaphore, #tpu.memory_space<semaphore_mem>>) src(%dma_wait3A_1457 : memref<20000x128xf32, #tpu.memory_space<hbm>>) dst(%arg8 : memref<80x128xf32, #tpu.memory_space<vmem>>)
      %run_scoped3A_1458 = arith.constant 9 : i32
      "tpu.region"() ({
        %run_scoped3A_1684 = tpu.sem_alloc : memref<!tpu.dma_semaphore, #tpu.memory_space<semaphore_mem>>
        %dma_start3A_1685 = arith.constant 0 : i32
        %dma_start3A_1686 = tpu.memref_slice %arg7[%run_scoped3A_1458, %dma_start3A_1685] : memref<25x80xi32, #tpu.memory_space<vmem>> -> memref<1x80xi32, #tpu.memory_space<vmem>>
        %dma_start3A_1687 = tpu.memref_squeeze %dma_start3A_1686 : memref<1x80xi32, #tpu.memory_space<vmem>> -> memref<80xi32, #tpu.memory_space<vmem>>
        %dma_start3A_1688 = arith.constant 0 : i32
        %dma_start3A_1689 = arith.constant 0 : i32
        %dma_start3A_1690 = tpu.memref_slice %arg10[%dma_start3A_1688, %dma_start3A_1689] : memref<10000x128xf32, #tpu.memory_space<vmem_shared>> -> memref<10000x128xf32, #tpu.memory_space<vmem_shared>>
        tpu.enqueue_indirect_dma source(%arg8 : memref<80x128xf32, #tpu.memory_space<vmem>>) target(%dma_start3A_1690 : memref<10000x128xf32, #tpu.memory_space<vmem_shared>>) offsets(%dma_start3A_1687 : memref<80xi32, #tpu.memory_space<vmem>>) semaphore(%run_scoped3A_1684 : memref<!tpu.dma_semaphore, #tpu.memory_space<semaphore_mem>>) {add = true}
        %dma_wait3A_1691 = arith.constant 0 : i32
        %dma_wait3A_1692 = tpu.memref_slice %arg7[%run_scoped3A_1458, %dma_wait3A_1691] : memref<25x80xi32, #tpu.memory_space<vmem>> -> memref<1x80xi32, #tpu.memory_space<vmem>>
        %dma_wait3A_1693 = tpu.memref_squeeze %dma_wait3A_1692 : memref<1x80xi32, #tpu.memory_space<vmem>> -> memref<80xi32, #tpu.memory_space<vmem>>
        %dma_wait3A_1694 = arith.constant 0 : i32
        %dma_wait3A_1695 = arith.constant 0 : i32
        %dma_wait3A_1696 = tpu.memref_slice %arg10[%dma_wait3A_1694, %dma_wait3A_1695] : memref<10000x128xf32, #tpu.memory_space<vmem_shared>> -> memref<10000x128xf32, #tpu.memory_space<vmem_shared>>
        tpu.wait_indirect_dma semaphore(%run_scoped3A_1684 : memref<!tpu.dma_semaphore, #tpu.memory_space<semaphore_mem>>) src(%arg8 : memref<80x128xf32, #tpu.memory_space<vmem>>) dst(%dma_wait3A_1696 : memref<10000x128xf32, #tpu.memory_space<vmem_shared>>)
        tpu.yield
      }) : () -> ()
      %dma_start3A_1459 = arith.constant 10 : i32
      %dma_start3A_1460 = arith.constant 0 : i32
      %dma_start3A_1461 = tpu.memref_slice %arg6[%dma_start3A_1459, %dma_start3A_1460] : memref<25x80xi32, #tpu.memory_space<vmem>> -> memref<1x80xi32, #tpu.memory_space<vmem>>
      %dma_start3A_1462 = tpu.memref_squeeze %dma_start3A_1461 : memref<1x80xi32, #tpu.memory_space<vmem>> -> memref<80xi32, #tpu.memory_space<vmem>>
      %dma_start3A_1463 = arith.constant 0 : i32
      %dma_start3A_1464 = arith.constant 0 : i32
      %dma_start3A_1465 = tpu.memref_slice %arg2[%dma_start3A_1463, %dma_start3A_1464] : memref<20000x128xf32, #tpu.memory_space<hbm>> -> memref<20000x128xf32, #tpu.memory_space<hbm>>
      tpu.enqueue_indirect_dma source(%dma_start3A_1465 : memref<20000x128xf32, #tpu.memory_space<hbm>>) target(%arg8 : memref<80x128xf32, #tpu.memory_space<vmem>>) offsets(%dma_start3A_1462 : memref<80xi32, #tpu.memory_space<vmem>>) semaphore(%arg11 : memref<!tpu.dma_semaphore, #tpu.memory_space<semaphore_mem>>)
      %dma_wait3A_1466 = arith.constant 10 : i32
      %dma_wait3A_1467 = arith.constant 0 : i32
      %dma_wait3A_1468 = tpu.memref_slice %arg6[%dma_wait3A_1466, %dma_wait3A_1467] : memref<25x80xi32, #tpu.memory_space<vmem>> -> memref<1x80xi32, #tpu.memory_space<vmem>>
      %dma_wait3A_1469 = tpu.memref_squeeze %dma_wait3A_1468 : memref<1x80xi32, #tpu.memory_space<vmem>> -> memref<80xi32, #tpu.memory_space<vmem>>
      %dma_wait3A_1470 = arith.constant 0 : i32
      %dma_wait3A_1471 = arith.constant 0 : i32
      %dma_wait3A_1472 = tpu.memref_slice %arg2[%dma_wait3A_1470, %dma_wait3A_1471] : memref<20000x128xf32, #tpu.memory_space<hbm>> -> memref<20000x128xf32, #tpu.memory_space<hbm>>
      tpu.wait_indirect_dma semaphore(%arg11 : memref<!tpu.dma_semaphore, #tpu.memory_space<semaphore_mem>>) src(%dma_wait3A_1472 : memref<20000x128xf32, #tpu.memory_space<hbm>>) dst(%arg8 : memref<80x128xf32, #tpu.memory_space<vmem>>)
      %run_scoped3A_1473 = arith.constant 10 : i32
      "tpu.region"() ({
        %run_scoped3A_1684 = tpu.sem_alloc : memref<!tpu.dma_semaphore, #tpu.memory_space<semaphore_mem>>
        %dma_start3A_1685 = arith.constant 0 : i32
        %dma_start3A_1686 = tpu.memref_slice %arg7[%run_scoped3A_1473, %dma_start3A_1685] : memref<25x80xi32, #tpu.memory_space<vmem>> -> memref<1x80xi32, #tpu.memory_space<vmem>>
        %dma_start3A_1687 = tpu.memref_squeeze %dma_start3A_1686 : memref<1x80xi32, #tpu.memory_space<vmem>> -> memref<80xi32, #tpu.memory_space<vmem>>
        %dma_start3A_1688 = arith.constant 0 : i32
        %dma_start3A_1689 = arith.constant 0 : i32
        %dma_start3A_1690 = tpu.memref_slice %arg10[%dma_start3A_1688, %dma_start3A_1689] : memref<10000x128xf32, #tpu.memory_space<vmem_shared>> -> memref<10000x128xf32, #tpu.memory_space<vmem_shared>>
        tpu.enqueue_indirect_dma source(%arg8 : memref<80x128xf32, #tpu.memory_space<vmem>>) target(%dma_start3A_1690 : memref<10000x128xf32, #tpu.memory_space<vmem_shared>>) offsets(%dma_start3A_1687 : memref<80xi32, #tpu.memory_space<vmem>>) semaphore(%run_scoped3A_1684 : memref<!tpu.dma_semaphore, #tpu.memory_space<semaphore_mem>>) {add = true}
        %dma_wait3A_1691 = arith.constant 0 : i32
        %dma_wait3A_1692 = tpu.memref_slice %arg7[%run_scoped3A_1473, %dma_wait3A_1691] : memref<25x80xi32, #tpu.memory_space<vmem>> -> memref<1x80xi32, #tpu.memory_space<vmem>>
        %dma_wait3A_1693 = tpu.memref_squeeze %dma_wait3A_1692 : memref<1x80xi32, #tpu.memory_space<vmem>> -> memref<80xi32, #tpu.memory_space<vmem>>
        %dma_wait3A_1694 = arith.constant 0 : i32
        %dma_wait3A_1695 = arith.constant 0 : i32
        %dma_wait3A_1696 = tpu.memref_slice %arg10[%dma_wait3A_1694, %dma_wait3A_1695] : memref<10000x128xf32, #tpu.memory_space<vmem_shared>> -> memref<10000x128xf32, #tpu.memory_space<vmem_shared>>
        tpu.wait_indirect_dma semaphore(%run_scoped3A_1684 : memref<!tpu.dma_semaphore, #tpu.memory_space<semaphore_mem>>) src(%arg8 : memref<80x128xf32, #tpu.memory_space<vmem>>) dst(%dma_wait3A_1696 : memref<10000x128xf32, #tpu.memory_space<vmem_shared>>)
        tpu.yield
      }) : () -> ()
      %dma_start3A_1474 = arith.constant 11 : i32
      %dma_start3A_1475 = arith.constant 0 : i32
      %dma_start3A_1476 = tpu.memref_slice %arg6[%dma_start3A_1474, %dma_start3A_1475] : memref<25x80xi32, #tpu.memory_space<vmem>> -> memref<1x80xi32, #tpu.memory_space<vmem>>
      %dma_start3A_1477 = tpu.memref_squeeze %dma_start3A_1476 : memref<1x80xi32, #tpu.memory_space<vmem>> -> memref<80xi32, #tpu.memory_space<vmem>>
      %dma_start3A_1478 = arith.constant 0 : i32
      %dma_start3A_1479 = arith.constant 0 : i32
      %dma_start3A_1480 = tpu.memref_slice %arg2[%dma_start3A_1478, %dma_start3A_1479] : memref<20000x128xf32, #tpu.memory_space<hbm>> -> memref<20000x128xf32, #tpu.memory_space<hbm>>
      tpu.enqueue_indirect_dma source(%dma_start3A_1480 : memref<20000x128xf32, #tpu.memory_space<hbm>>) target(%arg8 : memref<80x128xf32, #tpu.memory_space<vmem>>) offsets(%dma_start3A_1477 : memref<80xi32, #tpu.memory_space<vmem>>) semaphore(%arg11 : memref<!tpu.dma_semaphore, #tpu.memory_space<semaphore_mem>>)
      %dma_wait3A_1481 = arith.constant 11 : i32
      %dma_wait3A_1482 = arith.constant 0 : i32
      %dma_wait3A_1483 = tpu.memref_slice %arg6[%dma_wait3A_1481, %dma_wait3A_1482] : memref<25x80xi32, #tpu.memory_space<vmem>> -> memref<1x80xi32, #tpu.memory_space<vmem>>
      %dma_wait3A_1484 = tpu.memref_squeeze %dma_wait3A_1483 : memref<1x80xi32, #tpu.memory_space<vmem>> -> memref<80xi32, #tpu.memory_space<vmem>>
      %dma_wait3A_1485 = arith.constant 0 : i32
      %dma_wait3A_1486 = arith.constant 0 : i32
      %dma_wait3A_1487 = tpu.memref_slice %arg2[%dma_wait3A_1485, %dma_wait3A_1486] : memref<20000x128xf32, #tpu.memory_space<hbm>> -> memref<20000x128xf32, #tpu.memory_space<hbm>>
      tpu.wait_indirect_dma semaphore(%arg11 : memref<!tpu.dma_semaphore, #tpu.memory_space<semaphore_mem>>) src(%dma_wait3A_1487 : memref<20000x128xf32, #tpu.memory_space<hbm>>) dst(%arg8 : memref<80x128xf32, #tpu.memory_space<vmem>>)
      %run_scoped3A_1488 = arith.constant 11 : i32
      "tpu.region"() ({
        %run_scoped3A_1684 = tpu.sem_alloc : memref<!tpu.dma_semaphore, #tpu.memory_space<semaphore_mem>>
        %dma_start3A_1685 = arith.constant 0 : i32
        %dma_start3A_1686 = tpu.memref_slice %arg7[%run_scoped3A_1488, %dma_start3A_1685] : memref<25x80xi32, #tpu.memory_space<vmem>> -> memref<1x80xi32, #tpu.memory_space<vmem>>
        %dma_start3A_1687 = tpu.memref_squeeze %dma_start3A_1686 : memref<1x80xi32, #tpu.memory_space<vmem>> -> memref<80xi32, #tpu.memory_space<vmem>>
        %dma_start3A_1688 = arith.constant 0 : i32
        %dma_start3A_1689 = arith.constant 0 : i32
        %dma_start3A_1690 = tpu.memref_slice %arg10[%dma_start3A_1688, %dma_start3A_1689] : memref<10000x128xf32, #tpu.memory_space<vmem_shared>> -> memref<10000x128xf32, #tpu.memory_space<vmem_shared>>
        tpu.enqueue_indirect_dma source(%arg8 : memref<80x128xf32, #tpu.memory_space<vmem>>) target(%dma_start3A_1690 : memref<10000x128xf32, #tpu.memory_space<vmem_shared>>) offsets(%dma_start3A_1687 : memref<80xi32, #tpu.memory_space<vmem>>) semaphore(%run_scoped3A_1684 : memref<!tpu.dma_semaphore, #tpu.memory_space<semaphore_mem>>) {add = true}
        %dma_wait3A_1691 = arith.constant 0 : i32
        %dma_wait3A_1692 = tpu.memref_slice %arg7[%run_scoped3A_1488, %dma_wait3A_1691] : memref<25x80xi32, #tpu.memory_space<vmem>> -> memref<1x80xi32, #tpu.memory_space<vmem>>
        %dma_wait3A_1693 = tpu.memref_squeeze %dma_wait3A_1692 : memref<1x80xi32, #tpu.memory_space<vmem>> -> memref<80xi32, #tpu.memory_space<vmem>>
        %dma_wait3A_1694 = arith.constant 0 : i32
        %dma_wait3A_1695 = arith.constant 0 : i32
        %dma_wait3A_1696 = tpu.memref_slice %arg10[%dma_wait3A_1694, %dma_wait3A_1695] : memref<10000x128xf32, #tpu.memory_space<vmem_shared>> -> memref<10000x128xf32, #tpu.memory_space<vmem_shared>>
        tpu.wait_indirect_dma semaphore(%run_scoped3A_1684 : memref<!tpu.dma_semaphore, #tpu.memory_space<semaphore_mem>>) src(%arg8 : memref<80x128xf32, #tpu.memory_space<vmem>>) dst(%dma_wait3A_1696 : memref<10000x128xf32, #tpu.memory_space<vmem_shared>>)
        tpu.yield
      }) : () -> ()
      %dma_start3A_1489 = arith.constant 12 : i32
      %dma_start3A_1490 = arith.constant 0 : i32
      %dma_start3A_1491 = tpu.memref_slice %arg6[%dma_start3A_1489, %dma_start3A_1490] : memref<25x80xi32, #tpu.memory_space<vmem>> -> memref<1x80xi32, #tpu.memory_space<vmem>>
      %dma_start3A_1492 = tpu.memref_squeeze %dma_start3A_1491 : memref<1x80xi32, #tpu.memory_space<vmem>> -> memref<80xi32, #tpu.memory_space<vmem>>
      %dma_start3A_1493 = arith.constant 0 : i32
      %dma_start3A_1494 = arith.constant 0 : i32
      %dma_start3A_1495 = tpu.memref_slice %arg2[%dma_start3A_1493, %dma_start3A_1494] : memref<20000x128xf32, #tpu.memory_space<hbm>> -> memref<20000x128xf32, #tpu.memory_space<hbm>>
      tpu.enqueue_indirect_dma source(%dma_start3A_1495 : memref<20000x128xf32, #tpu.memory_space<hbm>>) target(%arg8 : memref<80x128xf32, #tpu.memory_space<vmem>>) offsets(%dma_start3A_1492 : memref<80xi32, #tpu.memory_space<vmem>>) semaphore(%arg11 : memref<!tpu.dma_semaphore, #tpu.memory_space<semaphore_mem>>)
      %dma_wait3A_1496 = arith.constant 12 : i32
      %dma_wait3A_1497 = arith.constant 0 : i32
      %dma_wait3A_1498 = tpu.memref_slice %arg6[%dma_wait3A_1496, %dma_wait3A_1497] : memref<25x80xi32, #tpu.memory_space<vmem>> -> memref<1x80xi32, #tpu.memory_space<vmem>>
      %dma_wait3A_1499 = tpu.memref_squeeze %dma_wait3A_1498 : memref<1x80xi32, #tpu.memory_space<vmem>> -> memref<80xi32, #tpu.memory_space<vmem>>
      %dma_wait3A_1500 = arith.constant 0 : i32
      %dma_wait3A_1501 = arith.constant 0 : i32
      %dma_wait3A_1502 = tpu.memref_slice %arg2[%dma_wait3A_1500, %dma_wait3A_1501] : memref<20000x128xf32, #tpu.memory_space<hbm>> -> memref<20000x128xf32, #tpu.memory_space<hbm>>
      tpu.wait_indirect_dma semaphore(%arg11 : memref<!tpu.dma_semaphore, #tpu.memory_space<semaphore_mem>>) src(%dma_wait3A_1502 : memref<20000x128xf32, #tpu.memory_space<hbm>>) dst(%arg8 : memref<80x128xf32, #tpu.memory_space<vmem>>)
      %run_scoped3A_1503 = arith.constant 12 : i32
      "tpu.region"() ({
        %run_scoped3A_1684 = tpu.sem_alloc : memref<!tpu.dma_semaphore, #tpu.memory_space<semaphore_mem>>
        %dma_start3A_1685 = arith.constant 0 : i32
        %dma_start3A_1686 = tpu.memref_slice %arg7[%run_scoped3A_1503, %dma_start3A_1685] : memref<25x80xi32, #tpu.memory_space<vmem>> -> memref<1x80xi32, #tpu.memory_space<vmem>>
        %dma_start3A_1687 = tpu.memref_squeeze %dma_start3A_1686 : memref<1x80xi32, #tpu.memory_space<vmem>> -> memref<80xi32, #tpu.memory_space<vmem>>
        %dma_start3A_1688 = arith.constant 0 : i32
        %dma_start3A_1689 = arith.constant 0 : i32
        %dma_start3A_1690 = tpu.memref_slice %arg10[%dma_start3A_1688, %dma_start3A_1689] : memref<10000x128xf32, #tpu.memory_space<vmem_shared>> -> memref<10000x128xf32, #tpu.memory_space<vmem_shared>>
        tpu.enqueue_indirect_dma source(%arg8 : memref<80x128xf32, #tpu.memory_space<vmem>>) target(%dma_start3A_1690 : memref<10000x128xf32, #tpu.memory_space<vmem_shared>>) offsets(%dma_start3A_1687 : memref<80xi32, #tpu.memory_space<vmem>>) semaphore(%run_scoped3A_1684 : memref<!tpu.dma_semaphore, #tpu.memory_space<semaphore_mem>>) {add = true}
        %dma_wait3A_1691 = arith.constant 0 : i32
        %dma_wait3A_1692 = tpu.memref_slice %arg7[%run_scoped3A_1503, %dma_wait3A_1691] : memref<25x80xi32, #tpu.memory_space<vmem>> -> memref<1x80xi32, #tpu.memory_space<vmem>>
        %dma_wait3A_1693 = tpu.memref_squeeze %dma_wait3A_1692 : memref<1x80xi32, #tpu.memory_space<vmem>> -> memref<80xi32, #tpu.memory_space<vmem>>
        %dma_wait3A_1694 = arith.constant 0 : i32
        %dma_wait3A_1695 = arith.constant 0 : i32
        %dma_wait3A_1696 = tpu.memref_slice %arg10[%dma_wait3A_1694, %dma_wait3A_1695] : memref<10000x128xf32, #tpu.memory_space<vmem_shared>> -> memref<10000x128xf32, #tpu.memory_space<vmem_shared>>
        tpu.wait_indirect_dma semaphore(%run_scoped3A_1684 : memref<!tpu.dma_semaphore, #tpu.memory_space<semaphore_mem>>) src(%arg8 : memref<80x128xf32, #tpu.memory_space<vmem>>) dst(%dma_wait3A_1696 : memref<10000x128xf32, #tpu.memory_space<vmem_shared>>)
        tpu.yield
      }) : () -> ()
      %dma_start3A_1504 = arith.constant 13 : i32
      %dma_start3A_1505 = arith.constant 0 : i32
      %dma_start3A_1506 = tpu.memref_slice %arg6[%dma_start3A_1504, %dma_start3A_1505] : memref<25x80xi32, #tpu.memory_space<vmem>> -> memref<1x80xi32, #tpu.memory_space<vmem>>
      %dma_start3A_1507 = tpu.memref_squeeze %dma_start3A_1506 : memref<1x80xi32, #tpu.memory_space<vmem>> -> memref<80xi32, #tpu.memory_space<vmem>>
      %dma_start3A_1508 = arith.constant 0 : i32
      %dma_start3A_1509 = arith.constant 0 : i32
      %dma_start3A_1510 = tpu.memref_slice %arg2[%dma_start3A_1508, %dma_start3A_1509] : memref<20000x128xf32, #tpu.memory_space<hbm>> -> memref<20000x128xf32, #tpu.memory_space<hbm>>
      tpu.enqueue_indirect_dma source(%dma_start3A_1510 : memref<20000x128xf32, #tpu.memory_space<hbm>>) target(%arg8 : memref<80x128xf32, #tpu.memory_space<vmem>>) offsets(%dma_start3A_1507 : memref<80xi32, #tpu.memory_space<vmem>>) semaphore(%arg11 : memref<!tpu.dma_semaphore, #tpu.memory_space<semaphore_mem>>)
      %dma_wait3A_1511 = arith.constant 13 : i32
      %dma_wait3A_1512 = arith.constant 0 : i32
      %dma_wait3A_1513 = tpu.memref_slice %arg6[%dma_wait3A_1511, %dma_wait3A_1512] : memref<25x80xi32, #tpu.memory_space<vmem>> -> memref<1x80xi32, #tpu.memory_space<vmem>>
      %dma_wait3A_1514 = tpu.memref_squeeze %dma_wait3A_1513 : memref<1x80xi32, #tpu.memory_space<vmem>> -> memref<80xi32, #tpu.memory_space<vmem>>
      %dma_wait3A_1515 = arith.constant 0 : i32
      %dma_wait3A_1516 = arith.constant 0 : i32
      %dma_wait3A_1517 = tpu.memref_slice %arg2[%dma_wait3A_1515, %dma_wait3A_1516] : memref<20000x128xf32, #tpu.memory_space<hbm>> -> memref<20000x128xf32, #tpu.memory_space<hbm>>
      tpu.wait_indirect_dma semaphore(%arg11 : memref<!tpu.dma_semaphore, #tpu.memory_space<semaphore_mem>>) src(%dma_wait3A_1517 : memref<20000x128xf32, #tpu.memory_space<hbm>>) dst(%arg8 : memref<80x128xf32, #tpu.memory_space<vmem>>)
      %run_scoped3A_1518 = arith.constant 13 : i32
      "tpu.region"() ({
        %run_scoped3A_1684 = tpu.sem_alloc : memref<!tpu.dma_semaphore, #tpu.memory_space<semaphore_mem>>
        %dma_start3A_1685 = arith.constant 0 : i32
        %dma_start3A_1686 = tpu.memref_slice %arg7[%run_scoped3A_1518, %dma_start3A_1685] : memref<25x80xi32, #tpu.memory_space<vmem>> -> memref<1x80xi32, #tpu.memory_space<vmem>>
        %dma_start3A_1687 = tpu.memref_squeeze %dma_start3A_1686 : memref<1x80xi32, #tpu.memory_space<vmem>> -> memref<80xi32, #tpu.memory_space<vmem>>
        %dma_start3A_1688 = arith.constant 0 : i32
        %dma_start3A_1689 = arith.constant 0 : i32
        %dma_start3A_1690 = tpu.memref_slice %arg10[%dma_start3A_1688, %dma_start3A_1689] : memref<10000x128xf32, #tpu.memory_space<vmem_shared>> -> memref<10000x128xf32, #tpu.memory_space<vmem_shared>>
        tpu.enqueue_indirect_dma source(%arg8 : memref<80x128xf32, #tpu.memory_space<vmem>>) target(%dma_start3A_1690 : memref<10000x128xf32, #tpu.memory_space<vmem_shared>>) offsets(%dma_start3A_1687 : memref<80xi32, #tpu.memory_space<vmem>>) semaphore(%run_scoped3A_1684 : memref<!tpu.dma_semaphore, #tpu.memory_space<semaphore_mem>>) {add = true}
        %dma_wait3A_1691 = arith.constant 0 : i32
        %dma_wait3A_1692 = tpu.memref_slice %arg7[%run_scoped3A_1518, %dma_wait3A_1691] : memref<25x80xi32, #tpu.memory_space<vmem>> -> memref<1x80xi32, #tpu.memory_space<vmem>>
        %dma_wait3A_1693 = tpu.memref_squeeze %dma_wait3A_1692 : memref<1x80xi32, #tpu.memory_space<vmem>> -> memref<80xi32, #tpu.memory_space<vmem>>
        %dma_wait3A_1694 = arith.constant 0 : i32
        %dma_wait3A_1695 = arith.constant 0 : i32
        %dma_wait3A_1696 = tpu.memref_slice %arg10[%dma_wait3A_1694, %dma_wait3A_1695] : memref<10000x128xf32, #tpu.memory_space<vmem_shared>> -> memref<10000x128xf32, #tpu.memory_space<vmem_shared>>
        tpu.wait_indirect_dma semaphore(%run_scoped3A_1684 : memref<!tpu.dma_semaphore, #tpu.memory_space<semaphore_mem>>) src(%arg8 : memref<80x128xf32, #tpu.memory_space<vmem>>) dst(%dma_wait3A_1696 : memref<10000x128xf32, #tpu.memory_space<vmem_shared>>)
        tpu.yield
      }) : () -> ()
      %dma_start3A_1519 = arith.constant 14 : i32
      %dma_start3A_1520 = arith.constant 0 : i32
      %dma_start3A_1521 = tpu.memref_slice %arg6[%dma_start3A_1519, %dma_start3A_1520] : memref<25x80xi32, #tpu.memory_space<vmem>> -> memref<1x80xi32, #tpu.memory_space<vmem>>
      %dma_start3A_1522 = tpu.memref_squeeze %dma_start3A_1521 : memref<1x80xi32, #tpu.memory_space<vmem>> -> memref<80xi32, #tpu.memory_space<vmem>>
      %dma_start3A_1523 = arith.constant 0 : i32
      %dma_start3A_1524 = arith.constant 0 : i32
      %dma_start3A_1525 = tpu.memref_slice %arg2[%dma_start3A_1523, %dma_start3A_1524] : memref<20000x128xf32, #tpu.memory_space<hbm>> -> memref<20000x128xf32, #tpu.memory_space<hbm>>
      tpu.enqueue_indirect_dma source(%dma_start3A_1525 : memref<20000x128xf32, #tpu.memory_space<hbm>>) target(%arg8 : memref<80x128xf32, #tpu.memory_space<vmem>>) offsets(%dma_start3A_1522 : memref<80xi32, #tpu.memory_space<vmem>>) semaphore(%arg11 : memref<!tpu.dma_semaphore, #tpu.memory_space<semaphore_mem>>)
      %dma_wait3A_1526 = arith.constant 14 : i32
      %dma_wait3A_1527 = arith.constant 0 : i32
      %dma_wait3A_1528 = tpu.memref_slice %arg6[%dma_wait3A_1526, %dma_wait3A_1527] : memref<25x80xi32, #tpu.memory_space<vmem>> -> memref<1x80xi32, #tpu.memory_space<vmem>>
      %dma_wait3A_1529 = tpu.memref_squeeze %dma_wait3A_1528 : memref<1x80xi32, #tpu.memory_space<vmem>> -> memref<80xi32, #tpu.memory_space<vmem>>
      %dma_wait3A_1530 = arith.constant 0 : i32
      %dma_wait3A_1531 = arith.constant 0 : i32
      %dma_wait3A_1532 = tpu.memref_slice %arg2[%dma_wait3A_1530, %dma_wait3A_1531] : memref<20000x128xf32, #tpu.memory_space<hbm>> -> memref<20000x128xf32, #tpu.memory_space<hbm>>
      tpu.wait_indirect_dma semaphore(%arg11 : memref<!tpu.dma_semaphore, #tpu.memory_space<semaphore_mem>>) src(%dma_wait3A_1532 : memref<20000x128xf32, #tpu.memory_space<hbm>>) dst(%arg8 : memref<80x128xf32, #tpu.memory_space<vmem>>)
      %run_scoped3A_1533 = arith.constant 14 : i32
      "tpu.region"() ({
        %run_scoped3A_1684 = tpu.sem_alloc : memref<!tpu.dma_semaphore, #tpu.memory_space<semaphore_mem>>
        %dma_start3A_1685 = arith.constant 0 : i32
        %dma_start3A_1686 = tpu.memref_slice %arg7[%run_scoped3A_1533, %dma_start3A_1685] : memref<25x80xi32, #tpu.memory_space<vmem>> -> memref<1x80xi32, #tpu.memory_space<vmem>>
        %dma_start3A_1687 = tpu.memref_squeeze %dma_start3A_1686 : memref<1x80xi32, #tpu.memory_space<vmem>> -> memref<80xi32, #tpu.memory_space<vmem>>
        %dma_start3A_1688 = arith.constant 0 : i32
        %dma_start3A_1689 = arith.constant 0 : i32
        %dma_start3A_1690 = tpu.memref_slice %arg10[%dma_start3A_1688, %dma_start3A_1689] : memref<10000x128xf32, #tpu.memory_space<vmem_shared>> -> memref<10000x128xf32, #tpu.memory_space<vmem_shared>>
        tpu.enqueue_indirect_dma source(%arg8 : memref<80x128xf32, #tpu.memory_space<vmem>>) target(%dma_start3A_1690 : memref<10000x128xf32, #tpu.memory_space<vmem_shared>>) offsets(%dma_start3A_1687 : memref<80xi32, #tpu.memory_space<vmem>>) semaphore(%run_scoped3A_1684 : memref<!tpu.dma_semaphore, #tpu.memory_space<semaphore_mem>>) {add = true}
        %dma_wait3A_1691 = arith.constant 0 : i32
        %dma_wait3A_1692 = tpu.memref_slice %arg7[%run_scoped3A_1533, %dma_wait3A_1691] : memref<25x80xi32, #tpu.memory_space<vmem>> -> memref<1x80xi32, #tpu.memory_space<vmem>>
        %dma_wait3A_1693 = tpu.memref_squeeze %dma_wait3A_1692 : memref<1x80xi32, #tpu.memory_space<vmem>> -> memref<80xi32, #tpu.memory_space<vmem>>
        %dma_wait3A_1694 = arith.constant 0 : i32
        %dma_wait3A_1695 = arith.constant 0 : i32
        %dma_wait3A_1696 = tpu.memref_slice %arg10[%dma_wait3A_1694, %dma_wait3A_1695] : memref<10000x128xf32, #tpu.memory_space<vmem_shared>> -> memref<10000x128xf32, #tpu.memory_space<vmem_shared>>
        tpu.wait_indirect_dma semaphore(%run_scoped3A_1684 : memref<!tpu.dma_semaphore, #tpu.memory_space<semaphore_mem>>) src(%arg8 : memref<80x128xf32, #tpu.memory_space<vmem>>) dst(%dma_wait3A_1696 : memref<10000x128xf32, #tpu.memory_space<vmem_shared>>)
        tpu.yield
      }) : () -> ()
      %dma_start3A_1534 = arith.constant 15 : i32
      %dma_start3A_1535 = arith.constant 0 : i32
      %dma_start3A_1536 = tpu.memref_slice %arg6[%dma_start3A_1534, %dma_start3A_1535] : memref<25x80xi32, #tpu.memory_space<vmem>> -> memref<1x80xi32, #tpu.memory_space<vmem>>
      %dma_start3A_1537 = tpu.memref_squeeze %dma_start3A_1536 : memref<1x80xi32, #tpu.memory_space<vmem>> -> memref<80xi32, #tpu.memory_space<vmem>>
      %dma_start3A_1538 = arith.constant 0 : i32
      %dma_start3A_1539 = arith.constant 0 : i32
      %dma_start3A_1540 = tpu.memref_slice %arg2[%dma_start3A_1538, %dma_start3A_1539] : memref<20000x128xf32, #tpu.memory_space<hbm>> -> memref<20000x128xf32, #tpu.memory_space<hbm>>
      tpu.enqueue_indirect_dma source(%dma_start3A_1540 : memref<20000x128xf32, #tpu.memory_space<hbm>>) target(%arg8 : memref<80x128xf32, #tpu.memory_space<vmem>>) offsets(%dma_start3A_1537 : memref<80xi32, #tpu.memory_space<vmem>>) semaphore(%arg11 : memref<!tpu.dma_semaphore, #tpu.memory_space<semaphore_mem>>)
      %dma_wait3A_1541 = arith.constant 15 : i32
      %dma_wait3A_1542 = arith.constant 0 : i32
      %dma_wait3A_1543 = tpu.memref_slice %arg6[%dma_wait3A_1541, %dma_wait3A_1542] : memref<25x80xi32, #tpu.memory_space<vmem>> -> memref<1x80xi32, #tpu.memory_space<vmem>>
      %dma_wait3A_1544 = tpu.memref_squeeze %dma_wait3A_1543 : memref<1x80xi32, #tpu.memory_space<vmem>> -> memref<80xi32, #tpu.memory_space<vmem>>
      %dma_wait3A_1545 = arith.constant 0 : i32
      %dma_wait3A_1546 = arith.constant 0 : i32
      %dma_wait3A_1547 = tpu.memref_slice %arg2[%dma_wait3A_1545, %dma_wait3A_1546] : memref<20000x128xf32, #tpu.memory_space<hbm>> -> memref<20000x128xf32, #tpu.memory_space<hbm>>
      tpu.wait_indirect_dma semaphore(%arg11 : memref<!tpu.dma_semaphore, #tpu.memory_space<semaphore_mem>>) src(%dma_wait3A_1547 : memref<20000x128xf32, #tpu.memory_space<hbm>>) dst(%arg8 : memref<80x128xf32, #tpu.memory_space<vmem>>)
      %run_scoped3A_1548 = arith.constant 15 : i32
      "tpu.region"() ({
        %run_scoped3A_1684 = tpu.sem_alloc : memref<!tpu.dma_semaphore, #tpu.memory_space<semaphore_mem>>
        %dma_start3A_1685 = arith.constant 0 : i32
        %dma_start3A_1686 = tpu.memref_slice %arg7[%run_scoped3A_1548, %dma_start3A_1685] : memref<25x80xi32, #tpu.memory_space<vmem>> -> memref<1x80xi32, #tpu.memory_space<vmem>>
        %dma_start3A_1687 = tpu.memref_squeeze %dma_start3A_1686 : memref<1x80xi32, #tpu.memory_space<vmem>> -> memref<80xi32, #tpu.memory_space<vmem>>
        %dma_start3A_1688 = arith.constant 0 : i32
        %dma_start3A_1689 = arith.constant 0 : i32
        %dma_start3A_1690 = tpu.memref_slice %arg10[%dma_start3A_1688, %dma_start3A_1689] : memref<10000x128xf32, #tpu.memory_space<vmem_shared>> -> memref<10000x128xf32, #tpu.memory_space<vmem_shared>>
        tpu.enqueue_indirect_dma source(%arg8 : memref<80x128xf32, #tpu.memory_space<vmem>>) target(%dma_start3A_1690 : memref<10000x128xf32, #tpu.memory_space<vmem_shared>>) offsets(%dma_start3A_1687 : memref<80xi32, #tpu.memory_space<vmem>>) semaphore(%run_scoped3A_1684 : memref<!tpu.dma_semaphore, #tpu.memory_space<semaphore_mem>>) {add = true}
        %dma_wait3A_1691 = arith.constant 0 : i32
        %dma_wait3A_1692 = tpu.memref_slice %arg7[%run_scoped3A_1548, %dma_wait3A_1691] : memref<25x80xi32, #tpu.memory_space<vmem>> -> memref<1x80xi32, #tpu.memory_space<vmem>>
        %dma_wait3A_1693 = tpu.memref_squeeze %dma_wait3A_1692 : memref<1x80xi32, #tpu.memory_space<vmem>> -> memref<80xi32, #tpu.memory_space<vmem>>
        %dma_wait3A_1694 = arith.constant 0 : i32
        %dma_wait3A_1695 = arith.constant 0 : i32
        %dma_wait3A_1696 = tpu.memref_slice %arg10[%dma_wait3A_1694, %dma_wait3A_1695] : memref<10000x128xf32, #tpu.memory_space<vmem_shared>> -> memref<10000x128xf32, #tpu.memory_space<vmem_shared>>
        tpu.wait_indirect_dma semaphore(%run_scoped3A_1684 : memref<!tpu.dma_semaphore, #tpu.memory_space<semaphore_mem>>) src(%arg8 : memref<80x128xf32, #tpu.memory_space<vmem>>) dst(%dma_wait3A_1696 : memref<10000x128xf32, #tpu.memory_space<vmem_shared>>)
        tpu.yield
      }) : () -> ()
      %dma_start3A_1549 = arith.constant 16 : i32
      %dma_start3A_1550 = arith.constant 0 : i32
      %dma_start3A_1551 = tpu.memref_slice %arg6[%dma_start3A_1549, %dma_start3A_1550] : memref<25x80xi32, #tpu.memory_space<vmem>> -> memref<1x80xi32, #tpu.memory_space<vmem>>
      %dma_start3A_1552 = tpu.memref_squeeze %dma_start3A_1551 : memref<1x80xi32, #tpu.memory_space<vmem>> -> memref<80xi32, #tpu.memory_space<vmem>>
      %dma_start3A_1553 = arith.constant 0 : i32
      %dma_start3A_1554 = arith.constant 0 : i32
      %dma_start3A_1555 = tpu.memref_slice %arg2[%dma_start3A_1553, %dma_start3A_1554] : memref<20000x128xf32, #tpu.memory_space<hbm>> -> memref<20000x128xf32, #tpu.memory_space<hbm>>
      tpu.enqueue_indirect_dma source(%dma_start3A_1555 : memref<20000x128xf32, #tpu.memory_space<hbm>>) target(%arg8 : memref<80x128xf32, #tpu.memory_space<vmem>>) offsets(%dma_start3A_1552 : memref<80xi32, #tpu.memory_space<vmem>>) semaphore(%arg11 : memref<!tpu.dma_semaphore, #tpu.memory_space<semaphore_mem>>)
      %dma_wait3A_1556 = arith.constant 16 : i32
      %dma_wait3A_1557 = arith.constant 0 : i32
      %dma_wait3A_1558 = tpu.memref_slice %arg6[%dma_wait3A_1556, %dma_wait3A_1557] : memref<25x80xi32, #tpu.memory_space<vmem>> -> memref<1x80xi32, #tpu.memory_space<vmem>>
      %dma_wait3A_1559 = tpu.memref_squeeze %dma_wait3A_1558 : memref<1x80xi32, #tpu.memory_space<vmem>> -> memref<80xi32, #tpu.memory_space<vmem>>
      %dma_wait3A_1560 = arith.constant 0 : i32
      %dma_wait3A_1561 = arith.constant 0 : i32
      %dma_wait3A_1562 = tpu.memref_slice %arg2[%dma_wait3A_1560, %dma_wait3A_1561] : memref<20000x128xf32, #tpu.memory_space<hbm>> -> memref<20000x128xf32, #tpu.memory_space<hbm>>
      tpu.wait_indirect_dma semaphore(%arg11 : memref<!tpu.dma_semaphore, #tpu.memory_space<semaphore_mem>>) src(%dma_wait3A_1562 : memref<20000x128xf32, #tpu.memory_space<hbm>>) dst(%arg8 : memref<80x128xf32, #tpu.memory_space<vmem>>)
      %run_scoped3A_1563 = arith.constant 16 : i32
      "tpu.region"() ({
        %run_scoped3A_1684 = tpu.sem_alloc : memref<!tpu.dma_semaphore, #tpu.memory_space<semaphore_mem>>
        %dma_start3A_1685 = arith.constant 0 : i32
        %dma_start3A_1686 = tpu.memref_slice %arg7[%run_scoped3A_1563, %dma_start3A_1685] : memref<25x80xi32, #tpu.memory_space<vmem>> -> memref<1x80xi32, #tpu.memory_space<vmem>>
        %dma_start3A_1687 = tpu.memref_squeeze %dma_start3A_1686 : memref<1x80xi32, #tpu.memory_space<vmem>> -> memref<80xi32, #tpu.memory_space<vmem>>
        %dma_start3A_1688 = arith.constant 0 : i32
        %dma_start3A_1689 = arith.constant 0 : i32
        %dma_start3A_1690 = tpu.memref_slice %arg10[%dma_start3A_1688, %dma_start3A_1689] : memref<10000x128xf32, #tpu.memory_space<vmem_shared>> -> memref<10000x128xf32, #tpu.memory_space<vmem_shared>>
        tpu.enqueue_indirect_dma source(%arg8 : memref<80x128xf32, #tpu.memory_space<vmem>>) target(%dma_start3A_1690 : memref<10000x128xf32, #tpu.memory_space<vmem_shared>>) offsets(%dma_start3A_1687 : memref<80xi32, #tpu.memory_space<vmem>>) semaphore(%run_scoped3A_1684 : memref<!tpu.dma_semaphore, #tpu.memory_space<semaphore_mem>>) {add = true}
        %dma_wait3A_1691 = arith.constant 0 : i32
        %dma_wait3A_1692 = tpu.memref_slice %arg7[%run_scoped3A_1563, %dma_wait3A_1691] : memref<25x80xi32, #tpu.memory_space<vmem>> -> memref<1x80xi32, #tpu.memory_space<vmem>>
        %dma_wait3A_1693 = tpu.memref_squeeze %dma_wait3A_1692 : memref<1x80xi32, #tpu.memory_space<vmem>> -> memref<80xi32, #tpu.memory_space<vmem>>
        %dma_wait3A_1694 = arith.constant 0 : i32
        %dma_wait3A_1695 = arith.constant 0 : i32
        %dma_wait3A_1696 = tpu.memref_slice %arg10[%dma_wait3A_1694, %dma_wait3A_1695] : memref<10000x128xf32, #tpu.memory_space<vmem_shared>> -> memref<10000x128xf32, #tpu.memory_space<vmem_shared>>
        tpu.wait_indirect_dma semaphore(%run_scoped3A_1684 : memref<!tpu.dma_semaphore, #tpu.memory_space<semaphore_mem>>) src(%arg8 : memref<80x128xf32, #tpu.memory_space<vmem>>) dst(%dma_wait3A_1696 : memref<10000x128xf32, #tpu.memory_space<vmem_shared>>)
        tpu.yield
      }) : () -> ()
      %dma_start3A_1564 = arith.constant 17 : i32
      %dma_start3A_1565 = arith.constant 0 : i32
      %dma_start3A_1566 = tpu.memref_slice %arg6[%dma_start3A_1564, %dma_start3A_1565] : memref<25x80xi32, #tpu.memory_space<vmem>> -> memref<1x80xi32, #tpu.memory_space<vmem>>
      %dma_start3A_1567 = tpu.memref_squeeze %dma_start3A_1566 : memref<1x80xi32, #tpu.memory_space<vmem>> -> memref<80xi32, #tpu.memory_space<vmem>>
      %dma_start3A_1568 = arith.constant 0 : i32
      %dma_start3A_1569 = arith.constant 0 : i32
      %dma_start3A_1570 = tpu.memref_slice %arg2[%dma_start3A_1568, %dma_start3A_1569] : memref<20000x128xf32, #tpu.memory_space<hbm>> -> memref<20000x128xf32, #tpu.memory_space<hbm>>
      tpu.enqueue_indirect_dma source(%dma_start3A_1570 : memref<20000x128xf32, #tpu.memory_space<hbm>>) target(%arg8 : memref<80x128xf32, #tpu.memory_space<vmem>>) offsets(%dma_start3A_1567 : memref<80xi32, #tpu.memory_space<vmem>>) semaphore(%arg11 : memref<!tpu.dma_semaphore, #tpu.memory_space<semaphore_mem>>)
      %dma_wait3A_1571 = arith.constant 17 : i32
      %dma_wait3A_1572 = arith.constant 0 : i32
      %dma_wait3A_1573 = tpu.memref_slice %arg6[%dma_wait3A_1571, %dma_wait3A_1572] : memref<25x80xi32, #tpu.memory_space<vmem>> -> memref<1x80xi32, #tpu.memory_space<vmem>>
      %dma_wait3A_1574 = tpu.memref_squeeze %dma_wait3A_1573 : memref<1x80xi32, #tpu.memory_space<vmem>> -> memref<80xi32, #tpu.memory_space<vmem>>
      %dma_wait3A_1575 = arith.constant 0 : i32
      %dma_wait3A_1576 = arith.constant 0 : i32
      %dma_wait3A_1577 = tpu.memref_slice %arg2[%dma_wait3A_1575, %dma_wait3A_1576] : memref<20000x128xf32, #tpu.memory_space<hbm>> -> memref<20000x128xf32, #tpu.memory_space<hbm>>
      tpu.wait_indirect_dma semaphore(%arg11 : memref<!tpu.dma_semaphore, #tpu.memory_space<semaphore_mem>>) src(%dma_wait3A_1577 : memref<20000x128xf32, #tpu.memory_space<hbm>>) dst(%arg8 : memref<80x128xf32, #tpu.memory_space<vmem>>)
      %run_scoped3A_1578 = arith.constant 17 : i32
      "tpu.region"() ({
        %run_scoped3A_1684 = tpu.sem_alloc : memref<!tpu.dma_semaphore, #tpu.memory_space<semaphore_mem>>
        %dma_start3A_1685 = arith.constant 0 : i32
        %dma_start3A_1686 = tpu.memref_slice %arg7[%run_scoped3A_1578, %dma_start3A_1685] : memref<25x80xi32, #tpu.memory_space<vmem>> -> memref<1x80xi32, #tpu.memory_space<vmem>>
        %dma_start3A_1687 = tpu.memref_squeeze %dma_start3A_1686 : memref<1x80xi32, #tpu.memory_space<vmem>> -> memref<80xi32, #tpu.memory_space<vmem>>
        %dma_start3A_1688 = arith.constant 0 : i32
        %dma_start3A_1689 = arith.constant 0 : i32
        %dma_start3A_1690 = tpu.memref_slice %arg10[%dma_start3A_1688, %dma_start3A_1689] : memref<10000x128xf32, #tpu.memory_space<vmem_shared>> -> memref<10000x128xf32, #tpu.memory_space<vmem_shared>>
        tpu.enqueue_indirect_dma source(%arg8 : memref<80x128xf32, #tpu.memory_space<vmem>>) target(%dma_start3A_1690 : memref<10000x128xf32, #tpu.memory_space<vmem_shared>>) offsets(%dma_start3A_1687 : memref<80xi32, #tpu.memory_space<vmem>>) semaphore(%run_scoped3A_1684 : memref<!tpu.dma_semaphore, #tpu.memory_space<semaphore_mem>>) {add = true}
        %dma_wait3A_1691 = arith.constant 0 : i32
        %dma_wait3A_1692 = tpu.memref_slice %arg7[%run_scoped3A_1578, %dma_wait3A_1691] : memref<25x80xi32, #tpu.memory_space<vmem>> -> memref<1x80xi32, #tpu.memory_space<vmem>>
        %dma_wait3A_1693 = tpu.memref_squeeze %dma_wait3A_1692 : memref<1x80xi32, #tpu.memory_space<vmem>> -> memref<80xi32, #tpu.memory_space<vmem>>
        %dma_wait3A_1694 = arith.constant 0 : i32
        %dma_wait3A_1695 = arith.constant 0 : i32
        %dma_wait3A_1696 = tpu.memref_slice %arg10[%dma_wait3A_1694, %dma_wait3A_1695] : memref<10000x128xf32, #tpu.memory_space<vmem_shared>> -> memref<10000x128xf32, #tpu.memory_space<vmem_shared>>
        tpu.wait_indirect_dma semaphore(%run_scoped3A_1684 : memref<!tpu.dma_semaphore, #tpu.memory_space<semaphore_mem>>) src(%arg8 : memref<80x128xf32, #tpu.memory_space<vmem>>) dst(%dma_wait3A_1696 : memref<10000x128xf32, #tpu.memory_space<vmem_shared>>)
        tpu.yield
      }) : () -> ()
      %dma_start3A_1579 = arith.constant 18 : i32
      %dma_start3A_1580 = arith.constant 0 : i32
      %dma_start3A_1581 = tpu.memref_slice %arg6[%dma_start3A_1579, %dma_start3A_1580] : memref<25x80xi32, #tpu.memory_space<vmem>> -> memref<1x80xi32, #tpu.memory_space<vmem>>
      %dma_start3A_1582 = tpu.memref_squeeze %dma_start3A_1581 : memref<1x80xi32, #tpu.memory_space<vmem>> -> memref<80xi32, #tpu.memory_space<vmem>>
      %dma_start3A_1583 = arith.constant 0 : i32
      %dma_start3A_1584 = arith.constant 0 : i32
      %dma_start3A_1585 = tpu.memref_slice %arg2[%dma_start3A_1583, %dma_start3A_1584] : memref<20000x128xf32, #tpu.memory_space<hbm>> -> memref<20000x128xf32, #tpu.memory_space<hbm>>
      tpu.enqueue_indirect_dma source(%dma_start3A_1585 : memref<20000x128xf32, #tpu.memory_space<hbm>>) target(%arg8 : memref<80x128xf32, #tpu.memory_space<vmem>>) offsets(%dma_start3A_1582 : memref<80xi32, #tpu.memory_space<vmem>>) semaphore(%arg11 : memref<!tpu.dma_semaphore, #tpu.memory_space<semaphore_mem>>)
      %dma_wait3A_1586 = arith.constant 18 : i32
      %dma_wait3A_1587 = arith.constant 0 : i32
      %dma_wait3A_1588 = tpu.memref_slice %arg6[%dma_wait3A_1586, %dma_wait3A_1587] : memref<25x80xi32, #tpu.memory_space<vmem>> -> memref<1x80xi32, #tpu.memory_space<vmem>>
      %dma_wait3A_1589 = tpu.memref_squeeze %dma_wait3A_1588 : memref<1x80xi32, #tpu.memory_space<vmem>> -> memref<80xi32, #tpu.memory_space<vmem>>
      %dma_wait3A_1590 = arith.constant 0 : i32
      %dma_wait3A_1591 = arith.constant 0 : i32
      %dma_wait3A_1592 = tpu.memref_slice %arg2[%dma_wait3A_1590, %dma_wait3A_1591] : memref<20000x128xf32, #tpu.memory_space<hbm>> -> memref<20000x128xf32, #tpu.memory_space<hbm>>
      tpu.wait_indirect_dma semaphore(%arg11 : memref<!tpu.dma_semaphore, #tpu.memory_space<semaphore_mem>>) src(%dma_wait3A_1592 : memref<20000x128xf32, #tpu.memory_space<hbm>>) dst(%arg8 : memref<80x128xf32, #tpu.memory_space<vmem>>)
      %run_scoped3A_1593 = arith.constant 18 : i32
      "tpu.region"() ({
        %run_scoped3A_1684 = tpu.sem_alloc : memref<!tpu.dma_semaphore, #tpu.memory_space<semaphore_mem>>
        %dma_start3A_1685 = arith.constant 0 : i32
        %dma_start3A_1686 = tpu.memref_slice %arg7[%run_scoped3A_1593, %dma_start3A_1685] : memref<25x80xi32, #tpu.memory_space<vmem>> -> memref<1x80xi32, #tpu.memory_space<vmem>>
        %dma_start3A_1687 = tpu.memref_squeeze %dma_start3A_1686 : memref<1x80xi32, #tpu.memory_space<vmem>> -> memref<80xi32, #tpu.memory_space<vmem>>
        %dma_start3A_1688 = arith.constant 0 : i32
        %dma_start3A_1689 = arith.constant 0 : i32
        %dma_start3A_1690 = tpu.memref_slice %arg10[%dma_start3A_1688, %dma_start3A_1689] : memref<10000x128xf32, #tpu.memory_space<vmem_shared>> -> memref<10000x128xf32, #tpu.memory_space<vmem_shared>>
        tpu.enqueue_indirect_dma source(%arg8 : memref<80x128xf32, #tpu.memory_space<vmem>>) target(%dma_start3A_1690 : memref<10000x128xf32, #tpu.memory_space<vmem_shared>>) offsets(%dma_start3A_1687 : memref<80xi32, #tpu.memory_space<vmem>>) semaphore(%run_scoped3A_1684 : memref<!tpu.dma_semaphore, #tpu.memory_space<semaphore_mem>>) {add = true}
        %dma_wait3A_1691 = arith.constant 0 : i32
        %dma_wait3A_1692 = tpu.memref_slice %arg7[%run_scoped3A_1593, %dma_wait3A_1691] : memref<25x80xi32, #tpu.memory_space<vmem>> -> memref<1x80xi32, #tpu.memory_space<vmem>>
        %dma_wait3A_1693 = tpu.memref_squeeze %dma_wait3A_1692 : memref<1x80xi32, #tpu.memory_space<vmem>> -> memref<80xi32, #tpu.memory_space<vmem>>
        %dma_wait3A_1694 = arith.constant 0 : i32
        %dma_wait3A_1695 = arith.constant 0 : i32
        %dma_wait3A_1696 = tpu.memref_slice %arg10[%dma_wait3A_1694, %dma_wait3A_1695] : memref<10000x128xf32, #tpu.memory_space<vmem_shared>> -> memref<10000x128xf32, #tpu.memory_space<vmem_shared>>
        tpu.wait_indirect_dma semaphore(%run_scoped3A_1684 : memref<!tpu.dma_semaphore, #tpu.memory_space<semaphore_mem>>) src(%arg8 : memref<80x128xf32, #tpu.memory_space<vmem>>) dst(%dma_wait3A_1696 : memref<10000x128xf32, #tpu.memory_space<vmem_shared>>)
        tpu.yield
      }) : () -> ()
      %dma_start3A_1594 = arith.constant 19 : i32
      %dma_start3A_1595 = arith.constant 0 : i32
      %dma_start3A_1596 = tpu.memref_slice %arg6[%dma_start3A_1594, %dma_start3A_1595] : memref<25x80xi32, #tpu.memory_space<vmem>> -> memref<1x80xi32, #tpu.memory_space<vmem>>
      %dma_start3A_1597 = tpu.memref_squeeze %dma_start3A_1596 : memref<1x80xi32, #tpu.memory_space<vmem>> -> memref<80xi32, #tpu.memory_space<vmem>>
      %dma_start3A_1598 = arith.constant 0 : i32
      %dma_start3A_1599 = arith.constant 0 : i32
      %dma_start3A_1600 = tpu.memref_slice %arg2[%dma_start3A_1598, %dma_start3A_1599] : memref<20000x128xf32, #tpu.memory_space<hbm>> -> memref<20000x128xf32, #tpu.memory_space<hbm>>
      tpu.enqueue_indirect_dma source(%dma_start3A_1600 : memref<20000x128xf32, #tpu.memory_space<hbm>>) target(%arg8 : memref<80x128xf32, #tpu.memory_space<vmem>>) offsets(%dma_start3A_1597 : memref<80xi32, #tpu.memory_space<vmem>>) semaphore(%arg11 : memref<!tpu.dma_semaphore, #tpu.memory_space<semaphore_mem>>)
      %dma_wait3A_1601 = arith.constant 19 : i32
      %dma_wait3A_1602 = arith.constant 0 : i32
      %dma_wait3A_1603 = tpu.memref_slice %arg6[%dma_wait3A_1601, %dma_wait3A_1602] : memref<25x80xi32, #tpu.memory_space<vmem>> -> memref<1x80xi32, #tpu.memory_space<vmem>>
      %dma_wait3A_1604 = tpu.memref_squeeze %dma_wait3A_1603 : memref<1x80xi32, #tpu.memory_space<vmem>> -> memref<80xi32, #tpu.memory_space<vmem>>
      %dma_wait3A_1605 = arith.constant 0 : i32
      %dma_wait3A_1606 = arith.constant 0 : i32
      %dma_wait3A_1607 = tpu.memref_slice %arg2[%dma_wait3A_1605, %dma_wait3A_1606] : memref<20000x128xf32, #tpu.memory_space<hbm>> -> memref<20000x128xf32, #tpu.memory_space<hbm>>
      tpu.wait_indirect_dma semaphore(%arg11 : memref<!tpu.dma_semaphore, #tpu.memory_space<semaphore_mem>>) src(%dma_wait3A_1607 : memref<20000x128xf32, #tpu.memory_space<hbm>>) dst(%arg8 : memref<80x128xf32, #tpu.memory_space<vmem>>)
      %run_scoped3A_1608 = arith.constant 19 : i32
      "tpu.region"() ({
        %run_scoped3A_1684 = tpu.sem_alloc : memref<!tpu.dma_semaphore, #tpu.memory_space<semaphore_mem>>
        %dma_start3A_1685 = arith.constant 0 : i32
        %dma_start3A_1686 = tpu.memref_slice %arg7[%run_scoped3A_1608, %dma_start3A_1685] : memref<25x80xi32, #tpu.memory_space<vmem>> -> memref<1x80xi32, #tpu.memory_space<vmem>>
        %dma_start3A_1687 = tpu.memref_squeeze %dma_start3A_1686 : memref<1x80xi32, #tpu.memory_space<vmem>> -> memref<80xi32, #tpu.memory_space<vmem>>
        %dma_start3A_1688 = arith.constant 0 : i32
        %dma_start3A_1689 = arith.constant 0 : i32
        %dma_start3A_1690 = tpu.memref_slice %arg10[%dma_start3A_1688, %dma_start3A_1689] : memref<10000x128xf32, #tpu.memory_space<vmem_shared>> -> memref<10000x128xf32, #tpu.memory_space<vmem_shared>>
        tpu.enqueue_indirect_dma source(%arg8 : memref<80x128xf32, #tpu.memory_space<vmem>>) target(%dma_start3A_1690 : memref<10000x128xf32, #tpu.memory_space<vmem_shared>>) offsets(%dma_start3A_1687 : memref<80xi32, #tpu.memory_space<vmem>>) semaphore(%run_scoped3A_1684 : memref<!tpu.dma_semaphore, #tpu.memory_space<semaphore_mem>>) {add = true}
        %dma_wait3A_1691 = arith.constant 0 : i32
        %dma_wait3A_1692 = tpu.memref_slice %arg7[%run_scoped3A_1608, %dma_wait3A_1691] : memref<25x80xi32, #tpu.memory_space<vmem>> -> memref<1x80xi32, #tpu.memory_space<vmem>>
        %dma_wait3A_1693 = tpu.memref_squeeze %dma_wait3A_1692 : memref<1x80xi32, #tpu.memory_space<vmem>> -> memref<80xi32, #tpu.memory_space<vmem>>
        %dma_wait3A_1694 = arith.constant 0 : i32
        %dma_wait3A_1695 = arith.constant 0 : i32
        %dma_wait3A_1696 = tpu.memref_slice %arg10[%dma_wait3A_1694, %dma_wait3A_1695] : memref<10000x128xf32, #tpu.memory_space<vmem_shared>> -> memref<10000x128xf32, #tpu.memory_space<vmem_shared>>
        tpu.wait_indirect_dma semaphore(%run_scoped3A_1684 : memref<!tpu.dma_semaphore, #tpu.memory_space<semaphore_mem>>) src(%arg8 : memref<80x128xf32, #tpu.memory_space<vmem>>) dst(%dma_wait3A_1696 : memref<10000x128xf32, #tpu.memory_space<vmem_shared>>)
        tpu.yield
      }) : () -> ()
      %dma_start3A_1609 = arith.constant 20 : i32
      %dma_start3A_1610 = arith.constant 0 : i32
      %dma_start3A_1611 = tpu.memref_slice %arg6[%dma_start3A_1609, %dma_start3A_1610] : memref<25x80xi32, #tpu.memory_space<vmem>> -> memref<1x80xi32, #tpu.memory_space<vmem>>
      %dma_start3A_1612 = tpu.memref_squeeze %dma_start3A_1611 : memref<1x80xi32, #tpu.memory_space<vmem>> -> memref<80xi32, #tpu.memory_space<vmem>>
      %dma_start3A_1613 = arith.constant 0 : i32
      %dma_start3A_1614 = arith.constant 0 : i32
      %dma_start3A_1615 = tpu.memref_slice %arg2[%dma_start3A_1613, %dma_start3A_1614] : memref<20000x128xf32, #tpu.memory_space<hbm>> -> memref<20000x128xf32, #tpu.memory_space<hbm>>
      tpu.enqueue_indirect_dma source(%dma_start3A_1615 : memref<20000x128xf32, #tpu.memory_space<hbm>>) target(%arg8 : memref<80x128xf32, #tpu.memory_space<vmem>>) offsets(%dma_start3A_1612 : memref<80xi32, #tpu.memory_space<vmem>>) semaphore(%arg11 : memref<!tpu.dma_semaphore, #tpu.memory_space<semaphore_mem>>)
      %dma_wait3A_1616 = arith.constant 20 : i32
      %dma_wait3A_1617 = arith.constant 0 : i32
      %dma_wait3A_1618 = tpu.memref_slice %arg6[%dma_wait3A_1616, %dma_wait3A_1617] : memref<25x80xi32, #tpu.memory_space<vmem>> -> memref<1x80xi32, #tpu.memory_space<vmem>>
      %dma_wait3A_1619 = tpu.memref_squeeze %dma_wait3A_1618 : memref<1x80xi32, #tpu.memory_space<vmem>> -> memref<80xi32, #tpu.memory_space<vmem>>
      %dma_wait3A_1620 = arith.constant 0 : i32
      %dma_wait3A_1621 = arith.constant 0 : i32
      %dma_wait3A_1622 = tpu.memref_slice %arg2[%dma_wait3A_1620, %dma_wait3A_1621] : memref<20000x128xf32, #tpu.memory_space<hbm>> -> memref<20000x128xf32, #tpu.memory_space<hbm>>
      tpu.wait_indirect_dma semaphore(%arg11 : memref<!tpu.dma_semaphore, #tpu.memory_space<semaphore_mem>>) src(%dma_wait3A_1622 : memref<20000x128xf32, #tpu.memory_space<hbm>>) dst(%arg8 : memref<80x128xf32, #tpu.memory_space<vmem>>)
      %run_scoped3A_1623 = arith.constant 20 : i32
      "tpu.region"() ({
        %run_scoped3A_1684 = tpu.sem_alloc : memref<!tpu.dma_semaphore, #tpu.memory_space<semaphore_mem>>
        %dma_start3A_1685 = arith.constant 0 : i32
        %dma_start3A_1686 = tpu.memref_slice %arg7[%run_scoped3A_1623, %dma_start3A_1685] : memref<25x80xi32, #tpu.memory_space<vmem>> -> memref<1x80xi32, #tpu.memory_space<vmem>>
        %dma_start3A_1687 = tpu.memref_squeeze %dma_start3A_1686 : memref<1x80xi32, #tpu.memory_space<vmem>> -> memref<80xi32, #tpu.memory_space<vmem>>
        %dma_start3A_1688 = arith.constant 0 : i32
        %dma_start3A_1689 = arith.constant 0 : i32
        %dma_start3A_1690 = tpu.memref_slice %arg10[%dma_start3A_1688, %dma_start3A_1689] : memref<10000x128xf32, #tpu.memory_space<vmem_shared>> -> memref<10000x128xf32, #tpu.memory_space<vmem_shared>>
        tpu.enqueue_indirect_dma source(%arg8 : memref<80x128xf32, #tpu.memory_space<vmem>>) target(%dma_start3A_1690 : memref<10000x128xf32, #tpu.memory_space<vmem_shared>>) offsets(%dma_start3A_1687 : memref<80xi32, #tpu.memory_space<vmem>>) semaphore(%run_scoped3A_1684 : memref<!tpu.dma_semaphore, #tpu.memory_space<semaphore_mem>>) {add = true}
        %dma_wait3A_1691 = arith.constant 0 : i32
        %dma_wait3A_1692 = tpu.memref_slice %arg7[%run_scoped3A_1623, %dma_wait3A_1691] : memref<25x80xi32, #tpu.memory_space<vmem>> -> memref<1x80xi32, #tpu.memory_space<vmem>>
        %dma_wait3A_1693 = tpu.memref_squeeze %dma_wait3A_1692 : memref<1x80xi32, #tpu.memory_space<vmem>> -> memref<80xi32, #tpu.memory_space<vmem>>
        %dma_wait3A_1694 = arith.constant 0 : i32
        %dma_wait3A_1695 = arith.constant 0 : i32
        %dma_wait3A_1696 = tpu.memref_slice %arg10[%dma_wait3A_1694, %dma_wait3A_1695] : memref<10000x128xf32, #tpu.memory_space<vmem_shared>> -> memref<10000x128xf32, #tpu.memory_space<vmem_shared>>
        tpu.wait_indirect_dma semaphore(%run_scoped3A_1684 : memref<!tpu.dma_semaphore, #tpu.memory_space<semaphore_mem>>) src(%arg8 : memref<80x128xf32, #tpu.memory_space<vmem>>) dst(%dma_wait3A_1696 : memref<10000x128xf32, #tpu.memory_space<vmem_shared>>)
        tpu.yield
      }) : () -> ()
      %dma_start3A_1624 = arith.constant 21 : i32
      %dma_start3A_1625 = arith.constant 0 : i32
      %dma_start3A_1626 = tpu.memref_slice %arg6[%dma_start3A_1624, %dma_start3A_1625] : memref<25x80xi32, #tpu.memory_space<vmem>> -> memref<1x80xi32, #tpu.memory_space<vmem>>
      %dma_start3A_1627 = tpu.memref_squeeze %dma_start3A_1626 : memref<1x80xi32, #tpu.memory_space<vmem>> -> memref<80xi32, #tpu.memory_space<vmem>>
      %dma_start3A_1628 = arith.constant 0 : i32
      %dma_start3A_1629 = arith.constant 0 : i32
      %dma_start3A_1630 = tpu.memref_slice %arg2[%dma_start3A_1628, %dma_start3A_1629] : memref<20000x128xf32, #tpu.memory_space<hbm>> -> memref<20000x128xf32, #tpu.memory_space<hbm>>
      tpu.enqueue_indirect_dma source(%dma_start3A_1630 : memref<20000x128xf32, #tpu.memory_space<hbm>>) target(%arg8 : memref<80x128xf32, #tpu.memory_space<vmem>>) offsets(%dma_start3A_1627 : memref<80xi32, #tpu.memory_space<vmem>>) semaphore(%arg11 : memref<!tpu.dma_semaphore, #tpu.memory_space<semaphore_mem>>)
      %dma_wait3A_1631 = arith.constant 21 : i32
      %dma_wait3A_1632 = arith.constant 0 : i32
      %dma_wait3A_1633 = tpu.memref_slice %arg6[%dma_wait3A_1631, %dma_wait3A_1632] : memref<25x80xi32, #tpu.memory_space<vmem>> -> memref<1x80xi32, #tpu.memory_space<vmem>>
      %dma_wait3A_1634 = tpu.memref_squeeze %dma_wait3A_1633 : memref<1x80xi32, #tpu.memory_space<vmem>> -> memref<80xi32, #tpu.memory_space<vmem>>
      %dma_wait3A_1635 = arith.constant 0 : i32
      %dma_wait3A_1636 = arith.constant 0 : i32
      %dma_wait3A_1637 = tpu.memref_slice %arg2[%dma_wait3A_1635, %dma_wait3A_1636] : memref<20000x128xf32, #tpu.memory_space<hbm>> -> memref<20000x128xf32, #tpu.memory_space<hbm>>
      tpu.wait_indirect_dma semaphore(%arg11 : memref<!tpu.dma_semaphore, #tpu.memory_space<semaphore_mem>>) src(%dma_wait3A_1637 : memref<20000x128xf32, #tpu.memory_space<hbm>>) dst(%arg8 : memref<80x128xf32, #tpu.memory_space<vmem>>)
      %run_scoped3A_1638 = arith.constant 21 : i32
      "tpu.region"() ({
        %run_scoped3A_1684 = tpu.sem_alloc : memref<!tpu.dma_semaphore, #tpu.memory_space<semaphore_mem>>
        %dma_start3A_1685 = arith.constant 0 : i32
        %dma_start3A_1686 = tpu.memref_slice %arg7[%run_scoped3A_1638, %dma_start3A_1685] : memref<25x80xi32, #tpu.memory_space<vmem>> -> memref<1x80xi32, #tpu.memory_space<vmem>>
        %dma_start3A_1687 = tpu.memref_squeeze %dma_start3A_1686 : memref<1x80xi32, #tpu.memory_space<vmem>> -> memref<80xi32, #tpu.memory_space<vmem>>
        %dma_start3A_1688 = arith.constant 0 : i32
        %dma_start3A_1689 = arith.constant 0 : i32
        %dma_start3A_1690 = tpu.memref_slice %arg10[%dma_start3A_1688, %dma_start3A_1689] : memref<10000x128xf32, #tpu.memory_space<vmem_shared>> -> memref<10000x128xf32, #tpu.memory_space<vmem_shared>>
        tpu.enqueue_indirect_dma source(%arg8 : memref<80x128xf32, #tpu.memory_space<vmem>>) target(%dma_start3A_1690 : memref<10000x128xf32, #tpu.memory_space<vmem_shared>>) offsets(%dma_start3A_1687 : memref<80xi32, #tpu.memory_space<vmem>>) semaphore(%run_scoped3A_1684 : memref<!tpu.dma_semaphore, #tpu.memory_space<semaphore_mem>>) {add = true}
        %dma_wait3A_1691 = arith.constant 0 : i32
        %dma_wait3A_1692 = tpu.memref_slice %arg7[%run_scoped3A_1638, %dma_wait3A_1691] : memref<25x80xi32, #tpu.memory_space<vmem>> -> memref<1x80xi32, #tpu.memory_space<vmem>>
        %dma_wait3A_1693 = tpu.memref_squeeze %dma_wait3A_1692 : memref<1x80xi32, #tpu.memory_space<vmem>> -> memref<80xi32, #tpu.memory_space<vmem>>
        %dma_wait3A_1694 = arith.constant 0 : i32
        %dma_wait3A_1695 = arith.constant 0 : i32
        %dma_wait3A_1696 = tpu.memref_slice %arg10[%dma_wait3A_1694, %dma_wait3A_1695] : memref<10000x128xf32, #tpu.memory_space<vmem_shared>> -> memref<10000x128xf32, #tpu.memory_space<vmem_shared>>
        tpu.wait_indirect_dma semaphore(%run_scoped3A_1684 : memref<!tpu.dma_semaphore, #tpu.memory_space<semaphore_mem>>) src(%arg8 : memref<80x128xf32, #tpu.memory_space<vmem>>) dst(%dma_wait3A_1696 : memref<10000x128xf32, #tpu.memory_space<vmem_shared>>)
        tpu.yield
      }) : () -> ()
      %dma_start3A_1639 = arith.constant 22 : i32
      %dma_start3A_1640 = arith.constant 0 : i32
      %dma_start3A_1641 = tpu.memref_slice %arg6[%dma_start3A_1639, %dma_start3A_1640] : memref<25x80xi32, #tpu.memory_space<vmem>> -> memref<1x80xi32, #tpu.memory_space<vmem>>
      %dma_start3A_1642 = tpu.memref_squeeze %dma_start3A_1641 : memref<1x80xi32, #tpu.memory_space<vmem>> -> memref<80xi32, #tpu.memory_space<vmem>>
      %dma_start3A_1643 = arith.constant 0 : i32
      %dma_start3A_1644 = arith.constant 0 : i32
      %dma_start3A_1645 = tpu.memref_slice %arg2[%dma_start3A_1643, %dma_start3A_1644] : memref<20000x128xf32, #tpu.memory_space<hbm>> -> memref<20000x128xf32, #tpu.memory_space<hbm>>
      tpu.enqueue_indirect_dma source(%dma_start3A_1645 : memref<20000x128xf32, #tpu.memory_space<hbm>>) target(%arg8 : memref<80x128xf32, #tpu.memory_space<vmem>>) offsets(%dma_start3A_1642 : memref<80xi32, #tpu.memory_space<vmem>>) semaphore(%arg11 : memref<!tpu.dma_semaphore, #tpu.memory_space<semaphore_mem>>)
      %dma_wait3A_1646 = arith.constant 22 : i32
      %dma_wait3A_1647 = arith.constant 0 : i32
      %dma_wait3A_1648 = tpu.memref_slice %arg6[%dma_wait3A_1646, %dma_wait3A_1647] : memref<25x80xi32, #tpu.memory_space<vmem>> -> memref<1x80xi32, #tpu.memory_space<vmem>>
      %dma_wait3A_1649 = tpu.memref_squeeze %dma_wait3A_1648 : memref<1x80xi32, #tpu.memory_space<vmem>> -> memref<80xi32, #tpu.memory_space<vmem>>
      %dma_wait3A_1650 = arith.constant 0 : i32
      %dma_wait3A_1651 = arith.constant 0 : i32
      %dma_wait3A_1652 = tpu.memref_slice %arg2[%dma_wait3A_1650, %dma_wait3A_1651] : memref<20000x128xf32, #tpu.memory_space<hbm>> -> memref<20000x128xf32, #tpu.memory_space<hbm>>
      tpu.wait_indirect_dma semaphore(%arg11 : memref<!tpu.dma_semaphore, #tpu.memory_space<semaphore_mem>>) src(%dma_wait3A_1652 : memref<20000x128xf32, #tpu.memory_space<hbm>>) dst(%arg8 : memref<80x128xf32, #tpu.memory_space<vmem>>)
      %run_scoped3A_1653 = arith.constant 22 : i32
      "tpu.region"() ({
        %run_scoped3A_1684 = tpu.sem_alloc : memref<!tpu.dma_semaphore, #tpu.memory_space<semaphore_mem>>
        %dma_start3A_1685 = arith.constant 0 : i32
        %dma_start3A_1686 = tpu.memref_slice %arg7[%run_scoped3A_1653, %dma_start3A_1685] : memref<25x80xi32, #tpu.memory_space<vmem>> -> memref<1x80xi32, #tpu.memory_space<vmem>>
        %dma_start3A_1687 = tpu.memref_squeeze %dma_start3A_1686 : memref<1x80xi32, #tpu.memory_space<vmem>> -> memref<80xi32, #tpu.memory_space<vmem>>
        %dma_start3A_1688 = arith.constant 0 : i32
        %dma_start3A_1689 = arith.constant 0 : i32
        %dma_start3A_1690 = tpu.memref_slice %arg10[%dma_start3A_1688, %dma_start3A_1689] : memref<10000x128xf32, #tpu.memory_space<vmem_shared>> -> memref<10000x128xf32, #tpu.memory_space<vmem_shared>>
        tpu.enqueue_indirect_dma source(%arg8 : memref<80x128xf32, #tpu.memory_space<vmem>>) target(%dma_start3A_1690 : memref<10000x128xf32, #tpu.memory_space<vmem_shared>>) offsets(%dma_start3A_1687 : memref<80xi32, #tpu.memory_space<vmem>>) semaphore(%run_scoped3A_1684 : memref<!tpu.dma_semaphore, #tpu.memory_space<semaphore_mem>>) {add = true}
        %dma_wait3A_1691 = arith.constant 0 : i32
        %dma_wait3A_1692 = tpu.memref_slice %arg7[%run_scoped3A_1653, %dma_wait3A_1691] : memref<25x80xi32, #tpu.memory_space<vmem>> -> memref<1x80xi32, #tpu.memory_space<vmem>>
        %dma_wait3A_1693 = tpu.memref_squeeze %dma_wait3A_1692 : memref<1x80xi32, #tpu.memory_space<vmem>> -> memref<80xi32, #tpu.memory_space<vmem>>
        %dma_wait3A_1694 = arith.constant 0 : i32
        %dma_wait3A_1695 = arith.constant 0 : i32
        %dma_wait3A_1696 = tpu.memref_slice %arg10[%dma_wait3A_1694, %dma_wait3A_1695] : memref<10000x128xf32, #tpu.memory_space<vmem_shared>> -> memref<10000x128xf32, #tpu.memory_space<vmem_shared>>
        tpu.wait_indirect_dma semaphore(%run_scoped3A_1684 : memref<!tpu.dma_semaphore, #tpu.memory_space<semaphore_mem>>) src(%arg8 : memref<80x128xf32, #tpu.memory_space<vmem>>) dst(%dma_wait3A_1696 : memref<10000x128xf32, #tpu.memory_space<vmem_shared>>)
        tpu.yield
      }) : () -> ()
      %dma_start3A_1654 = arith.constant 23 : i32
      %dma_start3A_1655 = arith.constant 0 : i32
      %dma_start3A_1656 = tpu.memref_slice %arg6[%dma_start3A_1654, %dma_start3A_1655] : memref<25x80xi32, #tpu.memory_space<vmem>> -> memref<1x80xi32, #tpu.memory_space<vmem>>
      %dma_start3A_1657 = tpu.memref_squeeze %dma_start3A_1656 : memref<1x80xi32, #tpu.memory_space<vmem>> -> memref<80xi32, #tpu.memory_space<vmem>>
      %dma_start3A_1658 = arith.constant 0 : i32
      %dma_start3A_1659 = arith.constant 0 : i32
      %dma_start3A_1660 = tpu.memref_slice %arg2[%dma_start3A_1658, %dma_start3A_1659] : memref<20000x128xf32, #tpu.memory_space<hbm>> -> memref<20000x128xf32, #tpu.memory_space<hbm>>
      tpu.enqueue_indirect_dma source(%dma_start3A_1660 : memref<20000x128xf32, #tpu.memory_space<hbm>>) target(%arg8 : memref<80x128xf32, #tpu.memory_space<vmem>>) offsets(%dma_start3A_1657 : memref<80xi32, #tpu.memory_space<vmem>>) semaphore(%arg11 : memref<!tpu.dma_semaphore, #tpu.memory_space<semaphore_mem>>)
      %dma_wait3A_1661 = arith.constant 23 : i32
      %dma_wait3A_1662 = arith.constant 0 : i32
      %dma_wait3A_1663 = tpu.memref_slice %arg6[%dma_wait3A_1661, %dma_wait3A_1662] : memref<25x80xi32, #tpu.memory_space<vmem>> -> memref<1x80xi32, #tpu.memory_space<vmem>>
      %dma_wait3A_1664 = tpu.memref_squeeze %dma_wait3A_1663 : memref<1x80xi32, #tpu.memory_space<vmem>> -> memref<80xi32, #tpu.memory_space<vmem>>
      %dma_wait3A_1665 = arith.constant 0 : i32
      %dma_wait3A_1666 = arith.constant 0 : i32
      %dma_wait3A_1667 = tpu.memref_slice %arg2[%dma_wait3A_1665, %dma_wait3A_1666] : memref<20000x128xf32, #tpu.memory_space<hbm>> -> memref<20000x128xf32, #tpu.memory_space<hbm>>
      tpu.wait_indirect_dma semaphore(%arg11 : memref<!tpu.dma_semaphore, #tpu.memory_space<semaphore_mem>>) src(%dma_wait3A_1667 : memref<20000x128xf32, #tpu.memory_space<hbm>>) dst(%arg8 : memref<80x128xf32, #tpu.memory_space<vmem>>)
      %run_scoped3A_1668 = arith.constant 23 : i32
      "tpu.region"() ({
        %run_scoped3A_1684 = tpu.sem_alloc : memref<!tpu.dma_semaphore, #tpu.memory_space<semaphore_mem>>
        %dma_start3A_1685 = arith.constant 0 : i32
        %dma_start3A_1686 = tpu.memref_slice %arg7[%run_scoped3A_1668, %dma_start3A_1685] : memref<25x80xi32, #tpu.memory_space<vmem>> -> memref<1x80xi32, #tpu.memory_space<vmem>>
        %dma_start3A_1687 = tpu.memref_squeeze %dma_start3A_1686 : memref<1x80xi32, #tpu.memory_space<vmem>> -> memref<80xi32, #tpu.memory_space<vmem>>
        %dma_start3A_1688 = arith.constant 0 : i32
        %dma_start3A_1689 = arith.constant 0 : i32
        %dma_start3A_1690 = tpu.memref_slice %arg10[%dma_start3A_1688, %dma_start3A_1689] : memref<10000x128xf32, #tpu.memory_space<vmem_shared>> -> memref<10000x128xf32, #tpu.memory_space<vmem_shared>>
        tpu.enqueue_indirect_dma source(%arg8 : memref<80x128xf32, #tpu.memory_space<vmem>>) target(%dma_start3A_1690 : memref<10000x128xf32, #tpu.memory_space<vmem_shared>>) offsets(%dma_start3A_1687 : memref<80xi32, #tpu.memory_space<vmem>>) semaphore(%run_scoped3A_1684 : memref<!tpu.dma_semaphore, #tpu.memory_space<semaphore_mem>>) {add = true}
        %dma_wait3A_1691 = arith.constant 0 : i32
        %dma_wait3A_1692 = tpu.memref_slice %arg7[%run_scoped3A_1668, %dma_wait3A_1691] : memref<25x80xi32, #tpu.memory_space<vmem>> -> memref<1x80xi32, #tpu.memory_space<vmem>>
        %dma_wait3A_1693 = tpu.memref_squeeze %dma_wait3A_1692 : memref<1x80xi32, #tpu.memory_space<vmem>> -> memref<80xi32, #tpu.memory_space<vmem>>
        %dma_wait3A_1694 = arith.constant 0 : i32
        %dma_wait3A_1695 = arith.constant 0 : i32
        %dma_wait3A_1696 = tpu.memref_slice %arg10[%dma_wait3A_1694, %dma_wait3A_1695] : memref<10000x128xf32, #tpu.memory_space<vmem_shared>> -> memref<10000x128xf32, #tpu.memory_space<vmem_shared>>
        tpu.wait_indirect_dma semaphore(%run_scoped3A_1684 : memref<!tpu.dma_semaphore, #tpu.memory_space<semaphore_mem>>) src(%arg8 : memref<80x128xf32, #tpu.memory_space<vmem>>) dst(%dma_wait3A_1696 : memref<10000x128xf32, #tpu.memory_space<vmem_shared>>)
        tpu.yield
      }) : () -> ()
      %dma_start3A_1669 = arith.constant 24 : i32
      %dma_start3A_1670 = arith.constant 0 : i32
      %dma_start3A_1671 = tpu.memref_slice %arg6[%dma_start3A_1669, %dma_start3A_1670] : memref<25x80xi32, #tpu.memory_space<vmem>> -> memref<1x80xi32, #tpu.memory_space<vmem>>
      %dma_start3A_1672 = tpu.memref_squeeze %dma_start3A_1671 : memref<1x80xi32, #tpu.memory_space<vmem>> -> memref<80xi32, #tpu.memory_space<vmem>>
      %dma_start3A_1673 = arith.constant 0 : i32
      %dma_start3A_1674 = arith.constant 0 : i32
      %dma_start3A_1675 = tpu.memref_slice %arg2[%dma_start3A_1673, %dma_start3A_1674] : memref<20000x128xf32, #tpu.memory_space<hbm>> -> memref<20000x128xf32, #tpu.memory_space<hbm>>
      tpu.enqueue_indirect_dma source(%dma_start3A_1675 : memref<20000x128xf32, #tpu.memory_space<hbm>>) target(%arg8 : memref<80x128xf32, #tpu.memory_space<vmem>>) offsets(%dma_start3A_1672 : memref<80xi32, #tpu.memory_space<vmem>>) semaphore(%arg11 : memref<!tpu.dma_semaphore, #tpu.memory_space<semaphore_mem>>)
      %dma_wait3A_1676 = arith.constant 24 : i32
      %dma_wait3A_1677 = arith.constant 0 : i32
      %dma_wait3A_1678 = tpu.memref_slice %arg6[%dma_wait3A_1676, %dma_wait3A_1677] : memref<25x80xi32, #tpu.memory_space<vmem>> -> memref<1x80xi32, #tpu.memory_space<vmem>>
      %dma_wait3A_1679 = tpu.memref_squeeze %dma_wait3A_1678 : memref<1x80xi32, #tpu.memory_space<vmem>> -> memref<80xi32, #tpu.memory_space<vmem>>
      %dma_wait3A_1680 = arith.constant 0 : i32
      %dma_wait3A_1681 = arith.constant 0 : i32
      %dma_wait3A_1682 = tpu.memref_slice %arg2[%dma_wait3A_1680, %dma_wait3A_1681] : memref<20000x128xf32, #tpu.memory_space<hbm>> -> memref<20000x128xf32, #tpu.memory_space<hbm>>
      tpu.wait_indirect_dma semaphore(%arg11 : memref<!tpu.dma_semaphore, #tpu.memory_space<semaphore_mem>>) src(%dma_wait3A_1682 : memref<20000x128xf32, #tpu.memory_space<hbm>>) dst(%arg8 : memref<80x128xf32, #tpu.memory_space<vmem>>)
      %run_scoped3A_1683 = arith.constant 24 : i32
      "tpu.region"() ({
        %run_scoped3A_1684 = tpu.sem_alloc : memref<!tpu.dma_semaphore, #tpu.memory_space<semaphore_mem>>
        %dma_start3A_1685 = arith.constant 0 : i32
        %dma_start3A_1686 = tpu.memref_slice %arg7[%run_scoped3A_1683, %dma_start3A_1685] : memref<25x80xi32, #tpu.memory_space<vmem>> -> memref<1x80xi32, #tpu.memory_space<vmem>>
        %dma_start3A_1687 = tpu.memref_squeeze %dma_start3A_1686 : memref<1x80xi32, #tpu.memory_space<vmem>> -> memref<80xi32, #tpu.memory_space<vmem>>
        %dma_start3A_1688 = arith.constant 0 : i32
        %dma_start3A_1689 = arith.constant 0 : i32
        %dma_start3A_1690 = tpu.memref_slice %arg10[%dma_start3A_1688, %dma_start3A_1689] : memref<10000x128xf32, #tpu.memory_space<vmem_shared>> -> memref<10000x128xf32, #tpu.memory_space<vmem_shared>>
        tpu.enqueue_indirect_dma source(%arg8 : memref<80x128xf32, #tpu.memory_space<vmem>>) target(%dma_start3A_1690 : memref<10000x128xf32, #tpu.memory_space<vmem_shared>>) offsets(%dma_start3A_1687 : memref<80xi32, #tpu.memory_space<vmem>>) semaphore(%run_scoped3A_1684 : memref<!tpu.dma_semaphore, #tpu.memory_space<semaphore_mem>>) {add = true}
        %dma_wait3A_1691 = arith.constant 0 : i32
        %dma_wait3A_1692 = tpu.memref_slice %arg7[%run_scoped3A_1683, %dma_wait3A_1691] : memref<25x80xi32, #tpu.memory_space<vmem>> -> memref<1x80xi32, #tpu.memory_space<vmem>>
        %dma_wait3A_1693 = tpu.memref_squeeze %dma_wait3A_1692 : memref<1x80xi32, #tpu.memory_space<vmem>> -> memref<80xi32, #tpu.memory_space<vmem>>
        %dma_wait3A_1694 = arith.constant 0 : i32
        %dma_wait3A_1695 = arith.constant 0 : i32
        %dma_wait3A_1696 = tpu.memref_slice %arg10[%dma_wait3A_1694, %dma_wait3A_1695] : memref<10000x128xf32, #tpu.memory_space<vmem_shared>> -> memref<10000x128xf32, #tpu.memory_space<vmem_shared>>
        tpu.wait_indirect_dma semaphore(%run_scoped3A_1684 : memref<!tpu.dma_semaphore, #tpu.memory_space<semaphore_mem>>) src(%arg8 : memref<80x128xf32, #tpu.memory_space<vmem>>) dst(%dma_wait3A_1696 : memref<10000x128xf32, #tpu.memory_space<vmem_shared>>)
        tpu.yield
      }) : () -> ()
    }
    %scan3A_1256 = arith.constant 10 : i32
    %barrier3A_1257 = arith.constant 0 : index
    tpu.barrier barrier_id(%barrier3A_1257)
    %add3A_1258 = arith.constant 0 : i32
    %add3A_1259 = arith.addi %mul3A_1200, %add3A_1258 : i32
    "tpu.region"() ({
      %run_scoped3A = tpu.sem_alloc : memref<!tpu.dma_semaphore, #tpu.memory_space<semaphore_mem>>
      %dma_start3A = arith.constant 0 : i32
      %dma_start3A_1308 = tpu.memref_slice %arg10[%add3A_1259, %dma_start3A] : memref<10000x128xf32, #tpu.memory_space<vmem_shared>> -> memref<25x128xf32, #tpu.memory_space<vmem_shared>>
      %dma_start3A_1309 = arith.constant 0 : i32
      %dma_start3A_1310 = tpu.memref_slice %arg10[%add3A_1259, %dma_start3A_1309] : memref<10000x128xf32, #tpu.memory_space<vmem_shared>> -> memref<25x128xf32, #tpu.memory_space<vmem_shared>>
      tpu.enqueue_dma source(%dma_start3A_1310 : memref<25x128xf32, #tpu.memory_space<vmem_shared>>) target(%arg9 : memref<25x128xf32, #tpu.memory_space<vmem>>) target_semaphore(%run_scoped3A : memref<!tpu.dma_semaphore, #tpu.memory_space<semaphore_mem>>)
      %dma_wait3A = arith.constant 0 : i32
      %dma_wait3A_1311 = tpu.memref_slice %arg10[%add3A_1259, %dma_wait3A] : memref<10000x128xf32, #tpu.memory_space<vmem_shared>> -> memref<25x128xf32, #tpu.memory_space<vmem_shared>>
      %dma_wait3A_1312 = arith.constant 0 : i32
      %dma_wait3A_1313 = tpu.memref_slice %arg10[%add3A_1259, %dma_wait3A_1312] : memref<10000x128xf32, #tpu.memory_space<vmem_shared>> -> memref<25x128xf32, #tpu.memory_space<vmem_shared>>
      tpu.wait_dma2 semaphore(%run_scoped3A : memref<!tpu.dma_semaphore, #tpu.memory_space<semaphore_mem>>) src(%dma_wait3A_1313 : memref<25x128xf32, #tpu.memory_space<vmem_shared>>) dst(%arg9 : memref<25x128xf32, #tpu.memory_space<vmem>>)
      tpu.yield
    }) : () -> ()
    "tpu.region"() ({
      %run_scoped3A = tpu.sem_alloc : memref<!tpu.dma_semaphore, #tpu.memory_space<semaphore_mem>>
      %dma_start3A = arith.constant 0 : i32
      %dma_start3A_1308 = tpu.memref_slice %arg5[%arg0, %add3A_1259, %dma_start3A] : memref<2x10000x128xf32, #tpu.memory_space<hbm>> -> memref<1x25x128xf32, #tpu.memory_space<hbm>>
      %dma_start3A_1309 = tpu.memref_squeeze %dma_start3A_1308 : memref<1x25x128xf32, #tpu.memory_space<hbm>> -> memref<25x128xf32, #tpu.memory_space<hbm>>
      %dma_start3A_1310 = arith.constant 0 : i32
      %dma_start3A_1311 = tpu.memref_slice %arg5[%arg0, %add3A_1259, %dma_start3A_1310] : memref<2x10000x128xf32, #tpu.memory_space<hbm>> -> memref<1x25x128xf32, #tpu.memory_space<hbm>>
      %dma_start3A_1312 = tpu.memref_squeeze %dma_start3A_1311 : memref<1x25x128xf32, #tpu.memory_space<hbm>> -> memref<25x128xf32, #tpu.memory_space<hbm>>
      tpu.enqueue_dma source(%arg9 : memref<25x128xf32, #tpu.memory_space<vmem>>) target(%dma_start3A_1312 : memref<25x128xf32, #tpu.memory_space<hbm>>) target_semaphore(%run_scoped3A : memref<!tpu.dma_semaphore, #tpu.memory_space<semaphore_mem>>)
      %dma_wait3A = arith.constant 0 : i32
      %dma_wait3A_1313 = tpu.memref_slice %arg5[%arg0, %add3A_1259, %dma_wait3A] : memref<2x10000x128xf32, #tpu.memory_space<hbm>> -> memref<1x25x128xf32, #tpu.memory_space<hbm>>
      %dma_wait3A_1314 = tpu.memref_squeeze %dma_wait3A_1313 : memref<1x25x128xf32, #tpu.memory_space<hbm>> -> memref<25x128xf32, #tpu.memory_space<hbm>>
      %dma_wait3A_1315 = arith.constant 0 : i32
      %dma_wait3A_1316 = tpu.memref_slice %arg5[%arg0, %add3A_1259, %dma_wait3A_1315] : memref<2x10000x128xf32, #tpu.memory_space<hbm>> -> memref<1x25x128xf32, #tpu.memory_space<hbm>>
      %dma_wait3A_1317 = tpu.memref_squeeze %dma_wait3A_1316 : memref<1x25x128xf32, #tpu.memory_space<hbm>> -> memref<25x128xf32, #tpu.memory_space<hbm>>
      tpu.wait_dma2 semaphore(%run_scoped3A : memref<!tpu.dma_semaphore, #tpu.memory_space<semaphore_mem>>) src(%arg9 : memref<25x128xf32, #tpu.memory_space<vmem>>) dst(%dma_wait3A_1317 : memref<25x128xf32, #tpu.memory_space<hbm>>)
      tpu.yield
    }) : () -> ()
    %add3A_1260 = arith.constant 25 : i32
    %add3A_1261 = arith.addi %mul3A_1200, %add3A_1260 : i32
    "tpu.region"() ({
      %run_scoped3A = tpu.sem_alloc : memref<!tpu.dma_semaphore, #tpu.memory_space<semaphore_mem>>
      %dma_start3A = arith.constant 0 : i32
      %dma_start3A_1308 = tpu.memref_slice %arg10[%add3A_1261, %dma_start3A] : memref<10000x128xf32, #tpu.memory_space<vmem_shared>> -> memref<25x128xf32, #tpu.memory_space<vmem_shared>>
      %dma_start3A_1309 = arith.constant 0 : i32
      %dma_start3A_1310 = tpu.memref_slice %arg10[%add3A_1261, %dma_start3A_1309] : memref<10000x128xf32, #tpu.memory_space<vmem_shared>> -> memref<25x128xf32, #tpu.memory_space<vmem_shared>>
      tpu.enqueue_dma source(%dma_start3A_1310 : memref<25x128xf32, #tpu.memory_space<vmem_shared>>) target(%arg9 : memref<25x128xf32, #tpu.memory_space<vmem>>) target_semaphore(%run_scoped3A : memref<!tpu.dma_semaphore, #tpu.memory_space<semaphore_mem>>)
      %dma_wait3A = arith.constant 0 : i32
      %dma_wait3A_1311 = tpu.memref_slice %arg10[%add3A_1261, %dma_wait3A] : memref<10000x128xf32, #tpu.memory_space<vmem_shared>> -> memref<25x128xf32, #tpu.memory_space<vmem_shared>>
      %dma_wait3A_1312 = arith.constant 0 : i32
      %dma_wait3A_1313 = tpu.memref_slice %arg10[%add3A_1261, %dma_wait3A_1312] : memref<10000x128xf32, #tpu.memory_space<vmem_shared>> -> memref<25x128xf32, #tpu.memory_space<vmem_shared>>
      tpu.wait_dma2 semaphore(%run_scoped3A : memref<!tpu.dma_semaphore, #tpu.memory_space<semaphore_mem>>) src(%dma_wait3A_1313 : memref<25x128xf32, #tpu.memory_space<vmem_shared>>) dst(%arg9 : memref<25x128xf32, #tpu.memory_space<vmem>>)
      tpu.yield
    }) : () -> ()
    "tpu.region"() ({
      %run_scoped3A = tpu.sem_alloc : memref<!tpu.dma_semaphore, #tpu.memory_space<semaphore_mem>>
      %dma_start3A = arith.constant 0 : i32
      %dma_start3A_1308 = tpu.memref_slice %arg5[%arg0, %add3A_1261, %dma_start3A] : memref<2x10000x128xf32, #tpu.memory_space<hbm>> -> memref<1x25x128xf32, #tpu.memory_space<hbm>>
      %dma_start3A_1309 = tpu.memref_squeeze %dma_start3A_1308 : memref<1x25x128xf32, #tpu.memory_space<hbm>> -> memref<25x128xf32, #tpu.memory_space<hbm>>
      %dma_start3A_1310 = arith.constant 0 : i32
      %dma_start3A_1311 = tpu.memref_slice %arg5[%arg0, %add3A_1261, %dma_start3A_1310] : memref<2x10000x128xf32, #tpu.memory_space<hbm>> -> memref<1x25x128xf32, #tpu.memory_space<hbm>>
      %dma_start3A_1312 = tpu.memref_squeeze %dma_start3A_1311 : memref<1x25x128xf32, #tpu.memory_space<hbm>> -> memref<25x128xf32, #tpu.memory_space<hbm>>
      tpu.enqueue_dma source(%arg9 : memref<25x128xf32, #tpu.memory_space<vmem>>) target(%dma_start3A_1312 : memref<25x128xf32, #tpu.memory_space<hbm>>) target_semaphore(%run_scoped3A : memref<!tpu.dma_semaphore, #tpu.memory_space<semaphore_mem>>)
      %dma_wait3A = arith.constant 0 : i32
      %dma_wait3A_1313 = tpu.memref_slice %arg5[%arg0, %add3A_1261, %dma_wait3A] : memref<2x10000x128xf32, #tpu.memory_space<hbm>> -> memref<1x25x128xf32, #tpu.memory_space<hbm>>
      %dma_wait3A_1314 = tpu.memref_squeeze %dma_wait3A_1313 : memref<1x25x128xf32, #tpu.memory_space<hbm>> -> memref<25x128xf32, #tpu.memory_space<hbm>>
      %dma_wait3A_1315 = arith.constant 0 : i32
      %dma_wait3A_1316 = tpu.memref_slice %arg5[%arg0, %add3A_1261, %dma_wait3A_1315] : memref<2x10000x128xf32, #tpu.memory_space<hbm>> -> memref<1x25x128xf32, #tpu.memory_space<hbm>>
      %dma_wait3A_1317 = tpu.memref_squeeze %dma_wait3A_1316 : memref<1x25x128xf32, #tpu.memory_space<hbm>> -> memref<25x128xf32, #tpu.memory_space<hbm>>
      tpu.wait_dma2 semaphore(%run_scoped3A : memref<!tpu.dma_semaphore, #tpu.memory_space<semaphore_mem>>) src(%arg9 : memref<25x128xf32, #tpu.memory_space<vmem>>) dst(%dma_wait3A_1317 : memref<25x128xf32, #tpu.memory_space<hbm>>)
      tpu.yield
    }) : () -> ()
    %add3A_1262 = arith.constant 50 : i32
    %add3A_1263 = arith.addi %mul3A_1200, %add3A_1262 : i32
    "tpu.region"() ({
      %run_scoped3A = tpu.sem_alloc : memref<!tpu.dma_semaphore, #tpu.memory_space<semaphore_mem>>
      %dma_start3A = arith.constant 0 : i32
      %dma_start3A_1308 = tpu.memref_slice %arg10[%add3A_1263, %dma_start3A] : memref<10000x128xf32, #tpu.memory_space<vmem_shared>> -> memref<25x128xf32, #tpu.memory_space<vmem_shared>>
      %dma_start3A_1309 = arith.constant 0 : i32
      %dma_start3A_1310 = tpu.memref_slice %arg10[%add3A_1263, %dma_start3A_1309] : memref<10000x128xf32, #tpu.memory_space<vmem_shared>> -> memref<25x128xf32, #tpu.memory_space<vmem_shared>>
      tpu.enqueue_dma source(%dma_start3A_1310 : memref<25x128xf32, #tpu.memory_space<vmem_shared>>) target(%arg9 : memref<25x128xf32, #tpu.memory_space<vmem>>) target_semaphore(%run_scoped3A : memref<!tpu.dma_semaphore, #tpu.memory_space<semaphore_mem>>)
      %dma_wait3A = arith.constant 0 : i32
      %dma_wait3A_1311 = tpu.memref_slice %arg10[%add3A_1263, %dma_wait3A] : memref<10000x128xf32, #tpu.memory_space<vmem_shared>> -> memref<25x128xf32, #tpu.memory_space<vmem_shared>>
      %dma_wait3A_1312 = arith.constant 0 : i32
      %dma_wait3A_1313 = tpu.memref_slice %arg10[%add3A_1263, %dma_wait3A_1312] : memref<10000x128xf32, #tpu.memory_space<vmem_shared>> -> memref<25x128xf32, #tpu.memory_space<vmem_shared>>
      tpu.wait_dma2 semaphore(%run_scoped3A : memref<!tpu.dma_semaphore, #tpu.memory_space<semaphore_mem>>) src(%dma_wait3A_1313 : memref<25x128xf32, #tpu.memory_space<vmem_shared>>) dst(%arg9 : memref<25x128xf32, #tpu.memory_space<vmem>>)
      tpu.yield
    }) : () -> ()
    "tpu.region"() ({
      %run_scoped3A = tpu.sem_alloc : memref<!tpu.dma_semaphore, #tpu.memory_space<semaphore_mem>>
      %dma_start3A = arith.constant 0 : i32
      %dma_start3A_1308 = tpu.memref_slice %arg5[%arg0, %add3A_1263, %dma_start3A] : memref<2x10000x128xf32, #tpu.memory_space<hbm>> -> memref<1x25x128xf32, #tpu.memory_space<hbm>>
      %dma_start3A_1309 = tpu.memref_squeeze %dma_start3A_1308 : memref<1x25x128xf32, #tpu.memory_space<hbm>> -> memref<25x128xf32, #tpu.memory_space<hbm>>
      %dma_start3A_1310 = arith.constant 0 : i32
      %dma_start3A_1311 = tpu.memref_slice %arg5[%arg0, %add3A_1263, %dma_start3A_1310] : memref<2x10000x128xf32, #tpu.memory_space<hbm>> -> memref<1x25x128xf32, #tpu.memory_space<hbm>>
      %dma_start3A_1312 = tpu.memref_squeeze %dma_start3A_1311 : memref<1x25x128xf32, #tpu.memory_space<hbm>> -> memref<25x128xf32, #tpu.memory_space<hbm>>
      tpu.enqueue_dma source(%arg9 : memref<25x128xf32, #tpu.memory_space<vmem>>) target(%dma_start3A_1312 : memref<25x128xf32, #tpu.memory_space<hbm>>) target_semaphore(%run_scoped3A : memref<!tpu.dma_semaphore, #tpu.memory_space<semaphore_mem>>)
      %dma_wait3A = arith.constant 0 : i32
      %dma_wait3A_1313 = tpu.memref_slice %arg5[%arg0, %add3A_1263, %dma_wait3A] : memref<2x10000x128xf32, #tpu.memory_space<hbm>> -> memref<1x25x128xf32, #tpu.memory_space<hbm>>
      %dma_wait3A_1314 = tpu.memref_squeeze %dma_wait3A_1313 : memref<1x25x128xf32, #tpu.memory_space<hbm>> -> memref<25x128xf32, #tpu.memory_space<hbm>>
      %dma_wait3A_1315 = arith.constant 0 : i32
      %dma_wait3A_1316 = tpu.memref_slice %arg5[%arg0, %add3A_1263, %dma_wait3A_1315] : memref<2x10000x128xf32, #tpu.memory_space<hbm>> -> memref<1x25x128xf32, #tpu.memory_space<hbm>>
      %dma_wait3A_1317 = tpu.memref_squeeze %dma_wait3A_1316 : memref<1x25x128xf32, #tpu.memory_space<hbm>> -> memref<25x128xf32, #tpu.memory_space<hbm>>
      tpu.wait_dma2 semaphore(%run_scoped3A : memref<!tpu.dma_semaphore, #tpu.memory_space<semaphore_mem>>) src(%arg9 : memref<25x128xf32, #tpu.memory_space<vmem>>) dst(%dma_wait3A_1317 : memref<25x128xf32, #tpu.memory_space<hbm>>)
      tpu.yield
    }) : () -> ()
    %add3A_1264 = arith.constant 75 : i32
    %add3A_1265 = arith.addi %mul3A_1200, %add3A_1264 : i32
    "tpu.region"() ({
      %run_scoped3A = tpu.sem_alloc : memref<!tpu.dma_semaphore, #tpu.memory_space<semaphore_mem>>
      %dma_start3A = arith.constant 0 : i32
      %dma_start3A_1308 = tpu.memref_slice %arg10[%add3A_1265, %dma_start3A] : memref<10000x128xf32, #tpu.memory_space<vmem_shared>> -> memref<25x128xf32, #tpu.memory_space<vmem_shared>>
      %dma_start3A_1309 = arith.constant 0 : i32
      %dma_start3A_1310 = tpu.memref_slice %arg10[%add3A_1265, %dma_start3A_1309] : memref<10000x128xf32, #tpu.memory_space<vmem_shared>> -> memref<25x128xf32, #tpu.memory_space<vmem_shared>>
      tpu.enqueue_dma source(%dma_start3A_1310 : memref<25x128xf32, #tpu.memory_space<vmem_shared>>) target(%arg9 : memref<25x128xf32, #tpu.memory_space<vmem>>) target_semaphore(%run_scoped3A : memref<!tpu.dma_semaphore, #tpu.memory_space<semaphore_mem>>)
      %dma_wait3A = arith.constant 0 : i32
      %dma_wait3A_1311 = tpu.memref_slice %arg10[%add3A_1265, %dma_wait3A] : memref<10000x128xf32, #tpu.memory_space<vmem_shared>> -> memref<25x128xf32, #tpu.memory_space<vmem_shared>>
      %dma_wait3A_1312 = arith.constant 0 : i32
      %dma_wait3A_1313 = tpu.memref_slice %arg10[%add3A_1265, %dma_wait3A_1312] : memref<10000x128xf32, #tpu.memory_space<vmem_shared>> -> memref<25x128xf32, #tpu.memory_space<vmem_shared>>
      tpu.wait_dma2 semaphore(%run_scoped3A : memref<!tpu.dma_semaphore, #tpu.memory_space<semaphore_mem>>) src(%dma_wait3A_1313 : memref<25x128xf32, #tpu.memory_space<vmem_shared>>) dst(%arg9 : memref<25x128xf32, #tpu.memory_space<vmem>>)
      tpu.yield
    }) : () -> ()
    "tpu.region"() ({
      %run_scoped3A = tpu.sem_alloc : memref<!tpu.dma_semaphore, #tpu.memory_space<semaphore_mem>>
      %dma_start3A = arith.constant 0 : i32
      %dma_start3A_1308 = tpu.memref_slice %arg5[%arg0, %add3A_1265, %dma_start3A] : memref<2x10000x128xf32, #tpu.memory_space<hbm>> -> memref<1x25x128xf32, #tpu.memory_space<hbm>>
      %dma_start3A_1309 = tpu.memref_squeeze %dma_start3A_1308 : memref<1x25x128xf32, #tpu.memory_space<hbm>> -> memref<25x128xf32, #tpu.memory_space<hbm>>
      %dma_start3A_1310 = arith.constant 0 : i32
      %dma_start3A_1311 = tpu.memref_slice %arg5[%arg0, %add3A_1265, %dma_start3A_1310] : memref<2x10000x128xf32, #tpu.memory_space<hbm>> -> memref<1x25x128xf32, #tpu.memory_space<hbm>>
      %dma_start3A_1312 = tpu.memref_squeeze %dma_start3A_1311 : memref<1x25x128xf32, #tpu.memory_space<hbm>> -> memref<25x128xf32, #tpu.memory_space<hbm>>
      tpu.enqueue_dma source(%arg9 : memref<25x128xf32, #tpu.memory_space<vmem>>) target(%dma_start3A_1312 : memref<25x128xf32, #tpu.memory_space<hbm>>) target_semaphore(%run_scoped3A : memref<!tpu.dma_semaphore, #tpu.memory_space<semaphore_mem>>)
      %dma_wait3A = arith.constant 0 : i32
      %dma_wait3A_1313 = tpu.memref_slice %arg5[%arg0, %add3A_1265, %dma_wait3A] : memref<2x10000x128xf32, #tpu.memory_space<hbm>> -> memref<1x25x128xf32, #tpu.memory_space<hbm>>
      %dma_wait3A_1314 = tpu.memref_squeeze %dma_wait3A_1313 : memref<1x25x128xf32, #tpu.memory_space<hbm>> -> memref<25x128xf32, #tpu.memory_space<hbm>>
      %dma_wait3A_1315 = arith.constant 0 : i32
      %dma_wait3A_1316 = tpu.memref_slice %arg5[%arg0, %add3A_1265, %dma_wait3A_1315] : memref<2x10000x128xf32, #tpu.memory_space<hbm>> -> memref<1x25x128xf32, #tpu.memory_space<hbm>>
      %dma_wait3A_1317 = tpu.memref_squeeze %dma_wait3A_1316 : memref<1x25x128xf32, #tpu.memory_space<hbm>> -> memref<25x128xf32, #tpu.memory_space<hbm>>
      tpu.wait_dma2 semaphore(%run_scoped3A : memref<!tpu.dma_semaphore, #tpu.memory_space<semaphore_mem>>) src(%arg9 : memref<25x128xf32, #tpu.memory_space<vmem>>) dst(%dma_wait3A_1317 : memref<25x128xf32, #tpu.memory_space<hbm>>)
      tpu.yield
    }) : () -> ()
    %add3A_1266 = arith.constant 100 : i32
    %add3A_1267 = arith.addi %mul3A_1200, %add3A_1266 : i32
    "tpu.region"() ({
      %run_scoped3A = tpu.sem_alloc : memref<!tpu.dma_semaphore, #tpu.memory_space<semaphore_mem>>
      %dma_start3A = arith.constant 0 : i32
      %dma_start3A_1308 = tpu.memref_slice %arg10[%add3A_1267, %dma_start3A] : memref<10000x128xf32, #tpu.memory_space<vmem_shared>> -> memref<25x128xf32, #tpu.memory_space<vmem_shared>>
      %dma_start3A_1309 = arith.constant 0 : i32
      %dma_start3A_1310 = tpu.memref_slice %arg10[%add3A_1267, %dma_start3A_1309] : memref<10000x128xf32, #tpu.memory_space<vmem_shared>> -> memref<25x128xf32, #tpu.memory_space<vmem_shared>>
      tpu.enqueue_dma source(%dma_start3A_1310 : memref<25x128xf32, #tpu.memory_space<vmem_shared>>) target(%arg9 : memref<25x128xf32, #tpu.memory_space<vmem>>) target_semaphore(%run_scoped3A : memref<!tpu.dma_semaphore, #tpu.memory_space<semaphore_mem>>)
      %dma_wait3A = arith.constant 0 : i32
      %dma_wait3A_1311 = tpu.memref_slice %arg10[%add3A_1267, %dma_wait3A] : memref<10000x128xf32, #tpu.memory_space<vmem_shared>> -> memref<25x128xf32, #tpu.memory_space<vmem_shared>>
      %dma_wait3A_1312 = arith.constant 0 : i32
      %dma_wait3A_1313 = tpu.memref_slice %arg10[%add3A_1267, %dma_wait3A_1312] : memref<10000x128xf32, #tpu.memory_space<vmem_shared>> -> memref<25x128xf32, #tpu.memory_space<vmem_shared>>
      tpu.wait_dma2 semaphore(%run_scoped3A : memref<!tpu.dma_semaphore, #tpu.memory_space<semaphore_mem>>) src(%dma_wait3A_1313 : memref<25x128xf32, #tpu.memory_space<vmem_shared>>) dst(%arg9 : memref<25x128xf32, #tpu.memory_space<vmem>>)
      tpu.yield
    }) : () -> ()
    "tpu.region"() ({
      %run_scoped3A = tpu.sem_alloc : memref<!tpu.dma_semaphore, #tpu.memory_space<semaphore_mem>>
      %dma_start3A = arith.constant 0 : i32
      %dma_start3A_1308 = tpu.memref_slice %arg5[%arg0, %add3A_1267, %dma_start3A] : memref<2x10000x128xf32, #tpu.memory_space<hbm>> -> memref<1x25x128xf32, #tpu.memory_space<hbm>>
      %dma_start3A_1309 = tpu.memref_squeeze %dma_start3A_1308 : memref<1x25x128xf32, #tpu.memory_space<hbm>> -> memref<25x128xf32, #tpu.memory_space<hbm>>
      %dma_start3A_1310 = arith.constant 0 : i32
      %dma_start3A_1311 = tpu.memref_slice %arg5[%arg0, %add3A_1267, %dma_start3A_1310] : memref<2x10000x128xf32, #tpu.memory_space<hbm>> -> memref<1x25x128xf32, #tpu.memory_space<hbm>>
      %dma_start3A_1312 = tpu.memref_squeeze %dma_start3A_1311 : memref<1x25x128xf32, #tpu.memory_space<hbm>> -> memref<25x128xf32, #tpu.memory_space<hbm>>
      tpu.enqueue_dma source(%arg9 : memref<25x128xf32, #tpu.memory_space<vmem>>) target(%dma_start3A_1312 : memref<25x128xf32, #tpu.memory_space<hbm>>) target_semaphore(%run_scoped3A : memref<!tpu.dma_semaphore, #tpu.memory_space<semaphore_mem>>)
      %dma_wait3A = arith.constant 0 : i32
      %dma_wait3A_1313 = tpu.memref_slice %arg5[%arg0, %add3A_1267, %dma_wait3A] : memref<2x10000x128xf32, #tpu.memory_space<hbm>> -> memref<1x25x128xf32, #tpu.memory_space<hbm>>
      %dma_wait3A_1314 = tpu.memref_squeeze %dma_wait3A_1313 : memref<1x25x128xf32, #tpu.memory_space<hbm>> -> memref<25x128xf32, #tpu.memory_space<hbm>>
      %dma_wait3A_1315 = arith.constant 0 : i32
      %dma_wait3A_1316 = tpu.memref_slice %arg5[%arg0, %add3A_1267, %dma_wait3A_1315] : memref<2x10000x128xf32, #tpu.memory_space<hbm>> -> memref<1x25x128xf32, #tpu.memory_space<hbm>>
      %dma_wait3A_1317 = tpu.memref_squeeze %dma_wait3A_1316 : memref<1x25x128xf32, #tpu.memory_space<hbm>> -> memref<25x128xf32, #tpu.memory_space<hbm>>
      tpu.wait_dma2 semaphore(%run_scoped3A : memref<!tpu.dma_semaphore, #tpu.memory_space<semaphore_mem>>) src(%arg9 : memref<25x128xf32, #tpu.memory_space<vmem>>) dst(%dma_wait3A_1317 : memref<25x128xf32, #tpu.memory_space<hbm>>)
      tpu.yield
    }) : () -> ()
    %add3A_1268 = arith.constant 125 : i32
    %add3A_1269 = arith.addi %mul3A_1200, %add3A_1268 : i32
    "tpu.region"() ({
      %run_scoped3A = tpu.sem_alloc : memref<!tpu.dma_semaphore, #tpu.memory_space<semaphore_mem>>
      %dma_start3A = arith.constant 0 : i32
      %dma_start3A_1308 = tpu.memref_slice %arg10[%add3A_1269, %dma_start3A] : memref<10000x128xf32, #tpu.memory_space<vmem_shared>> -> memref<25x128xf32, #tpu.memory_space<vmem_shared>>
      %dma_start3A_1309 = arith.constant 0 : i32
      %dma_start3A_1310 = tpu.memref_slice %arg10[%add3A_1269, %dma_start3A_1309] : memref<10000x128xf32, #tpu.memory_space<vmem_shared>> -> memref<25x128xf32, #tpu.memory_space<vmem_shared>>
      tpu.enqueue_dma source(%dma_start3A_1310 : memref<25x128xf32, #tpu.memory_space<vmem_shared>>) target(%arg9 : memref<25x128xf32, #tpu.memory_space<vmem>>) target_semaphore(%run_scoped3A : memref<!tpu.dma_semaphore, #tpu.memory_space<semaphore_mem>>)
      %dma_wait3A = arith.constant 0 : i32
      %dma_wait3A_1311 = tpu.memref_slice %arg10[%add3A_1269, %dma_wait3A] : memref<10000x128xf32, #tpu.memory_space<vmem_shared>> -> memref<25x128xf32, #tpu.memory_space<vmem_shared>>
      %dma_wait3A_1312 = arith.constant 0 : i32
      %dma_wait3A_1313 = tpu.memref_slice %arg10[%add3A_1269, %dma_wait3A_1312] : memref<10000x128xf32, #tpu.memory_space<vmem_shared>> -> memref<25x128xf32, #tpu.memory_space<vmem_shared>>
      tpu.wait_dma2 semaphore(%run_scoped3A : memref<!tpu.dma_semaphore, #tpu.memory_space<semaphore_mem>>) src(%dma_wait3A_1313 : memref<25x128xf32, #tpu.memory_space<vmem_shared>>) dst(%arg9 : memref<25x128xf32, #tpu.memory_space<vmem>>)
      tpu.yield
    }) : () -> ()
    "tpu.region"() ({
      %run_scoped3A = tpu.sem_alloc : memref<!tpu.dma_semaphore, #tpu.memory_space<semaphore_mem>>
      %dma_start3A = arith.constant 0 : i32
      %dma_start3A_1308 = tpu.memref_slice %arg5[%arg0, %add3A_1269, %dma_start3A] : memref<2x10000x128xf32, #tpu.memory_space<hbm>> -> memref<1x25x128xf32, #tpu.memory_space<hbm>>
      %dma_start3A_1309 = tpu.memref_squeeze %dma_start3A_1308 : memref<1x25x128xf32, #tpu.memory_space<hbm>> -> memref<25x128xf32, #tpu.memory_space<hbm>>
      %dma_start3A_1310 = arith.constant 0 : i32
      %dma_start3A_1311 = tpu.memref_slice %arg5[%arg0, %add3A_1269, %dma_start3A_1310] : memref<2x10000x128xf32, #tpu.memory_space<hbm>> -> memref<1x25x128xf32, #tpu.memory_space<hbm>>
      %dma_start3A_1312 = tpu.memref_squeeze %dma_start3A_1311 : memref<1x25x128xf32, #tpu.memory_space<hbm>> -> memref<25x128xf32, #tpu.memory_space<hbm>>
      tpu.enqueue_dma source(%arg9 : memref<25x128xf32, #tpu.memory_space<vmem>>) target(%dma_start3A_1312 : memref<25x128xf32, #tpu.memory_space<hbm>>) target_semaphore(%run_scoped3A : memref<!tpu.dma_semaphore, #tpu.memory_space<semaphore_mem>>)
      %dma_wait3A = arith.constant 0 : i32
      %dma_wait3A_1313 = tpu.memref_slice %arg5[%arg0, %add3A_1269, %dma_wait3A] : memref<2x10000x128xf32, #tpu.memory_space<hbm>> -> memref<1x25x128xf32, #tpu.memory_space<hbm>>
      %dma_wait3A_1314 = tpu.memref_squeeze %dma_wait3A_1313 : memref<1x25x128xf32, #tpu.memory_space<hbm>> -> memref<25x128xf32, #tpu.memory_space<hbm>>
      %dma_wait3A_1315 = arith.constant 0 : i32
      %dma_wait3A_1316 = tpu.memref_slice %arg5[%arg0, %add3A_1269, %dma_wait3A_1315] : memref<2x10000x128xf32, #tpu.memory_space<hbm>> -> memref<1x25x128xf32, #tpu.memory_space<hbm>>
      %dma_wait3A_1317 = tpu.memref_squeeze %dma_wait3A_1316 : memref<1x25x128xf32, #tpu.memory_space<hbm>> -> memref<25x128xf32, #tpu.memory_space<hbm>>
      tpu.wait_dma2 semaphore(%run_scoped3A : memref<!tpu.dma_semaphore, #tpu.memory_space<semaphore_mem>>) src(%arg9 : memref<25x128xf32, #tpu.memory_space<vmem>>) dst(%dma_wait3A_1317 : memref<25x128xf32, #tpu.memory_space<hbm>>)
      tpu.yield
    }) : () -> ()
    %add3A_1270 = arith.constant 150 : i32
    %add3A_1271 = arith.addi %mul3A_1200, %add3A_1270 : i32
    "tpu.region"() ({
      %run_scoped3A = tpu.sem_alloc : memref<!tpu.dma_semaphore, #tpu.memory_space<semaphore_mem>>
      %dma_start3A = arith.constant 0 : i32
      %dma_start3A_1308 = tpu.memref_slice %arg10[%add3A_1271, %dma_start3A] : memref<10000x128xf32, #tpu.memory_space<vmem_shared>> -> memref<25x128xf32, #tpu.memory_space<vmem_shared>>
      %dma_start3A_1309 = arith.constant 0 : i32
      %dma_start3A_1310 = tpu.memref_slice %arg10[%add3A_1271, %dma_start3A_1309] : memref<10000x128xf32, #tpu.memory_space<vmem_shared>> -> memref<25x128xf32, #tpu.memory_space<vmem_shared>>
      tpu.enqueue_dma source(%dma_start3A_1310 : memref<25x128xf32, #tpu.memory_space<vmem_shared>>) target(%arg9 : memref<25x128xf32, #tpu.memory_space<vmem>>) target_semaphore(%run_scoped3A : memref<!tpu.dma_semaphore, #tpu.memory_space<semaphore_mem>>)
      %dma_wait3A = arith.constant 0 : i32
      %dma_wait3A_1311 = tpu.memref_slice %arg10[%add3A_1271, %dma_wait3A] : memref<10000x128xf32, #tpu.memory_space<vmem_shared>> -> memref<25x128xf32, #tpu.memory_space<vmem_shared>>
      %dma_wait3A_1312 = arith.constant 0 : i32
      %dma_wait3A_1313 = tpu.memref_slice %arg10[%add3A_1271, %dma_wait3A_1312] : memref<10000x128xf32, #tpu.memory_space<vmem_shared>> -> memref<25x128xf32, #tpu.memory_space<vmem_shared>>
      tpu.wait_dma2 semaphore(%run_scoped3A : memref<!tpu.dma_semaphore, #tpu.memory_space<semaphore_mem>>) src(%dma_wait3A_1313 : memref<25x128xf32, #tpu.memory_space<vmem_shared>>) dst(%arg9 : memref<25x128xf32, #tpu.memory_space<vmem>>)
      tpu.yield
    }) : () -> ()
    "tpu.region"() ({
      %run_scoped3A = tpu.sem_alloc : memref<!tpu.dma_semaphore, #tpu.memory_space<semaphore_mem>>
      %dma_start3A = arith.constant 0 : i32
      %dma_start3A_1308 = tpu.memref_slice %arg5[%arg0, %add3A_1271, %dma_start3A] : memref<2x10000x128xf32, #tpu.memory_space<hbm>> -> memref<1x25x128xf32, #tpu.memory_space<hbm>>
      %dma_start3A_1309 = tpu.memref_squeeze %dma_start3A_1308 : memref<1x25x128xf32, #tpu.memory_space<hbm>> -> memref<25x128xf32, #tpu.memory_space<hbm>>
      %dma_start3A_1310 = arith.constant 0 : i32
      %dma_start3A_1311 = tpu.memref_slice %arg5[%arg0, %add3A_1271, %dma_start3A_1310] : memref<2x10000x128xf32, #tpu.memory_space<hbm>> -> memref<1x25x128xf32, #tpu.memory_space<hbm>>
      %dma_start3A_1312 = tpu.memref_squeeze %dma_start3A_1311 : memref<1x25x128xf32, #tpu.memory_space<hbm>> -> memref<25x128xf32, #tpu.memory_space<hbm>>
      tpu.enqueue_dma source(%arg9 : memref<25x128xf32, #tpu.memory_space<vmem>>) target(%dma_start3A_1312 : memref<25x128xf32, #tpu.memory_space<hbm>>) target_semaphore(%run_scoped3A : memref<!tpu.dma_semaphore, #tpu.memory_space<semaphore_mem>>)
      %dma_wait3A = arith.constant 0 : i32
      %dma_wait3A_1313 = tpu.memref_slice %arg5[%arg0, %add3A_1271, %dma_wait3A] : memref<2x10000x128xf32, #tpu.memory_space<hbm>> -> memref<1x25x128xf32, #tpu.memory_space<hbm>>
      %dma_wait3A_1314 = tpu.memref_squeeze %dma_wait3A_1313 : memref<1x25x128xf32, #tpu.memory_space<hbm>> -> memref<25x128xf32, #tpu.memory_space<hbm>>
      %dma_wait3A_1315 = arith.constant 0 : i32
      %dma_wait3A_1316 = tpu.memref_slice %arg5[%arg0, %add3A_1271, %dma_wait3A_1315] : memref<2x10000x128xf32, #tpu.memory_space<hbm>> -> memref<1x25x128xf32, #tpu.memory_space<hbm>>
      %dma_wait3A_1317 = tpu.memref_squeeze %dma_wait3A_1316 : memref<1x25x128xf32, #tpu.memory_space<hbm>> -> memref<25x128xf32, #tpu.memory_space<hbm>>
      tpu.wait_dma2 semaphore(%run_scoped3A : memref<!tpu.dma_semaphore, #tpu.memory_space<semaphore_mem>>) src(%arg9 : memref<25x128xf32, #tpu.memory_space<vmem>>) dst(%dma_wait3A_1317 : memref<25x128xf32, #tpu.memory_space<hbm>>)
      tpu.yield
    }) : () -> ()
    %add3A_1272 = arith.constant 175 : i32
    %add3A_1273 = arith.addi %mul3A_1200, %add3A_1272 : i32
    "tpu.region"() ({
      %run_scoped3A = tpu.sem_alloc : memref<!tpu.dma_semaphore, #tpu.memory_space<semaphore_mem>>
      %dma_start3A = arith.constant 0 : i32
      %dma_start3A_1308 = tpu.memref_slice %arg10[%add3A_1273, %dma_start3A] : memref<10000x128xf32, #tpu.memory_space<vmem_shared>> -> memref<25x128xf32, #tpu.memory_space<vmem_shared>>
      %dma_start3A_1309 = arith.constant 0 : i32
      %dma_start3A_1310 = tpu.memref_slice %arg10[%add3A_1273, %dma_start3A_1309] : memref<10000x128xf32, #tpu.memory_space<vmem_shared>> -> memref<25x128xf32, #tpu.memory_space<vmem_shared>>
      tpu.enqueue_dma source(%dma_start3A_1310 : memref<25x128xf32, #tpu.memory_space<vmem_shared>>) target(%arg9 : memref<25x128xf32, #tpu.memory_space<vmem>>) target_semaphore(%run_scoped3A : memref<!tpu.dma_semaphore, #tpu.memory_space<semaphore_mem>>)
      %dma_wait3A = arith.constant 0 : i32
      %dma_wait3A_1311 = tpu.memref_slice %arg10[%add3A_1273, %dma_wait3A] : memref<10000x128xf32, #tpu.memory_space<vmem_shared>> -> memref<25x128xf32, #tpu.memory_space<vmem_shared>>
      %dma_wait3A_1312 = arith.constant 0 : i32
      %dma_wait3A_1313 = tpu.memref_slice %arg10[%add3A_1273, %dma_wait3A_1312] : memref<10000x128xf32, #tpu.memory_space<vmem_shared>> -> memref<25x128xf32, #tpu.memory_space<vmem_shared>>
      tpu.wait_dma2 semaphore(%run_scoped3A : memref<!tpu.dma_semaphore, #tpu.memory_space<semaphore_mem>>) src(%dma_wait3A_1313 : memref<25x128xf32, #tpu.memory_space<vmem_shared>>) dst(%arg9 : memref<25x128xf32, #tpu.memory_space<vmem>>)
      tpu.yield
    }) : () -> ()
    "tpu.region"() ({
      %run_scoped3A = tpu.sem_alloc : memref<!tpu.dma_semaphore, #tpu.memory_space<semaphore_mem>>
      %dma_start3A = arith.constant 0 : i32
      %dma_start3A_1308 = tpu.memref_slice %arg5[%arg0, %add3A_1273, %dma_start3A] : memref<2x10000x128xf32, #tpu.memory_space<hbm>> -> memref<1x25x128xf32, #tpu.memory_space<hbm>>
      %dma_start3A_1309 = tpu.memref_squeeze %dma_start3A_1308 : memref<1x25x128xf32, #tpu.memory_space<hbm>> -> memref<25x128xf32, #tpu.memory_space<hbm>>
      %dma_start3A_1310 = arith.constant 0 : i32
      %dma_start3A_1311 = tpu.memref_slice %arg5[%arg0, %add3A_1273, %dma_start3A_1310] : memref<2x10000x128xf32, #tpu.memory_space<hbm>> -> memref<1x25x128xf32, #tpu.memory_space<hbm>>
      %dma_start3A_1312 = tpu.memref_squeeze %dma_start3A_1311 : memref<1x25x128xf32, #tpu.memory_space<hbm>> -> memref<25x128xf32, #tpu.memory_space<hbm>>
      tpu.enqueue_dma source(%arg9 : memref<25x128xf32, #tpu.memory_space<vmem>>) target(%dma_start3A_1312 : memref<25x128xf32, #tpu.memory_space<hbm>>) target_semaphore(%run_scoped3A : memref<!tpu.dma_semaphore, #tpu.memory_space<semaphore_mem>>)
      %dma_wait3A = arith.constant 0 : i32
      %dma_wait3A_1313 = tpu.memref_slice %arg5[%arg0, %add3A_1273, %dma_wait3A] : memref<2x10000x128xf32, #tpu.memory_space<hbm>> -> memref<1x25x128xf32, #tpu.memory_space<hbm>>
      %dma_wait3A_1314 = tpu.memref_squeeze %dma_wait3A_1313 : memref<1x25x128xf32, #tpu.memory_space<hbm>> -> memref<25x128xf32, #tpu.memory_space<hbm>>
      %dma_wait3A_1315 = arith.constant 0 : i32
      %dma_wait3A_1316 = tpu.memref_slice %arg5[%arg0, %add3A_1273, %dma_wait3A_1315] : memref<2x10000x128xf32, #tpu.memory_space<hbm>> -> memref<1x25x128xf32, #tpu.memory_space<hbm>>
      %dma_wait3A_1317 = tpu.memref_squeeze %dma_wait3A_1316 : memref<1x25x128xf32, #tpu.memory_space<hbm>> -> memref<25x128xf32, #tpu.memory_space<hbm>>
      tpu.wait_dma2 semaphore(%run_scoped3A : memref<!tpu.dma_semaphore, #tpu.memory_space<semaphore_mem>>) src(%arg9 : memref<25x128xf32, #tpu.memory_space<vmem>>) dst(%dma_wait3A_1317 : memref<25x128xf32, #tpu.memory_space<hbm>>)
      tpu.yield
    }) : () -> ()
    %add3A_1274 = arith.constant 200 : i32
    %add3A_1275 = arith.addi %mul3A_1200, %add3A_1274 : i32
    "tpu.region"() ({
      %run_scoped3A = tpu.sem_alloc : memref<!tpu.dma_semaphore, #tpu.memory_space<semaphore_mem>>
      %dma_start3A = arith.constant 0 : i32
      %dma_start3A_1308 = tpu.memref_slice %arg10[%add3A_1275, %dma_start3A] : memref<10000x128xf32, #tpu.memory_space<vmem_shared>> -> memref<25x128xf32, #tpu.memory_space<vmem_shared>>
      %dma_start3A_1309 = arith.constant 0 : i32
      %dma_start3A_1310 = tpu.memref_slice %arg10[%add3A_1275, %dma_start3A_1309] : memref<10000x128xf32, #tpu.memory_space<vmem_shared>> -> memref<25x128xf32, #tpu.memory_space<vmem_shared>>
      tpu.enqueue_dma source(%dma_start3A_1310 : memref<25x128xf32, #tpu.memory_space<vmem_shared>>) target(%arg9 : memref<25x128xf32, #tpu.memory_space<vmem>>) target_semaphore(%run_scoped3A : memref<!tpu.dma_semaphore, #tpu.memory_space<semaphore_mem>>)
      %dma_wait3A = arith.constant 0 : i32
      %dma_wait3A_1311 = tpu.memref_slice %arg10[%add3A_1275, %dma_wait3A] : memref<10000x128xf32, #tpu.memory_space<vmem_shared>> -> memref<25x128xf32, #tpu.memory_space<vmem_shared>>
      %dma_wait3A_1312 = arith.constant 0 : i32
      %dma_wait3A_1313 = tpu.memref_slice %arg10[%add3A_1275, %dma_wait3A_1312] : memref<10000x128xf32, #tpu.memory_space<vmem_shared>> -> memref<25x128xf32, #tpu.memory_space<vmem_shared>>
      tpu.wait_dma2 semaphore(%run_scoped3A : memref<!tpu.dma_semaphore, #tpu.memory_space<semaphore_mem>>) src(%dma_wait3A_1313 : memref<25x128xf32, #tpu.memory_space<vmem_shared>>) dst(%arg9 : memref<25x128xf32, #tpu.memory_space<vmem>>)
      tpu.yield
    }) : () -> ()
    "tpu.region"() ({
      %run_scoped3A = tpu.sem_alloc : memref<!tpu.dma_semaphore, #tpu.memory_space<semaphore_mem>>
      %dma_start3A = arith.constant 0 : i32
      %dma_start3A_1308 = tpu.memref_slice %arg5[%arg0, %add3A_1275, %dma_start3A] : memref<2x10000x128xf32, #tpu.memory_space<hbm>> -> memref<1x25x128xf32, #tpu.memory_space<hbm>>
      %dma_start3A_1309 = tpu.memref_squeeze %dma_start3A_1308 : memref<1x25x128xf32, #tpu.memory_space<hbm>> -> memref<25x128xf32, #tpu.memory_space<hbm>>
      %dma_start3A_1310 = arith.constant 0 : i32
      %dma_start3A_1311 = tpu.memref_slice %arg5[%arg0, %add3A_1275, %dma_start3A_1310] : memref<2x10000x128xf32, #tpu.memory_space<hbm>> -> memref<1x25x128xf32, #tpu.memory_space<hbm>>
      %dma_start3A_1312 = tpu.memref_squeeze %dma_start3A_1311 : memref<1x25x128xf32, #tpu.memory_space<hbm>> -> memref<25x128xf32, #tpu.memory_space<hbm>>
      tpu.enqueue_dma source(%arg9 : memref<25x128xf32, #tpu.memory_space<vmem>>) target(%dma_start3A_1312 : memref<25x128xf32, #tpu.memory_space<hbm>>) target_semaphore(%run_scoped3A : memref<!tpu.dma_semaphore, #tpu.memory_space<semaphore_mem>>)
      %dma_wait3A = arith.constant 0 : i32
      %dma_wait3A_1313 = tpu.memref_slice %arg5[%arg0, %add3A_1275, %dma_wait3A] : memref<2x10000x128xf32, #tpu.memory_space<hbm>> -> memref<1x25x128xf32, #tpu.memory_space<hbm>>
      %dma_wait3A_1314 = tpu.memref_squeeze %dma_wait3A_1313 : memref<1x25x128xf32, #tpu.memory_space<hbm>> -> memref<25x128xf32, #tpu.memory_space<hbm>>
      %dma_wait3A_1315 = arith.constant 0 : i32
      %dma_wait3A_1316 = tpu.memref_slice %arg5[%arg0, %add3A_1275, %dma_wait3A_1315] : memref<2x10000x128xf32, #tpu.memory_space<hbm>> -> memref<1x25x128xf32, #tpu.memory_space<hbm>>
      %dma_wait3A_1317 = tpu.memref_squeeze %dma_wait3A_1316 : memref<1x25x128xf32, #tpu.memory_space<hbm>> -> memref<25x128xf32, #tpu.memory_space<hbm>>
      tpu.wait_dma2 semaphore(%run_scoped3A : memref<!tpu.dma_semaphore, #tpu.memory_space<semaphore_mem>>) src(%arg9 : memref<25x128xf32, #tpu.memory_space<vmem>>) dst(%dma_wait3A_1317 : memref<25x128xf32, #tpu.memory_space<hbm>>)
      tpu.yield
    }) : () -> ()
    %add3A_1276 = arith.constant 225 : i32
    %add3A_1277 = arith.addi %mul3A_1200, %add3A_1276 : i32
    "tpu.region"() ({
      %run_scoped3A = tpu.sem_alloc : memref<!tpu.dma_semaphore, #tpu.memory_space<semaphore_mem>>
      %dma_start3A = arith.constant 0 : i32
      %dma_start3A_1308 = tpu.memref_slice %arg10[%add3A_1277, %dma_start3A] : memref<10000x128xf32, #tpu.memory_space<vmem_shared>> -> memref<25x128xf32, #tpu.memory_space<vmem_shared>>
      %dma_start3A_1309 = arith.constant 0 : i32
      %dma_start3A_1310 = tpu.memref_slice %arg10[%add3A_1277, %dma_start3A_1309] : memref<10000x128xf32, #tpu.memory_space<vmem_shared>> -> memref<25x128xf32, #tpu.memory_space<vmem_shared>>
      tpu.enqueue_dma source(%dma_start3A_1310 : memref<25x128xf32, #tpu.memory_space<vmem_shared>>) target(%arg9 : memref<25x128xf32, #tpu.memory_space<vmem>>) target_semaphore(%run_scoped3A : memref<!tpu.dma_semaphore, #tpu.memory_space<semaphore_mem>>)
      %dma_wait3A = arith.constant 0 : i32
      %dma_wait3A_1311 = tpu.memref_slice %arg10[%add3A_1277, %dma_wait3A] : memref<10000x128xf32, #tpu.memory_space<vmem_shared>> -> memref<25x128xf32, #tpu.memory_space<vmem_shared>>
      %dma_wait3A_1312 = arith.constant 0 : i32
      %dma_wait3A_1313 = tpu.memref_slice %arg10[%add3A_1277, %dma_wait3A_1312] : memref<10000x128xf32, #tpu.memory_space<vmem_shared>> -> memref<25x128xf32, #tpu.memory_space<vmem_shared>>
      tpu.wait_dma2 semaphore(%run_scoped3A : memref<!tpu.dma_semaphore, #tpu.memory_space<semaphore_mem>>) src(%dma_wait3A_1313 : memref<25x128xf32, #tpu.memory_space<vmem_shared>>) dst(%arg9 : memref<25x128xf32, #tpu.memory_space<vmem>>)
      tpu.yield
    }) : () -> ()
    "tpu.region"() ({
      %run_scoped3A = tpu.sem_alloc : memref<!tpu.dma_semaphore, #tpu.memory_space<semaphore_mem>>
      %dma_start3A = arith.constant 0 : i32
      %dma_start3A_1308 = tpu.memref_slice %arg5[%arg0, %add3A_1277, %dma_start3A] : memref<2x10000x128xf32, #tpu.memory_space<hbm>> -> memref<1x25x128xf32, #tpu.memory_space<hbm>>
      %dma_start3A_1309 = tpu.memref_squeeze %dma_start3A_1308 : memref<1x25x128xf32, #tpu.memory_space<hbm>> -> memref<25x128xf32, #tpu.memory_space<hbm>>
      %dma_start3A_1310 = arith.constant 0 : i32
      %dma_start3A_1311 = tpu.memref_slice %arg5[%arg0, %add3A_1277, %dma_start3A_1310] : memref<2x10000x128xf32, #tpu.memory_space<hbm>> -> memref<1x25x128xf32, #tpu.memory_space<hbm>>
      %dma_start3A_1312 = tpu.memref_squeeze %dma_start3A_1311 : memref<1x25x128xf32, #tpu.memory_space<hbm>> -> memref<25x128xf32, #tpu.memory_space<hbm>>
      tpu.enqueue_dma source(%arg9 : memref<25x128xf32, #tpu.memory_space<vmem>>) target(%dma_start3A_1312 : memref<25x128xf32, #tpu.memory_space<hbm>>) target_semaphore(%run_scoped3A : memref<!tpu.dma_semaphore, #tpu.memory_space<semaphore_mem>>)
      %dma_wait3A = arith.constant 0 : i32
      %dma_wait3A_1313 = tpu.memref_slice %arg5[%arg0, %add3A_1277, %dma_wait3A] : memref<2x10000x128xf32, #tpu.memory_space<hbm>> -> memref<1x25x128xf32, #tpu.memory_space<hbm>>
      %dma_wait3A_1314 = tpu.memref_squeeze %dma_wait3A_1313 : memref<1x25x128xf32, #tpu.memory_space<hbm>> -> memref<25x128xf32, #tpu.memory_space<hbm>>
      %dma_wait3A_1315 = arith.constant 0 : i32
      %dma_wait3A_1316 = tpu.memref_slice %arg5[%arg0, %add3A_1277, %dma_wait3A_1315] : memref<2x10000x128xf32, #tpu.memory_space<hbm>> -> memref<1x25x128xf32, #tpu.memory_space<hbm>>
      %dma_wait3A_1317 = tpu.memref_squeeze %dma_wait3A_1316 : memref<1x25x128xf32, #tpu.memory_space<hbm>> -> memref<25x128xf32, #tpu.memory_space<hbm>>
      tpu.wait_dma2 semaphore(%run_scoped3A : memref<!tpu.dma_semaphore, #tpu.memory_space<semaphore_mem>>) src(%arg9 : memref<25x128xf32, #tpu.memory_space<vmem>>) dst(%dma_wait3A_1317 : memref<25x128xf32, #tpu.memory_space<hbm>>)
      tpu.yield
    }) : () -> ()
    %add3A_1278 = arith.constant 250 : i32
    %add3A_1279 = arith.addi %mul3A_1200, %add3A_1278 : i32
    "tpu.region"() ({
      %run_scoped3A = tpu.sem_alloc : memref<!tpu.dma_semaphore, #tpu.memory_space<semaphore_mem>>
      %dma_start3A = arith.constant 0 : i32
      %dma_start3A_1308 = tpu.memref_slice %arg10[%add3A_1279, %dma_start3A] : memref<10000x128xf32, #tpu.memory_space<vmem_shared>> -> memref<25x128xf32, #tpu.memory_space<vmem_shared>>
      %dma_start3A_1309 = arith.constant 0 : i32
      %dma_start3A_1310 = tpu.memref_slice %arg10[%add3A_1279, %dma_start3A_1309] : memref<10000x128xf32, #tpu.memory_space<vmem_shared>> -> memref<25x128xf32, #tpu.memory_space<vmem_shared>>
      tpu.enqueue_dma source(%dma_start3A_1310 : memref<25x128xf32, #tpu.memory_space<vmem_shared>>) target(%arg9 : memref<25x128xf32, #tpu.memory_space<vmem>>) target_semaphore(%run_scoped3A : memref<!tpu.dma_semaphore, #tpu.memory_space<semaphore_mem>>)
      %dma_wait3A = arith.constant 0 : i32
      %dma_wait3A_1311 = tpu.memref_slice %arg10[%add3A_1279, %dma_wait3A] : memref<10000x128xf32, #tpu.memory_space<vmem_shared>> -> memref<25x128xf32, #tpu.memory_space<vmem_shared>>
      %dma_wait3A_1312 = arith.constant 0 : i32
      %dma_wait3A_1313 = tpu.memref_slice %arg10[%add3A_1279, %dma_wait3A_1312] : memref<10000x128xf32, #tpu.memory_space<vmem_shared>> -> memref<25x128xf32, #tpu.memory_space<vmem_shared>>
      tpu.wait_dma2 semaphore(%run_scoped3A : memref<!tpu.dma_semaphore, #tpu.memory_space<semaphore_mem>>) src(%dma_wait3A_1313 : memref<25x128xf32, #tpu.memory_space<vmem_shared>>) dst(%arg9 : memref<25x128xf32, #tpu.memory_space<vmem>>)
      tpu.yield
    }) : () -> ()
    "tpu.region"() ({
      %run_scoped3A = tpu.sem_alloc : memref<!tpu.dma_semaphore, #tpu.memory_space<semaphore_mem>>
      %dma_start3A = arith.constant 0 : i32
      %dma_start3A_1308 = tpu.memref_slice %arg5[%arg0, %add3A_1279, %dma_start3A] : memref<2x10000x128xf32, #tpu.memory_space<hbm>> -> memref<1x25x128xf32, #tpu.memory_space<hbm>>
      %dma_start3A_1309 = tpu.memref_squeeze %dma_start3A_1308 : memref<1x25x128xf32, #tpu.memory_space<hbm>> -> memref<25x128xf32, #tpu.memory_space<hbm>>
      %dma_start3A_1310 = arith.constant 0 : i32
      %dma_start3A_1311 = tpu.memref_slice %arg5[%arg0, %add3A_1279, %dma_start3A_1310] : memref<2x10000x128xf32, #tpu.memory_space<hbm>> -> memref<1x25x128xf32, #tpu.memory_space<hbm>>
      %dma_start3A_1312 = tpu.memref_squeeze %dma_start3A_1311 : memref<1x25x128xf32, #tpu.memory_space<hbm>> -> memref<25x128xf32, #tpu.memory_space<hbm>>
      tpu.enqueue_dma source(%arg9 : memref<25x128xf32, #tpu.memory_space<vmem>>) target(%dma_start3A_1312 : memref<25x128xf32, #tpu.memory_space<hbm>>) target_semaphore(%run_scoped3A : memref<!tpu.dma_semaphore, #tpu.memory_space<semaphore_mem>>)
      %dma_wait3A = arith.constant 0 : i32
      %dma_wait3A_1313 = tpu.memref_slice %arg5[%arg0, %add3A_1279, %dma_wait3A] : memref<2x10000x128xf32, #tpu.memory_space<hbm>> -> memref<1x25x128xf32, #tpu.memory_space<hbm>>
      %dma_wait3A_1314 = tpu.memref_squeeze %dma_wait3A_1313 : memref<1x25x128xf32, #tpu.memory_space<hbm>> -> memref<25x128xf32, #tpu.memory_space<hbm>>
      %dma_wait3A_1315 = arith.constant 0 : i32
      %dma_wait3A_1316 = tpu.memref_slice %arg5[%arg0, %add3A_1279, %dma_wait3A_1315] : memref<2x10000x128xf32, #tpu.memory_space<hbm>> -> memref<1x25x128xf32, #tpu.memory_space<hbm>>
      %dma_wait3A_1317 = tpu.memref_squeeze %dma_wait3A_1316 : memref<1x25x128xf32, #tpu.memory_space<hbm>> -> memref<25x128xf32, #tpu.memory_space<hbm>>
      tpu.wait_dma2 semaphore(%run_scoped3A : memref<!tpu.dma_semaphore, #tpu.memory_space<semaphore_mem>>) src(%arg9 : memref<25x128xf32, #tpu.memory_space<vmem>>) dst(%dma_wait3A_1317 : memref<25x128xf32, #tpu.memory_space<hbm>>)
      tpu.yield
    }) : () -> ()
    %add3A_1280 = arith.constant 275 : i32
    %add3A_1281 = arith.addi %mul3A_1200, %add3A_1280 : i32
    "tpu.region"() ({
      %run_scoped3A = tpu.sem_alloc : memref<!tpu.dma_semaphore, #tpu.memory_space<semaphore_mem>>
      %dma_start3A = arith.constant 0 : i32
      %dma_start3A_1308 = tpu.memref_slice %arg10[%add3A_1281, %dma_start3A] : memref<10000x128xf32, #tpu.memory_space<vmem_shared>> -> memref<25x128xf32, #tpu.memory_space<vmem_shared>>
      %dma_start3A_1309 = arith.constant 0 : i32
      %dma_start3A_1310 = tpu.memref_slice %arg10[%add3A_1281, %dma_start3A_1309] : memref<10000x128xf32, #tpu.memory_space<vmem_shared>> -> memref<25x128xf32, #tpu.memory_space<vmem_shared>>
      tpu.enqueue_dma source(%dma_start3A_1310 : memref<25x128xf32, #tpu.memory_space<vmem_shared>>) target(%arg9 : memref<25x128xf32, #tpu.memory_space<vmem>>) target_semaphore(%run_scoped3A : memref<!tpu.dma_semaphore, #tpu.memory_space<semaphore_mem>>)
      %dma_wait3A = arith.constant 0 : i32
      %dma_wait3A_1311 = tpu.memref_slice %arg10[%add3A_1281, %dma_wait3A] : memref<10000x128xf32, #tpu.memory_space<vmem_shared>> -> memref<25x128xf32, #tpu.memory_space<vmem_shared>>
      %dma_wait3A_1312 = arith.constant 0 : i32
      %dma_wait3A_1313 = tpu.memref_slice %arg10[%add3A_1281, %dma_wait3A_1312] : memref<10000x128xf32, #tpu.memory_space<vmem_shared>> -> memref<25x128xf32, #tpu.memory_space<vmem_shared>>
      tpu.wait_dma2 semaphore(%run_scoped3A : memref<!tpu.dma_semaphore, #tpu.memory_space<semaphore_mem>>) src(%dma_wait3A_1313 : memref<25x128xf32, #tpu.memory_space<vmem_shared>>) dst(%arg9 : memref<25x128xf32, #tpu.memory_space<vmem>>)
      tpu.yield
    }) : () -> ()
    "tpu.region"() ({
      %run_scoped3A = tpu.sem_alloc : memref<!tpu.dma_semaphore, #tpu.memory_space<semaphore_mem>>
      %dma_start3A = arith.constant 0 : i32
      %dma_start3A_1308 = tpu.memref_slice %arg5[%arg0, %add3A_1281, %dma_start3A] : memref<2x10000x128xf32, #tpu.memory_space<hbm>> -> memref<1x25x128xf32, #tpu.memory_space<hbm>>
      %dma_start3A_1309 = tpu.memref_squeeze %dma_start3A_1308 : memref<1x25x128xf32, #tpu.memory_space<hbm>> -> memref<25x128xf32, #tpu.memory_space<hbm>>
      %dma_start3A_1310 = arith.constant 0 : i32
      %dma_start3A_1311 = tpu.memref_slice %arg5[%arg0, %add3A_1281, %dma_start3A_1310] : memref<2x10000x128xf32, #tpu.memory_space<hbm>> -> memref<1x25x128xf32, #tpu.memory_space<hbm>>
      %dma_start3A_1312 = tpu.memref_squeeze %dma_start3A_1311 : memref<1x25x128xf32, #tpu.memory_space<hbm>> -> memref<25x128xf32, #tpu.memory_space<hbm>>
      tpu.enqueue_dma source(%arg9 : memref<25x128xf32, #tpu.memory_space<vmem>>) target(%dma_start3A_1312 : memref<25x128xf32, #tpu.memory_space<hbm>>) target_semaphore(%run_scoped3A : memref<!tpu.dma_semaphore, #tpu.memory_space<semaphore_mem>>)
      %dma_wait3A = arith.constant 0 : i32
      %dma_wait3A_1313 = tpu.memref_slice %arg5[%arg0, %add3A_1281, %dma_wait3A] : memref<2x10000x128xf32, #tpu.memory_space<hbm>> -> memref<1x25x128xf32, #tpu.memory_space<hbm>>
      %dma_wait3A_1314 = tpu.memref_squeeze %dma_wait3A_1313 : memref<1x25x128xf32, #tpu.memory_space<hbm>> -> memref<25x128xf32, #tpu.memory_space<hbm>>
      %dma_wait3A_1315 = arith.constant 0 : i32
      %dma_wait3A_1316 = tpu.memref_slice %arg5[%arg0, %add3A_1281, %dma_wait3A_1315] : memref<2x10000x128xf32, #tpu.memory_space<hbm>> -> memref<1x25x128xf32, #tpu.memory_space<hbm>>
      %dma_wait3A_1317 = tpu.memref_squeeze %dma_wait3A_1316 : memref<1x25x128xf32, #tpu.memory_space<hbm>> -> memref<25x128xf32, #tpu.memory_space<hbm>>
      tpu.wait_dma2 semaphore(%run_scoped3A : memref<!tpu.dma_semaphore, #tpu.memory_space<semaphore_mem>>) src(%arg9 : memref<25x128xf32, #tpu.memory_space<vmem>>) dst(%dma_wait3A_1317 : memref<25x128xf32, #tpu.memory_space<hbm>>)
      tpu.yield
    }) : () -> ()
    %add3A_1282 = arith.constant 300 : i32
    %add3A_1283 = arith.addi %mul3A_1200, %add3A_1282 : i32
    "tpu.region"() ({
      %run_scoped3A = tpu.sem_alloc : memref<!tpu.dma_semaphore, #tpu.memory_space<semaphore_mem>>
      %dma_start3A = arith.constant 0 : i32
      %dma_start3A_1308 = tpu.memref_slice %arg10[%add3A_1283, %dma_start3A] : memref<10000x128xf32, #tpu.memory_space<vmem_shared>> -> memref<25x128xf32, #tpu.memory_space<vmem_shared>>
      %dma_start3A_1309 = arith.constant 0 : i32
      %dma_start3A_1310 = tpu.memref_slice %arg10[%add3A_1283, %dma_start3A_1309] : memref<10000x128xf32, #tpu.memory_space<vmem_shared>> -> memref<25x128xf32, #tpu.memory_space<vmem_shared>>
      tpu.enqueue_dma source(%dma_start3A_1310 : memref<25x128xf32, #tpu.memory_space<vmem_shared>>) target(%arg9 : memref<25x128xf32, #tpu.memory_space<vmem>>) target_semaphore(%run_scoped3A : memref<!tpu.dma_semaphore, #tpu.memory_space<semaphore_mem>>)
      %dma_wait3A = arith.constant 0 : i32
      %dma_wait3A_1311 = tpu.memref_slice %arg10[%add3A_1283, %dma_wait3A] : memref<10000x128xf32, #tpu.memory_space<vmem_shared>> -> memref<25x128xf32, #tpu.memory_space<vmem_shared>>
      %dma_wait3A_1312 = arith.constant 0 : i32
      %dma_wait3A_1313 = tpu.memref_slice %arg10[%add3A_1283, %dma_wait3A_1312] : memref<10000x128xf32, #tpu.memory_space<vmem_shared>> -> memref<25x128xf32, #tpu.memory_space<vmem_shared>>
      tpu.wait_dma2 semaphore(%run_scoped3A : memref<!tpu.dma_semaphore, #tpu.memory_space<semaphore_mem>>) src(%dma_wait3A_1313 : memref<25x128xf32, #tpu.memory_space<vmem_shared>>) dst(%arg9 : memref<25x128xf32, #tpu.memory_space<vmem>>)
      tpu.yield
    }) : () -> ()
    "tpu.region"() ({
      %run_scoped3A = tpu.sem_alloc : memref<!tpu.dma_semaphore, #tpu.memory_space<semaphore_mem>>
      %dma_start3A = arith.constant 0 : i32
      %dma_start3A_1308 = tpu.memref_slice %arg5[%arg0, %add3A_1283, %dma_start3A] : memref<2x10000x128xf32, #tpu.memory_space<hbm>> -> memref<1x25x128xf32, #tpu.memory_space<hbm>>
      %dma_start3A_1309 = tpu.memref_squeeze %dma_start3A_1308 : memref<1x25x128xf32, #tpu.memory_space<hbm>> -> memref<25x128xf32, #tpu.memory_space<hbm>>
      %dma_start3A_1310 = arith.constant 0 : i32
      %dma_start3A_1311 = tpu.memref_slice %arg5[%arg0, %add3A_1283, %dma_start3A_1310] : memref<2x10000x128xf32, #tpu.memory_space<hbm>> -> memref<1x25x128xf32, #tpu.memory_space<hbm>>
      %dma_start3A_1312 = tpu.memref_squeeze %dma_start3A_1311 : memref<1x25x128xf32, #tpu.memory_space<hbm>> -> memref<25x128xf32, #tpu.memory_space<hbm>>
      tpu.enqueue_dma source(%arg9 : memref<25x128xf32, #tpu.memory_space<vmem>>) target(%dma_start3A_1312 : memref<25x128xf32, #tpu.memory_space<hbm>>) target_semaphore(%run_scoped3A : memref<!tpu.dma_semaphore, #tpu.memory_space<semaphore_mem>>)
      %dma_wait3A = arith.constant 0 : i32
      %dma_wait3A_1313 = tpu.memref_slice %arg5[%arg0, %add3A_1283, %dma_wait3A] : memref<2x10000x128xf32, #tpu.memory_space<hbm>> -> memref<1x25x128xf32, #tpu.memory_space<hbm>>
      %dma_wait3A_1314 = tpu.memref_squeeze %dma_wait3A_1313 : memref<1x25x128xf32, #tpu.memory_space<hbm>> -> memref<25x128xf32, #tpu.memory_space<hbm>>
      %dma_wait3A_1315 = arith.constant 0 : i32
      %dma_wait3A_1316 = tpu.memref_slice %arg5[%arg0, %add3A_1283, %dma_wait3A_1315] : memref<2x10000x128xf32, #tpu.memory_space<hbm>> -> memref<1x25x128xf32, #tpu.memory_space<hbm>>
      %dma_wait3A_1317 = tpu.memref_squeeze %dma_wait3A_1316 : memref<1x25x128xf32, #tpu.memory_space<hbm>> -> memref<25x128xf32, #tpu.memory_space<hbm>>
      tpu.wait_dma2 semaphore(%run_scoped3A : memref<!tpu.dma_semaphore, #tpu.memory_space<semaphore_mem>>) src(%arg9 : memref<25x128xf32, #tpu.memory_space<vmem>>) dst(%dma_wait3A_1317 : memref<25x128xf32, #tpu.memory_space<hbm>>)
      tpu.yield
    }) : () -> ()
    %add3A_1284 = arith.constant 325 : i32
    %add3A_1285 = arith.addi %mul3A_1200, %add3A_1284 : i32
    "tpu.region"() ({
      %run_scoped3A = tpu.sem_alloc : memref<!tpu.dma_semaphore, #tpu.memory_space<semaphore_mem>>
      %dma_start3A = arith.constant 0 : i32
      %dma_start3A_1308 = tpu.memref_slice %arg10[%add3A_1285, %dma_start3A] : memref<10000x128xf32, #tpu.memory_space<vmem_shared>> -> memref<25x128xf32, #tpu.memory_space<vmem_shared>>
      %dma_start3A_1309 = arith.constant 0 : i32
      %dma_start3A_1310 = tpu.memref_slice %arg10[%add3A_1285, %dma_start3A_1309] : memref<10000x128xf32, #tpu.memory_space<vmem_shared>> -> memref<25x128xf32, #tpu.memory_space<vmem_shared>>
      tpu.enqueue_dma source(%dma_start3A_1310 : memref<25x128xf32, #tpu.memory_space<vmem_shared>>) target(%arg9 : memref<25x128xf32, #tpu.memory_space<vmem>>) target_semaphore(%run_scoped3A : memref<!tpu.dma_semaphore, #tpu.memory_space<semaphore_mem>>)
      %dma_wait3A = arith.constant 0 : i32
      %dma_wait3A_1311 = tpu.memref_slice %arg10[%add3A_1285, %dma_wait3A] : memref<10000x128xf32, #tpu.memory_space<vmem_shared>> -> memref<25x128xf32, #tpu.memory_space<vmem_shared>>
      %dma_wait3A_1312 = arith.constant 0 : i32
      %dma_wait3A_1313 = tpu.memref_slice %arg10[%add3A_1285, %dma_wait3A_1312] : memref<10000x128xf32, #tpu.memory_space<vmem_shared>> -> memref<25x128xf32, #tpu.memory_space<vmem_shared>>
      tpu.wait_dma2 semaphore(%run_scoped3A : memref<!tpu.dma_semaphore, #tpu.memory_space<semaphore_mem>>) src(%dma_wait3A_1313 : memref<25x128xf32, #tpu.memory_space<vmem_shared>>) dst(%arg9 : memref<25x128xf32, #tpu.memory_space<vmem>>)
      tpu.yield
    }) : () -> ()
    "tpu.region"() ({
      %run_scoped3A = tpu.sem_alloc : memref<!tpu.dma_semaphore, #tpu.memory_space<semaphore_mem>>
      %dma_start3A = arith.constant 0 : i32
      %dma_start3A_1308 = tpu.memref_slice %arg5[%arg0, %add3A_1285, %dma_start3A] : memref<2x10000x128xf32, #tpu.memory_space<hbm>> -> memref<1x25x128xf32, #tpu.memory_space<hbm>>
      %dma_start3A_1309 = tpu.memref_squeeze %dma_start3A_1308 : memref<1x25x128xf32, #tpu.memory_space<hbm>> -> memref<25x128xf32, #tpu.memory_space<hbm>>
      %dma_start3A_1310 = arith.constant 0 : i32
      %dma_start3A_1311 = tpu.memref_slice %arg5[%arg0, %add3A_1285, %dma_start3A_1310] : memref<2x10000x128xf32, #tpu.memory_space<hbm>> -> memref<1x25x128xf32, #tpu.memory_space<hbm>>
      %dma_start3A_1312 = tpu.memref_squeeze %dma_start3A_1311 : memref<1x25x128xf32, #tpu.memory_space<hbm>> -> memref<25x128xf32, #tpu.memory_space<hbm>>
      tpu.enqueue_dma source(%arg9 : memref<25x128xf32, #tpu.memory_space<vmem>>) target(%dma_start3A_1312 : memref<25x128xf32, #tpu.memory_space<hbm>>) target_semaphore(%run_scoped3A : memref<!tpu.dma_semaphore, #tpu.memory_space<semaphore_mem>>)
      %dma_wait3A = arith.constant 0 : i32
      %dma_wait3A_1313 = tpu.memref_slice %arg5[%arg0, %add3A_1285, %dma_wait3A] : memref<2x10000x128xf32, #tpu.memory_space<hbm>> -> memref<1x25x128xf32, #tpu.memory_space<hbm>>
      %dma_wait3A_1314 = tpu.memref_squeeze %dma_wait3A_1313 : memref<1x25x128xf32, #tpu.memory_space<hbm>> -> memref<25x128xf32, #tpu.memory_space<hbm>>
      %dma_wait3A_1315 = arith.constant 0 : i32
      %dma_wait3A_1316 = tpu.memref_slice %arg5[%arg0, %add3A_1285, %dma_wait3A_1315] : memref<2x10000x128xf32, #tpu.memory_space<hbm>> -> memref<1x25x128xf32, #tpu.memory_space<hbm>>
      %dma_wait3A_1317 = tpu.memref_squeeze %dma_wait3A_1316 : memref<1x25x128xf32, #tpu.memory_space<hbm>> -> memref<25x128xf32, #tpu.memory_space<hbm>>
      tpu.wait_dma2 semaphore(%run_scoped3A : memref<!tpu.dma_semaphore, #tpu.memory_space<semaphore_mem>>) src(%arg9 : memref<25x128xf32, #tpu.memory_space<vmem>>) dst(%dma_wait3A_1317 : memref<25x128xf32, #tpu.memory_space<hbm>>)
      tpu.yield
    }) : () -> ()
    %add3A_1286 = arith.constant 350 : i32
    %add3A_1287 = arith.addi %mul3A_1200, %add3A_1286 : i32
    "tpu.region"() ({
      %run_scoped3A = tpu.sem_alloc : memref<!tpu.dma_semaphore, #tpu.memory_space<semaphore_mem>>
      %dma_start3A = arith.constant 0 : i32
      %dma_start3A_1308 = tpu.memref_slice %arg10[%add3A_1287, %dma_start3A] : memref<10000x128xf32, #tpu.memory_space<vmem_shared>> -> memref<25x128xf32, #tpu.memory_space<vmem_shared>>
      %dma_start3A_1309 = arith.constant 0 : i32
      %dma_start3A_1310 = tpu.memref_slice %arg10[%add3A_1287, %dma_start3A_1309] : memref<10000x128xf32, #tpu.memory_space<vmem_shared>> -> memref<25x128xf32, #tpu.memory_space<vmem_shared>>
      tpu.enqueue_dma source(%dma_start3A_1310 : memref<25x128xf32, #tpu.memory_space<vmem_shared>>) target(%arg9 : memref<25x128xf32, #tpu.memory_space<vmem>>) target_semaphore(%run_scoped3A : memref<!tpu.dma_semaphore, #tpu.memory_space<semaphore_mem>>)
      %dma_wait3A = arith.constant 0 : i32
      %dma_wait3A_1311 = tpu.memref_slice %arg10[%add3A_1287, %dma_wait3A] : memref<10000x128xf32, #tpu.memory_space<vmem_shared>> -> memref<25x128xf32, #tpu.memory_space<vmem_shared>>
      %dma_wait3A_1312 = arith.constant 0 : i32
      %dma_wait3A_1313 = tpu.memref_slice %arg10[%add3A_1287, %dma_wait3A_1312] : memref<10000x128xf32, #tpu.memory_space<vmem_shared>> -> memref<25x128xf32, #tpu.memory_space<vmem_shared>>
      tpu.wait_dma2 semaphore(%run_scoped3A : memref<!tpu.dma_semaphore, #tpu.memory_space<semaphore_mem>>) src(%dma_wait3A_1313 : memref<25x128xf32, #tpu.memory_space<vmem_shared>>) dst(%arg9 : memref<25x128xf32, #tpu.memory_space<vmem>>)
      tpu.yield
    }) : () -> ()
    "tpu.region"() ({
      %run_scoped3A = tpu.sem_alloc : memref<!tpu.dma_semaphore, #tpu.memory_space<semaphore_mem>>
      %dma_start3A = arith.constant 0 : i32
      %dma_start3A_1308 = tpu.memref_slice %arg5[%arg0, %add3A_1287, %dma_start3A] : memref<2x10000x128xf32, #tpu.memory_space<hbm>> -> memref<1x25x128xf32, #tpu.memory_space<hbm>>
      %dma_start3A_1309 = tpu.memref_squeeze %dma_start3A_1308 : memref<1x25x128xf32, #tpu.memory_space<hbm>> -> memref<25x128xf32, #tpu.memory_space<hbm>>
      %dma_start3A_1310 = arith.constant 0 : i32
      %dma_start3A_1311 = tpu.memref_slice %arg5[%arg0, %add3A_1287, %dma_start3A_1310] : memref<2x10000x128xf32, #tpu.memory_space<hbm>> -> memref<1x25x128xf32, #tpu.memory_space<hbm>>
      %dma_start3A_1312 = tpu.memref_squeeze %dma_start3A_1311 : memref<1x25x128xf32, #tpu.memory_space<hbm>> -> memref<25x128xf32, #tpu.memory_space<hbm>>
      tpu.enqueue_dma source(%arg9 : memref<25x128xf32, #tpu.memory_space<vmem>>) target(%dma_start3A_1312 : memref<25x128xf32, #tpu.memory_space<hbm>>) target_semaphore(%run_scoped3A : memref<!tpu.dma_semaphore, #tpu.memory_space<semaphore_mem>>)
      %dma_wait3A = arith.constant 0 : i32
      %dma_wait3A_1313 = tpu.memref_slice %arg5[%arg0, %add3A_1287, %dma_wait3A] : memref<2x10000x128xf32, #tpu.memory_space<hbm>> -> memref<1x25x128xf32, #tpu.memory_space<hbm>>
      %dma_wait3A_1314 = tpu.memref_squeeze %dma_wait3A_1313 : memref<1x25x128xf32, #tpu.memory_space<hbm>> -> memref<25x128xf32, #tpu.memory_space<hbm>>
      %dma_wait3A_1315 = arith.constant 0 : i32
      %dma_wait3A_1316 = tpu.memref_slice %arg5[%arg0, %add3A_1287, %dma_wait3A_1315] : memref<2x10000x128xf32, #tpu.memory_space<hbm>> -> memref<1x25x128xf32, #tpu.memory_space<hbm>>
      %dma_wait3A_1317 = tpu.memref_squeeze %dma_wait3A_1316 : memref<1x25x128xf32, #tpu.memory_space<hbm>> -> memref<25x128xf32, #tpu.memory_space<hbm>>
      tpu.wait_dma2 semaphore(%run_scoped3A : memref<!tpu.dma_semaphore, #tpu.memory_space<semaphore_mem>>) src(%arg9 : memref<25x128xf32, #tpu.memory_space<vmem>>) dst(%dma_wait3A_1317 : memref<25x128xf32, #tpu.memory_space<hbm>>)
      tpu.yield
    }) : () -> ()
    %add3A_1288 = arith.constant 375 : i32
    %add3A_1289 = arith.addi %mul3A_1200, %add3A_1288 : i32
    "tpu.region"() ({
      %run_scoped3A = tpu.sem_alloc : memref<!tpu.dma_semaphore, #tpu.memory_space<semaphore_mem>>
      %dma_start3A = arith.constant 0 : i32
      %dma_start3A_1308 = tpu.memref_slice %arg10[%add3A_1289, %dma_start3A] : memref<10000x128xf32, #tpu.memory_space<vmem_shared>> -> memref<25x128xf32, #tpu.memory_space<vmem_shared>>
      %dma_start3A_1309 = arith.constant 0 : i32
      %dma_start3A_1310 = tpu.memref_slice %arg10[%add3A_1289, %dma_start3A_1309] : memref<10000x128xf32, #tpu.memory_space<vmem_shared>> -> memref<25x128xf32, #tpu.memory_space<vmem_shared>>
      tpu.enqueue_dma source(%dma_start3A_1310 : memref<25x128xf32, #tpu.memory_space<vmem_shared>>) target(%arg9 : memref<25x128xf32, #tpu.memory_space<vmem>>) target_semaphore(%run_scoped3A : memref<!tpu.dma_semaphore, #tpu.memory_space<semaphore_mem>>)
      %dma_wait3A = arith.constant 0 : i32
      %dma_wait3A_1311 = tpu.memref_slice %arg10[%add3A_1289, %dma_wait3A] : memref<10000x128xf32, #tpu.memory_space<vmem_shared>> -> memref<25x128xf32, #tpu.memory_space<vmem_shared>>
      %dma_wait3A_1312 = arith.constant 0 : i32
      %dma_wait3A_1313 = tpu.memref_slice %arg10[%add3A_1289, %dma_wait3A_1312] : memref<10000x128xf32, #tpu.memory_space<vmem_shared>> -> memref<25x128xf32, #tpu.memory_space<vmem_shared>>
      tpu.wait_dma2 semaphore(%run_scoped3A : memref<!tpu.dma_semaphore, #tpu.memory_space<semaphore_mem>>) src(%dma_wait3A_1313 : memref<25x128xf32, #tpu.memory_space<vmem_shared>>) dst(%arg9 : memref<25x128xf32, #tpu.memory_space<vmem>>)
      tpu.yield
    }) : () -> ()
    "tpu.region"() ({
      %run_scoped3A = tpu.sem_alloc : memref<!tpu.dma_semaphore, #tpu.memory_space<semaphore_mem>>
      %dma_start3A = arith.constant 0 : i32
      %dma_start3A_1308 = tpu.memref_slice %arg5[%arg0, %add3A_1289, %dma_start3A] : memref<2x10000x128xf32, #tpu.memory_space<hbm>> -> memref<1x25x128xf32, #tpu.memory_space<hbm>>
      %dma_start3A_1309 = tpu.memref_squeeze %dma_start3A_1308 : memref<1x25x128xf32, #tpu.memory_space<hbm>> -> memref<25x128xf32, #tpu.memory_space<hbm>>
      %dma_start3A_1310 = arith.constant 0 : i32
      %dma_start3A_1311 = tpu.memref_slice %arg5[%arg0, %add3A_1289, %dma_start3A_1310] : memref<2x10000x128xf32, #tpu.memory_space<hbm>> -> memref<1x25x128xf32, #tpu.memory_space<hbm>>
      %dma_start3A_1312 = tpu.memref_squeeze %dma_start3A_1311 : memref<1x25x128xf32, #tpu.memory_space<hbm>> -> memref<25x128xf32, #tpu.memory_space<hbm>>
      tpu.enqueue_dma source(%arg9 : memref<25x128xf32, #tpu.memory_space<vmem>>) target(%dma_start3A_1312 : memref<25x128xf32, #tpu.memory_space<hbm>>) target_semaphore(%run_scoped3A : memref<!tpu.dma_semaphore, #tpu.memory_space<semaphore_mem>>)
      %dma_wait3A = arith.constant 0 : i32
      %dma_wait3A_1313 = tpu.memref_slice %arg5[%arg0, %add3A_1289, %dma_wait3A] : memref<2x10000x128xf32, #tpu.memory_space<hbm>> -> memref<1x25x128xf32, #tpu.memory_space<hbm>>
      %dma_wait3A_1314 = tpu.memref_squeeze %dma_wait3A_1313 : memref<1x25x128xf32, #tpu.memory_space<hbm>> -> memref<25x128xf32, #tpu.memory_space<hbm>>
      %dma_wait3A_1315 = arith.constant 0 : i32
      %dma_wait3A_1316 = tpu.memref_slice %arg5[%arg0, %add3A_1289, %dma_wait3A_1315] : memref<2x10000x128xf32, #tpu.memory_space<hbm>> -> memref<1x25x128xf32, #tpu.memory_space<hbm>>
      %dma_wait3A_1317 = tpu.memref_squeeze %dma_wait3A_1316 : memref<1x25x128xf32, #tpu.memory_space<hbm>> -> memref<25x128xf32, #tpu.memory_space<hbm>>
      tpu.wait_dma2 semaphore(%run_scoped3A : memref<!tpu.dma_semaphore, #tpu.memory_space<semaphore_mem>>) src(%arg9 : memref<25x128xf32, #tpu.memory_space<vmem>>) dst(%dma_wait3A_1317 : memref<25x128xf32, #tpu.memory_space<hbm>>)
      tpu.yield
    }) : () -> ()
    %add3A_1290 = arith.constant 400 : i32
    %add3A_1291 = arith.addi %mul3A_1200, %add3A_1290 : i32
    "tpu.region"() ({
      %run_scoped3A = tpu.sem_alloc : memref<!tpu.dma_semaphore, #tpu.memory_space<semaphore_mem>>
      %dma_start3A = arith.constant 0 : i32
      %dma_start3A_1308 = tpu.memref_slice %arg10[%add3A_1291, %dma_start3A] : memref<10000x128xf32, #tpu.memory_space<vmem_shared>> -> memref<25x128xf32, #tpu.memory_space<vmem_shared>>
      %dma_start3A_1309 = arith.constant 0 : i32
      %dma_start3A_1310 = tpu.memref_slice %arg10[%add3A_1291, %dma_start3A_1309] : memref<10000x128xf32, #tpu.memory_space<vmem_shared>> -> memref<25x128xf32, #tpu.memory_space<vmem_shared>>
      tpu.enqueue_dma source(%dma_start3A_1310 : memref<25x128xf32, #tpu.memory_space<vmem_shared>>) target(%arg9 : memref<25x128xf32, #tpu.memory_space<vmem>>) target_semaphore(%run_scoped3A : memref<!tpu.dma_semaphore, #tpu.memory_space<semaphore_mem>>)
      %dma_wait3A = arith.constant 0 : i32
      %dma_wait3A_1311 = tpu.memref_slice %arg10[%add3A_1291, %dma_wait3A] : memref<10000x128xf32, #tpu.memory_space<vmem_shared>> -> memref<25x128xf32, #tpu.memory_space<vmem_shared>>
      %dma_wait3A_1312 = arith.constant 0 : i32
      %dma_wait3A_1313 = tpu.memref_slice %arg10[%add3A_1291, %dma_wait3A_1312] : memref<10000x128xf32, #tpu.memory_space<vmem_shared>> -> memref<25x128xf32, #tpu.memory_space<vmem_shared>>
      tpu.wait_dma2 semaphore(%run_scoped3A : memref<!tpu.dma_semaphore, #tpu.memory_space<semaphore_mem>>) src(%dma_wait3A_1313 : memref<25x128xf32, #tpu.memory_space<vmem_shared>>) dst(%arg9 : memref<25x128xf32, #tpu.memory_space<vmem>>)
      tpu.yield
    }) : () -> ()
    "tpu.region"() ({
      %run_scoped3A = tpu.sem_alloc : memref<!tpu.dma_semaphore, #tpu.memory_space<semaphore_mem>>
      %dma_start3A = arith.constant 0 : i32
      %dma_start3A_1308 = tpu.memref_slice %arg5[%arg0, %add3A_1291, %dma_start3A] : memref<2x10000x128xf32, #tpu.memory_space<hbm>> -> memref<1x25x128xf32, #tpu.memory_space<hbm>>
      %dma_start3A_1309 = tpu.memref_squeeze %dma_start3A_1308 : memref<1x25x128xf32, #tpu.memory_space<hbm>> -> memref<25x128xf32, #tpu.memory_space<hbm>>
      %dma_start3A_1310 = arith.constant 0 : i32
      %dma_start3A_1311 = tpu.memref_slice %arg5[%arg0, %add3A_1291, %dma_start3A_1310] : memref<2x10000x128xf32, #tpu.memory_space<hbm>> -> memref<1x25x128xf32, #tpu.memory_space<hbm>>
      %dma_start3A_1312 = tpu.memref_squeeze %dma_start3A_1311 : memref<1x25x128xf32, #tpu.memory_space<hbm>> -> memref<25x128xf32, #tpu.memory_space<hbm>>
      tpu.enqueue_dma source(%arg9 : memref<25x128xf32, #tpu.memory_space<vmem>>) target(%dma_start3A_1312 : memref<25x128xf32, #tpu.memory_space<hbm>>) target_semaphore(%run_scoped3A : memref<!tpu.dma_semaphore, #tpu.memory_space<semaphore_mem>>)
      %dma_wait3A = arith.constant 0 : i32
      %dma_wait3A_1313 = tpu.memref_slice %arg5[%arg0, %add3A_1291, %dma_wait3A] : memref<2x10000x128xf32, #tpu.memory_space<hbm>> -> memref<1x25x128xf32, #tpu.memory_space<hbm>>
      %dma_wait3A_1314 = tpu.memref_squeeze %dma_wait3A_1313 : memref<1x25x128xf32, #tpu.memory_space<hbm>> -> memref<25x128xf32, #tpu.memory_space<hbm>>
      %dma_wait3A_1315 = arith.constant 0 : i32
      %dma_wait3A_1316 = tpu.memref_slice %arg5[%arg0, %add3A_1291, %dma_wait3A_1315] : memref<2x10000x128xf32, #tpu.memory_space<hbm>> -> memref<1x25x128xf32, #tpu.memory_space<hbm>>
      %dma_wait3A_1317 = tpu.memref_squeeze %dma_wait3A_1316 : memref<1x25x128xf32, #tpu.memory_space<hbm>> -> memref<25x128xf32, #tpu.memory_space<hbm>>
      tpu.wait_dma2 semaphore(%run_scoped3A : memref<!tpu.dma_semaphore, #tpu.memory_space<semaphore_mem>>) src(%arg9 : memref<25x128xf32, #tpu.memory_space<vmem>>) dst(%dma_wait3A_1317 : memref<25x128xf32, #tpu.memory_space<hbm>>)
      tpu.yield
    }) : () -> ()
    %add3A_1292 = arith.constant 425 : i32
    %add3A_1293 = arith.addi %mul3A_1200, %add3A_1292 : i32
    "tpu.region"() ({
      %run_scoped3A = tpu.sem_alloc : memref<!tpu.dma_semaphore, #tpu.memory_space<semaphore_mem>>
      %dma_start3A = arith.constant 0 : i32
      %dma_start3A_1308 = tpu.memref_slice %arg10[%add3A_1293, %dma_start3A] : memref<10000x128xf32, #tpu.memory_space<vmem_shared>> -> memref<25x128xf32, #tpu.memory_space<vmem_shared>>
      %dma_start3A_1309 = arith.constant 0 : i32
      %dma_start3A_1310 = tpu.memref_slice %arg10[%add3A_1293, %dma_start3A_1309] : memref<10000x128xf32, #tpu.memory_space<vmem_shared>> -> memref<25x128xf32, #tpu.memory_space<vmem_shared>>
      tpu.enqueue_dma source(%dma_start3A_1310 : memref<25x128xf32, #tpu.memory_space<vmem_shared>>) target(%arg9 : memref<25x128xf32, #tpu.memory_space<vmem>>) target_semaphore(%run_scoped3A : memref<!tpu.dma_semaphore, #tpu.memory_space<semaphore_mem>>)
      %dma_wait3A = arith.constant 0 : i32
      %dma_wait3A_1311 = tpu.memref_slice %arg10[%add3A_1293, %dma_wait3A] : memref<10000x128xf32, #tpu.memory_space<vmem_shared>> -> memref<25x128xf32, #tpu.memory_space<vmem_shared>>
      %dma_wait3A_1312 = arith.constant 0 : i32
      %dma_wait3A_1313 = tpu.memref_slice %arg10[%add3A_1293, %dma_wait3A_1312] : memref<10000x128xf32, #tpu.memory_space<vmem_shared>> -> memref<25x128xf32, #tpu.memory_space<vmem_shared>>
      tpu.wait_dma2 semaphore(%run_scoped3A : memref<!tpu.dma_semaphore, #tpu.memory_space<semaphore_mem>>) src(%dma_wait3A_1313 : memref<25x128xf32, #tpu.memory_space<vmem_shared>>) dst(%arg9 : memref<25x128xf32, #tpu.memory_space<vmem>>)
      tpu.yield
    }) : () -> ()
    "tpu.region"() ({
      %run_scoped3A = tpu.sem_alloc : memref<!tpu.dma_semaphore, #tpu.memory_space<semaphore_mem>>
      %dma_start3A = arith.constant 0 : i32
      %dma_start3A_1308 = tpu.memref_slice %arg5[%arg0, %add3A_1293, %dma_start3A] : memref<2x10000x128xf32, #tpu.memory_space<hbm>> -> memref<1x25x128xf32, #tpu.memory_space<hbm>>
      %dma_start3A_1309 = tpu.memref_squeeze %dma_start3A_1308 : memref<1x25x128xf32, #tpu.memory_space<hbm>> -> memref<25x128xf32, #tpu.memory_space<hbm>>
      %dma_start3A_1310 = arith.constant 0 : i32
      %dma_start3A_1311 = tpu.memref_slice %arg5[%arg0, %add3A_1293, %dma_start3A_1310] : memref<2x10000x128xf32, #tpu.memory_space<hbm>> -> memref<1x25x128xf32, #tpu.memory_space<hbm>>
      %dma_start3A_1312 = tpu.memref_squeeze %dma_start3A_1311 : memref<1x25x128xf32, #tpu.memory_space<hbm>> -> memref<25x128xf32, #tpu.memory_space<hbm>>
      tpu.enqueue_dma source(%arg9 : memref<25x128xf32, #tpu.memory_space<vmem>>) target(%dma_start3A_1312 : memref<25x128xf32, #tpu.memory_space<hbm>>) target_semaphore(%run_scoped3A : memref<!tpu.dma_semaphore, #tpu.memory_space<semaphore_mem>>)
      %dma_wait3A = arith.constant 0 : i32
      %dma_wait3A_1313 = tpu.memref_slice %arg5[%arg0, %add3A_1293, %dma_wait3A] : memref<2x10000x128xf32, #tpu.memory_space<hbm>> -> memref<1x25x128xf32, #tpu.memory_space<hbm>>
      %dma_wait3A_1314 = tpu.memref_squeeze %dma_wait3A_1313 : memref<1x25x128xf32, #tpu.memory_space<hbm>> -> memref<25x128xf32, #tpu.memory_space<hbm>>
      %dma_wait3A_1315 = arith.constant 0 : i32
      %dma_wait3A_1316 = tpu.memref_slice %arg5[%arg0, %add3A_1293, %dma_wait3A_1315] : memref<2x10000x128xf32, #tpu.memory_space<hbm>> -> memref<1x25x128xf32, #tpu.memory_space<hbm>>
      %dma_wait3A_1317 = tpu.memref_squeeze %dma_wait3A_1316 : memref<1x25x128xf32, #tpu.memory_space<hbm>> -> memref<25x128xf32, #tpu.memory_space<hbm>>
      tpu.wait_dma2 semaphore(%run_scoped3A : memref<!tpu.dma_semaphore, #tpu.memory_space<semaphore_mem>>) src(%arg9 : memref<25x128xf32, #tpu.memory_space<vmem>>) dst(%dma_wait3A_1317 : memref<25x128xf32, #tpu.memory_space<hbm>>)
      tpu.yield
    }) : () -> ()
    %add3A_1294 = arith.constant 450 : i32
    %add3A_1295 = arith.addi %mul3A_1200, %add3A_1294 : i32
    "tpu.region"() ({
      %run_scoped3A = tpu.sem_alloc : memref<!tpu.dma_semaphore, #tpu.memory_space<semaphore_mem>>
      %dma_start3A = arith.constant 0 : i32
      %dma_start3A_1308 = tpu.memref_slice %arg10[%add3A_1295, %dma_start3A] : memref<10000x128xf32, #tpu.memory_space<vmem_shared>> -> memref<25x128xf32, #tpu.memory_space<vmem_shared>>
      %dma_start3A_1309 = arith.constant 0 : i32
      %dma_start3A_1310 = tpu.memref_slice %arg10[%add3A_1295, %dma_start3A_1309] : memref<10000x128xf32, #tpu.memory_space<vmem_shared>> -> memref<25x128xf32, #tpu.memory_space<vmem_shared>>
      tpu.enqueue_dma source(%dma_start3A_1310 : memref<25x128xf32, #tpu.memory_space<vmem_shared>>) target(%arg9 : memref<25x128xf32, #tpu.memory_space<vmem>>) target_semaphore(%run_scoped3A : memref<!tpu.dma_semaphore, #tpu.memory_space<semaphore_mem>>)
      %dma_wait3A = arith.constant 0 : i32
      %dma_wait3A_1311 = tpu.memref_slice %arg10[%add3A_1295, %dma_wait3A] : memref<10000x128xf32, #tpu.memory_space<vmem_shared>> -> memref<25x128xf32, #tpu.memory_space<vmem_shared>>
      %dma_wait3A_1312 = arith.constant 0 : i32
      %dma_wait3A_1313 = tpu.memref_slice %arg10[%add3A_1295, %dma_wait3A_1312] : memref<10000x128xf32, #tpu.memory_space<vmem_shared>> -> memref<25x128xf32, #tpu.memory_space<vmem_shared>>
      tpu.wait_dma2 semaphore(%run_scoped3A : memref<!tpu.dma_semaphore, #tpu.memory_space<semaphore_mem>>) src(%dma_wait3A_1313 : memref<25x128xf32, #tpu.memory_space<vmem_shared>>) dst(%arg9 : memref<25x128xf32, #tpu.memory_space<vmem>>)
      tpu.yield
    }) : () -> ()
    "tpu.region"() ({
      %run_scoped3A = tpu.sem_alloc : memref<!tpu.dma_semaphore, #tpu.memory_space<semaphore_mem>>
      %dma_start3A = arith.constant 0 : i32
      %dma_start3A_1308 = tpu.memref_slice %arg5[%arg0, %add3A_1295, %dma_start3A] : memref<2x10000x128xf32, #tpu.memory_space<hbm>> -> memref<1x25x128xf32, #tpu.memory_space<hbm>>
      %dma_start3A_1309 = tpu.memref_squeeze %dma_start3A_1308 : memref<1x25x128xf32, #tpu.memory_space<hbm>> -> memref<25x128xf32, #tpu.memory_space<hbm>>
      %dma_start3A_1310 = arith.constant 0 : i32
      %dma_start3A_1311 = tpu.memref_slice %arg5[%arg0, %add3A_1295, %dma_start3A_1310] : memref<2x10000x128xf32, #tpu.memory_space<hbm>> -> memref<1x25x128xf32, #tpu.memory_space<hbm>>
      %dma_start3A_1312 = tpu.memref_squeeze %dma_start3A_1311 : memref<1x25x128xf32, #tpu.memory_space<hbm>> -> memref<25x128xf32, #tpu.memory_space<hbm>>
      tpu.enqueue_dma source(%arg9 : memref<25x128xf32, #tpu.memory_space<vmem>>) target(%dma_start3A_1312 : memref<25x128xf32, #tpu.memory_space<hbm>>) target_semaphore(%run_scoped3A : memref<!tpu.dma_semaphore, #tpu.memory_space<semaphore_mem>>)
      %dma_wait3A = arith.constant 0 : i32
      %dma_wait3A_1313 = tpu.memref_slice %arg5[%arg0, %add3A_1295, %dma_wait3A] : memref<2x10000x128xf32, #tpu.memory_space<hbm>> -> memref<1x25x128xf32, #tpu.memory_space<hbm>>
      %dma_wait3A_1314 = tpu.memref_squeeze %dma_wait3A_1313 : memref<1x25x128xf32, #tpu.memory_space<hbm>> -> memref<25x128xf32, #tpu.memory_space<hbm>>
      %dma_wait3A_1315 = arith.constant 0 : i32
      %dma_wait3A_1316 = tpu.memref_slice %arg5[%arg0, %add3A_1295, %dma_wait3A_1315] : memref<2x10000x128xf32, #tpu.memory_space<hbm>> -> memref<1x25x128xf32, #tpu.memory_space<hbm>>
      %dma_wait3A_1317 = tpu.memref_squeeze %dma_wait3A_1316 : memref<1x25x128xf32, #tpu.memory_space<hbm>> -> memref<25x128xf32, #tpu.memory_space<hbm>>
      tpu.wait_dma2 semaphore(%run_scoped3A : memref<!tpu.dma_semaphore, #tpu.memory_space<semaphore_mem>>) src(%arg9 : memref<25x128xf32, #tpu.memory_space<vmem>>) dst(%dma_wait3A_1317 : memref<25x128xf32, #tpu.memory_space<hbm>>)
      tpu.yield
    }) : () -> ()
    %add3A_1296 = arith.constant 475 : i32
    %add3A_1297 = arith.addi %mul3A_1200, %add3A_1296 : i32
    "tpu.region"() ({
      %run_scoped3A = tpu.sem_alloc : memref<!tpu.dma_semaphore, #tpu.memory_space<semaphore_mem>>
      %dma_start3A = arith.constant 0 : i32
      %dma_start3A_1308 = tpu.memref_slice %arg10[%add3A_1297, %dma_start3A] : memref<10000x128xf32, #tpu.memory_space<vmem_shared>> -> memref<25x128xf32, #tpu.memory_space<vmem_shared>>
      %dma_start3A_1309 = arith.constant 0 : i32
      %dma_start3A_1310 = tpu.memref_slice %arg10[%add3A_1297, %dma_start3A_1309] : memref<10000x128xf32, #tpu.memory_space<vmem_shared>> -> memref<25x128xf32, #tpu.memory_space<vmem_shared>>
      tpu.enqueue_dma source(%dma_start3A_1310 : memref<25x128xf32, #tpu.memory_space<vmem_shared>>) target(%arg9 : memref<25x128xf32, #tpu.memory_space<vmem>>) target_semaphore(%run_scoped3A : memref<!tpu.dma_semaphore, #tpu.memory_space<semaphore_mem>>)
      %dma_wait3A = arith.constant 0 : i32
      %dma_wait3A_1311 = tpu.memref_slice %arg10[%add3A_1297, %dma_wait3A] : memref<10000x128xf32, #tpu.memory_space<vmem_shared>> -> memref<25x128xf32, #tpu.memory_space<vmem_shared>>
      %dma_wait3A_1312 = arith.constant 0 : i32
      %dma_wait3A_1313 = tpu.memref_slice %arg10[%add3A_1297, %dma_wait3A_1312] : memref<10000x128xf32, #tpu.memory_space<vmem_shared>> -> memref<25x128xf32, #tpu.memory_space<vmem_shared>>
      tpu.wait_dma2 semaphore(%run_scoped3A : memref<!tpu.dma_semaphore, #tpu.memory_space<semaphore_mem>>) src(%dma_wait3A_1313 : memref<25x128xf32, #tpu.memory_space<vmem_shared>>) dst(%arg9 : memref<25x128xf32, #tpu.memory_space<vmem>>)
      tpu.yield
    }) : () -> ()
    "tpu.region"() ({
      %run_scoped3A = tpu.sem_alloc : memref<!tpu.dma_semaphore, #tpu.memory_space<semaphore_mem>>
      %dma_start3A = arith.constant 0 : i32
      %dma_start3A_1308 = tpu.memref_slice %arg5[%arg0, %add3A_1297, %dma_start3A] : memref<2x10000x128xf32, #tpu.memory_space<hbm>> -> memref<1x25x128xf32, #tpu.memory_space<hbm>>
      %dma_start3A_1309 = tpu.memref_squeeze %dma_start3A_1308 : memref<1x25x128xf32, #tpu.memory_space<hbm>> -> memref<25x128xf32, #tpu.memory_space<hbm>>
      %dma_start3A_1310 = arith.constant 0 : i32
      %dma_start3A_1311 = tpu.memref_slice %arg5[%arg0, %add3A_1297, %dma_start3A_1310] : memref<2x10000x128xf32, #tpu.memory_space<hbm>> -> memref<1x25x128xf32, #tpu.memory_space<hbm>>
      %dma_start3A_1312 = tpu.memref_squeeze %dma_start3A_1311 : memref<1x25x128xf32, #tpu.memory_space<hbm>> -> memref<25x128xf32, #tpu.memory_space<hbm>>
      tpu.enqueue_dma source(%arg9 : memref<25x128xf32, #tpu.memory_space<vmem>>) target(%dma_start3A_1312 : memref<25x128xf32, #tpu.memory_space<hbm>>) target_semaphore(%run_scoped3A : memref<!tpu.dma_semaphore, #tpu.memory_space<semaphore_mem>>)
      %dma_wait3A = arith.constant 0 : i32
      %dma_wait3A_1313 = tpu.memref_slice %arg5[%arg0, %add3A_1297, %dma_wait3A] : memref<2x10000x128xf32, #tpu.memory_space<hbm>> -> memref<1x25x128xf32, #tpu.memory_space<hbm>>
      %dma_wait3A_1314 = tpu.memref_squeeze %dma_wait3A_1313 : memref<1x25x128xf32, #tpu.memory_space<hbm>> -> memref<25x128xf32, #tpu.memory_space<hbm>>
      %dma_wait3A_1315 = arith.constant 0 : i32
      %dma_wait3A_1316 = tpu.memref_slice %arg5[%arg0, %add3A_1297, %dma_wait3A_1315] : memref<2x10000x128xf32, #tpu.memory_space<hbm>> -> memref<1x25x128xf32, #tpu.memory_space<hbm>>
      %dma_wait3A_1317 = tpu.memref_squeeze %dma_wait3A_1316 : memref<1x25x128xf32, #tpu.memory_space<hbm>> -> memref<25x128xf32, #tpu.memory_space<hbm>>
      tpu.wait_dma2 semaphore(%run_scoped3A : memref<!tpu.dma_semaphore, #tpu.memory_space<semaphore_mem>>) src(%arg9 : memref<25x128xf32, #tpu.memory_space<vmem>>) dst(%dma_wait3A_1317 : memref<25x128xf32, #tpu.memory_space<hbm>>)
      tpu.yield
    }) : () -> ()
    %add3A_1298 = arith.constant 500 : i32
    %add3A_1299 = arith.addi %mul3A_1200, %add3A_1298 : i32
    "tpu.region"() ({
      %run_scoped3A = tpu.sem_alloc : memref<!tpu.dma_semaphore, #tpu.memory_space<semaphore_mem>>
      %dma_start3A = arith.constant 0 : i32
      %dma_start3A_1308 = tpu.memref_slice %arg10[%add3A_1299, %dma_start3A] : memref<10000x128xf32, #tpu.memory_space<vmem_shared>> -> memref<25x128xf32, #tpu.memory_space<vmem_shared>>
      %dma_start3A_1309 = arith.constant 0 : i32
      %dma_start3A_1310 = tpu.memref_slice %arg10[%add3A_1299, %dma_start3A_1309] : memref<10000x128xf32, #tpu.memory_space<vmem_shared>> -> memref<25x128xf32, #tpu.memory_space<vmem_shared>>
      tpu.enqueue_dma source(%dma_start3A_1310 : memref<25x128xf32, #tpu.memory_space<vmem_shared>>) target(%arg9 : memref<25x128xf32, #tpu.memory_space<vmem>>) target_semaphore(%run_scoped3A : memref<!tpu.dma_semaphore, #tpu.memory_space<semaphore_mem>>)
      %dma_wait3A = arith.constant 0 : i32
      %dma_wait3A_1311 = tpu.memref_slice %arg10[%add3A_1299, %dma_wait3A] : memref<10000x128xf32, #tpu.memory_space<vmem_shared>> -> memref<25x128xf32, #tpu.memory_space<vmem_shared>>
      %dma_wait3A_1312 = arith.constant 0 : i32
      %dma_wait3A_1313 = tpu.memref_slice %arg10[%add3A_1299, %dma_wait3A_1312] : memref<10000x128xf32, #tpu.memory_space<vmem_shared>> -> memref<25x128xf32, #tpu.memory_space<vmem_shared>>
      tpu.wait_dma2 semaphore(%run_scoped3A : memref<!tpu.dma_semaphore, #tpu.memory_space<semaphore_mem>>) src(%dma_wait3A_1313 : memref<25x128xf32, #tpu.memory_space<vmem_shared>>) dst(%arg9 : memref<25x128xf32, #tpu.memory_space<vmem>>)
      tpu.yield
    }) : () -> ()
    "tpu.region"() ({
      %run_scoped3A = tpu.sem_alloc : memref<!tpu.dma_semaphore, #tpu.memory_space<semaphore_mem>>
      %dma_start3A = arith.constant 0 : i32
      %dma_start3A_1308 = tpu.memref_slice %arg5[%arg0, %add3A_1299, %dma_start3A] : memref<2x10000x128xf32, #tpu.memory_space<hbm>> -> memref<1x25x128xf32, #tpu.memory_space<hbm>>
      %dma_start3A_1309 = tpu.memref_squeeze %dma_start3A_1308 : memref<1x25x128xf32, #tpu.memory_space<hbm>> -> memref<25x128xf32, #tpu.memory_space<hbm>>
      %dma_start3A_1310 = arith.constant 0 : i32
      %dma_start3A_1311 = tpu.memref_slice %arg5[%arg0, %add3A_1299, %dma_start3A_1310] : memref<2x10000x128xf32, #tpu.memory_space<hbm>> -> memref<1x25x128xf32, #tpu.memory_space<hbm>>
      %dma_start3A_1312 = tpu.memref_squeeze %dma_start3A_1311 : memref<1x25x128xf32, #tpu.memory_space<hbm>> -> memref<25x128xf32, #tpu.memory_space<hbm>>
      tpu.enqueue_dma source(%arg9 : memref<25x128xf32, #tpu.memory_space<vmem>>) target(%dma_start3A_1312 : memref<25x128xf32, #tpu.memory_space<hbm>>) target_semaphore(%run_scoped3A : memref<!tpu.dma_semaphore, #tpu.memory_space<semaphore_mem>>)
      %dma_wait3A = arith.constant 0 : i32
      %dma_wait3A_1313 = tpu.memref_slice %arg5[%arg0, %add3A_1299, %dma_wait3A] : memref<2x10000x128xf32, #tpu.memory_space<hbm>> -> memref<1x25x128xf32, #tpu.memory_space<hbm>>
      %dma_wait3A_1314 = tpu.memref_squeeze %dma_wait3A_1313 : memref<1x25x128xf32, #tpu.memory_space<hbm>> -> memref<25x128xf32, #tpu.memory_space<hbm>>
      %dma_wait3A_1315 = arith.constant 0 : i32
      %dma_wait3A_1316 = tpu.memref_slice %arg5[%arg0, %add3A_1299, %dma_wait3A_1315] : memref<2x10000x128xf32, #tpu.memory_space<hbm>> -> memref<1x25x128xf32, #tpu.memory_space<hbm>>
      %dma_wait3A_1317 = tpu.memref_squeeze %dma_wait3A_1316 : memref<1x25x128xf32, #tpu.memory_space<hbm>> -> memref<25x128xf32, #tpu.memory_space<hbm>>
      tpu.wait_dma2 semaphore(%run_scoped3A : memref<!tpu.dma_semaphore, #tpu.memory_space<semaphore_mem>>) src(%arg9 : memref<25x128xf32, #tpu.memory_space<vmem>>) dst(%dma_wait3A_1317 : memref<25x128xf32, #tpu.memory_space<hbm>>)
      tpu.yield
    }) : () -> ()
    %add3A_1300 = arith.constant 525 : i32
    %add3A_1301 = arith.addi %mul3A_1200, %add3A_1300 : i32
    "tpu.region"() ({
      %run_scoped3A = tpu.sem_alloc : memref<!tpu.dma_semaphore, #tpu.memory_space<semaphore_mem>>
      %dma_start3A = arith.constant 0 : i32
      %dma_start3A_1308 = tpu.memref_slice %arg10[%add3A_1301, %dma_start3A] : memref<10000x128xf32, #tpu.memory_space<vmem_shared>> -> memref<25x128xf32, #tpu.memory_space<vmem_shared>>
      %dma_start3A_1309 = arith.constant 0 : i32
      %dma_start3A_1310 = tpu.memref_slice %arg10[%add3A_1301, %dma_start3A_1309] : memref<10000x128xf32, #tpu.memory_space<vmem_shared>> -> memref<25x128xf32, #tpu.memory_space<vmem_shared>>
      tpu.enqueue_dma source(%dma_start3A_1310 : memref<25x128xf32, #tpu.memory_space<vmem_shared>>) target(%arg9 : memref<25x128xf32, #tpu.memory_space<vmem>>) target_semaphore(%run_scoped3A : memref<!tpu.dma_semaphore, #tpu.memory_space<semaphore_mem>>)
      %dma_wait3A = arith.constant 0 : i32
      %dma_wait3A_1311 = tpu.memref_slice %arg10[%add3A_1301, %dma_wait3A] : memref<10000x128xf32, #tpu.memory_space<vmem_shared>> -> memref<25x128xf32, #tpu.memory_space<vmem_shared>>
      %dma_wait3A_1312 = arith.constant 0 : i32
      %dma_wait3A_1313 = tpu.memref_slice %arg10[%add3A_1301, %dma_wait3A_1312] : memref<10000x128xf32, #tpu.memory_space<vmem_shared>> -> memref<25x128xf32, #tpu.memory_space<vmem_shared>>
      tpu.wait_dma2 semaphore(%run_scoped3A : memref<!tpu.dma_semaphore, #tpu.memory_space<semaphore_mem>>) src(%dma_wait3A_1313 : memref<25x128xf32, #tpu.memory_space<vmem_shared>>) dst(%arg9 : memref<25x128xf32, #tpu.memory_space<vmem>>)
      tpu.yield
    }) : () -> ()
    "tpu.region"() ({
      %run_scoped3A = tpu.sem_alloc : memref<!tpu.dma_semaphore, #tpu.memory_space<semaphore_mem>>
      %dma_start3A = arith.constant 0 : i32
      %dma_start3A_1308 = tpu.memref_slice %arg5[%arg0, %add3A_1301, %dma_start3A] : memref<2x10000x128xf32, #tpu.memory_space<hbm>> -> memref<1x25x128xf32, #tpu.memory_space<hbm>>
      %dma_start3A_1309 = tpu.memref_squeeze %dma_start3A_1308 : memref<1x25x128xf32, #tpu.memory_space<hbm>> -> memref<25x128xf32, #tpu.memory_space<hbm>>
      %dma_start3A_1310 = arith.constant 0 : i32
      %dma_start3A_1311 = tpu.memref_slice %arg5[%arg0, %add3A_1301, %dma_start3A_1310] : memref<2x10000x128xf32, #tpu.memory_space<hbm>> -> memref<1x25x128xf32, #tpu.memory_space<hbm>>
      %dma_start3A_1312 = tpu.memref_squeeze %dma_start3A_1311 : memref<1x25x128xf32, #tpu.memory_space<hbm>> -> memref<25x128xf32, #tpu.memory_space<hbm>>
      tpu.enqueue_dma source(%arg9 : memref<25x128xf32, #tpu.memory_space<vmem>>) target(%dma_start3A_1312 : memref<25x128xf32, #tpu.memory_space<hbm>>) target_semaphore(%run_scoped3A : memref<!tpu.dma_semaphore, #tpu.memory_space<semaphore_mem>>)
      %dma_wait3A = arith.constant 0 : i32
      %dma_wait3A_1313 = tpu.memref_slice %arg5[%arg0, %add3A_1301, %dma_wait3A] : memref<2x10000x128xf32, #tpu.memory_space<hbm>> -> memref<1x25x128xf32, #tpu.memory_space<hbm>>
      %dma_wait3A_1314 = tpu.memref_squeeze %dma_wait3A_1313 : memref<1x25x128xf32, #tpu.memory_space<hbm>> -> memref<25x128xf32, #tpu.memory_space<hbm>>
      %dma_wait3A_1315 = arith.constant 0 : i32
      %dma_wait3A_1316 = tpu.memref_slice %arg5[%arg0, %add3A_1301, %dma_wait3A_1315] : memref<2x10000x128xf32, #tpu.memory_space<hbm>> -> memref<1x25x128xf32, #tpu.memory_space<hbm>>
      %dma_wait3A_1317 = tpu.memref_squeeze %dma_wait3A_1316 : memref<1x25x128xf32, #tpu.memory_space<hbm>> -> memref<25x128xf32, #tpu.memory_space<hbm>>
      tpu.wait_dma2 semaphore(%run_scoped3A : memref<!tpu.dma_semaphore, #tpu.memory_space<semaphore_mem>>) src(%arg9 : memref<25x128xf32, #tpu.memory_space<vmem>>) dst(%dma_wait3A_1317 : memref<25x128xf32, #tpu.memory_space<hbm>>)
      tpu.yield
    }) : () -> ()
    %add3A_1302 = arith.constant 550 : i32
    %add3A_1303 = arith.addi %mul3A_1200, %add3A_1302 : i32
    "tpu.region"() ({
      %run_scoped3A = tpu.sem_alloc : memref<!tpu.dma_semaphore, #tpu.memory_space<semaphore_mem>>
      %dma_start3A = arith.constant 0 : i32
      %dma_start3A_1308 = tpu.memref_slice %arg10[%add3A_1303, %dma_start3A] : memref<10000x128xf32, #tpu.memory_space<vmem_shared>> -> memref<25x128xf32, #tpu.memory_space<vmem_shared>>
      %dma_start3A_1309 = arith.constant 0 : i32
      %dma_start3A_1310 = tpu.memref_slice %arg10[%add3A_1303, %dma_start3A_1309] : memref<10000x128xf32, #tpu.memory_space<vmem_shared>> -> memref<25x128xf32, #tpu.memory_space<vmem_shared>>
      tpu.enqueue_dma source(%dma_start3A_1310 : memref<25x128xf32, #tpu.memory_space<vmem_shared>>) target(%arg9 : memref<25x128xf32, #tpu.memory_space<vmem>>) target_semaphore(%run_scoped3A : memref<!tpu.dma_semaphore, #tpu.memory_space<semaphore_mem>>)
      %dma_wait3A = arith.constant 0 : i32
      %dma_wait3A_1311 = tpu.memref_slice %arg10[%add3A_1303, %dma_wait3A] : memref<10000x128xf32, #tpu.memory_space<vmem_shared>> -> memref<25x128xf32, #tpu.memory_space<vmem_shared>>
      %dma_wait3A_1312 = arith.constant 0 : i32
      %dma_wait3A_1313 = tpu.memref_slice %arg10[%add3A_1303, %dma_wait3A_1312] : memref<10000x128xf32, #tpu.memory_space<vmem_shared>> -> memref<25x128xf32, #tpu.memory_space<vmem_shared>>
      tpu.wait_dma2 semaphore(%run_scoped3A : memref<!tpu.dma_semaphore, #tpu.memory_space<semaphore_mem>>) src(%dma_wait3A_1313 : memref<25x128xf32, #tpu.memory_space<vmem_shared>>) dst(%arg9 : memref<25x128xf32, #tpu.memory_space<vmem>>)
      tpu.yield
    }) : () -> ()
    "tpu.region"() ({
      %run_scoped3A = tpu.sem_alloc : memref<!tpu.dma_semaphore, #tpu.memory_space<semaphore_mem>>
      %dma_start3A = arith.constant 0 : i32
      %dma_start3A_1308 = tpu.memref_slice %arg5[%arg0, %add3A_1303, %dma_start3A] : memref<2x10000x128xf32, #tpu.memory_space<hbm>> -> memref<1x25x128xf32, #tpu.memory_space<hbm>>
      %dma_start3A_1309 = tpu.memref_squeeze %dma_start3A_1308 : memref<1x25x128xf32, #tpu.memory_space<hbm>> -> memref<25x128xf32, #tpu.memory_space<hbm>>
      %dma_start3A_1310 = arith.constant 0 : i32
      %dma_start3A_1311 = tpu.memref_slice %arg5[%arg0, %add3A_1303, %dma_start3A_1310] : memref<2x10000x128xf32, #tpu.memory_space<hbm>> -> memref<1x25x128xf32, #tpu.memory_space<hbm>>
      %dma_start3A_1312 = tpu.memref_squeeze %dma_start3A_1311 : memref<1x25x128xf32, #tpu.memory_space<hbm>> -> memref<25x128xf32, #tpu.memory_space<hbm>>
      tpu.enqueue_dma source(%arg9 : memref<25x128xf32, #tpu.memory_space<vmem>>) target(%dma_start3A_1312 : memref<25x128xf32, #tpu.memory_space<hbm>>) target_semaphore(%run_scoped3A : memref<!tpu.dma_semaphore, #tpu.memory_space<semaphore_mem>>)
      %dma_wait3A = arith.constant 0 : i32
      %dma_wait3A_1313 = tpu.memref_slice %arg5[%arg0, %add3A_1303, %dma_wait3A] : memref<2x10000x128xf32, #tpu.memory_space<hbm>> -> memref<1x25x128xf32, #tpu.memory_space<hbm>>
      %dma_wait3A_1314 = tpu.memref_squeeze %dma_wait3A_1313 : memref<1x25x128xf32, #tpu.memory_space<hbm>> -> memref<25x128xf32, #tpu.memory_space<hbm>>
      %dma_wait3A_1315 = arith.constant 0 : i32
      %dma_wait3A_1316 = tpu.memref_slice %arg5[%arg0, %add3A_1303, %dma_wait3A_1315] : memref<2x10000x128xf32, #tpu.memory_space<hbm>> -> memref<1x25x128xf32, #tpu.memory_space<hbm>>
      %dma_wait3A_1317 = tpu.memref_squeeze %dma_wait3A_1316 : memref<1x25x128xf32, #tpu.memory_space<hbm>> -> memref<25x128xf32, #tpu.memory_space<hbm>>
      tpu.wait_dma2 semaphore(%run_scoped3A : memref<!tpu.dma_semaphore, #tpu.memory_space<semaphore_mem>>) src(%arg9 : memref<25x128xf32, #tpu.memory_space<vmem>>) dst(%dma_wait3A_1317 : memref<25x128xf32, #tpu.memory_space<hbm>>)
      tpu.yield
    }) : () -> ()
    %add3A_1304 = arith.constant 575 : i32
    %add3A_1305 = arith.addi %mul3A_1200, %add3A_1304 : i32
    "tpu.region"() ({
      %run_scoped3A = tpu.sem_alloc : memref<!tpu.dma_semaphore, #tpu.memory_space<semaphore_mem>>
      %dma_start3A = arith.constant 0 : i32
      %dma_start3A_1308 = tpu.memref_slice %arg10[%add3A_1305, %dma_start3A] : memref<10000x128xf32, #tpu.memory_space<vmem_shared>> -> memref<25x128xf32, #tpu.memory_space<vmem_shared>>
      %dma_start3A_1309 = arith.constant 0 : i32
      %dma_start3A_1310 = tpu.memref_slice %arg10[%add3A_1305, %dma_start3A_1309] : memref<10000x128xf32, #tpu.memory_space<vmem_shared>> -> memref<25x128xf32, #tpu.memory_space<vmem_shared>>
      tpu.enqueue_dma source(%dma_start3A_1310 : memref<25x128xf32, #tpu.memory_space<vmem_shared>>) target(%arg9 : memref<25x128xf32, #tpu.memory_space<vmem>>) target_semaphore(%run_scoped3A : memref<!tpu.dma_semaphore, #tpu.memory_space<semaphore_mem>>)
      %dma_wait3A = arith.constant 0 : i32
      %dma_wait3A_1311 = tpu.memref_slice %arg10[%add3A_1305, %dma_wait3A] : memref<10000x128xf32, #tpu.memory_space<vmem_shared>> -> memref<25x128xf32, #tpu.memory_space<vmem_shared>>
      %dma_wait3A_1312 = arith.constant 0 : i32
      %dma_wait3A_1313 = tpu.memref_slice %arg10[%add3A_1305, %dma_wait3A_1312] : memref<10000x128xf32, #tpu.memory_space<vmem_shared>> -> memref<25x128xf32, #tpu.memory_space<vmem_shared>>
      tpu.wait_dma2 semaphore(%run_scoped3A : memref<!tpu.dma_semaphore, #tpu.memory_space<semaphore_mem>>) src(%dma_wait3A_1313 : memref<25x128xf32, #tpu.memory_space<vmem_shared>>) dst(%arg9 : memref<25x128xf32, #tpu.memory_space<vmem>>)
      tpu.yield
    }) : () -> ()
    "tpu.region"() ({
      %run_scoped3A = tpu.sem_alloc : memref<!tpu.dma_semaphore, #tpu.memory_space<semaphore_mem>>
      %dma_start3A = arith.constant 0 : i32
      %dma_start3A_1308 = tpu.memref_slice %arg5[%arg0, %add3A_1305, %dma_start3A] : memref<2x10000x128xf32, #tpu.memory_space<hbm>> -> memref<1x25x128xf32, #tpu.memory_space<hbm>>
      %dma_start3A_1309 = tpu.memref_squeeze %dma_start3A_1308 : memref<1x25x128xf32, #tpu.memory_space<hbm>> -> memref<25x128xf32, #tpu.memory_space<hbm>>
      %dma_start3A_1310 = arith.constant 0 : i32
      %dma_start3A_1311 = tpu.memref_slice %arg5[%arg0, %add3A_1305, %dma_start3A_1310] : memref<2x10000x128xf32, #tpu.memory_space<hbm>> -> memref<1x25x128xf32, #tpu.memory_space<hbm>>
      %dma_start3A_1312 = tpu.memref_squeeze %dma_start3A_1311 : memref<1x25x128xf32, #tpu.memory_space<hbm>> -> memref<25x128xf32, #tpu.memory_space<hbm>>
      tpu.enqueue_dma source(%arg9 : memref<25x128xf32, #tpu.memory_space<vmem>>) target(%dma_start3A_1312 : memref<25x128xf32, #tpu.memory_space<hbm>>) target_semaphore(%run_scoped3A : memref<!tpu.dma_semaphore, #tpu.memory_space<semaphore_mem>>)
      %dma_wait3A = arith.constant 0 : i32
      %dma_wait3A_1313 = tpu.memref_slice %arg5[%arg0, %add3A_1305, %dma_wait3A] : memref<2x10000x128xf32, #tpu.memory_space<hbm>> -> memref<1x25x128xf32, #tpu.memory_space<hbm>>
      %dma_wait3A_1314 = tpu.memref_squeeze %dma_wait3A_1313 : memref<1x25x128xf32, #tpu.memory_space<hbm>> -> memref<25x128xf32, #tpu.memory_space<hbm>>
      %dma_wait3A_1315 = arith.constant 0 : i32
      %dma_wait3A_1316 = tpu.memref_slice %arg5[%arg0, %add3A_1305, %dma_wait3A_1315] : memref<2x10000x128xf32, #tpu.memory_space<hbm>> -> memref<1x25x128xf32, #tpu.memory_space<hbm>>
      %dma_wait3A_1317 = tpu.memref_squeeze %dma_wait3A_1316 : memref<1x25x128xf32, #tpu.memory_space<hbm>> -> memref<25x128xf32, #tpu.memory_space<hbm>>
      tpu.wait_dma2 semaphore(%run_scoped3A : memref<!tpu.dma_semaphore, #tpu.memory_space<semaphore_mem>>) src(%arg9 : memref<25x128xf32, #tpu.memory_space<vmem>>) dst(%dma_wait3A_1317 : memref<25x128xf32, #tpu.memory_space<hbm>>)
      tpu.yield
    }) : () -> ()
    %add3A_1306 = arith.constant 600 : i32
    %add3A_1307 = arith.addi %mul3A_1200, %add3A_1306 : i32
    "tpu.region"() ({
      %run_scoped3A = tpu.sem_alloc : memref<!tpu.dma_semaphore, #tpu.memory_space<semaphore_mem>>
      %dma_start3A = arith.constant 0 : i32
      %dma_start3A_1308 = tpu.memref_slice %arg10[%add3A_1307, %dma_start3A] : memref<10000x128xf32, #tpu.memory_space<vmem_shared>> -> memref<25x128xf32, #tpu.memory_space<vmem_shared>>
      %dma_start3A_1309 = arith.constant 0 : i32
      %dma_start3A_1310 = tpu.memref_slice %arg10[%add3A_1307, %dma_start3A_1309] : memref<10000x128xf32, #tpu.memory_space<vmem_shared>> -> memref<25x128xf32, #tpu.memory_space<vmem_shared>>
      tpu.enqueue_dma source(%dma_start3A_1310 : memref<25x128xf32, #tpu.memory_space<vmem_shared>>) target(%arg9 : memref<25x128xf32, #tpu.memory_space<vmem>>) target_semaphore(%run_scoped3A : memref<!tpu.dma_semaphore, #tpu.memory_space<semaphore_mem>>)
      %dma_wait3A = arith.constant 0 : i32
      %dma_wait3A_1311 = tpu.memref_slice %arg10[%add3A_1307, %dma_wait3A] : memref<10000x128xf32, #tpu.memory_space<vmem_shared>> -> memref<25x128xf32, #tpu.memory_space<vmem_shared>>
      %dma_wait3A_1312 = arith.constant 0 : i32
      %dma_wait3A_1313 = tpu.memref_slice %arg10[%add3A_1307, %dma_wait3A_1312] : memref<10000x128xf32, #tpu.memory_space<vmem_shared>> -> memref<25x128xf32, #tpu.memory_space<vmem_shared>>
      tpu.wait_dma2 semaphore(%run_scoped3A : memref<!tpu.dma_semaphore, #tpu.memory_space<semaphore_mem>>) src(%dma_wait3A_1313 : memref<25x128xf32, #tpu.memory_space<vmem_shared>>) dst(%arg9 : memref<25x128xf32, #tpu.memory_space<vmem>>)
      tpu.yield
    }) : () -> ()
    "tpu.region"() ({
      %run_scoped3A = tpu.sem_alloc : memref<!tpu.dma_semaphore, #tpu.memory_space<semaphore_mem>>
      %dma_start3A = arith.constant 0 : i32
      %dma_start3A_1308 = tpu.memref_slice %arg5[%arg0, %add3A_1307, %dma_start3A] : memref<2x10000x128xf32, #tpu.memory_space<hbm>> -> memref<1x25x128xf32, #tpu.memory_space<hbm>>
      %dma_start3A_1309 = tpu.memref_squeeze %dma_start3A_1308 : memref<1x25x128xf32, #tpu.memory_space<hbm>> -> memref<25x128xf32, #tpu.memory_space<hbm>>
      %dma_start3A_1310 = arith.constant 0 : i32
      %dma_start3A_1311 = tpu.memref_slice %arg5[%arg0, %add3A_1307, %dma_start3A_1310] : memref<2x10000x128xf32, #tpu.memory_space<hbm>> -> memref<1x25x128xf32, #tpu.memory_space<hbm>>
      %dma_start3A_1312 = tpu.memref_squeeze %dma_start3A_1311 : memref<1x25x128xf32, #tpu.memory_space<hbm>> -> memref<25x128xf32, #tpu.memory_space<hbm>>
      tpu.enqueue_dma source(%arg9 : memref<25x128xf32, #tpu.memory_space<vmem>>) target(%dma_start3A_1312 : memref<25x128xf32, #tpu.memory_space<hbm>>) target_semaphore(%run_scoped3A : memref<!tpu.dma_semaphore, #tpu.memory_space<semaphore_mem>>)
      %dma_wait3A = arith.constant 0 : i32
      %dma_wait3A_1313 = tpu.memref_slice %arg5[%arg0, %add3A_1307, %dma_wait3A] : memref<2x10000x128xf32, #tpu.memory_space<hbm>> -> memref<1x25x128xf32, #tpu.memory_space<hbm>>
      %dma_wait3A_1314 = tpu.memref_squeeze %dma_wait3A_1313 : memref<1x25x128xf32, #tpu.memory_space<hbm>> -> memref<25x128xf32, #tpu.memory_space<hbm>>
      %dma_wait3A_1315 = arith.constant 0 : i32
      %dma_wait3A_1316 = tpu.memref_slice %arg5[%arg0, %add3A_1307, %dma_wait3A_1315] : memref<2x10000x128xf32, #tpu.memory_space<hbm>> -> memref<1x25x128xf32, #tpu.memory_space<hbm>>
      %dma_wait3A_1317 = tpu.memref_squeeze %dma_wait3A_1316 : memref<1x25x128xf32, #tpu.memory_space<hbm>> -> memref<25x128xf32, #tpu.memory_space<hbm>>
      tpu.wait_dma2 semaphore(%run_scoped3A : memref<!tpu.dma_semaphore, #tpu.memory_space<semaphore_mem>>) src(%arg9 : memref<25x128xf32, #tpu.memory_space<vmem>>) dst(%dma_wait3A_1317 : memref<25x128xf32, #tpu.memory_space<hbm>>)
      tpu.yield
    }) : () -> ()
    return
  }
}

module attributes {stable_mosaic.version = 14 : i64} {
  func.func @_proj_body(%arg0: i32, %arg1: memref<1000x512xf32, #tpu.memory_space<vmem>>, %arg2: memref<128x512xf32, #tpu.memory_space<vmem>>, %arg3: memref<1x128xf32, #tpu.memory_space<vmem>>, %arg4: memref<128x128xf32, #tpu.memory_space<vmem>>, %arg5: memref<128x128xf32, #tpu.memory_space<vmem>>, %arg6: memref<2x1000x128xf32, #tpu.memory_space<vmem>>) attributes {dimension_semantics = [#tpu.dimension_semantics<arbitrary>], iteration_bounds = array<i64: 10>, scalar_prefetch = 0 : i64, scratch_operands = 0 : i64, tpu.core_type = #tpu.core_type<tc>, window_params = [{transform_indices = @transform_0, window_bounds = array<i64: 1000, 512>}, {pipeline_mode = #tpu.pipeline_mode<synchronous>, transform_indices = @transform_1, window_bounds = array<i64: 128, 512>}, {pipeline_mode = #tpu.pipeline_mode<synchronous>, transform_indices = @transform_2, window_bounds = array<i64: 1, 128>}, {pipeline_mode = #tpu.pipeline_mode<synchronous>, transform_indices = @transform_3, window_bounds = array<i64: 128, 128>}, {pipeline_mode = #tpu.pipeline_mode<synchronous>, transform_indices = @transform_4, window_bounds = array<i64: 128, 128>}, {transform_indices = @transform_5, window_bounds = array<i64: 2, 1000, 128>}]} {
    %get3A = arith.constant 0 : index
    %get3A_0 = arith.constant 0 : index
    %get3A_1 = vector.load %arg1[%get3A, %get3A_0] : memref<1000x512xf32, #tpu.memory_space<vmem>>, vector<1000x512xf32>
    %get3A_2 = arith.constant 0 : index
    %get3A_3 = arith.constant 0 : index
    %get3A_4 = vector.load %arg2[%get3A_2, %get3A_3] : memref<128x512xf32, #tpu.memory_space<vmem>>, vector<128x512xf32>
    %dot_general3A = arith.constant dense<0.000000e+00> : vector<1000x128xf32>
    %dot_general3A_5 = tpu.matmul %get3A_1, %get3A_4, %dot_general3A {dimension_numbers = #tpu.dot_dimension_numbers<[1], [1], [0], [0], [0, 0, 1, 0], [], []>, transpose_lhs_hint = false} : vector<1000x512xf32>, vector<128x512xf32>, vector<1000x128xf32> -> vector<1000x128xf32>
    %get3A_6 = arith.constant 0 : index
    %get3A_7 = arith.constant 0 : index
    %get3A_8 = vector.load %arg3[%get3A_6, %get3A_7] : memref<1x128xf32, #tpu.memory_space<vmem>>, vector<1x128xf32>
    %add3A = vector.broadcast %get3A_8 : vector<1x128xf32> to vector<1000x128xf32>
    %add3A_9 = arith.addf %dot_general3A_5, %add3A : vector<1000x128xf32>
    %gt3A = arith.constant 0.000000e+00 : f32
    %gt3A_10 = vector.broadcast %gt3A : f32 to vector<1000x128xf32>
    %gt3A_11 = arith.cmpf ogt, %add3A_9, %gt3A_10 : vector<1000x128xf32>
    %min3A = arith.constant 0.000000e+00 : f32
    %min3A_12 = vector.broadcast %min3A : f32 to vector<1000x128xf32>
    %min3A_13 = arith.minimumf %add3A_9, %min3A_12 : vector<1000x128xf32>
    %exp3A = math.exp %min3A_13 : vector<1000x128xf32>
    %sub3A = arith.constant 1.000000e+00 : f32
    %sub3A_14 = vector.broadcast %sub3A : f32 to vector<1000x128xf32>
    %sub3A_15 = arith.subf %exp3A, %sub3A_14 : vector<1000x128xf32>
    %select_n3A = arith.select %gt3A_11, %add3A_9, %sub3A_15 : vector<1000x128xi1>, vector<1000x128xf32>
    %get3A_16 = arith.constant 0 : index
    %get3A_17 = arith.constant 0 : index
    %get3A_18 = vector.load %arg4[%get3A_16, %get3A_17] : memref<128x128xf32, #tpu.memory_space<vmem>>, vector<128x128xf32>
    %dot_general3A_19 = arith.constant dense<0.000000e+00> : vector<1000x128xf32>
    %dot_general3A_20 = tpu.matmul %select_n3A, %get3A_18, %dot_general3A_19 {dimension_numbers = #tpu.dot_dimension_numbers<[1], [1], [0], [0], [0, 0, 1, 0], [], []>, transpose_lhs_hint = false} : vector<1000x128xf32>, vector<128x128xf32>, vector<1000x128xf32> -> vector<1000x128xf32>
    %swap3A = arith.constant 0 : index
    %swap3A_21 = arith.constant 0 : index
    %swap3A_22 = arith.constant 0 : index
    %swap3A_23 = vector.load %arg6[%swap3A, %swap3A_21, %swap3A_22] : memref<2x1000x128xf32, #tpu.memory_space<vmem>>, vector<1x1000x128xf32>
    %swap3A_24 = vector.shape_cast %swap3A_23 : vector<1x1000x128xf32> to vector<1000x128xf32>
    %swap3A_25 = vector.shape_cast %dot_general3A_20 : vector<1000x128xf32> to vector<1x1000x128xf32>
    tpu.vector_store %arg6[%swap3A, %swap3A_21, %swap3A_22], %swap3A_25 {strides = array<i32>} : memref<2x1000x128xf32, #tpu.memory_space<vmem>>, vector<1x1000x128xf32>,
    %get3A_26 = arith.constant 0 : index
    %get3A_27 = arith.constant 0 : index
    %get3A_28 = vector.load %arg5[%get3A_26, %get3A_27] : memref<128x128xf32, #tpu.memory_space<vmem>>, vector<128x128xf32>
    %dot_general3A_29 = arith.constant dense<0.000000e+00> : vector<1000x128xf32>
    %dot_general3A_30 = tpu.matmul %select_n3A, %get3A_28, %dot_general3A_29 {dimension_numbers = #tpu.dot_dimension_numbers<[1], [1], [0], [0], [0, 0, 1, 0], [], []>, transpose_lhs_hint = false} : vector<1000x128xf32>, vector<128x128xf32>, vector<1000x128xf32> -> vector<1000x128xf32>
    %swap3A_31 = arith.constant 1 : index
    %swap3A_32 = arith.constant 0 : index
    %swap3A_33 = arith.constant 0 : index
    %swap3A_34 = vector.load %arg6[%swap3A_31, %swap3A_32, %swap3A_33] : memref<2x1000x128xf32, #tpu.memory_space<vmem>>, vector<1x1000x128xf32>
    %swap3A_35 = vector.shape_cast %swap3A_34 : vector<1x1000x128xf32> to vector<1000x128xf32>
    %swap3A_36 = vector.shape_cast %dot_general3A_30 : vector<1000x128xf32> to vector<1x1000x128xf32>
    tpu.vector_store %arg6[%swap3A_31, %swap3A_32, %swap3A_33], %swap3A_36 {strides = array<i32>} : memref<2x1000x128xf32, #tpu.memory_space<vmem>>, vector<1x1000x128xf32>,
    return
  }
  func.func @transform_0(%arg0: i32) -> (i32, i32) {
    %c0_i32 = arith.constant 0 : i32
    %c0_i32_0 = arith.constant 0 : i32
    return %arg0, %c0_i32 : i32, i32
  }
  func.func @transform_1(%arg0: i32) -> (i32, i32) {
    %c0_i32 = arith.constant 0 : i32
    %c0_i32_0 = arith.constant 0 : i32
    %c0_i32_1 = arith.constant 0 : i32
    return %c0_i32, %c0_i32_0 : i32, i32
  }
  func.func @transform_2(%arg0: i32) -> (i32, i32) {
    %c0_i32 = arith.constant 0 : i32
    %c0_i32_0 = arith.constant 0 : i32
    %c0_i32_1 = arith.constant 0 : i32
    return %c0_i32, %c0_i32_0 : i32, i32
  }
  func.func @transform_3(%arg0: i32) -> (i32, i32) {
    %c0_i32 = arith.constant 0 : i32
    %c0_i32_0 = arith.constant 0 : i32
    %c0_i32_1 = arith.constant 0 : i32
    return %c0_i32, %c0_i32_0 : i32, i32
  }
  func.func @transform_4(%arg0: i32) -> (i32, i32) {
    %c0_i32 = arith.constant 0 : i32
    %c0_i32_0 = arith.constant 0 : i32
    %c0_i32_1 = arith.constant 0 : i32
    return %c0_i32, %c0_i32_0 : i32, i32
  }
  func.func @transform_5(%arg0: i32) -> (i32, i32, i32) {
    %c0_i32 = arith.constant 0 : i32
    %c0_i32_0 = arith.constant 0 : i32
    %c0_i32_1 = arith.constant 0 : i32
    return %c0_i32, %arg0, %c0_i32_0 : i32, i32, i32
  }
}

module attributes {stable_mosaic.version = 14 : i64} {
  func.func @_att_sums_body(%arg0: i32, %arg1: memref<2x1000x128xf32, #tpu.memory_space<vmem>>, %arg2: memref<1x128xf32, #tpu.memory_space<vmem>>, %arg3: memref<1x128xf32, #tpu.memory_space<vmem>>, %arg4: memref<1x1xf32, #tpu.memory_space<vmem>>, %arg5: memref<1x1xf32, #tpu.memory_space<vmem>>, %arg6: memref<128x128xf32, #tpu.memory_space<vmem>>, %arg7: memref<1x128xf32, #tpu.memory_space<vmem>>, %arg8: memref<8x128xf32, #tpu.memory_space<vmem>>, %arg9: memref<8x128xf32, #tpu.memory_space<vmem>>) attributes {dimension_semantics = [#tpu.dimension_semantics<arbitrary>], iteration_bounds = array<i64: 10>, scalar_prefetch = 0 : i64, scratch_operands = 0 : i64, tpu.core_type = #tpu.core_type<tc>, window_params = [{transform_indices = @transform_0, window_bounds = array<i64: 2, 1000, 128>}, {pipeline_mode = #tpu.pipeline_mode<synchronous>, transform_indices = @transform_1, window_bounds = array<i64: 1, 128>}, {pipeline_mode = #tpu.pipeline_mode<synchronous>, transform_indices = @transform_2, window_bounds = array<i64: 1, 128>}, {pipeline_mode = #tpu.pipeline_mode<synchronous>, transform_indices = @transform_3, window_bounds = array<i64: 1, 1>}, {pipeline_mode = #tpu.pipeline_mode<synchronous>, transform_indices = @transform_4, window_bounds = array<i64: 1, 1>}, {pipeline_mode = #tpu.pipeline_mode<synchronous>, transform_indices = @transform_5, window_bounds = array<i64: 128, 128>}, {pipeline_mode = #tpu.pipeline_mode<synchronous>, transform_indices = @transform_6, window_bounds = array<i64: 1, 128>}, {pipeline_mode = #tpu.pipeline_mode<synchronous>, transform_indices = @transform_7, window_bounds = array<i64: 8, 128>}, {pipeline_mode = #tpu.pipeline_mode<synchronous>, transform_indices = @transform_8, window_bounds = array<i64: 8, 128>}]} {
    %eq3A = arith.constant 0 : i32
    %eq3A_0 = arith.cmpi eq, %arg0, %eq3A : i32
    %convert_element_type3A = arith.extui %eq3A_0 : i1 to i32
    %cond3A = arith.constant 0 : i32
    %cond3A_1 = arith.cmpi ne, %convert_element_type3A, %cond3A : i32
    scf.if %cond3A_1 {
      %broadcast_in_dim3A = arith.constant 0.000000e+00 : f32
      %broadcast_in_dim3A_74 = vector.broadcast %broadcast_in_dim3A : f32 to vector<8x128xf32>
      %swap3A_75 = arith.constant 0 : index
      %swap3A_76 = arith.constant 0 : index
      %swap3A_77 = vector.load %arg8[%swap3A_75, %swap3A_76] : memref<8x128xf32, #tpu.memory_space<vmem>>, vector<8x128xf32>
      tpu.vector_store %arg8[%swap3A_75, %swap3A_76], %broadcast_in_dim3A_74 {strides = array<i32>} : memref<8x128xf32, #tpu.memory_space<vmem>>, vector<8x128xf32>,
      %broadcast_in_dim3A_78 = arith.constant 0.000000e+00 : f32
      %broadcast_in_dim3A_79 = vector.broadcast %broadcast_in_dim3A_78 : f32 to vector<8x128xf32>
      %swap3A_80 = arith.constant 0 : index
      %swap3A_81 = arith.constant 0 : index
      %swap3A_82 = vector.load %arg9[%swap3A_80, %swap3A_81] : memref<8x128xf32, #tpu.memory_space<vmem>>, vector<8x128xf32>
      tpu.vector_store %arg9[%swap3A_80, %swap3A_81], %broadcast_in_dim3A_79 {strides = array<i32>} : memref<8x128xf32, #tpu.memory_space<vmem>>, vector<8x128xf32>,
    } else {
    }
    %get3A = arith.constant 0 : index
    %get3A_2 = arith.constant 0 : index
    %get3A_3 = vector.load %arg8[%get3A, %get3A_2] : memref<8x128xf32, #tpu.memory_space<vmem>>, vector<8x128xf32>
    %get3A_4 = arith.constant 0 : index
    %get3A_5 = arith.constant 0 : index
    %get3A_6 = arith.constant 0 : index
    %get3A_7 = vector.load %arg1[%get3A_4, %get3A_5, %get3A_6] : memref<2x1000x128xf32, #tpu.memory_space<vmem>>, vector<1x1000x128xf32>
    %get3A_8 = vector.shape_cast %get3A_7 : vector<1x1000x128xf32> to vector<1000x128xf32>
    %get3A_9 = arith.constant 0 : index
    %get3A_10 = arith.constant 0 : index
    %get3A_11 = vector.load %arg2[%get3A_9, %get3A_10] : memref<1x128xf32, #tpu.memory_space<vmem>>, vector<1x128xf32>
    %add3A = vector.broadcast %get3A_11 : vector<1x128xf32> to vector<1000x128xf32>
    %add3A_12 = arith.addf %get3A_8, %add3A : vector<1000x128xf32>
    %ge3A = arith.constant 0.000000e+00 : f32
    %ge3A_13 = vector.broadcast %ge3A : f32 to vector<1000x128xf32>
    %ge3A_14 = arith.cmpf oge, %add3A_12, %ge3A_13 : vector<1000x128xf32>
    %get3A_15 = arith.constant 0 : index
    %get3A_16 = arith.constant 0 : index
    %get3A_17 = vector.load %arg4[%get3A_15, %get3A_16] : memref<1x1xf32, #tpu.memory_space<vmem>>, vector<1x1xf32>
    %get3A_18 = vector.extract %get3A_17[0, 0] : f32 from vector<1x1xf32>
    %mul3A = vector.broadcast %get3A_18 : f32 to vector<1000x128xf32>
    %mul3A_19 = arith.mulf %mul3A, %add3A_12 : vector<1000x128xf32>
    %select_n3A = arith.select %ge3A_14, %add3A_12, %mul3A_19 : vector<1000x128xi1>, vector<1000x128xf32>
    %get3A_20 = arith.constant 0 : index
    %get3A_21 = arith.constant 0 : index
    %get3A_22 = vector.load %arg6[%get3A_20, %get3A_21] : memref<128x128xf32, #tpu.memory_space<vmem>>, vector<128x128xf32>
    %dot_general3A = arith.constant dense<0.000000e+00> : vector<1000x128xf32>
    %dot_general3A_23 = tpu.matmul %select_n3A, %get3A_22, %dot_general3A {dimension_numbers = #tpu.dot_dimension_numbers<[1], [1], [0], [0], [0, 0, 1, 0], [], []>, transpose_lhs_hint = false} : vector<1000x128xf32>, vector<128x128xf32>, vector<1000x128xf32> -> vector<1000x128xf32>
    %get3A_24 = arith.constant 0 : index
    %get3A_25 = arith.constant 0 : index
    %get3A_26 = vector.load %arg7[%get3A_24, %get3A_25] : memref<1x128xf32, #tpu.memory_space<vmem>>, vector<1x128xf32>
    %add3A_27 = vector.broadcast %get3A_26 : vector<1x128xf32> to vector<1000x128xf32>
    %add3A_28 = arith.addf %dot_general3A_23, %add3A_27 : vector<1000x128xf32>
    %tanh3A = math.tanh %add3A_28 : vector<1000x128xf32>
    %reshape3A = vector.shape_cast %tanh3A : vector<1000x128xf32> to vector<125x8x128xf32>
    %reduce_sum3A = arith.constant dense<0.000000e+00> : vector<8x128xf32>
    %reduce_sum3A_29 = vector.multi_reduction <add>, %reshape3A, %reduce_sum3A [0] : vector<125x8x128xf32> to vector<8x128xf32>
    %add3A_30 = arith.addf %get3A_3, %reduce_sum3A_29 : vector<8x128xf32>
    %swap3A = arith.constant 0 : index
    %swap3A_31 = arith.constant 0 : index
    %swap3A_32 = vector.load %arg8[%swap3A, %swap3A_31] : memref<8x128xf32, #tpu.memory_space<vmem>>, vector<8x128xf32>
    tpu.vector_store %arg8[%swap3A, %swap3A_31], %add3A_30 {strides = array<i32>} : memref<8x128xf32, #tpu.memory_space<vmem>>, vector<8x128xf32>,
    %get3A_33 = arith.constant 0 : index
    %get3A_34 = arith.constant 0 : index
    %get3A_35 = vector.load %arg9[%get3A_33, %get3A_34] : memref<8x128xf32, #tpu.memory_space<vmem>>, vector<8x128xf32>
    %get3A_36 = arith.constant 1 : index
    %get3A_37 = arith.constant 0 : index
    %get3A_38 = arith.constant 0 : index
    %get3A_39 = vector.load %arg1[%get3A_36, %get3A_37, %get3A_38] : memref<2x1000x128xf32, #tpu.memory_space<vmem>>, vector<1x1000x128xf32>
    %get3A_40 = vector.shape_cast %get3A_39 : vector<1x1000x128xf32> to vector<1000x128xf32>
    %get3A_41 = arith.constant 0 : index
    %get3A_42 = arith.constant 0 : index
    %get3A_43 = vector.load %arg3[%get3A_41, %get3A_42] : memref<1x128xf32, #tpu.memory_space<vmem>>, vector<1x128xf32>
    %add3A_44 = vector.broadcast %get3A_43 : vector<1x128xf32> to vector<1000x128xf32>
    %add3A_45 = arith.addf %get3A_40, %add3A_44 : vector<1000x128xf32>
    %ge3A_46 = arith.constant 0.000000e+00 : f32
    %ge3A_47 = vector.broadcast %ge3A_46 : f32 to vector<1000x128xf32>
    %ge3A_48 = arith.cmpf oge, %add3A_45, %ge3A_47 : vector<1000x128xf32>
    %get3A_49 = arith.constant 0 : index
    %get3A_50 = arith.constant 0 : index
    %get3A_51 = vector.load %arg5[%get3A_49, %get3A_50] : memref<1x1xf32, #tpu.memory_space<vmem>>, vector<1x1xf32>
    %get3A_52 = vector.extract %get3A_51[0, 0] : f32 from vector<1x1xf32>
    %mul3A_53 = vector.broadcast %get3A_52 : f32 to vector<1000x128xf32>
    %mul3A_54 = arith.mulf %mul3A_53, %add3A_45 : vector<1000x128xf32>
    %select_n3A_55 = arith.select %ge3A_48, %add3A_45, %mul3A_54 : vector<1000x128xi1>, vector<1000x128xf32>
    %get3A_56 = arith.constant 0 : index
    %get3A_57 = arith.constant 0 : index
    %get3A_58 = vector.load %arg6[%get3A_56, %get3A_57] : memref<128x128xf32, #tpu.memory_space<vmem>>, vector<128x128xf32>
    %dot_general3A_59 = arith.constant dense<0.000000e+00> : vector<1000x128xf32>
    %dot_general3A_60 = tpu.matmul %select_n3A_55, %get3A_58, %dot_general3A_59 {dimension_numbers = #tpu.dot_dimension_numbers<[1], [1], [0], [0], [0, 0, 1, 0], [], []>, transpose_lhs_hint = false} : vector<1000x128xf32>, vector<128x128xf32>, vector<1000x128xf32> -> vector<1000x128xf32>
    %get3A_61 = arith.constant 0 : index
    %get3A_62 = arith.constant 0 : index
    %get3A_63 = vector.load %arg7[%get3A_61, %get3A_62] : memref<1x128xf32, #tpu.memory_space<vmem>>, vector<1x128xf32>
    %add3A_64 = vector.broadcast %get3A_63 : vector<1x128xf32> to vector<1000x128xf32>
    %add3A_65 = arith.addf %dot_general3A_60, %add3A_64 : vector<1000x128xf32>
    %tanh3A_66 = math.tanh %add3A_65 : vector<1000x128xf32>
    %reshape3A_67 = vector.shape_cast %tanh3A_66 : vector<1000x128xf32> to vector<125x8x128xf32>
    %reduce_sum3A_68 = arith.constant dense<0.000000e+00> : vector<8x128xf32>
    %reduce_sum3A_69 = vector.multi_reduction <add>, %reshape3A_67, %reduce_sum3A_68 [0] : vector<125x8x128xf32> to vector<8x128xf32>
    %add3A_70 = arith.addf %get3A_35, %reduce_sum3A_69 : vector<8x128xf32>
    %swap3A_71 = arith.constant 0 : index
    %swap3A_72 = arith.constant 0 : index
    %swap3A_73 = vector.load %arg9[%swap3A_71, %swap3A_72] : memref<8x128xf32, #tpu.memory_space<vmem>>, vector<8x128xf32>
    tpu.vector_store %arg9[%swap3A_71, %swap3A_72], %add3A_70 {strides = array<i32>} : memref<8x128xf32, #tpu.memory_space<vmem>>, vector<8x128xf32>,
    return
  }
  func.func @transform_0(%arg0: i32) -> (i32, i32, i32) {
    %c0_i32 = arith.constant 0 : i32
    %c0_i32_0 = arith.constant 0 : i32
    %c0_i32_1 = arith.constant 0 : i32
    return %c0_i32, %arg0, %c0_i32_0 : i32, i32, i32
  }
  func.func @transform_1(%arg0: i32) -> (i32, i32) {
    %c0_i32 = arith.constant 0 : i32
    %c0_i32_0 = arith.constant 0 : i32
    %c0_i32_1 = arith.constant 0 : i32
    return %c0_i32, %c0_i32_0 : i32, i32
  }
  func.func @transform_2(%arg0: i32) -> (i32, i32) {
    %c0_i32 = arith.constant 0 : i32
    %c0_i32_0 = arith.constant 0 : i32
    %c0_i32_1 = arith.constant 0 : i32
    return %c0_i32, %c0_i32_0 : i32, i32
  }
  func.func @transform_3(%arg0: i32) -> (i32, i32) {
    %c0_i32 = arith.constant 0 : i32
    %c0_i32_0 = arith.constant 0 : i32
    %c0_i32_1 = arith.constant 0 : i32
    return %c0_i32, %c0_i32_0 : i32, i32
  }
  func.func @transform_4(%arg0: i32) -> (i32, i32) {
    %c0_i32 = arith.constant 0 : i32
    %c0_i32_0 = arith.constant 0 : i32
    %c0_i32_1 = arith.constant 0 : i32
    return %c0_i32, %c0_i32_0 : i32, i32
  }
  func.func @transform_5(%arg0: i32) -> (i32, i32) {
    %c0_i32 = arith.constant 0 : i32
    %c0_i32_0 = arith.constant 0 : i32
    %c0_i32_1 = arith.constant 0 : i32
    return %c0_i32, %c0_i32_0 : i32, i32
  }
  func.func @transform_6(%arg0: i32) -> (i32, i32) {
    %c0_i32 = arith.constant 0 : i32
    %c0_i32_0 = arith.constant 0 : i32
    %c0_i32_1 = arith.constant 0 : i32
    return %c0_i32, %c0_i32_0 : i32, i32
  }
  func.func @transform_7(%arg0: i32) -> (i32, i32) {
    %c0_i32 = arith.constant 0 : i32
    %c0_i32_0 = arith.constant 0 : i32
    %c0_i32_1 = arith.constant 0 : i32
    return %c0_i32, %c0_i32_0 : i32, i32
  }
  func.func @transform_8(%arg0: i32) -> (i32, i32) {
    %c0_i32 = arith.constant 0 : i32
    %c0_i32_0 = arith.constant 0 : i32
    %c0_i32_1 = arith.constant 0 : i32
    return %c0_i32, %c0_i32_0 : i32, i32
  }
}

module attributes {stable_mosaic.version = 14 : i64} {
  func.func @_fuse_body(%arg0: i32, %arg1: memref<2x1000x128xf32, #tpu.memory_space<vmem>>, %arg2: memref<1x128xf32, #tpu.memory_space<vmem>>, %arg3: memref<1x128xf32, #tpu.memory_space<vmem>>, %arg4: memref<1x1xf32, #tpu.memory_space<vmem>>, %arg5: memref<1x1xf32, #tpu.memory_space<vmem>>, %arg6: memref<8x128xf32, #tpu.memory_space<vmem>>, %arg7: memref<8x128xf32, #tpu.memory_space<vmem>>, %arg8: memref<1x128xf32, #tpu.memory_space<vmem>>, %arg9: memref<1000x128xf32, #tpu.memory_space<vmem>>) attributes {dimension_semantics = [#tpu.dimension_semantics<arbitrary>], iteration_bounds = array<i64: 10>, scalar_prefetch = 0 : i64, scratch_operands = 0 : i64, tpu.core_type = #tpu.core_type<tc>, window_params = [{transform_indices = @transform_0, window_bounds = array<i64: 2, 1000, 128>}, {pipeline_mode = #tpu.pipeline_mode<synchronous>, transform_indices = @transform_1, window_bounds = array<i64: 1, 128>}, {pipeline_mode = #tpu.pipeline_mode<synchronous>, transform_indices = @transform_2, window_bounds = array<i64: 1, 128>}, {pipeline_mode = #tpu.pipeline_mode<synchronous>, transform_indices = @transform_3, window_bounds = array<i64: 1, 1>}, {pipeline_mode = #tpu.pipeline_mode<synchronous>, transform_indices = @transform_4, window_bounds = array<i64: 1, 1>}, {pipeline_mode = #tpu.pipeline_mode<synchronous>, transform_indices = @transform_5, window_bounds = array<i64: 8, 128>}, {pipeline_mode = #tpu.pipeline_mode<synchronous>, transform_indices = @transform_6, window_bounds = array<i64: 8, 128>}, {pipeline_mode = #tpu.pipeline_mode<synchronous>, transform_indices = @transform_7, window_bounds = array<i64: 1, 128>}, {transform_indices = @transform_8, window_bounds = array<i64: 1000, 128>}]} {
    %get3A = arith.constant 0 : index
    %get3A_0 = arith.constant 0 : index
    %get3A_1 = vector.load %arg6[%get3A, %get3A_0] : memref<8x128xf32, #tpu.memory_space<vmem>>, vector<8x128xf32>
    %reduce_sum3A = arith.constant dense<0.000000e+00> : vector<128xf32>
    %reduce_sum3A_2 = vector.multi_reduction <add>, %get3A_1, %reduce_sum3A [0] : vector<8x128xf32> to vector<128xf32>
    %div3A = arith.constant 1.000000e+04 : f32
    %div3A_3 = vector.broadcast %div3A : f32 to vector<128xf32>
    %div3A_4 = arith.divf %reduce_sum3A_2, %div3A_3 : vector<128xf32>
    %get3A_5 = arith.constant 0 : index
    %get3A_6 = arith.constant 0 : index
    %get3A_7 = vector.load %arg7[%get3A_5, %get3A_6] : memref<8x128xf32, #tpu.memory_space<vmem>>, vector<8x128xf32>
    %reduce_sum3A_8 = arith.constant dense<0.000000e+00> : vector<128xf32>
    %reduce_sum3A_9 = vector.multi_reduction <add>, %get3A_7, %reduce_sum3A_8 [0] : vector<8x128xf32> to vector<128xf32>
    %div3A_10 = arith.constant 1.000000e+04 : f32
    %div3A_11 = vector.broadcast %div3A_10 : f32 to vector<128xf32>
    %div3A_12 = arith.divf %reduce_sum3A_9, %div3A_11 : vector<128xf32>
    %get3A_13 = arith.constant 0 : index
    %get3A_14 = arith.constant 0 : index
    %get3A_15 = vector.load %arg8[%get3A_13, %get3A_14] : memref<1x128xf32, #tpu.memory_space<vmem>>, vector<1x128xf32>
    %get3A_16 = vector.shape_cast %get3A_15 : vector<1x128xf32> to vector<128xf32>
    %mul3A = arith.mulf %get3A_16, %div3A_4 : vector<128xf32>
    %reduce_sum3A_17 = vector.shape_cast %mul3A : vector<128xf32> to vector<1x128xf32>
    %reduce_sum3A_18 = arith.constant dense<0.000000e+00> : vector<1xf32>
    %reduce_sum3A_19 = vector.multi_reduction <add>, %reduce_sum3A_17, %reduce_sum3A_18 [1] : vector<1x128xf32> to vector<1xf32>
    %reduce_sum3A_20 = vector.shape_cast %reduce_sum3A_19 : vector<1xf32> to vector<1x1xf32>
    %reduce_sum3A_21 = vector.extract %reduce_sum3A_20[0, 0] : f32 from vector<1x1xf32>
    %get3A_22 = arith.constant 0 : index
    %get3A_23 = arith.constant 0 : index
    %get3A_24 = vector.load %arg8[%get3A_22, %get3A_23] : memref<1x128xf32, #tpu.memory_space<vmem>>, vector<1x128xf32>
    %get3A_25 = vector.shape_cast %get3A_24 : vector<1x128xf32> to vector<128xf32>
    %mul3A_26 = arith.mulf %get3A_25, %div3A_12 : vector<128xf32>
    %reduce_sum3A_27 = vector.shape_cast %mul3A_26 : vector<128xf32> to vector<1x128xf32>
    %reduce_sum3A_28 = arith.constant dense<0.000000e+00> : vector<1xf32>
    %reduce_sum3A_29 = vector.multi_reduction <add>, %reduce_sum3A_27, %reduce_sum3A_28 [1] : vector<1x128xf32> to vector<1xf32>
    %reduce_sum3A_30 = vector.shape_cast %reduce_sum3A_29 : vector<1xf32> to vector<1x1xf32>
    %reduce_sum3A_31 = vector.extract %reduce_sum3A_30[0, 0] : f32 from vector<1x1xf32>
    %max3A = arith.maximumf %reduce_sum3A_21, %reduce_sum3A_31 : f32
    %sub3A = arith.subf %reduce_sum3A_21, %max3A : f32
    %exp3A = math.exp %sub3A : f32
    %sub3A_32 = arith.subf %reduce_sum3A_31, %max3A : f32
    %exp3A_33 = math.exp %sub3A_32 : f32
    %add3A = arith.addf %exp3A, %exp3A_33 : f32
    %div3A_34 = arith.constant 1.000000e+00 : f32
    %div3A_35 = arith.divf %div3A_34, %add3A : f32
    %mul3A_36 = arith.mulf %exp3A, %div3A_35 : f32
    %mul3A_37 = arith.mulf %exp3A_33, %div3A_35 : f32
    %get3A_38 = arith.constant 0 : index
    %get3A_39 = arith.constant 0 : index
    %get3A_40 = arith.constant 0 : index
    %get3A_41 = vector.load %arg1[%get3A_38, %get3A_39, %get3A_40] : memref<2x1000x128xf32, #tpu.memory_space<vmem>>, vector<1x1000x128xf32>
    %get3A_42 = vector.shape_cast %get3A_41 : vector<1x1000x128xf32> to vector<1000x128xf32>
    %get3A_43 = arith.constant 0 : index
    %get3A_44 = arith.constant 0 : index
    %get3A_45 = vector.load %arg2[%get3A_43, %get3A_44] : memref<1x128xf32, #tpu.memory_space<vmem>>, vector<1x128xf32>
    %add3A_46 = vector.broadcast %get3A_45 : vector<1x128xf32> to vector<1000x128xf32>
    %add3A_47 = arith.addf %get3A_42, %add3A_46 : vector<1000x128xf32>
    %ge3A = arith.constant 0.000000e+00 : f32
    %ge3A_48 = vector.broadcast %ge3A : f32 to vector<1000x128xf32>
    %ge3A_49 = arith.cmpf oge, %add3A_47, %ge3A_48 : vector<1000x128xf32>
    %get3A_50 = arith.constant 0 : index
    %get3A_51 = arith.constant 0 : index
    %get3A_52 = vector.load %arg4[%get3A_50, %get3A_51] : memref<1x1xf32, #tpu.memory_space<vmem>>, vector<1x1xf32>
    %get3A_53 = vector.extract %get3A_52[0, 0] : f32 from vector<1x1xf32>
    %mul3A_54 = vector.broadcast %get3A_53 : f32 to vector<1000x128xf32>
    %mul3A_55 = arith.mulf %mul3A_54, %add3A_47 : vector<1000x128xf32>
    %select_n3A = arith.select %ge3A_49, %add3A_47, %mul3A_55 : vector<1000x128xi1>, vector<1000x128xf32>
    %get3A_56 = arith.constant 1 : index
    %get3A_57 = arith.constant 0 : index
    %get3A_58 = arith.constant 0 : index
    %get3A_59 = vector.load %arg1[%get3A_56, %get3A_57, %get3A_58] : memref<2x1000x128xf32, #tpu.memory_space<vmem>>, vector<1x1000x128xf32>
    %get3A_60 = vector.shape_cast %get3A_59 : vector<1x1000x128xf32> to vector<1000x128xf32>
    %get3A_61 = arith.constant 0 : index
    %get3A_62 = arith.constant 0 : index
    %get3A_63 = vector.load %arg3[%get3A_61, %get3A_62] : memref<1x128xf32, #tpu.memory_space<vmem>>, vector<1x128xf32>
    %add3A_64 = vector.broadcast %get3A_63 : vector<1x128xf32> to vector<1000x128xf32>
    %add3A_65 = arith.addf %get3A_60, %add3A_64 : vector<1000x128xf32>
    %ge3A_66 = arith.constant 0.000000e+00 : f32
    %ge3A_67 = vector.broadcast %ge3A_66 : f32 to vector<1000x128xf32>
    %ge3A_68 = arith.cmpf oge, %add3A_65, %ge3A_67 : vector<1000x128xf32>
    %get3A_69 = arith.constant 0 : index
    %get3A_70 = arith.constant 0 : index
    %get3A_71 = vector.load %arg5[%get3A_69, %get3A_70] : memref<1x1xf32, #tpu.memory_space<vmem>>, vector<1x1xf32>
    %get3A_72 = vector.extract %get3A_71[0, 0] : f32 from vector<1x1xf32>
    %mul3A_73 = vector.broadcast %get3A_72 : f32 to vector<1000x128xf32>
    %mul3A_74 = arith.mulf %mul3A_73, %add3A_65 : vector<1000x128xf32>
    %select_n3A_75 = arith.select %ge3A_68, %add3A_65, %mul3A_74 : vector<1000x128xi1>, vector<1000x128xf32>
    %mul3A_76 = vector.broadcast %mul3A_36 : f32 to vector<1000x128xf32>
    %mul3A_77 = arith.mulf %select_n3A, %mul3A_76 : vector<1000x128xf32>
    %mul3A_78 = vector.broadcast %mul3A_37 : f32 to vector<1000x128xf32>
    %mul3A_79 = arith.mulf %select_n3A_75, %mul3A_78 : vector<1000x128xf32>
    %add3A_80 = arith.addf %mul3A_77, %mul3A_79 : vector<1000x128xf32>
    %swap3A = arith.constant 0 : index
    %swap3A_81 = arith.constant 0 : index
    %swap3A_82 = vector.load %arg9[%swap3A, %swap3A_81] : memref<1000x128xf32, #tpu.memory_space<vmem>>, vector<1000x128xf32>
    tpu.vector_store %arg9[%swap3A, %swap3A_81], %add3A_80 {strides = array<i32>} : memref<1000x128xf32, #tpu.memory_space<vmem>>, vector<1000x128xf32>,
    return
  }
  func.func @transform_0(%arg0: i32) -> (i32, i32, i32) {
    %c0_i32 = arith.constant 0 : i32
    %c0_i32_0 = arith.constant 0 : i32
    %c0_i32_1 = arith.constant 0 : i32
    return %c0_i32, %arg0, %c0_i32_0 : i32, i32, i32
  }
  func.func @transform_1(%arg0: i32) -> (i32, i32) {
    %c0_i32 = arith.constant 0 : i32
    %c0_i32_0 = arith.constant 0 : i32
    %c0_i32_1 = arith.constant 0 : i32
    return %c0_i32, %c0_i32_0 : i32, i32
  }
  func.func @transform_2(%arg0: i32) -> (i32, i32) {
    %c0_i32 = arith.constant 0 : i32
    %c0_i32_0 = arith.constant 0 : i32
    %c0_i32_1 = arith.constant 0 : i32
    return %c0_i32, %c0_i32_0 : i32, i32
  }
  func.func @transform_3(%arg0: i32) -> (i32, i32) {
    %c0_i32 = arith.constant 0 : i32
    %c0_i32_0 = arith.constant 0 : i32
    %c0_i32_1 = arith.constant 0 : i32
    return %c0_i32, %c0_i32_0 : i32, i32
  }
  func.func @transform_4(%arg0: i32) -> (i32, i32) {
    %c0_i32 = arith.constant 0 : i32
    %c0_i32_0 = arith.constant 0 : i32
    %c0_i32_1 = arith.constant 0 : i32
    return %c0_i32, %c0_i32_0 : i32, i32
  }
  func.func @transform_5(%arg0: i32) -> (i32, i32) {
    %c0_i32 = arith.constant 0 : i32
    %c0_i32_0 = arith.constant 0 : i32
    %c0_i32_1 = arith.constant 0 : i32
    return %c0_i32, %c0_i32_0 : i32, i32
  }
  func.func @transform_6(%arg0: i32) -> (i32, i32) {
    %c0_i32 = arith.constant 0 : i32
    %c0_i32_0 = arith.constant 0 : i32
    %c0_i32_1 = arith.constant 0 : i32
    return %c0_i32, %c0_i32_0 : i32, i32
  }
  func.func @transform_7(%arg0: i32) -> (i32, i32) {
    %c0_i32 = arith.constant 0 : i32
    %c0_i32_0 = arith.constant 0 : i32
    %c0_i32_1 = arith.constant 0 : i32
    return %c0_i32, %c0_i32_0 : i32, i32
  }
  func.func @transform_8(%arg0: i32) -> (i32, i32) {
    %c0_i32 = arith.constant 0 : i32
    %c0_i32_0 = arith.constant 0 : i32
    return %arg0, %c0_i32 : i32, i32
  }
}

</mosaic_0001>

<sc_bundles>
// kernel: kernel.6.cloned.1.call-start
scs
__scs_entry_jumppad:
0x0: {  	(pc) =	sbr.rel $0x88, $3  }
0x1: {  	(tag) =	ssettag $0x0;
	lr =	simm.s32 $0x1  }
0x2: {  	[smem:$0x3F93] =	sst lr;
	_ =	strace $0xD0000000  }
0x3: {  	_ = 	snop  }
0x4: {  	_ = 	snop  }
0x5: {  	_ = 	snop  }
0x6: {  	_ = 	snop  }
0x7: {  	_ = 	snop  }
__scs_overlays_trampoline_lowered:
0x8: {  	[smem:$0x3FA2] =	sst s0  }
0x9: {  	[smem:$0x3FA3] =	sst s1  }
0xa: {  	[smem:$0x3FA4] =	sst s2  }
0xb: {  	[smem:$0x3FA5] =	sst s3  }
0xc: {  	[smem:$0x3FA6] =	sst s4  }
0xd: {  	[smem:$0x3FA7] =	sst s5  }
0xe: {  	[smem:$0x3FA8] =	sst s6  }
0xf: {  	[smem:$0x3FA9] =	sst s7  }
0x10: {  	[smem:$0x3FAA] =	sst s8  }
0x11: {  	[smem:$0x3FAB] =	sst s9;
	s0 =	simm.s32 @!p0 $0x0  }
0x12: {  	s1 =	sld [smem:$0x3F91];
	s0 =	simm.s32 @p0 $0x1  }
0x13: {  	[smem:$0x3FAC] =	sst s0;
	s0 =	simm.s32 @!p1 $0x0  }
0x14: {  	s2 =	sld [smem:$0x3F90];
	s0 =	simm.s32 @p1 $0x1  }
0x15: {  	[smem:$0x3FAD] =	sst s0;
	s0 =	simm.s32 @!p2 $0x0  }
0x16: {  	s3 =	sld [smem:$0x3FDB];
	s0 =	simm.s32 @p2 $0x1  }
0x17: {  	s4 =	simm.s32 $0x1BF5;
	[smem:$0x3FAF] =	sst s0  }
0x18: {  	s0 =	sld [smem:$0x3F92];
	_ =	swait.ge [sflag:s4], $0x0  }
0x19: {  	s7 =	sld [smem:$0x3F93]  }
0x1a: {  	s8 =	sadd.s32 $0xFFFFE003, lr  }
0x1b: {  	s9 =	sadd.s32 $0xFFFFFEF7, lr;
	s5 =	simm.s32 $0xFFFFFFFF;
	p2 =	slt.u32 s8, $0xFFFFF086  }
0x1c: {  	p1 =	slt.u32 s9, $0xF7A;
	s5 =	simm.s32 @!p2 $0x0  }
0x1d: {  	s5 =	simm.s32 @p1 $0x1;
	p0 =	seq.s32 s7, s2  }
0x1e: {  	s7 =	smul.u32 @!p0 $0xF7A, s2;
	p2 =	seq.s32 @!p0 s5, $0x0  }
0x1f: {  	s9 =	smul.u32 $0xF7A, s1;
	s8 =	simm.s32 @!p0 $0x1BF5;
	p2 =	por !p2, p0  }
0x20: {  	[sflag:s8] =	ssyncset.s32 @!p0 $0xFFFFF086;
	s6 =	sadd.s32 @!p0 s3, s7;
	s7 =	simm.s32 @!p0 $0x108  }
0x21: {  	s3 =	sadd.s32 s3, s9;
	s6 =	sadd.s32 @!p0 $0x88, s6;
	s7 =	simm.s32 @p2 $0x1082  }
0x22: {  	[simem:s7], [sflag:s8] =	dma.local @!p0 [hbm:s6], $0xF7A  }
0x23: {  	s9 =	sor.u32 $0xD0000000, s2;
	s6 =	simm.s32 $0x108;
	_ =	swait.ge @!p0 [sflag:s8], $0x0  }
0x24: {  	s3 =	sadd.s32 $0x88, s3;
	s6 =	simm.s32 @!p1 $0x1082;
	[sflag:s4] =	ssyncset.s32 $0xFFFFF086  }
0x25: {  	[simem:s6], [sflag:s4] =	dma.local [hbm:s3], $0xF7A  }
0x26: {  	[smem:$0x3F93] =	sst s1;
	(tag) =	ssettag s2;
	_ =	strace s9  }
0x27: {  	s1 =	sld [smem:$0x3FA3]  }
0x28: {  	s2 =	sld [smem:$0x3FA4]  }
0x29: {  	s4 =	sld [smem:$0x3FA6]  }
0x2a: {  	p0 =	seq.s32 s5, $0x0;
	s5 =	sld [smem:$0x3FA7]  }
0x2b: {  	s6 =	sld [smem:$0x3FA8]  }
0x2c: {  	s7 =	sld [smem:$0x3FA9]  }
0x2d: {  	s3 =	simm.s32 $0x108;
	s8 =	sld [smem:$0x3FAA]  }
0x2e: {  	s3 =	simm.s32 @!p0 $0x1082;
	s9 =	sld [smem:$0x3FAB]  }
0x2f: {  	lr =	sadd.s32 s0, s3;
	s0 =	sld [smem:$0x3FA2]  }
0x30: {  	s3 =	sld [smem:$0x3FA5]  }
0x31: {  	[smem:$0x3FAE] =	sst s10  }
0x32: {  	s10 =	sld [smem:$0x3FAC];
	_ =	sdelay $0x3  }
0x33: {  	p0 =	seq.s32 s10, $0x1;
	s10 =	sld [smem:$0x3FAE];
	_ =	sdelay $0x3  }
0x34: {  	[smem:$0x3FAE] =	sst s10  }
0x35: {  	s10 =	sld [smem:$0x3FAD];
	_ =	sdelay $0x3  }
0x36: {  	p1 =	seq.s32 s10, $0x1;
	s10 =	sld [smem:$0x3FAE];
	_ =	sdelay $0x3  }
0x37: {  	[smem:$0x3FAE] =	sst s10  }
0x38: {  	s10 =	sld [smem:$0x3FAF]  }
0x39: {  	_ = 	snop;
	(pc) =	sbr.ind lr, $3  }
0x3a: {  	_ = 	snop  }
0x3b: {  	_ = 	snop  }
0x3c: {  	p2 =	seq.s32 s10, $0x1;
	s10 =	sld [smem:$0x3FAE]  }
0x3d: {  	_ =	shalt  }
0x3e: {  	_ =	shalt  }
0x3f: {  	_ =	shalt  }
0x40: {  	_ =	shalt  }
0x41: {  	_ =	shalt  }
0x42: {  	_ =	shalt  }
0x43: {  	_ =	shalt  }
0x44: {  	_ =	shalt  }
0x45: {  	_ =	shalt  }
0x46: {  	_ =	shalt  }
0x47: {  	_ =	shalt  }
0x48: {  	_ =	shalt  }
0x49: {  	_ =	shalt  }
0x4a: {  	_ =	shalt  }
0x4b: {  	_ =	shalt  }
0x4c: {  	_ =	shalt  }
0x4d: {  	_ =	shalt  }
0x4e: {  	_ =	shalt  }
0x4f: {  	_ =	shalt  }
0x50: {  	_ =	shalt  }
0x51: {  	_ =	shalt  }
0x52: {  	_ =	shalt  }
0x53: {  	_ =	shalt  }
0x54: {  	_ =	shalt  }
0x55: {  	_ =	shalt  }
0x56: {  	_ =	shalt  }
0x57: {  	_ =	shalt  }
0x58: {  	_ =	shalt  }
0x59: {  	_ =	shalt  }
0x5a: {  	_ =	shalt  }
0x5b: {  	_ =	shalt  }
0x5c: {  	_ =	shalt  }
0x5d: {  	_ =	shalt  }
0x5e: {  	_ =	shalt  }
0x5f: {  	_ =	shalt  }
0x60: {  	_ =	shalt  }
0x61: {  	_ =	shalt  }
0x62: {  	_ =	shalt  }
0x63: {  	_ =	shalt  }
0x64: {  	_ =	shalt  }
0x65: {  	_ =	shalt  }
0x66: {  	_ =	shalt  }
0x67: {  	_ =	shalt  }
0x68: {  	_ =	shalt  }
0x69: {  	_ =	shalt  }
0x6a: {  	_ =	shalt  }
0x6b: {  	_ =	shalt  }
0x6c: {  	_ =	shalt  }
0x6d: {  	_ =	shalt  }
0x6e: {  	_ =	shalt  }
0x6f: {  	_ =	shalt  }
0x70: {  	_ =	shalt  }
0x71: {  	_ =	shalt  }
0x72: {  	_ =	shalt  }
0x73: {  	_ =	shalt  }
0x74: {  	_ =	shalt  }
0x75: {  	_ =	shalt  }
0x76: {  	_ =	shalt  }
0x77: {  	_ =	shalt  }
0x78: {  	_ =	shalt  }
0x79: {  	_ =	shalt  }
0x7a: {  	_ =	shalt  }
0x7b: {  	_ =	shalt  }
0x7c: {  	_ =	shalt  }
0x7d: {  	_ =	shalt  }
0x7e: {  	_ =	shalt  }
0x7f: {  	_ =	shalt  }
0x80: {  	_ =	shalt  }
0x81: {  	_ =	shalt  }
0x82: {  	_ =	shalt  }
0x83: {  	_ =	shalt  }
0x84: {  	_ =	shalt  }
0x85: {  	_ =	shalt  }
0x86: {  	_ =	shalt  }
0x87: {  	_ =	shalt  }
.Lfunc_end0:
.L_simem_size_0:
called_computation_lowered:
.L_overlay_start_0:
0x88: {  	s2 =	sld [smem:$0x3FD9]  }
0x89: {  	s3 =	sld [smem:$0x3FFE];
	_ =	sdelay $0x1  }
0x8a: {  	s1 =	srdreg.scid  }
0x8b: {  	s0 =	sand.u32 $0x1, s1  }
0x8c: {  	s17 =	sshll.u32 s0, $0xA;
	s2 =	sadd.s32 s3, s2  }
0x8d: {  	s2 =	sadd.s32 s2, s17  }
0x8e: {  	[smem:$0x3FBA] =	sst s2  }
0x8f: {  	_ = 	snop  }
0x90: {  	s2 =	sld [smem:$0x3FD0];
	(tm) =	ssettm $0x1  }
0x91: {  	s18 =	sld [smem:$0x3FFB];
	_ =	sdelay $0x3  }
0x92: {  	_ =	strace s18  }
0x93: {  	s3 =	sld [smem:$0x3FFC];
	_ =	sdelay $0x3  }
0x94: {  	_ =	strace s3  }
0x95: {  	s3 =	sld [smem:$0x3FFD];
	_ =	sdelay $0x3  }
0x96: {  	_ =	strace s3  }
0x97: {  	_ =	strace $0x8FFFFFFF  }
0x98: {  	s19 =	sld [smem:$0x3FDB];
	_ =	sdelay $0x1  }
0x99: {  	s4 =	simm.s32 $_scs_section_size  }
0x9a: {  	s5 =	simm.s32 $_size__tile_overlayer_lowered;
	s6 =	simm.s32 $_tile_overlayer_lowered  }
0x9b: {  	s22 =	simm.s32 $0x1BFF;
	s21 =	sshll.u32 s6, $0x1;
	s3 =	sadd.s32 s4, s19  }
0x9c: {  	s7 =	simm.s32 $0x0;
	s20 =	sshll.u32 s5, $0x1;
	s5 =	sadd.s32 s21, s3  }
0x9d: {  	[timem:s7], [sflag:s22] =	dma.local [hbm:s5], s20  }
0x9e: {  	_ =	swait.ge [sflag:s22], s20  }
0x9f: {  	s4 =	ssub.s32 $0x0, s20;
	[sflag:s22] =	ssyncset.done $0x0  }
0xa0: {  	[sflag:s22] =	ssyncadd.s32 s4;
	_ =	sdelay $0x1  }
0xa1: {  	s23 =	simm.s32 $0x1B8B  }
0xa2: {  	_ =	swait.ge [sflag:s23], $0x1  }
0xa3: {  	[sflag:s23] =	ssyncset.done $0x0  }
0xa4: {  	s25 =	simm.s32 $0x1B8E;
	s24 =	sld [smem:$0x3FFE];
	[sflag:s23] =	ssyncadd.s32 $0xFFFFFFFF  }
0xa5: {  	s26 =	simm.s32 $execute0_lowered;
	[smem:$0x3FD2] =	sst s25  }
0xa6: {  	s5 =	sshll.u32 s26, $0x1;
	_ =	strace $0x80000046;
	[dreg:$0x1] =	wrdreg $0xFFFFFFFF  }
0xa7: {  	s28 =	simm.s32 $_size_execute0_lowered;
	s3 =	sadd.s32 s3, s5;
	[dreg:$0x0] =	wrdreg $0x0  }
0xa8: {  	s5 =	sshll.u32 s28, $0x1;
	[dreg:$0x2] =	wrdreg s3  }
0xa9: {  	[dreg:$0x3] =	wrdreg s5  }
0xaa: {  	[dreg:$0x4] =	wrdreg $0xC0  }
0xab: {  	_ =	task [dreg:s7], $0x5FFFF  }
0xac: {  	[dreg:$0x1] =	wrdreg $0xFFFFFFFF  }
0xad: {  	[dreg:$0x0] =	wrdreg $0x60  }
0xae: {  	[dreg:$0x2] =	wrdreg s24  }
0xaf: {  	[dreg:$0x3] =	wrdreg s2  }
0xb0: {  	[dreg:$0x4] =	wrdreg $0x44200  }
0xb1: {  	[dreg:$0x5] =	wrdreg $0x9  }
0xb2: {  	_ =	task.clear_ibuf [dreg:s7], $0x6FFFF;
	_ =	strace $0x90000046  }
0xb3: {  	s29 =	simm.s32 $0x9;
	_ =	strace $0x80000048  }
0xb4: {  	_ =	swait.ge [sflag:s29], $0x1  }
0xb5: {  	[sflag:s29] =	ssyncadd.s32 $0xFFFFFFFF  }
0xb6: {  	_ =	strace $0x90000048  }
0xb7: {  	_ =	sfence  }
0xb8: {  	s30 =	sld [smem:$0x0];
	_ =	sdelay $0x2  }
0xb9: {  	s31 =	sshll.u32 s1, $0xD;
	s1 =	sshrl.u32 s1, $0x2  }
0xba: {  	s3 =	sand.u32 $0x4000, s31;
	s1 =	sadd.s32 s1, s30  }
0xbb: {  	s0 =	sor.u32 s3, s0;
	s1 =	sshll.u32 s1, $0x11  }
0xbc: {  	s0 =	sor.u32 s1, s0  }
0xbd: {  	s0 =	sadd.s32 $0x8F2B, s0  }
0xbe: {  	[sflag:s0] =	ssyncadd.remote.s32 $0x1  }
0xbf: {  	_ =	sfence.sel $0xFFFF  }
0xc0: {  	[dreg:$0x0] =	wrdreg $0xFFFFFFFF;
	(pc) =	sbr.abs _section_cstart, $3  }
0xc1: {  	[dreg:$0x1] =	wrdreg $0xFFFFFFFF  }
0xc2: {  	_ =	task.clear_ibuf [dreg:s7], $0x2FFFF;
	_ =	strace $0x9FFFFFFF  }
0xc3: {  	(tm) =	ssettm $0x7FFFFFFF  }
tec
execute0_lowered:
.L_overlay_start_1:
0x0: {  	(tag) =	ssettag $0x1  }
0x1: {  	s6 =	rddreg [dreg:$0x0]  }
0x2: {  	s8 =	rddreg [dreg:$0x1]  }
0x3: {  	s2 =	rddreg [dreg:$0x2];
	s3 =	simm.s32 $0x0  }
0x4: {  	s19 =	simm.s32 $0x820;
	[smem:$0x7FF] =	sst s3  }
0x5: {  	s12 =	simm.s32 $0xA0;
	_ =	strace $0x80000047;
	[dreg:$0x6] =	wrdreg s19  }
0x6: {  	s13 =	simm.s32 $0x870;
	[dreg:$0x7] =	wrdreg s12  }
0x7: {  	s15 =	simm.s32 $0xF0;
	[dreg:$0x8] =	wrdreg s13  }
0x8: {  	s16 =	simm.s32 $0x8C0;
	[dreg:$0x9] =	wrdreg s15  }
0x9: {  	s20 =	simm.s32 $0x140;
	[dreg:$0xa] =	wrdreg s16  }
0xa: {  	s21 =	simm.s32 $0x910;
	[dreg:$0xb] =	wrdreg s20  }
0xb: {  	s0 =	srdreg.scid;
	s22 =	simm.s32 $0x190;
	[dreg:$0xc] =	wrdreg s21  }
0xc: {  	s1 =	stileid.u32;
	s23 =	simm.s32 $0x960;
	[dreg:$0xd] =	wrdreg s22  }
0xd: {  	s26 =	simm.s32 $0x1E0;
	s14 =	sand.u32 $0x1, s0;
	[dreg:$0xe] =	wrdreg s23  }
0xe: {  	s4 =	smul.u32 $0x4E20, s1;
	[dreg:$0xf] =	wrdreg s26;
	s19 =	simm.s32 $0x280  }
0xf: {  	s9 =	sadd.s32 $0x63000, s6;
	s20 =	simm.s32 $0xA50;
	[dreg:$0x13] =	wrdreg s19  }
0x10: {  	s0 =	smul.u32 $0x4E200, s14;
	s22 =	simm.s32 $0x2D0;
	[dreg:$0x14] =	wrdreg s20  }
0x11: {  	s5 =	ssub.s32 $0x2, s14;
	s26 =	simm.s32 $0x320;
	[dreg:$0x15] =	wrdreg s22  }
0x12: {  	s15 =	smul.u32 $0x138800, s14;
	[dreg:$0x17] =	wrdreg s26;
	s20 =	simm.s32 $0x3C0  }
0x13: {  	s17 =	sshrl.u32 s5, $0x1;
	s22 =	simm.s32 $0xB90;
	[dreg:$0x1b] =	wrdreg s20  }
0x14: {  	s26 =	simm.s32 $0xBE0;
	s0 =	sadd.s32 s4, s0;
	[dreg:$0x1c] =	wrdreg s22  }
0x15: {  	s4 =	smul.u32 $0x13880, s1;
	[dreg:$0x1e] =	wrdreg s26;
	s10 =	sshrl.u32 s0, $0x3  }
0x16: {  	s0 =	ssub.s32 s5, s17;
	s5 =	simm.s32 $0xAF0;
	s7 =	sadd.s32 s10, s6  }
0x17: {  	[smem:$0x7F9] =	sst s0;
	s1 =	sadd.s32 $0xC80, s4;
	s18 =	sadd.s32 $0x1900, s4  }
0x18: {  	s25 =	sadd.s32 $0x2580, s4;
	s10 =	sadd.s32 s10, s8;
	s8 =	sadd.s32 $0x3200, s4  }
0x19: {  	s12 =	sadd.s32 $0x5780, s4;
	s13 =	sadd.s32 $0x6400, s4;
	[dreg:$0x18] =	wrdreg s5  }
0x1a: {  	s14 =	sadd.s32 $0x7080, s4;
	s17 =	sadd.s32 s4, s15;
	[smem:$0x7E1] =	sst s1  }
0x1b: {  	s6 =	simm.s32 $0x230;
	s29 =	sadd.s32 $0x10680, s4;
	[smem:$0x7E3] =	sst s18  }
0x1c: {  	s31 =	sadd.s32 $0x11300, s4;
	s11 =	sadd.s32 $0x1400, s7;
	[dreg:$0x5] =	wrdreg s10  }
0x1d: {  	s10 =	sadd.s32 $0x3E80, s4;
	s17 =	sshrl.u32 s17, $0x3;
	[dreg:$0x11] =	wrdreg s6  }
0x1e: {  	s0 =	sadd.s32 s15, s1;
	s1 =	simm.s32 $0x9B0;
	[dreg:$0x4] =	wrdreg s11  }
0x1f: {  	s6 =	sadd.s32 s15, s8;
	s8 =	sadd.s32 s8, s2;
	[dreg:$0x10] =	wrdreg s1  }
0x20: {  	s24 =	sadd.s32 s9, s17;
	s17 =	sshrl.u32 s0, $0x3;
	[smem:$0x7E6] =	sst s8  }
0x21: {  	s18 =	sadd.s32 s15, s18;
	[smem:$0x7C5] =	sst s24;
	s7 =	sadd.s32 s9, s17  }
0x22: {  	s5 =	sadd.s32 s15, s12;
	s17 =	simm.s32 $0xA00;
	[smem:$0x7C6] =	sst s7  }
0x23: {  	s16 =	sshrl.u32 s5, $0x3;
	s24 =	simm.s32 $0xAA0;
	[dreg:$0x12] =	wrdreg s17  }
0x24: {  	s11 =	sadd.s32 $0x4B00, s4;
	s16 =	sadd.s32 s9, s16;
	[dreg:$0x16] =	wrdreg s24  }
0x25: {  	s23 =	sadd.s32 s15, s25;
	s8 =	sadd.s32 s11, s2;
	[smem:$0x7CC] =	sst s16  }
0x26: {  	s0 =	sadd.s32 s15, s11;
	s11 =	sadd.s32 s14, s2;
	[smem:$0x7E8] =	sst s8  }
0x27: {  	s17 =	sshrl.u32 s18, $0x3;
	s7 =	simm.s32 $0x370;
	[smem:$0x7EB] =	sst s11  }
0x28: {  	s18 =	simm.s32 $0xB40;
	s16 =	sadd.s32 $0x7D00, s4;
	[dreg:$0x19] =	wrdreg s7  }
0x29: {  	s21 =	sadd.s32 s9, s17;
	s17 =	sshrl.u32 s23, $0x3;
	[dreg:$0x1a] =	wrdreg s18  }
0x2a: {  	s23 =	simm.s32 $0x410;
	s7 =	sadd.s32 s15, s13;
	[smem:$0x7C7] =	sst s21  }
0x2b: {  	s1 =	sadd.s32 s9, s17;
	s17 =	sshrl.u32 s6, $0x3;
	[dreg:$0x1d] =	wrdreg s23  }
0x2c: {  	s21 =	sadd.s32 s15, s10;
	[smem:$0x7C8] =	sst s1;
	s19 =	sadd.s32 s9, s17  }
0x2d: {  	s18 =	sshrl.u32 s7, $0x3;
	s1 =	simm.s32 $0x460;
	[smem:$0x7C9] =	sst s19  }
0x2e: {  	s17 =	sshrl.u32 s21, $0x3;
	s20 =	sadd.s32 s9, s18;
	[dreg:$0x1f] =	wrdreg s1  }
0x2f: {  	s18 =	sadd.s32 s15, s16;
	s24 =	sadd.s32 s9, s17;
	[smem:$0x7CD] =	sst s20  }
0x30: {  	s17 =	sshrl.u32 s0, $0x3;
	s19 =	sadd.s32 s15, s14;
	[smem:$0x7CA] =	sst s24  }
0x31: {  	s6 =	sadd.s32 s9, s17;
	s17 =	sshrl.u32 s19, $0x3;
	s19 =	sshrl.u32 s18, $0x3  }
0x32: {  	s18 =	sadd.s32 $0x9600, s4;
	[smem:$0x7CB] =	sst s6;
	s21 =	sadd.s32 s9, s17  }
0x33: {  	s17 =	sadd.s32 $0x8980, s4;
	s22 =	sadd.s32 s9, s19;
	s24 =	sadd.s32 s15, s18  }
0x34: {  	s19 =	sadd.s32 $0xA280, s4;
	s14 =	sadd.s32 s18, s2;
	[smem:$0x7CE] =	sst s21  }
0x35: {  	s20 =	sadd.s32 s15, s17;
	[smem:$0x7CF] =	sst s22;
	s21 =	sadd.s32 s15, s19  }
0x36: {  	[smem:$0x7EE] =	sst s14;
	s23 =	sshrl.u32 s20, $0x3;
	s20 =	sshrl.u32 s24, $0x3  }
0x37: {  	s22 =	sshrl.u32 s21, $0x3;
	s21 =	sadd.s32 $0xBB80, s4;
	s26 =	sadd.s32 s9, s23  }
0x38: {  	s1 =	sadd.s32 s9, s20;
	s20 =	sadd.s32 $0xAF00, s4;
	[smem:$0x7D0] =	sst s26  }
0x39: {  	s5 =	sadd.s32 s9, s22;
	s7 =	sadd.s32 s15, s21;
	[smem:$0x7D1] =	sst s1  }
0x3a: {  	s23 =	sadd.s32 s15, s20;
	[smem:$0x7D2] =	sst s5;
	s24 =	sshrl.u32 s7, $0x3  }
0x3b: {  	s7 =	sadd.s32 $0xE100, s4;
	s6 =	sshrl.u32 s23, $0x3;
	s26 =	sadd.s32 s9, s24  }
0x3c: {  	s23 =	sadd.s32 $0xC800, s4;
	s22 =	sadd.s32 s9, s6;
	[smem:$0x7D4] =	sst s26  }
0x3d: {  	s24 =	sadd.s32 s15, s23;
	[smem:$0x7D3] =	sst s22;
	s22 =	sadd.s32 $0xD480, s4  }
0x3e: {  	s6 =	sadd.s32 s15, s7;
	s24 =	sshrl.u32 s24, $0x3;
	s26 =	sadd.s32 s15, s22  }
0x3f: {  	s18 =	sadd.s32 s23, s2;
	s1 =	sadd.s32 s9, s24;
	s5 =	sshrl.u32 s26, $0x3  }
0x40: {  	[smem:$0x7D5] =	sst s1;
	s1 =	sadd.s32 s9, s5;
	s5 =	sshrl.u32 s6, $0x3  }
0x41: {  	[smem:$0x7F2] =	sst s18;
	s26 =	sadd.s32 $0xED80, s4;
	s6 =	sadd.s32 s9, s5  }
0x42: {  	s28 =	sadd.s32 s15, s26;
	[smem:$0x7D7] =	sst s6;
	s6 =	sadd.s32 $0xFA00, s4  }
0x43: {  	[smem:$0x7D6] =	sst s1;
	s28 =	sshrl.u32 s28, $0x3;
	s30 =	sadd.s32 s15, s6  }
0x44: {  	s24 =	sadd.s32 s9, s28;
	s28 =	sshrl.u32 s30, $0x3;
	s30 =	sadd.s32 s15, s29  }
0x45: {  	[smem:$0x7D8] =	sst s24;
	s1 =	sadd.s32 s9, s28;
	s28 =	sshrl.u32 s30, $0x3  }
0x46: {  	s30 =	sadd.s32 s15, s31;
	[smem:$0x7D9] =	sst s1;
	s5 =	sadd.s32 s9, s28  }
0x47: {  	s28 =	sadd.s32 s22, s2;
	s22 =	sadd.s32 s31, s2;
	[smem:$0x7DA] =	sst s5  }
0x48: {  	s30 =	sshrl.u32 s30, $0x3;
	[smem:$0x7F6] =	sst s22  }
0x49: {  	s5 =	sadd.s32 $0x11F80, s4;
	s30 =	sadd.s32 s9, s30;
	[smem:$0x7FC] =	sst s28  }
0x4a: {  	s24 =	sadd.s32 s15, s5;
	[smem:$0x7DB] =	sst s30;
	s23 =	sadd.s32 s5, s2  }
0x4b: {  	s0 =	sshrl.u32 s24, $0x3;
	s24 =	simm.s32 $0xC30;
	[smem:$0x7F7] =	sst s23  }
0x4c: {  	s1 =	sadd.s32 $0x12C00, s4;
	[smem:$0x7DE] =	sst s24  }
0x4d: {  	s15 =	sadd.s32 s15, s1;
	s0 =	sadd.s32 s9, s0;
	s24 =	rddreg [dreg:$0x0]  }
0x4e: {  	s15 =	sshrl.u32 s15, $0x3;
	[smem:$0x7DC] =	sst s0  }
0x4f: {  	s0 =	sadd.s32 s9, s15;
	s30 =	sadd.s32 $0x14E00, s24;
	s24 =	sld [smem:$0x7E3]  }
0x50: {  	s15 =	simm.s32 $0x4B0;
	[smem:$0x7DD] =	sst s0  }
0x51: {  	s8 =	simm.s32 $0xD20;
	s9 =	sadd.s32 s4, s2;
	[smem:$0x7DF] =	sst s15  }
0x52: {  	s11 =	simm.s32 $0x5F0;
	s14 =	simm.s32 $0xE10;
	[smem:$0x7E0] =	sst s9  }
0x53: {  	s18 =	simm.s32 $0xEB0;
	s4 =	sadd.s32 s10, s2;
	s15 =	sld [smem:$0x7E1]  }
0x54: {  	s31 =	simm.s32 $0x50;
	s10 =	sadd.s32 s13, s2;
	[smem:$0x7E7] =	sst s4  }
0x55: {  	s22 =	simm.s32 $0xF50;
	s13 =	sadd.s32 s17, s2;
	[smem:$0x7EA] =	sst s10  }
0x56: {  	s5 =	simm.s32 $0x500;
	s17 =	sadd.s32 s21, s2;
	[smem:$0x7ED] =	sst s13  }
0x57: {  	s23 =	simm.s32 $0x37A0;
	s21 =	sadd.s32 s29, s2;
	[smem:$0x7F1] =	sst s17  }
0x58: {  	s29 =	simm.s32 $0x2;
	s9 =	sadd.s32 s12, s2;
	[smem:$0x7F5] =	sst s21  }
0x59: {  	s12 =	sadd.s32 s16, s2;
	s16 =	sadd.s32 s20, s2;
	[smem:$0x7E9] =	sst s9  }
0x5a: {  	s20 =	sadd.s32 s6, s2;
	s4 =	simm.s32 $0xC80;
	[smem:$0x7EC] =	sst s12  }
0x5b: {  	s6 =	simm.s32 $0xCD0;
	s10 =	simm.s32 $0xD70;
	[smem:$0x7F0] =	sst s16  }
0x5c: {  	s13 =	simm.s32 $0x640;
	[smem:$0x7F4] =	sst s20;
	s0 =	sadd.s32 s15, s2  }
0x5d: {  	s15 =	sadd.s32 s19, s2;
	s19 =	sadd.s32 s26, s2;
	s26 =	sld [smem:$0x7F9]  }
0x5e: {  	s17 =	simm.s32 $0x6E0;
	s21 =	simm.s32 $0x780;
	[smem:$0x7E2] =	sst s0  }
0x5f: {  	s9 =	simm.s32 $0x5A0;
	s12 =	simm.s32 $0xDC0;
	[smem:$0x7EF] =	sst s15  }
0x60: {  	s16 =	simm.s32 $0xE60;
	s0 =	sadd.s32 s24, s2;
	[smem:$0x7F3] =	sst s19  }
0x61: {  	s20 =	simm.s32 $0xF00;
	s24 =	sadd.s32 s1, s2;
	[smem:$0x7E4] =	sst s0  }
0x62: {  	s1 =	simm.s32 $0x1;
	s0 =	sadd.s32 s25, s2;
	[smem:$0x7F8] =	sst s24  }
0x63: {  	s15 =	simm.s32 $0x690;
	s24 =	simm.s32 $0x0;
	[smem:$0x7E5] =	sst s0  }
0x64: {  	s19 =	simm.s32 $0x730;
	s25 =	sadd.s32 s7, s2;
	[smem:$0x7FB] =	sst s24  }
0x65: {  	s7 =	simm.s32 $0x550;
	s0 =	smax.u32 s26, $0x1;
	[smem:$0x7FD] =	sst s25  }
0x66: {  	v0 =	vimm.f32 $0.0e+00;
	s26 =	simm.s32 $0x7D0;
	[smem:$0x7FA] =	sst s0;
	s0 =	simm.s32 $0xFA0  }
.LBB2_1:
0x67: {  	[tilespmem:$0x37A0] =	vst v0  }
0x68: {  	[tilespmem:$0x37B0] =	vst v0  }
0x69: {  	[tilespmem:$0x37C0] =	vst v0  }
0x6a: {  	[tilespmem:$0x37D0] =	vst v0  }
0x6b: {  	[tilespmem:$0x37E0] =	vst v0  }
0x6c: {  	[tilespmem:$0x37F0] =	vst v0  }
0x6d: {  	[tilespmem:$0x3800] =	vst v0  }
0x6e: {  	[tilespmem:$0x3810] =	vst v0  }
0x6f: {  	[tilespmem:$0x3820] =	vst v0  }
0x70: {  	[tilespmem:$0x3830] =	vst v0  }
0x71: {  	[tilespmem:$0x3840] =	vst v0  }
0x72: {  	[tilespmem:$0x3850] =	vst v0  }
0x73: {  	[tilespmem:$0x3860] =	vst v0  }
0x74: {  	[tilespmem:$0x3870] =	vst v0  }
0x75: {  	[tilespmem:$0x3880] =	vst v0  }
0x76: {  	[tilespmem:$0x3890] =	vst v0  }
0x77: {  	[tilespmem:$0x38A0] =	vst v0  }
0x78: {  	[tilespmem:$0x38B0] =	vst v0  }
0x79: {  	[tilespmem:$0x38C0] =	vst v0  }
0x7a: {  	[tilespmem:$0x38D0] =	vst v0  }
0x7b: {  	[tilespmem:$0x38E0] =	vst v0  }
0x7c: {  	[tilespmem:$0x38F0] =	vst v0  }
0x7d: {  	[tilespmem:$0x3900] =	vst v0  }
0x7e: {  	[tilespmem:$0x3910] =	vst v0  }
0x7f: {  	[tilespmem:$0x3920] =	vst v0  }
0x80: {  	[tilespmem:$0x3930] =	vst v0  }
0x81: {  	[tilespmem:$0x3940] =	vst v0  }
0x82: {  	[tilespmem:$0x3950] =	vst v0  }
0x83: {  	[tilespmem:$0x3960] =	vst v0  }
0x84: {  	[tilespmem:$0x3970] =	vst v0  }
0x85: {  	[tilespmem:$0x3980] =	vst v0  }
0x86: {  	[tilespmem:$0x3990] =	vst v0  }
0x87: {  	[tilespmem:$0x39A0] =	vst v0  }
0x88: {  	[tilespmem:$0x39B0] =	vst v0  }
0x89: {  	[tilespmem:$0x39C0] =	vst v0  }
0x8a: {  	[tilespmem:$0x39D0] =	vst v0  }
0x8b: {  	[tilespmem:$0x39E0] =	vst v0  }
0x8c: {  	[tilespmem:$0x39F0] =	vst v0  }
0x8d: {  	[tilespmem:$0x3A00] =	vst v0  }
0x8e: {  	[tilespmem:$0x3A10] =	vst v0  }
0x8f: {  	[tilespmem:$0x3A20] =	vst v0  }
0x90: {  	[tilespmem:$0x3A30] =	vst v0  }
0x91: {  	[tilespmem:$0x3A40] =	vst v0  }
0x92: {  	[tilespmem:$0x3A50] =	vst v0  }
0x93: {  	[tilespmem:$0x3A60] =	vst v0  }
0x94: {  	[tilespmem:$0x3A70] =	vst v0  }
0x95: {  	[tilespmem:$0x3A80] =	vst v0  }
0x96: {  	[tilespmem:$0x3A90] =	vst v0  }
0x97: {  	[tilespmem:$0x3AA0] =	vst v0  }
0x98: {  	[tilespmem:$0x3AB0] =	vst v0  }
0x99: {  	[tilespmem:$0x3AC0] =	vst v0  }
0x9a: {  	[tilespmem:$0x3AD0] =	vst v0  }
0x9b: {  	[tilespmem:$0x3AE0] =	vst v0  }
0x9c: {  	[tilespmem:$0x3AF0] =	vst v0  }
0x9d: {  	[tilespmem:$0x3B00] =	vst v0  }
0x9e: {  	[tilespmem:$0x3B10] =	vst v0  }
0x9f: {  	[tilespmem:$0x3B20] =	vst v0  }
0xa0: {  	[tilespmem:$0x3B30] =	vst v0  }
0xa1: {  	[tilespmem:$0x3B40] =	vst v0  }
0xa2: {  	[tilespmem:$0x3B50] =	vst v0  }
0xa3: {  	[tilespmem:$0x3B60] =	vst v0  }
0xa4: {  	[tilespmem:$0x3B70] =	vst v0  }
0xa5: {  	[tilespmem:$0x3B80] =	vst v0  }
0xa6: {  	[tilespmem:$0x3B90] =	vst v0  }
0xa7: {  	[tilespmem:$0x3BA0] =	vst v0  }
0xa8: {  	[tilespmem:$0x3BB0] =	vst v0  }
0xa9: {  	[tilespmem:$0x3BC0] =	vst v0  }
0xaa: {  	[tilespmem:$0x3BD0] =	vst v0  }
0xab: {  	[tilespmem:$0x3BE0] =	vst v0  }
0xac: {  	[tilespmem:$0x3BF0] =	vst v0  }
0xad: {  	[tilespmem:$0x3C00] =	vst v0  }
0xae: {  	[tilespmem:$0x3C10] =	vst v0  }
0xaf: {  	[tilespmem:$0x3C20] =	vst v0  }
0xb0: {  	[tilespmem:$0x3C30] =	vst v0  }
0xb1: {  	[tilespmem:$0x3C40] =	vst v0  }
0xb2: {  	[tilespmem:$0x3C50] =	vst v0  }
0xb3: {  	[tilespmem:$0x3C60] =	vst v0  }
0xb4: {  	[tilespmem:$0x3C70] =	vst v0  }
0xb5: {  	[tilespmem:$0x3C80] =	vst v0  }
0xb6: {  	[tilespmem:$0x3C90] =	vst v0  }
0xb7: {  	[tilespmem:$0x3CA0] =	vst v0  }
0xb8: {  	[tilespmem:$0x3CB0] =	vst v0  }
0xb9: {  	[tilespmem:$0x3CC0] =	vst v0  }
0xba: {  	[tilespmem:$0x3CD0] =	vst v0  }
0xbb: {  	[tilespmem:$0x3CE0] =	vst v0  }
0xbc: {  	[tilespmem:$0x3CF0] =	vst v0  }
0xbd: {  	[tilespmem:$0x3D00] =	vst v0  }
0xbe: {  	[tilespmem:$0x3D10] =	vst v0  }
0xbf: {  	[tilespmem:$0x3D20] =	vst v0  }
0xc0: {  	[tilespmem:$0x3D30] =	vst v0  }
0xc1: {  	[tilespmem:$0x3D40] =	vst v0  }
0xc2: {  	[tilespmem:$0x3D50] =	vst v0  }
0xc3: {  	[tilespmem:$0x3D60] =	vst v0  }
0xc4: {  	[tilespmem:$0x3D70] =	vst v0  }
0xc5: {  	[tilespmem:$0x3D80] =	vst v0  }
0xc6: {  	[tilespmem:$0x3D90] =	vst v0  }
0xc7: {  	[tilespmem:$0x3DA0] =	vst v0  }
0xc8: {  	[tilespmem:$0x3DB0] =	vst v0  }
0xc9: {  	[tilespmem:$0x3DC0] =	vst v0  }
0xca: {  	[tilespmem:$0x3DD0] =	vst v0  }
0xcb: {  	[tilespmem:$0x3DE0] =	vst v0  }
0xcc: {  	[tilespmem:$0x3DF0] =	vst v0  }
0xcd: {  	[tilespmem:$0x3E00] =	vst v0  }
0xce: {  	[tilespmem:$0x3E10] =	vst v0  }
0xcf: {  	[tilespmem:$0x3E20] =	vst v0  }
0xd0: {  	[tilespmem:$0x3E30] =	vst v0  }
0xd1: {  	[tilespmem:$0x3E40] =	vst v0  }
0xd2: {  	[tilespmem:$0x3E50] =	vst v0  }
0xd3: {  	[tilespmem:$0x3E60] =	vst v0  }
0xd4: {  	[tilespmem:$0x3E70] =	vst v0  }
0xd5: {  	[tilespmem:$0x3E80] =	vst v0  }
0xd6: {  	[tilespmem:$0x3E90] =	vst v0  }
0xd7: {  	[tilespmem:$0x3EA0] =	vst v0  }
0xd8: {  	[tilespmem:$0x3EB0] =	vst v0  }
0xd9: {  	[tilespmem:$0x3EC0] =	vst v0  }
0xda: {  	[tilespmem:$0x3ED0] =	vst v0  }
0xdb: {  	[tilespmem:$0x3EE0] =	vst v0  }
0xdc: {  	[tilespmem:$0x3EF0] =	vst v0  }
0xdd: {  	[tilespmem:$0x3F00] =	vst v0  }
0xde: {  	[tilespmem:$0x3F10] =	vst v0  }
0xdf: {  	[tilespmem:$0x3F20] =	vst v0  }
0xe0: {  	[tilespmem:$0x3F30] =	vst v0  }
0xe1: {  	[tilespmem:$0x3F40] =	vst v0  }
0xe2: {  	[tilespmem:$0x3F50] =	vst v0  }
0xe3: {  	[tilespmem:$0x3F60] =	vst v0  }
0xe4: {  	[tilespmem:$0x3F70] =	vst v0  }
0xe5: {  	[tilespmem:$0x3F80] =	vst v0  }
0xe6: {  	[tilespmem:$0x3F90] =	vst v0  }
0xe7: {  	[tilespmem:$0x3FA0] =	vst v0  }
0xe8: {  	[tilespmem:$0x3FB0] =	vst v0  }
0xe9: {  	[tilespmem:$0x3FC0] =	vst v0  }
0xea: {  	[tilespmem:$0x3FD0] =	vst v0  }
0xeb: {  	[tilespmem:$0x3FE0] =	vst v0  }
0xec: {  	[tilespmem:$0x3FF0] =	vst v0  }
0xed: {  	[tilespmem:$0x4000] =	vst v0  }
0xee: {  	[tilespmem:$0x4010] =	vst v0  }
0xef: {  	[tilespmem:$0x4020] =	vst v0  }
0xf0: {  	[tilespmem:$0x4030] =	vst v0  }
0xf1: {  	[tilespmem:$0x4040] =	vst v0  }
0xf2: {  	[tilespmem:$0x4050] =	vst v0  }
0xf3: {  	[tilespmem:$0x4060] =	vst v0  }
0xf4: {  	[tilespmem:$0x4070] =	vst v0  }
0xf5: {  	[tilespmem:$0x4080] =	vst v0  }
0xf6: {  	[tilespmem:$0x4090] =	vst v0  }
0xf7: {  	[tilespmem:$0x40A0] =	vst v0  }
0xf8: {  	[tilespmem:$0x40B0] =	vst v0  }
0xf9: {  	[tilespmem:$0x40C0] =	vst v0  }
0xfa: {  	[tilespmem:$0x40D0] =	vst v0  }
0xfb: {  	[tilespmem:$0x40E0] =	vst v0  }
0xfc: {  	[tilespmem:$0x40F0] =	vst v0  }
0xfd: {  	[tilespmem:$0x4100] =	vst v0  }
0xfe: {  	[tilespmem:$0x4110] =	vst v0  }
0xff: {  	[tilespmem:$0x4120] =	vst v0  }
0x100: {  	[tilespmem:$0x4130] =	vst v0  }
0x101: {  	[tilespmem:$0x4140] =	vst v0  }
0x102: {  	[tilespmem:$0x4150] =	vst v0  }
0x103: {  	[tilespmem:$0x4160] =	vst v0  }
0x104: {  	[tilespmem:$0x4170] =	vst v0  }
0x105: {  	[tilespmem:$0x4180] =	vst v0  }
0x106: {  	[tilespmem:$0x4190] =	vst v0  }
0x107: {  	[tilespmem:$0x41A0] =	vst v0  }
0x108: {  	[tilespmem:$0x41B0] =	vst v0  }
0x109: {  	[tilespmem:$0x41C0] =	vst v0  }
0x10a: {  	[tilespmem:$0x41D0] =	vst v0  }
0x10b: {  	[tilespmem:$0x41E0] =	vst v0  }
0x10c: {  	[tilespmem:$0x41F0] =	vst v0  }
0x10d: {  	[tilespmem:$0x4200] =	vst v0  }
0x10e: {  	[tilespmem:$0x4210] =	vst v0  }
0x10f: {  	[tilespmem:$0x4220] =	vst v0  }
0x110: {  	[tilespmem:$0x4230] =	vst v0  }
0x111: {  	[tilespmem:$0x4240] =	vst v0  }
0x112: {  	[tilespmem:$0x4250] =	vst v0  }
0x113: {  	[tilespmem:$0x4260] =	vst v0  }
0x114: {  	[tilespmem:$0x4270] =	vst v0  }
0x115: {  	[tilespmem:$0x4280] =	vst v0  }
0x116: {  	[tilespmem:$0x4290] =	vst v0  }
0x117: {  	[tilespmem:$0x42A0] =	vst v0  }
0x118: {  	[tilespmem:$0x42B0] =	vst v0  }
0x119: {  	[tilespmem:$0x42C0] =	vst v0  }
0x11a: {  	[tilespmem:$0x42D0] =	vst v0  }
0x11b: {  	[tilespmem:$0x42E0] =	vst v0  }
0x11c: {  	[tilespmem:$0x42F0] =	vst v0  }
0x11d: {  	[tilespmem:$0x4300] =	vst v0  }
0x11e: {  	[tilespmem:$0x4310] =	vst v0  }
0x11f: {  	[tilespmem:$0x4320] =	vst v0  }
0x120: {  	[tilespmem:$0x4330] =	vst v0  }
0x121: {  	[tilespmem:$0x4340] =	vst v0  }
0x122: {  	[tilespmem:$0x4350] =	vst v0  }
0x123: {  	[tilespmem:$0x4360] =	vst v0  }
0x124: {  	[tilespmem:$0x4370] =	vst v0  }
0x125: {  	[tilespmem:$0x4380] =	vst v0  }
0x126: {  	[tilespmem:$0x4390] =	vst v0  }
0x127: {  	[tilespmem:$0x43A0] =	vst v0  }
0x128: {  	[tilespmem:$0x43B0] =	vst v0  }
0x129: {  	[tilespmem:$0x43C0] =	vst v0  }
0x12a: {  	[tilespmem:$0x43D0] =	vst v0  }
0x12b: {  	[tilespmem:$0x43E0] =	vst v0  }
0x12c: {  	[tilespmem:$0x43F0] =	vst v0;
	s24 =	sld [smem:$0x7E0]  }
0x12d: {  	[tilespmem:$0x4400] =	vst v0  }
0x12e: {  	[tilespmem:$0x4410] =	vst v0  }
0x12f: {  	[spmem:s24] =	stream.linear.scatter [tilespmem:s23], [sflag:$0x2], $0xC80, $0x38;
	[tilespmem:$0x17CA0] =	vst v63  }
0x130: {  	_ =	swait.ge [sflag:s29], $0xC80  }
0x131: {  	s24 =	sld [smem:$0x7E2]  }
0x132: {  	[sflag:s29] =	ssyncset.done $0x0  }
0x133: {  	[sflag:s29] =	ssyncadd.s32 $0xFFFFF380  }
0x134: {  	[spmem:s24] =	stream.linear.scatter [tilespmem:s23], [sflag:$0x2], $0xC80, $0x38;
	[tilespmem:$0x17CA0] =	vst v63  }
0x135: {  	_ =	swait.ge [sflag:s29], $0xC80  }
0x136: {  	s24 =	sld [smem:$0x7E4]  }
0x137: {  	[sflag:s29] =	ssyncset.done $0x0  }
0x138: {  	[sflag:s29] =	ssyncadd.s32 $0xFFFFF380  }
0x139: {  	[spmem:s24] =	stream.linear.scatter [tilespmem:s23], [sflag:$0x2], $0xC80, $0x38;
	[tilespmem:$0x17CA0] =	vst v63  }
0x13a: {  	_ =	swait.ge [sflag:s29], $0xC80  }
0x13b: {  	s24 =	sld [smem:$0x7E5]  }
0x13c: {  	[sflag:s29] =	ssyncset.done $0x0  }
0x13d: {  	[sflag:s29] =	ssyncadd.s32 $0xFFFFF380  }
0x13e: {  	[spmem:s24] =	stream.linear.scatter [tilespmem:s23], [sflag:$0x2], $0xC80, $0x38;
	[tilespmem:$0x17CA0] =	vst v63  }
0x13f: {  	_ =	swait.ge [sflag:s29], $0xC80  }
0x140: {  	s24 =	sld [smem:$0x7E6]  }
0x141: {  	[sflag:s29] =	ssyncset.done $0x0  }
0x142: {  	[sflag:s29] =	ssyncadd.s32 $0xFFFFF380  }
0x143: {  	[spmem:s24] =	stream.linear.scatter [tilespmem:s23], [sflag:$0x2], $0xC80, $0x38;
	[tilespmem:$0x17CA0] =	vst v63  }
0x144: {  	_ =	swait.ge [sflag:s29], $0xC80  }
0x145: {  	s24 =	sld [smem:$0x7E7]  }
0x146: {  	[sflag:s29] =	ssyncset.done $0x0  }
0x147: {  	[sflag:s29] =	ssyncadd.s32 $0xFFFFF380  }
0x148: {  	[spmem:s24] =	stream.linear.scatter [tilespmem:s23], [sflag:$0x2], $0xC80, $0x38;
	[tilespmem:$0x17CA0] =	vst v63  }
0x149: {  	_ =	swait.ge [sflag:s29], $0xC80  }
0x14a: {  	s24 =	sld [smem:$0x7E8]  }
0x14b: {  	[sflag:s29] =	ssyncset.done $0x0  }
0x14c: {  	[sflag:s29] =	ssyncadd.s32 $0xFFFFF380  }
0x14d: {  	[spmem:s24] =	stream.linear.scatter [tilespmem:s23], [sflag:$0x2], $0xC80, $0x38;
	[tilespmem:$0x17CA0] =	vst v63  }
0x14e: {  	_ =	swait.ge [sflag:s29], $0xC80  }
0x14f: {  	s24 =	sld [smem:$0x7E9]  }
0x150: {  	[sflag:s29] =	ssyncset.done $0x0  }
0x151: {  	[sflag:s29] =	ssyncadd.s32 $0xFFFFF380  }
0x152: {  	[spmem:s24] =	stream.linear.scatter [tilespmem:s23], [sflag:$0x2], $0xC80, $0x38;
	[tilespmem:$0x17CA0] =	vst v63  }
0x153: {  	_ =	swait.ge [sflag:s29], $0xC80  }
0x154: {  	s24 =	sld [smem:$0x7EA]  }
0x155: {  	[sflag:s29] =	ssyncset.done $0x0  }
0x156: {  	[sflag:s29] =	ssyncadd.s32 $0xFFFFF380  }
0x157: {  	[spmem:s24] =	stream.linear.scatter [tilespmem:s23], [sflag:$0x2], $0xC80, $0x38;
	[tilespmem:$0x17CA0] =	vst v63  }
0x158: {  	_ =	swait.ge [sflag:s29], $0xC80  }
0x159: {  	s24 =	sld [smem:$0x7EB]  }
0x15a: {  	[sflag:s29] =	ssyncset.done $0x0  }
0x15b: {  	[sflag:s29] =	ssyncadd.s32 $0xFFFFF380  }
0x15c: {  	[spmem:s24] =	stream.linear.scatter [tilespmem:s23], [sflag:$0x2], $0xC80, $0x38;
	[tilespmem:$0x17CA0] =	vst v63  }
0x15d: {  	_ =	swait.ge [sflag:s29], $0xC80  }
0x15e: {  	s24 =	sld [smem:$0x7EC]  }
0x15f: {  	[sflag:s29] =	ssyncset.done $0x0  }
0x160: {  	[sflag:s29] =	ssyncadd.s32 $0xFFFFF380  }
0x161: {  	[spmem:s24] =	stream.linear.scatter [tilespmem:s23], [sflag:$0x2], $0xC80, $0x38;
	[tilespmem:$0x17CA0] =	vst v63  }
0x162: {  	_ =	swait.ge [sflag:s29], $0xC80  }
0x163: {  	s24 =	sld [smem:$0x7ED]  }
0x164: {  	[sflag:s29] =	ssyncset.done $0x0  }
0x165: {  	[sflag:s29] =	ssyncadd.s32 $0xFFFFF380  }
0x166: {  	[spmem:s24] =	stream.linear.scatter [tilespmem:s23], [sflag:$0x2], $0xC80, $0x38;
	[tilespmem:$0x17CA0] =	vst v63  }
0x167: {  	_ =	swait.ge [sflag:s29], $0xC80  }
0x168: {  	s24 =	sld [smem:$0x7EE]  }
0x169: {  	[sflag:s29] =	ssyncset.done $0x0  }
0x16a: {  	[sflag:s29] =	ssyncadd.s32 $0xFFFFF380  }
0x16b: {  	[spmem:s24] =	stream.linear.scatter [tilespmem:s23], [sflag:$0x2], $0xC80, $0x38;
	[tilespmem:$0x17CA0] =	vst v63  }
0x16c: {  	_ =	swait.ge [sflag:s29], $0xC80  }
0x16d: {  	s24 =	sld [smem:$0x7EF]  }
0x16e: {  	[sflag:s29] =	ssyncset.done $0x0  }
0x16f: {  	[sflag:s29] =	ssyncadd.s32 $0xFFFFF380  }
0x170: {  	[spmem:s24] =	stream.linear.scatter [tilespmem:s23], [sflag:$0x2], $0xC80, $0x38;
	[tilespmem:$0x17CA0] =	vst v63  }
0x171: {  	_ =	swait.ge [sflag:s29], $0xC80  }
0x172: {  	s24 =	sld [smem:$0x7F0]  }
0x173: {  	[sflag:s29] =	ssyncset.done $0x0  }
0x174: {  	[sflag:s29] =	ssyncadd.s32 $0xFFFFF380  }
0x175: {  	[spmem:s24] =	stream.linear.scatter [tilespmem:s23], [sflag:$0x2], $0xC80, $0x38;
	[tilespmem:$0x17CA0] =	vst v63  }
0x176: {  	_ =	swait.ge [sflag:s29], $0xC80  }
0x177: {  	s24 =	sld [smem:$0x7F1]  }
0x178: {  	[sflag:s29] =	ssyncset.done $0x0  }
0x179: {  	[sflag:s29] =	ssyncadd.s32 $0xFFFFF380  }
0x17a: {  	[spmem:s24] =	stream.linear.scatter [tilespmem:s23], [sflag:$0x2], $0xC80, $0x38;
	[tilespmem:$0x17CA0] =	vst v63  }
0x17b: {  	_ =	swait.ge [sflag:s29], $0xC80  }
0x17c: {  	s24 =	sld [smem:$0x7F2]  }
0x17d: {  	[sflag:s29] =	ssyncset.done $0x0  }
0x17e: {  	[sflag:s29] =	ssyncadd.s32 $0xFFFFF380  }
0x17f: {  	[spmem:s24] =	stream.linear.scatter [tilespmem:s23], [sflag:$0x2], $0xC80, $0x38;
	[tilespmem:$0x17CA0] =	vst v63  }
0x180: {  	_ =	swait.ge [sflag:s29], $0xC80  }
0x181: {  	[sflag:s29] =	ssyncset.done $0x0  }
0x182: {  	[sflag:s29] =	ssyncadd.s32 $0xFFFFF380  }
0x183: {  	[spmem:s28] =	stream.linear.scatter [tilespmem:s23], [sflag:$0x2], $0xC80, $0x38;
	[tilespmem:$0x17CA0] =	vst v63  }
0x184: {  	_ =	swait.ge [sflag:s29], $0xC80  }
0x185: {  	[sflag:s29] =	ssyncset.done $0x0  }
0x186: {  	[sflag:s29] =	ssyncadd.s32 $0xFFFFF380  }
0x187: {  	[spmem:s25] =	stream.linear.scatter [tilespmem:s23], [sflag:$0x2], $0xC80, $0x38;
	[tilespmem:$0x17CA0] =	vst v63  }
0x188: {  	_ =	swait.ge [sflag:s29], $0xC80  }
0x189: {  	s25 =	sld [smem:$0x7F3]  }
0x18a: {  	[sflag:s29] =	ssyncset.done $0x0  }
0x18b: {  	[sflag:s29] =	ssyncadd.s32 $0xFFFFF380  }
0x18c: {  	[spmem:s25] =	stream.linear.scatter [tilespmem:s23], [sflag:$0x2], $0xC80, $0x38;
	[tilespmem:$0x17CA0] =	vst v63  }
0x18d: {  	_ =	swait.ge [sflag:s29], $0xC80  }
0x18e: {  	s28 =	sld [smem:$0x7F4]  }
0x18f: {  	[sflag:s29] =	ssyncset.done $0x0  }
0x190: {  	[sflag:s29] =	ssyncadd.s32 $0xFFFFF380  }
0x191: {  	[spmem:s28] =	stream.linear.scatter [tilespmem:s23], [sflag:$0x2], $0xC80, $0x38;
	[tilespmem:$0x17CA0] =	vst v63  }
0x192: {  	_ =	swait.ge [sflag:s29], $0xC80  }
0x193: {  	s25 =	sld [smem:$0x7F5]  }
0x194: {  	[sflag:s29] =	ssyncset.done $0x0  }
0x195: {  	[sflag:s29] =	ssyncadd.s32 $0xFFFFF380  }
0x196: {  	[spmem:s25] =	stream.linear.scatter [tilespmem:s23], [sflag:$0x2], $0xC80, $0x38;
	[tilespmem:$0x17CA0] =	vst v63  }
0x197: {  	_ =	swait.ge [sflag:s29], $0xC80  }
0x198: {  	s28 =	sld [smem:$0x7F6]  }
0x199: {  	[sflag:s29] =	ssyncset.done $0x0  }
0x19a: {  	[sflag:s29] =	ssyncadd.s32 $0xFFFFF380  }
0x19b: {  	[spmem:s28] =	stream.linear.scatter [tilespmem:s23], [sflag:$0x2], $0xC80, $0x38;
	[tilespmem:$0x17CA0] =	vst v63  }
0x19c: {  	_ =	swait.ge [sflag:s29], $0xC80  }
0x19d: {  	s25 =	sld [smem:$0x7F7]  }
0x19e: {  	[sflag:s29] =	ssyncset.done $0x0  }
0x19f: {  	[sflag:s29] =	ssyncadd.s32 $0xFFFFF380  }
0x1a0: {  	[spmem:s25] =	stream.linear.scatter [tilespmem:s23], [sflag:$0x2], $0xC80, $0x38;
	[tilespmem:$0x17CA0] =	vst v63  }
0x1a1: {  	_ =	swait.ge [sflag:s29], $0xC80  }
0x1a2: {  	s28 =	sld [smem:$0x7F8]  }
0x1a3: {  	[sflag:s29] =	ssyncset.done $0x0  }
0x1a4: {  	[sflag:s29] =	ssyncadd.s32 $0xFFFFF380  }
0x1a5: {  	[spmem:s28] =	stream.linear.scatter [tilespmem:s23], [sflag:$0x2], $0xC80, $0x38;
	[tilespmem:$0x17CA0] =	vst v63  }
0x1a6: {  	_ =	swait.ge [sflag:s29], $0xC80  }
0x1a7: {  	[sflag:s29] =	ssyncset.done $0x0  }
0x1a8: {  	[sflag:s29] =	ssyncadd.s32 $0xFFFFF380  }
0x1a9: {  	[bflag:$0x0] =	sbarrier.arrive $0xFFFF  }
0x1aa: {  	s24 =	rddreg [dreg:$0x5]  }
0x1ab: {  	s23 =	sadd.s32 $0x0, s24  }
0x1ac: {  	[tilespmem:s3], [sflag:$0x2] =	stream.linear.gather [hbm4b:s23+s3], $0x7D0, $0x38;
	[tilespmem:$0x17CA0] =	vst v63  }
0x1ad: {  	_ =	swait.ge [sflag:s29], $0x7D0  }
0x1ae: {  	s25 =	rddreg [dreg:$0x4];
	[sflag:s29] =	ssyncset.done $0x0  }
0x1af: {  	[sflag:s29] =	ssyncadd.s32 $0xFFFFF830;
	s23 =	sadd.s32 $0x0, s25  }
0x1b0: {  	[tilespmem:s26], [sflag:$0x2] =	stream.linear.gather [hbm4b:s23+s3], $0x7D0, $0x38;
	[tilespmem:$0x17CA0] =	vst v63  }
0x1b1: {  	_ =	swait.ge [sflag:s29], $0x7D0  }
0x1b2: {  	[sflag:s29] =	ssyncset.done $0x0  }
0x1b3: {  	[sflag:s29] =	ssyncadd.s32 $0xFFFFF830  }
0x1b4: {  	[tilespmem:s0], [sflag:$0x1] =	stream.indirect.gather [hbm4b:s30+s31], $0x80, s3, s31, $0xb8;
	[tilespmem:$0x17CA0] =	vst v63  }
0x1b5: {  	_ =	swait.ge [sflag:s1], $0x2800  }
0x1b6: {  	[sflag:s1] =	ssyncset.done $0x0  }
0x1b7: {  	[sflag:s1] =	ssyncadd.s32 $0xFFFFD800  }
0x1b8: {  	[spmem:s2] =	stream.indirect.scatter.add.f32 [tilespmem:s0], [sflag:$0x2], $0x80, s26, s31, $0xb8;
	[tilespmem:$0x17CA0] =	vst v63  }
0x1b9: {  	_ =	swait.ge [sflag:s29], $0x2800  }
0x1ba: {  	[sflag:s29] =	ssyncset.done $0x0  }
0x1bb: {  	[sflag:s29] =	ssyncadd.s32 $0xFFFFD800  }
0x1bc: {  	[tilespmem:s0], [sflag:$0x1] =	stream.indirect.gather [hbm4b:s30+s31], $0x80, s31, s31, $0xb8;
	[tilespmem:$0x17CA0] =	vst v63  }
0x1bd: {  	_ =	swait.ge [sflag:s1], $0x2800  }
0x1be: {  	[sflag:s1] =	ssyncset.done $0x0  }
0x1bf: {  	s28 =	rddreg [dreg:$0x6];
	[sflag:s1] =	ssyncadd.s32 $0xFFFFD800  }
0x1c0: {  	[spmem:s2] =	stream.indirect.scatter.add.f32 [tilespmem:s0], [sflag:$0x2], $0x80, s28, s31, $0xb8;
	[tilespmem:$0x17CA0] =	vst v63  }
0x1c1: {  	_ =	swait.ge [sflag:s29], $0x2800  }
0x1c2: {  	[sflag:s29] =	ssyncset.done $0x0  }
0x1c3: {  	s24 =	rddreg [dreg:$0x7];
	[sflag:s29] =	ssyncadd.s32 $0xFFFFD800  }
0x1c4: {  	[tilespmem:s0], [sflag:$0x1] =	stream.indirect.gather [hbm4b:s30+s31], $0x80, s24, s31, $0xb8;
	[tilespmem:$0x17CA0] =	vst v63  }
0x1c5: {  	_ =	swait.ge [sflag:s1], $0x2800  }
0x1c6: {  	[sflag:s1] =	ssyncset.done $0x0  }
0x1c7: {  	s25 =	rddreg [dreg:$0x8];
	[sflag:s1] =	ssyncadd.s32 $0xFFFFD800  }
0x1c8: {  	[spmem:s2] =	stream.indirect.scatter.add.f32 [tilespmem:s0], [sflag:$0x2], $0x80, s25, s31, $0xb8;
	[tilespmem:$0x17CA0] =	vst v63  }
0x1c9: {  	_ =	swait.ge [sflag:s29], $0x2800  }
0x1ca: {  	[sflag:s29] =	ssyncset.done $0x0  }
0x1cb: {  	s28 =	rddreg [dreg:$0x9];
	[sflag:s29] =	ssyncadd.s32 $0xFFFFD800  }
0x1cc: {  	[tilespmem:s0], [sflag:$0x1] =	stream.indirect.gather [hbm4b:s30+s31], $0x80, s28, s31, $0xb8;
	[tilespmem:$0x17CA0] =	vst v63  }
0x1cd: {  	_ =	swait.ge [sflag:s1], $0x2800  }
0x1ce: {  	[sflag:s1] =	ssyncset.done $0x0  }
0x1cf: {  	s24 =	rddreg [dreg:$0xa];
	[sflag:s1] =	ssyncadd.s32 $0xFFFFD800  }
0x1d0: {  	[spmem:s2] =	stream.indirect.scatter.add.f32 [tilespmem:s0], [sflag:$0x2], $0x80, s24, s31, $0xb8;
	[tilespmem:$0x17CA0] =	vst v63  }
0x1d1: {  	_ =	swait.ge [sflag:s29], $0x2800  }
0x1d2: {  	[sflag:s29] =	ssyncset.done $0x0  }
0x1d3: {  	s25 =	rddreg [dreg:$0xb];
	[sflag:s29] =	ssyncadd.s32 $0xFFFFD800  }
0x1d4: {  	[tilespmem:s0], [sflag:$0x1] =	stream.indirect.gather [hbm4b:s30+s31], $0x80, s25, s31, $0xb8;
	[tilespmem:$0x17CA0] =	vst v63  }
0x1d5: {  	_ =	swait.ge [sflag:s1], $0x2800  }
0x1d6: {  	[sflag:s1] =	ssyncset.done $0x0  }
0x1d7: {  	s28 =	rddreg [dreg:$0xc];
	[sflag:s1] =	ssyncadd.s32 $0xFFFFD800  }
0x1d8: {  	[spmem:s2] =	stream.indirect.scatter.add.f32 [tilespmem:s0], [sflag:$0x2], $0x80, s28, s31, $0xb8;
	[tilespmem:$0x17CA0] =	vst v63  }
0x1d9: {  	_ =	swait.ge [sflag:s29], $0x2800  }
0x1da: {  	[sflag:s29] =	ssyncset.done $0x0  }
0x1db: {  	s24 =	rddreg [dreg:$0xd];
	[sflag:s29] =	ssyncadd.s32 $0xFFFFD800  }
0x1dc: {  	[tilespmem:s0], [sflag:$0x1] =	stream.indirect.gather [hbm4b:s30+s31], $0x80, s24, s31, $0xb8;
	[tilespmem:$0x17CA0] =	vst v63  }
0x1dd: {  	_ =	swait.ge [sflag:s1], $0x2800  }
0x1de: {  	[sflag:s1] =	ssyncset.done $0x0  }
0x1df: {  	s25 =	rddreg [dreg:$0xe];
	[sflag:s1] =	ssyncadd.s32 $0xFFFFD800  }
0x1e0: {  	[spmem:s2] =	stream.indirect.scatter.add.f32 [tilespmem:s0], [sflag:$0x2], $0x80, s25, s31, $0xb8;
	[tilespmem:$0x17CA0] =	vst v63  }
0x1e1: {  	_ =	swait.ge [sflag:s29], $0x2800  }
0x1e2: {  	[sflag:s29] =	ssyncset.done $0x0  }
0x1e3: {  	s28 =	rddreg [dreg:$0xf];
	[sflag:s29] =	ssyncadd.s32 $0xFFFFD800  }
0x1e4: {  	[tilespmem:s0], [sflag:$0x1] =	stream.indirect.gather [hbm4b:s30+s31], $0x80, s28, s31, $0xb8;
	[tilespmem:$0x17CA0] =	vst v63  }
0x1e5: {  	_ =	swait.ge [sflag:s1], $0x2800  }
0x1e6: {  	[sflag:s1] =	ssyncset.done $0x0  }
0x1e7: {  	s24 =	rddreg [dreg:$0x10];
	[sflag:s1] =	ssyncadd.s32 $0xFFFFD800  }
0x1e8: {  	[spmem:s2] =	stream.indirect.scatter.add.f32 [tilespmem:s0], [sflag:$0x2], $0x80, s24, s31, $0xb8;
	[tilespmem:$0x17CA0] =	vst v63  }
0x1e9: {  	_ =	swait.ge [sflag:s29], $0x2800  }
0x1ea: {  	[sflag:s29] =	ssyncset.done $0x0  }
0x1eb: {  	s25 =	rddreg [dreg:$0x11];
	[sflag:s29] =	ssyncadd.s32 $0xFFFFD800  }
0x1ec: {  	[tilespmem:s0], [sflag:$0x1] =	stream.indirect.gather [hbm4b:s30+s31], $0x80, s25, s31, $0xb8;
	[tilespmem:$0x17CA0] =	vst v63  }
0x1ed: {  	_ =	swait.ge [sflag:s1], $0x2800  }
0x1ee: {  	[sflag:s1] =	ssyncset.done $0x0  }
0x1ef: {  	s28 =	rddreg [dreg:$0x12];
	[sflag:s1] =	ssyncadd.s32 $0xFFFFD800  }
0x1f0: {  	[spmem:s2] =	stream.indirect.scatter.add.f32 [tilespmem:s0], [sflag:$0x2], $0x80, s28, s31, $0xb8;
	[tilespmem:$0x17CA0] =	vst v63  }
0x1f1: {  	_ =	swait.ge [sflag:s29], $0x2800  }
0x1f2: {  	[sflag:s29] =	ssyncset.done $0x0  }
0x1f3: {  	s24 =	rddreg [dreg:$0x13];
	[sflag:s29] =	ssyncadd.s32 $0xFFFFD800  }
0x1f4: {  	[tilespmem:s0], [sflag:$0x1] =	stream.indirect.gather [hbm4b:s30+s31], $0x80, s24, s31, $0xb8;
	[tilespmem:$0x17CA0] =	vst v63  }
0x1f5: {  	_ =	swait.ge [sflag:s1], $0x2800  }
0x1f6: {  	[sflag:s1] =	ssyncset.done $0x0  }
0x1f7: {  	s25 =	rddreg [dreg:$0x14];
	[sflag:s1] =	ssyncadd.s32 $0xFFFFD800  }
0x1f8: {  	[spmem:s2] =	stream.indirect.scatter.add.f32 [tilespmem:s0], [sflag:$0x2], $0x80, s25, s31, $0xb8;
	[tilespmem:$0x17CA0] =	vst v63  }
0x1f9: {  	_ =	swait.ge [sflag:s29], $0x2800  }
0x1fa: {  	[sflag:s29] =	ssyncset.done $0x0  }
0x1fb: {  	s28 =	rddreg [dreg:$0x15];
	[sflag:s29] =	ssyncadd.s32 $0xFFFFD800  }
0x1fc: {  	[tilespmem:s0], [sflag:$0x1] =	stream.indirect.gather [hbm4b:s30+s31], $0x80, s28, s31, $0xb8;
	[tilespmem:$0x17CA0] =	vst v63  }
0x1fd: {  	_ =	swait.ge [sflag:s1], $0x2800  }
0x1fe: {  	[sflag:s1] =	ssyncset.done $0x0  }
0x1ff: {  	s24 =	rddreg [dreg:$0x16];
	[sflag:s1] =	ssyncadd.s32 $0xFFFFD800  }
0x200: {  	[spmem:s2] =	stream.indirect.scatter.add.f32 [tilespmem:s0], [sflag:$0x2], $0x80, s24, s31, $0xb8;
	[tilespmem:$0x17CA0] =	vst v63  }
0x201: {  	_ =	swait.ge [sflag:s29], $0x2800  }
0x202: {  	[sflag:s29] =	ssyncset.done $0x0  }
0x203: {  	s25 =	rddreg [dreg:$0x17];
	[sflag:s29] =	ssyncadd.s32 $0xFFFFD800  }
0x204: {  	[tilespmem:s0], [sflag:$0x1] =	stream.indirect.gather [hbm4b:s30+s31], $0x80, s25, s31, $0xb8;
	[tilespmem:$0x17CA0] =	vst v63  }
0x205: {  	_ =	swait.ge [sflag:s1], $0x2800  }
0x206: {  	[sflag:s1] =	ssyncset.done $0x0  }
0x207: {  	s28 =	rddreg [dreg:$0x18];
	[sflag:s1] =	ssyncadd.s32 $0xFFFFD800  }
0x208: {  	[spmem:s2] =	stream.indirect.scatter.add.f32 [tilespmem:s0], [sflag:$0x2], $0x80, s28, s31, $0xb8;
	[tilespmem:$0x17CA0] =	vst v63  }
0x209: {  	_ =	swait.ge [sflag:s29], $0x2800  }
0x20a: {  	[sflag:s29] =	ssyncset.done $0x0  }
0x20b: {  	s24 =	rddreg [dreg:$0x19];
	[sflag:s29] =	ssyncadd.s32 $0xFFFFD800  }
0x20c: {  	[tilespmem:s0], [sflag:$0x1] =	stream.indirect.gather [hbm4b:s30+s31], $0x80, s24, s31, $0xb8;
	[tilespmem:$0x17CA0] =	vst v63  }
0x20d: {  	_ =	swait.ge [sflag:s1], $0x2800  }
0x20e: {  	[sflag:s1] =	ssyncset.done $0x0  }
0x20f: {  	s25 =	rddreg [dreg:$0x1a];
	[sflag:s1] =	ssyncadd.s32 $0xFFFFD800  }
0x210: {  	[spmem:s2] =	stream.indirect.scatter.add.f32 [tilespmem:s0], [sflag:$0x2], $0x80, s25, s31, $0xb8;
	[tilespmem:$0x17CA0] =	vst v63  }
0x211: {  	_ =	swait.ge [sflag:s29], $0x2800  }
0x212: {  	[sflag:s29] =	ssyncset.done $0x0  }
0x213: {  	s28 =	rddreg [dreg:$0x1b];
	[sflag:s29] =	ssyncadd.s32 $0xFFFFD800  }
0x214: {  	[tilespmem:s0], [sflag:$0x1] =	stream.indirect.gather [hbm4b:s30+s31], $0x80, s28, s31, $0xb8;
	[tilespmem:$0x17CA0] =	vst v63  }
0x215: {  	_ =	swait.ge [sflag:s1], $0x2800  }
0x216: {  	[sflag:s1] =	ssyncset.done $0x0  }
0x217: {  	s24 =	rddreg [dreg:$0x1c];
	[sflag:s1] =	ssyncadd.s32 $0xFFFFD800  }
0x218: {  	[spmem:s2] =	stream.indirect.scatter.add.f32 [tilespmem:s0], [sflag:$0x2], $0x80, s24, s31, $0xb8;
	[tilespmem:$0x17CA0] =	vst v63  }
0x219: {  	_ =	swait.ge [sflag:s29], $0x2800  }
0x21a: {  	[sflag:s29] =	ssyncset.done $0x0  }
0x21b: {  	s25 =	rddreg [dreg:$0x1d];
	[sflag:s29] =	ssyncadd.s32 $0xFFFFD800  }
0x21c: {  	[tilespmem:s0], [sflag:$0x1] =	stream.indirect.gather [hbm4b:s30+s31], $0x80, s25, s31, $0xb8;
	[tilespmem:$0x17CA0] =	vst v63  }
0x21d: {  	_ =	swait.ge [sflag:s1], $0x2800  }
0x21e: {  	[sflag:s1] =	ssyncset.done $0x0  }
0x21f: {  	s28 =	rddreg [dreg:$0x1e];
	[sflag:s1] =	ssyncadd.s32 $0xFFFFD800  }
0x220: {  	[spmem:s2] =	stream.indirect.scatter.add.f32 [tilespmem:s0], [sflag:$0x2], $0x80, s28, s31, $0xb8;
	[tilespmem:$0x17CA0] =	vst v63  }
0x221: {  	_ =	swait.ge [sflag:s29], $0x2800  }
0x222: {  	[sflag:s29] =	ssyncset.done $0x0  }
0x223: {  	s24 =	rddreg [dreg:$0x1f];
	[sflag:s29] =	ssyncadd.s32 $0xFFFFD800  }
0x224: {  	[tilespmem:s0], [sflag:$0x1] =	stream.indirect.gather [hbm4b:s30+s31], $0x80, s24, s31, $0xb8;
	[tilespmem:$0x17CA0] =	vst v63  }
0x225: {  	_ =	swait.ge [sflag:s1], $0x2800  }
0x226: {  	s25 =	sld [smem:$0x7DE]  }
0x227: {  	[sflag:s1] =	ssyncset.done $0x0  }
0x228: {  	[sflag:s1] =	ssyncadd.s32 $0xFFFFD800  }
0x229: {  	[spmem:s2] =	stream.indirect.scatter.add.f32 [tilespmem:s0], [sflag:$0x2], $0x80, s25, s31, $0xb8;
	[tilespmem:$0x17CA0] =	vst v63  }
0x22a: {  	_ =	swait.ge [sflag:s29], $0x2800  }
0x22b: {  	s28 =	sld [smem:$0x7DF]  }
0x22c: {  	[sflag:s29] =	ssyncset.done $0x0  }
0x22d: {  	[sflag:s29] =	ssyncadd.s32 $0xFFFFD800  }
0x22e: {  	[tilespmem:s0], [sflag:$0x1] =	stream.indirect.gather [hbm4b:s30+s31], $0x80, s28, s31, $0xb8;
	[tilespmem:$0x17CA0] =	vst v63  }
0x22f: {  	_ =	swait.ge [sflag:s1], $0x2800  }
0x230: {  	[sflag:s1] =	ssyncset.done $0x0  }
0x231: {  	[sflag:s1] =	ssyncadd.s32 $0xFFFFD800  }
0x232: {  	[spmem:s2] =	stream.indirect.scatter.add.f32 [tilespmem:s0], [sflag:$0x2], $0x80, s4, s31, $0xb8;
	[tilespmem:$0x17CA0] =	vst v63  }
0x233: {  	_ =	swait.ge [sflag:s29], $0x2800  }
0x234: {  	[sflag:s29] =	ssyncset.done $0x0  }
0x235: {  	[sflag:s29] =	ssyncadd.s32 $0xFFFFD800  }
0x236: {  	[tilespmem:s0], [sflag:$0x1] =	stream.indirect.gather [hbm4b:s30+s31], $0x80, s5, s31, $0xb8;
	[tilespmem:$0x17CA0] =	vst v63  }
0x237: {  	_ =	swait.ge [sflag:s1], $0x2800  }
0x238: {  	[sflag:s1] =	ssyncset.done $0x0  }
0x239: {  	[sflag:s1] =	ssyncadd.s32 $0xFFFFD800  }
0x23a: {  	[spmem:s2] =	stream.indirect.scatter.add.f32 [tilespmem:s0], [sflag:$0x2], $0x80, s6, s31, $0xb8;
	[tilespmem:$0x17CA0] =	vst v63  }
0x23b: {  	_ =	swait.ge [sflag:s29], $0x2800  }
0x23c: {  	[sflag:s29] =	ssyncset.done $0x0  }
0x23d: {  	[sflag:s29] =	ssyncadd.s32 $0xFFFFD800  }
0x23e: {  	[tilespmem:s0], [sflag:$0x1] =	stream.indirect.gather [hbm4b:s30+s31], $0x80, s7, s31, $0xb8;
	[tilespmem:$0x17CA0] =	vst v63  }
0x23f: {  	_ =	swait.ge [sflag:s1], $0x2800  }
0x240: {  	[sflag:s1] =	ssyncset.done $0x0  }
0x241: {  	[sflag:s1] =	ssyncadd.s32 $0xFFFFD800  }
0x242: {  	[spmem:s2] =	stream.indirect.scatter.add.f32 [tilespmem:s0], [sflag:$0x2], $0x80, s8, s31, $0xb8;
	[tilespmem:$0x17CA0] =	vst v63  }
0x243: {  	_ =	swait.ge [sflag:s29], $0x2800  }
0x244: {  	[sflag:s29] =	ssyncset.done $0x0  }
0x245: {  	[sflag:s29] =	ssyncadd.s32 $0xFFFFD800  }
0x246: {  	[tilespmem:s0], [sflag:$0x1] =	stream.indirect.gather [hbm4b:s30+s31], $0x80, s9, s31, $0xb8;
	[tilespmem:$0x17CA0] =	vst v63  }
0x247: {  	_ =	swait.ge [sflag:s1], $0x2800  }
0x248: {  	[sflag:s1] =	ssyncset.done $0x0  }
0x249: {  	[sflag:s1] =	ssyncadd.s32 $0xFFFFD800  }
0x24a: {  	[spmem:s2] =	stream.indirect.scatter.add.f32 [tilespmem:s0], [sflag:$0x2], $0x80, s10, s31, $0xb8;
	[tilespmem:$0x17CA0] =	vst v63  }
0x24b: {  	_ =	swait.ge [sflag:s29], $0x2800  }
0x24c: {  	[sflag:s29] =	ssyncset.done $0x0  }
0x24d: {  	[sflag:s29] =	ssyncadd.s32 $0xFFFFD800  }
0x24e: {  	[tilespmem:s0], [sflag:$0x1] =	stream.indirect.gather [hbm4b:s30+s31], $0x80, s11, s31, $0xb8;
	[tilespmem:$0x17CA0] =	vst v63  }
0x24f: {  	_ =	swait.ge [sflag:s1], $0x2800  }
0x250: {  	[sflag:s1] =	ssyncset.done $0x0  }
0x251: {  	[sflag:s1] =	ssyncadd.s32 $0xFFFFD800  }
0x252: {  	[spmem:s2] =	stream.indirect.scatter.add.f32 [tilespmem:s0], [sflag:$0x2], $0x80, s12, s31, $0xb8;
	[tilespmem:$0x17CA0] =	vst v63  }
0x253: {  	_ =	swait.ge [sflag:s29], $0x2800  }
0x254: {  	[sflag:s29] =	ssyncset.done $0x0  }
0x255: {  	[sflag:s29] =	ssyncadd.s32 $0xFFFFD800  }
0x256: {  	[tilespmem:s0], [sflag:$0x1] =	stream.indirect.gather [hbm4b:s30+s31], $0x80, s13, s31, $0xb8;
	[tilespmem:$0x17CA0] =	vst v63  }
0x257: {  	_ =	swait.ge [sflag:s1], $0x2800  }
0x258: {  	[sflag:s1] =	ssyncset.done $0x0  }
0x259: {  	[sflag:s1] =	ssyncadd.s32 $0xFFFFD800  }
0x25a: {  	[spmem:s2] =	stream.indirect.scatter.add.f32 [tilespmem:s0], [sflag:$0x2], $0x80, s14, s31, $0xb8;
	[tilespmem:$0x17CA0] =	vst v63  }
0x25b: {  	_ =	swait.ge [sflag:s29], $0x2800  }
0x25c: {  	[sflag:s29] =	ssyncset.done $0x0  }
0x25d: {  	[sflag:s29] =	ssyncadd.s32 $0xFFFFD800  }
0x25e: {  	[tilespmem:s0], [sflag:$0x1] =	stream.indirect.gather [hbm4b:s30+s31], $0x80, s15, s31, $0xb8;
	[tilespmem:$0x17CA0] =	vst v63  }
0x25f: {  	_ =	swait.ge [sflag:s1], $0x2800  }
0x260: {  	[sflag:s1] =	ssyncset.done $0x0  }
0x261: {  	[sflag:s1] =	ssyncadd.s32 $0xFFFFD800  }
0x262: {  	[spmem:s2] =	stream.indirect.scatter.add.f32 [tilespmem:s0], [sflag:$0x2], $0x80, s16, s31, $0xb8;
	[tilespmem:$0x17CA0] =	vst v63  }
0x263: {  	_ =	swait.ge [sflag:s29], $0x2800  }
0x264: {  	[sflag:s29] =	ssyncset.done $0x0  }
0x265: {  	[sflag:s29] =	ssyncadd.s32 $0xFFFFD800  }
0x266: {  	[tilespmem:s0], [sflag:$0x1] =	stream.indirect.gather [hbm4b:s30+s31], $0x80, s17, s31, $0xb8;
	[tilespmem:$0x17CA0] =	vst v63  }
0x267: {  	_ =	swait.ge [sflag:s1], $0x2800  }
0x268: {  	[sflag:s1] =	ssyncset.done $0x0  }
0x269: {  	[sflag:s1] =	ssyncadd.s32 $0xFFFFD800  }
0x26a: {  	[spmem:s2] =	stream.indirect.scatter.add.f32 [tilespmem:s0], [sflag:$0x2], $0x80, s18, s31, $0xb8;
	[tilespmem:$0x17CA0] =	vst v63  }
0x26b: {  	_ =	swait.ge [sflag:s29], $0x2800  }
0x26c: {  	[sflag:s29] =	ssyncset.done $0x0  }
0x26d: {  	[sflag:s29] =	ssyncadd.s32 $0xFFFFD800  }
0x26e: {  	[tilespmem:s0], [sflag:$0x1] =	stream.indirect.gather [hbm4b:s30+s31], $0x80, s19, s31, $0xb8;
	[tilespmem:$0x17CA0] =	vst v63  }
0x26f: {  	_ =	swait.ge [sflag:s1], $0x2800  }
0x270: {  	[sflag:s1] =	ssyncset.done $0x0  }
0x271: {  	[sflag:s1] =	ssyncadd.s32 $0xFFFFD800  }
0x272: {  	[spmem:s2] =	stream.indirect.scatter.add.f32 [tilespmem:s0], [sflag:$0x2], $0x80, s20, s31, $0xb8;
	[tilespmem:$0x17CA0] =	vst v63  }
0x273: {  	_ =	swait.ge [sflag:s29], $0x2800  }
0x274: {  	[sflag:s29] =	ssyncset.done $0x0  }
0x275: {  	[sflag:s29] =	ssyncadd.s32 $0xFFFFD800  }
0x276: {  	[tilespmem:s0], [sflag:$0x1] =	stream.indirect.gather [hbm4b:s30+s31], $0x80, s21, s31, $0xb8;
	[tilespmem:$0x17CA0] =	vst v63  }
0x277: {  	_ =	swait.ge [sflag:s1], $0x2800  }
0x278: {  	[sflag:s1] =	ssyncset.done $0x0  }
0x279: {  	[sflag:s1] =	ssyncadd.s32 $0xFFFFD800  }
0x27a: {  	[spmem:s2] =	stream.indirect.scatter.add.f32 [tilespmem:s0], [sflag:$0x2], $0x80, s22, s31, $0xb8;
	[tilespmem:$0x17CA0] =	vst v63  }
0x27b: {  	s24 =	simm.s32 $0xFA;
	_ =	swait.ge [sflag:s29], $0x2800  }
0x27c: {  	s25 =	simm.s32 $0x1F4;
	s23 =	rddreg [dreg:$0x5];
	[sflag:s29] =	ssyncset.done $0x0  }
.LBB2_2:
0x27d: {  	[sflag:s29] =	ssyncadd.s32 $0xFFFFD800;
	s23 =	sadd.s32 s24, s23  }
0x27e: {  	[tilespmem:s3], [sflag:$0x2] =	stream.linear.gather [hbm4b:s23+s3], $0x7D0, $0x38;
	[tilespmem:$0x17CA0] =	vst v63  }
0x27f: {  	_ =	swait.ge [sflag:s29], $0x7D0  }
0x280: {  	s23 =	rddreg [dreg:$0x4];
	[sflag:s29] =	ssyncset.done $0x0  }
0x281: {  	[sflag:s29] =	ssyncadd.s32 $0xFFFFF830;
	s23 =	sadd.s32 s24, s23  }
0x282: {  	[tilespmem:s26], [sflag:$0x2] =	stream.linear.gather [hbm4b:s23+s3], $0x7D0, $0x38;
	[tilespmem:$0x17CA0] =	vst v63  }
0x283: {  	_ =	swait.ge [sflag:s29], $0x7D0  }
0x284: {  	[sflag:s29] =	ssyncset.done $0x0  }
0x285: {  	[sflag:s29] =	ssyncadd.s32 $0xFFFFF830  }
0x286: {  	[tilespmem:s0], [sflag:$0x1] =	stream.indirect.gather [hbm4b:s30+s31], $0x80, s3, s31, $0xb8;
	[tilespmem:$0x17CA0] =	vst v63  }
0x287: {  	_ =	swait.ge [sflag:s1], $0x2800  }
0x288: {  	[sflag:s1] =	ssyncset.done $0x0  }
0x289: {  	[sflag:s1] =	ssyncadd.s32 $0xFFFFD800  }
0x28a: {  	[spmem:s2] =	stream.indirect.scatter.add.f32 [tilespmem:s0], [sflag:$0x2], $0x80, s26, s31, $0xb8;
	[tilespmem:$0x17CA0] =	vst v63  }
0x28b: {  	_ =	swait.ge [sflag:s29], $0x2800  }
0x28c: {  	[sflag:s29] =	ssyncset.done $0x0  }
0x28d: {  	[sflag:s29] =	ssyncadd.s32 $0xFFFFD800  }
0x28e: {  	[tilespmem:s0], [sflag:$0x1] =	stream.indirect.gather [hbm4b:s30+s31], $0x80, s31, s31, $0xb8;
	[tilespmem:$0x17CA0] =	vst v63  }
0x28f: {  	_ =	swait.ge [sflag:s1], $0x2800  }
0x290: {  	s28 =	smov.u32 s25;
	[sflag:s1] =	ssyncset.done $0x0  }
0x291: {  	s24 =	smov.u32 s28;
	s28 =	rddreg [dreg:$0x6];
	[sflag:s1] =	ssyncadd.s32 $0xFFFFD800  }
0x292: {  	[spmem:s2] =	stream.indirect.scatter.add.f32 [tilespmem:s0], [sflag:$0x2], $0x80, s28, s31, $0xb8;
	[tilespmem:$0x17CA0] =	vst v63  }
0x293: {  	_ =	swait.ge [sflag:s29], $0x2800  }
0x294: {  	[sflag:s29] =	ssyncset.done $0x0  }
0x295: {  	s28 =	rddreg [dreg:$0x7];
	[sflag:s29] =	ssyncadd.s32 $0xFFFFD800  }
0x296: {  	[tilespmem:s0], [sflag:$0x1] =	stream.indirect.gather [hbm4b:s30+s31], $0x80, s28, s31, $0xb8;
	[tilespmem:$0x17CA0] =	vst v63  }
0x297: {  	_ =	swait.ge [sflag:s1], $0x2800  }
0x298: {  	[sflag:s1] =	ssyncset.done $0x0  }
0x299: {  	s28 =	rddreg [dreg:$0x8];
	[sflag:s1] =	ssyncadd.s32 $0xFFFFD800  }
0x29a: {  	[spmem:s2] =	stream.indirect.scatter.add.f32 [tilespmem:s0], [sflag:$0x2], $0x80, s28, s31, $0xb8;
	[tilespmem:$0x17CA0] =	vst v63  }
0x29b: {  	_ =	swait.ge [sflag:s29], $0x2800  }
0x29c: {  	[sflag:s29] =	ssyncset.done $0x0  }
0x29d: {  	s28 =	rddreg [dreg:$0x9];
	[sflag:s29] =	ssyncadd.s32 $0xFFFFD800  }
0x29e: {  	[tilespmem:s0], [sflag:$0x1] =	stream.indirect.gather [hbm4b:s30+s31], $0x80, s28, s31, $0xb8;
	[tilespmem:$0x17CA0] =	vst v63  }
0x29f: {  	_ =	swait.ge [sflag:s1], $0x2800  }
0x2a0: {  	[sflag:s1] =	ssyncset.done $0x0  }
0x2a1: {  	s28 =	rddreg [dreg:$0xa];
	[sflag:s1] =	ssyncadd.s32 $0xFFFFD800  }
0x2a2: {  	[spmem:s2] =	stream.indirect.scatter.add.f32 [tilespmem:s0], [sflag:$0x2], $0x80, s28, s31, $0xb8;
	[tilespmem:$0x17CA0] =	vst v63  }
0x2a3: {  	_ =	swait.ge [sflag:s29], $0x2800  }
0x2a4: {  	[sflag:s29] =	ssyncset.done $0x0  }
0x2a5: {  	s28 =	rddreg [dreg:$0xb];
	[sflag:s29] =	ssyncadd.s32 $0xFFFFD800  }
0x2a6: {  	[tilespmem:s0], [sflag:$0x1] =	stream.indirect.gather [hbm4b:s30+s31], $0x80, s28, s31, $0xb8;
	[tilespmem:$0x17CA0] =	vst v63  }
0x2a7: {  	_ =	swait.ge [sflag:s1], $0x2800  }
0x2a8: {  	[sflag:s1] =	ssyncset.done $0x0  }
0x2a9: {  	s28 =	rddreg [dreg:$0xc];
	[sflag:s1] =	ssyncadd.s32 $0xFFFFD800  }
0x2aa: {  	[spmem:s2] =	stream.indirect.scatter.add.f32 [tilespmem:s0], [sflag:$0x2], $0x80, s28, s31, $0xb8;
	[tilespmem:$0x17CA0] =	vst v63  }
0x2ab: {  	_ =	swait.ge [sflag:s29], $0x2800  }
0x2ac: {  	[sflag:s29] =	ssyncset.done $0x0  }
0x2ad: {  	s28 =	rddreg [dreg:$0xd];
	[sflag:s29] =	ssyncadd.s32 $0xFFFFD800  }
0x2ae: {  	[tilespmem:s0], [sflag:$0x1] =	stream.indirect.gather [hbm4b:s30+s31], $0x80, s28, s31, $0xb8;
	[tilespmem:$0x17CA0] =	vst v63  }
0x2af: {  	_ =	swait.ge [sflag:s1], $0x2800  }
0x2b0: {  	[sflag:s1] =	ssyncset.done $0x0  }
0x2b1: {  	s28 =	rddreg [dreg:$0xe];
	[sflag:s1] =	ssyncadd.s32 $0xFFFFD800  }
0x2b2: {  	[spmem:s2] =	stream.indirect.scatter.add.f32 [tilespmem:s0], [sflag:$0x2], $0x80, s28, s31, $0xb8;
	[tilespmem:$0x17CA0] =	vst v63  }
0x2b3: {  	_ =	swait.ge [sflag:s29], $0x2800  }
0x2b4: {  	[sflag:s29] =	ssyncset.done $0x0  }
0x2b5: {  	s28 =	rddreg [dreg:$0xf];
	[sflag:s29] =	ssyncadd.s32 $0xFFFFD800  }
0x2b6: {  	[tilespmem:s0], [sflag:$0x1] =	stream.indirect.gather [hbm4b:s30+s31], $0x80, s28, s31, $0xb8;
	[tilespmem:$0x17CA0] =	vst v63  }
0x2b7: {  	_ =	swait.ge [sflag:s1], $0x2800  }
0x2b8: {  	[sflag:s1] =	ssyncset.done $0x0  }
0x2b9: {  	s28 =	rddreg [dreg:$0x10];
	[sflag:s1] =	ssyncadd.s32 $0xFFFFD800  }
0x2ba: {  	[spmem:s2] =	stream.indirect.scatter.add.f32 [tilespmem:s0], [sflag:$0x2], $0x80, s28, s31, $0xb8;
	[tilespmem:$0x17CA0] =	vst v63  }
0x2bb: {  	_ =	swait.ge [sflag:s29], $0x2800  }
0x2bc: {  	[sflag:s29] =	ssyncset.done $0x0  }
0x2bd: {  	s28 =	rddreg [dreg:$0x11];
	[sflag:s29] =	ssyncadd.s32 $0xFFFFD800  }
0x2be: {  	[tilespmem:s0], [sflag:$0x1] =	stream.indirect.gather [hbm4b:s30+s31], $0x80, s28, s31, $0xb8;
	[tilespmem:$0x17CA0] =	vst v63  }
0x2bf: {  	_ =	swait.ge [sflag:s1], $0x2800  }
0x2c0: {  	[sflag:s1] =	ssyncset.done $0x0  }
0x2c1: {  	s28 =	rddreg [dreg:$0x12];
	[sflag:s1] =	ssyncadd.s32 $0xFFFFD800  }
0x2c2: {  	[spmem:s2] =	stream.indirect.scatter.add.f32 [tilespmem:s0], [sflag:$0x2], $0x80, s28, s31, $0xb8;
	[tilespmem:$0x17CA0] =	vst v63  }
0x2c3: {  	_ =	swait.ge [sflag:s29], $0x2800  }
0x2c4: {  	[sflag:s29] =	ssyncset.done $0x0  }
0x2c5: {  	s28 =	rddreg [dreg:$0x13];
	[sflag:s29] =	ssyncadd.s32 $0xFFFFD800  }
0x2c6: {  	[tilespmem:s0], [sflag:$0x1] =	stream.indirect.gather [hbm4b:s30+s31], $0x80, s28, s31, $0xb8;
	[tilespmem:$0x17CA0] =	vst v63  }
0x2c7: {  	_ =	swait.ge [sflag:s1], $0x2800  }
0x2c8: {  	[sflag:s1] =	ssyncset.done $0x0  }
0x2c9: {  	s28 =	rddreg [dreg:$0x14];
	[sflag:s1] =	ssyncadd.s32 $0xFFFFD800  }
0x2ca: {  	[spmem:s2] =	stream.indirect.scatter.add.f32 [tilespmem:s0], [sflag:$0x2], $0x80, s28, s31, $0xb8;
	[tilespmem:$0x17CA0] =	vst v63  }
0x2cb: {  	_ =	swait.ge [sflag:s29], $0x2800  }
0x2cc: {  	[sflag:s29] =	ssyncset.done $0x0  }
0x2cd: {  	s28 =	rddreg [dreg:$0x15];
	[sflag:s29] =	ssyncadd.s32 $0xFFFFD800  }
0x2ce: {  	[tilespmem:s0], [sflag:$0x1] =	stream.indirect.gather [hbm4b:s30+s31], $0x80, s28, s31, $0xb8;
	[tilespmem:$0x17CA0] =	vst v63  }
0x2cf: {  	_ =	swait.ge [sflag:s1], $0x2800  }
0x2d0: {  	[sflag:s1] =	ssyncset.done $0x0  }
0x2d1: {  	s28 =	rddreg [dreg:$0x16];
	[sflag:s1] =	ssyncadd.s32 $0xFFFFD800  }
0x2d2: {  	[spmem:s2] =	stream.indirect.scatter.add.f32 [tilespmem:s0], [sflag:$0x2], $0x80, s28, s31, $0xb8;
	[tilespmem:$0x17CA0] =	vst v63  }
0x2d3: {  	_ =	swait.ge [sflag:s29], $0x2800  }
0x2d4: {  	[sflag:s29] =	ssyncset.done $0x0  }
0x2d5: {  	s28 =	rddreg [dreg:$0x17];
	[sflag:s29] =	ssyncadd.s32 $0xFFFFD800  }
0x2d6: {  	[tilespmem:s0], [sflag:$0x1] =	stream.indirect.gather [hbm4b:s30+s31], $0x80, s28, s31, $0xb8;
	[tilespmem:$0x17CA0] =	vst v63  }
0x2d7: {  	_ =	swait.ge [sflag:s1], $0x2800  }
0x2d8: {  	[sflag:s1] =	ssyncset.done $0x0  }
0x2d9: {  	s28 =	rddreg [dreg:$0x18];
	[sflag:s1] =	ssyncadd.s32 $0xFFFFD800  }
0x2da: {  	[spmem:s2] =	stream.indirect.scatter.add.f32 [tilespmem:s0], [sflag:$0x2], $0x80, s28, s31, $0xb8;
	[tilespmem:$0x17CA0] =	vst v63  }
0x2db: {  	_ =	swait.ge [sflag:s29], $0x2800  }
0x2dc: {  	[sflag:s29] =	ssyncset.done $0x0  }
0x2dd: {  	s28 =	rddreg [dreg:$0x19];
	[sflag:s29] =	ssyncadd.s32 $0xFFFFD800  }
0x2de: {  	[tilespmem:s0], [sflag:$0x1] =	stream.indirect.gather [hbm4b:s30+s31], $0x80, s28, s31, $0xb8;
	[tilespmem:$0x17CA0] =	vst v63  }
0x2df: {  	_ =	swait.ge [sflag:s1], $0x2800  }
0x2e0: {  	[sflag:s1] =	ssyncset.done $0x0  }
0x2e1: {  	s28 =	rddreg [dreg:$0x1a];
	[sflag:s1] =	ssyncadd.s32 $0xFFFFD800  }
0x2e2: {  	[spmem:s2] =	stream.indirect.scatter.add.f32 [tilespmem:s0], [sflag:$0x2], $0x80, s28, s31, $0xb8;
	[tilespmem:$0x17CA0] =	vst v63  }
0x2e3: {  	_ =	swait.ge [sflag:s29], $0x2800  }
0x2e4: {  	[sflag:s29] =	ssyncset.done $0x0  }
0x2e5: {  	s28 =	rddreg [dreg:$0x1b];
	[sflag:s29] =	ssyncadd.s32 $0xFFFFD800  }
0x2e6: {  	[tilespmem:s0], [sflag:$0x1] =	stream.indirect.gather [hbm4b:s30+s31], $0x80, s28, s31, $0xb8;
	[tilespmem:$0x17CA0] =	vst v63  }
0x2e7: {  	_ =	swait.ge [sflag:s1], $0x2800  }
0x2e8: {  	[sflag:s1] =	ssyncset.done $0x0  }
0x2e9: {  	s28 =	rddreg [dreg:$0x1c];
	[sflag:s1] =	ssyncadd.s32 $0xFFFFD800  }
0x2ea: {  	[spmem:s2] =	stream.indirect.scatter.add.f32 [tilespmem:s0], [sflag:$0x2], $0x80, s28, s31, $0xb8;
	[tilespmem:$0x17CA0] =	vst v63  }
0x2eb: {  	_ =	swait.ge [sflag:s29], $0x2800  }
0x2ec: {  	[sflag:s29] =	ssyncset.done $0x0  }
0x2ed: {  	s28 =	rddreg [dreg:$0x1d];
	[sflag:s29] =	ssyncadd.s32 $0xFFFFD800  }
0x2ee: {  	[tilespmem:s0], [sflag:$0x1] =	stream.indirect.gather [hbm4b:s30+s31], $0x80, s28, s31, $0xb8;
	[tilespmem:$0x17CA0] =	vst v63  }
0x2ef: {  	_ =	swait.ge [sflag:s1], $0x2800  }
0x2f0: {  	[sflag:s1] =	ssyncset.done $0x0  }
0x2f1: {  	s28 =	rddreg [dreg:$0x1e];
	[sflag:s1] =	ssyncadd.s32 $0xFFFFD800  }
0x2f2: {  	[spmem:s2] =	stream.indirect.scatter.add.f32 [tilespmem:s0], [sflag:$0x2], $0x80, s28, s31, $0xb8;
	[tilespmem:$0x17CA0] =	vst v63  }
0x2f3: {  	_ =	swait.ge [sflag:s29], $0x2800  }
0x2f4: {  	[sflag:s29] =	ssyncset.done $0x0  }
0x2f5: {  	s28 =	rddreg [dreg:$0x1f];
	[sflag:s29] =	ssyncadd.s32 $0xFFFFD800  }
0x2f6: {  	[tilespmem:s0], [sflag:$0x1] =	stream.indirect.gather [hbm4b:s30+s31], $0x80, s28, s31, $0xb8;
	[tilespmem:$0x17CA0] =	vst v63  }
0x2f7: {  	_ =	swait.ge [sflag:s1], $0x2800  }
0x2f8: {  	s28 =	sld [smem:$0x7DE]  }
0x2f9: {  	[sflag:s1] =	ssyncset.done $0x0  }
0x2fa: {  	[sflag:s1] =	ssyncadd.s32 $0xFFFFD800  }
0x2fb: {  	[spmem:s2] =	stream.indirect.scatter.add.f32 [tilespmem:s0], [sflag:$0x2], $0x80, s28, s31, $0xb8;
	[tilespmem:$0x17CA0] =	vst v63  }
0x2fc: {  	_ =	swait.ge [sflag:s29], $0x2800  }
0x2fd: {  	s28 =	sld [smem:$0x7DF]  }
0x2fe: {  	[sflag:s29] =	ssyncset.done $0x0  }
0x2ff: {  	[sflag:s29] =	ssyncadd.s32 $0xFFFFD800  }
0x300: {  	[tilespmem:s0], [sflag:$0x1] =	stream.indirect.gather [hbm4b:s30+s31], $0x80, s28, s31, $0xb8;
	[tilespmem:$0x17CA0] =	vst v63  }
0x301: {  	_ =	swait.ge [sflag:s1], $0x2800  }
0x302: {  	[sflag:s1] =	ssyncset.done $0x0  }
0x303: {  	[sflag:s1] =	ssyncadd.s32 $0xFFFFD800  }
0x304: {  	[spmem:s2] =	stream.indirect.scatter.add.f32 [tilespmem:s0], [sflag:$0x2], $0x80, s4, s31, $0xb8;
	[tilespmem:$0x17CA0] =	vst v63  }
0x305: {  	_ =	swait.ge [sflag:s29], $0x2800  }
0x306: {  	[sflag:s29] =	ssyncset.done $0x0  }
0x307: {  	[sflag:s29] =	ssyncadd.s32 $0xFFFFD800  }
0x308: {  	[tilespmem:s0], [sflag:$0x1] =	stream.indirect.gather [hbm4b:s30+s31], $0x80, s5, s31, $0xb8;
	[tilespmem:$0x17CA0] =	vst v63  }
0x309: {  	_ =	swait.ge [sflag:s1], $0x2800  }
0x30a: {  	[sflag:s1] =	ssyncset.done $0x0  }
0x30b: {  	[sflag:s1] =	ssyncadd.s32 $0xFFFFD800  }
0x30c: {  	[spmem:s2] =	stream.indirect.scatter.add.f32 [tilespmem:s0], [sflag:$0x2], $0x80, s6, s31, $0xb8;
	[tilespmem:$0x17CA0] =	vst v63  }
0x30d: {  	_ =	swait.ge [sflag:s29], $0x2800  }
0x30e: {  	[sflag:s29] =	ssyncset.done $0x0  }
0x30f: {  	[sflag:s29] =	ssyncadd.s32 $0xFFFFD800  }
0x310: {  	[tilespmem:s0], [sflag:$0x1] =	stream.indirect.gather [hbm4b:s30+s31], $0x80, s7, s31, $0xb8;
	[tilespmem:$0x17CA0] =	vst v63  }
0x311: {  	_ =	swait.ge [sflag:s1], $0x2800  }
0x312: {  	[sflag:s1] =	ssyncset.done $0x0  }
0x313: {  	[sflag:s1] =	ssyncadd.s32 $0xFFFFD800  }
0x314: {  	[spmem:s2] =	stream.indirect.scatter.add.f32 [tilespmem:s0], [sflag:$0x2], $0x80, s8, s31, $0xb8;
	[tilespmem:$0x17CA0] =	vst v63  }
0x315: {  	_ =	swait.ge [sflag:s29], $0x2800  }
0x316: {  	[sflag:s29] =	ssyncset.done $0x0  }
0x317: {  	[sflag:s29] =	ssyncadd.s32 $0xFFFFD800  }
0x318: {  	[tilespmem:s0], [sflag:$0x1] =	stream.indirect.gather [hbm4b:s30+s31], $0x80, s9, s31, $0xb8;
	[tilespmem:$0x17CA0] =	vst v63  }
0x319: {  	_ =	swait.ge [sflag:s1], $0x2800  }
0x31a: {  	[sflag:s1] =	ssyncset.done $0x0  }
0x31b: {  	[sflag:s1] =	ssyncadd.s32 $0xFFFFD800  }
0x31c: {  	[spmem:s2] =	stream.indirect.scatter.add.f32 [tilespmem:s0], [sflag:$0x2], $0x80, s10, s31, $0xb8;
	[tilespmem:$0x17CA0] =	vst v63  }
0x31d: {  	_ =	swait.ge [sflag:s29], $0x2800  }
0x31e: {  	[sflag:s29] =	ssyncset.done $0x0  }
0x31f: {  	[sflag:s29] =	ssyncadd.s32 $0xFFFFD800  }
0x320: {  	[tilespmem:s0], [sflag:$0x1] =	stream.indirect.gather [hbm4b:s30+s31], $0x80, s11, s31, $0xb8;
	[tilespmem:$0x17CA0] =	vst v63  }
0x321: {  	_ =	swait.ge [sflag:s1], $0x2800  }
0x322: {  	[sflag:s1] =	ssyncset.done $0x0  }
0x323: {  	[sflag:s1] =	ssyncadd.s32 $0xFFFFD800  }
0x324: {  	[spmem:s2] =	stream.indirect.scatter.add.f32 [tilespmem:s0], [sflag:$0x2], $0x80, s12, s31, $0xb8;
	[tilespmem:$0x17CA0] =	vst v63  }
0x325: {  	_ =	swait.ge [sflag:s29], $0x2800  }
0x326: {  	[sflag:s29] =	ssyncset.done $0x0  }
0x327: {  	[sflag:s29] =	ssyncadd.s32 $0xFFFFD800  }
0x328: {  	[tilespmem:s0], [sflag:$0x1] =	stream.indirect.gather [hbm4b:s30+s31], $0x80, s13, s31, $0xb8;
	[tilespmem:$0x17CA0] =	vst v63  }
0x329: {  	_ =	swait.ge [sflag:s1], $0x2800  }
0x32a: {  	[sflag:s1] =	ssyncset.done $0x0  }
0x32b: {  	[sflag:s1] =	ssyncadd.s32 $0xFFFFD800  }
0x32c: {  	[spmem:s2] =	stream.indirect.scatter.add.f32 [tilespmem:s0], [sflag:$0x2], $0x80, s14, s31, $0xb8;
	[tilespmem:$0x17CA0] =	vst v63  }
0x32d: {  	_ =	swait.ge [sflag:s29], $0x2800  }
0x32e: {  	[sflag:s29] =	ssyncset.done $0x0  }
0x32f: {  	[sflag:s29] =	ssyncadd.s32 $0xFFFFD800  }
0x330: {  	[tilespmem:s0], [sflag:$0x1] =	stream.indirect.gather [hbm4b:s30+s31], $0x80, s15, s31, $0xb8;
	[tilespmem:$0x17CA0] =	vst v63  }
0x331: {  	_ =	swait.ge [sflag:s1], $0x2800  }
0x332: {  	[sflag:s1] =	ssyncset.done $0x0  }
0x333: {  	[sflag:s1] =	ssyncadd.s32 $0xFFFFD800  }
0x334: {  	[spmem:s2] =	stream.indirect.scatter.add.f32 [tilespmem:s0], [sflag:$0x2], $0x80, s16, s31, $0xb8;
	[tilespmem:$0x17CA0] =	vst v63  }
0x335: {  	_ =	swait.ge [sflag:s29], $0x2800  }
0x336: {  	[sflag:s29] =	ssyncset.done $0x0  }
0x337: {  	[sflag:s29] =	ssyncadd.s32 $0xFFFFD800  }
0x338: {  	[tilespmem:s0], [sflag:$0x1] =	stream.indirect.gather [hbm4b:s30+s31], $0x80, s17, s31, $0xb8;
	[tilespmem:$0x17CA0] =	vst v63  }
0x339: {  	_ =	swait.ge [sflag:s1], $0x2800  }
0x33a: {  	[sflag:s1] =	ssyncset.done $0x0  }
0x33b: {  	[sflag:s1] =	ssyncadd.s32 $0xFFFFD800  }
0x33c: {  	[spmem:s2] =	stream.indirect.scatter.add.f32 [tilespmem:s0], [sflag:$0x2], $0x80, s18, s31, $0xb8;
	[tilespmem:$0x17CA0] =	vst v63  }
0x33d: {  	_ =	swait.ge [sflag:s29], $0x2800  }
0x33e: {  	[sflag:s29] =	ssyncset.done $0x0  }
0x33f: {  	[sflag:s29] =	ssyncadd.s32 $0xFFFFD800  }
0x340: {  	[tilespmem:s0], [sflag:$0x1] =	stream.indirect.gather [hbm4b:s30+s31], $0x80, s19, s31, $0xb8;
	[tilespmem:$0x17CA0] =	vst v63  }
0x341: {  	_ =	swait.ge [sflag:s1], $0x2800  }
0x342: {  	[sflag:s1] =	ssyncset.done $0x0  }
0x343: {  	[sflag:s1] =	ssyncadd.s32 $0xFFFFD800  }
0x344: {  	[spmem:s2] =	stream.indirect.scatter.add.f32 [tilespmem:s0], [sflag:$0x2], $0x80, s20, s31, $0xb8;
	[tilespmem:$0x17CA0] =	vst v63  }
0x345: {  	_ =	swait.ge [sflag:s29], $0x2800  }
0x346: {  	[sflag:s29] =	ssyncset.done $0x0  }
0x347: {  	[sflag:s29] =	ssyncadd.s32 $0xFFFFD800  }
0x348: {  	[tilespmem:s0], [sflag:$0x1] =	stream.indirect.gather [hbm4b:s30+s31], $0x80, s21, s31, $0xb8;
	[tilespmem:$0x17CA0] =	vst v63  }
0x349: {  	p0 =	sne.s32 s25, $0x8CA;
	_ =	swait.ge [sflag:s1], $0x2800  }
.Ltmp0:
0x34a: {  	[sflag:s1] =	ssyncset.done $0x0;
	(pc) =	sbr.rel @p0 .LBB2_2-.Ltmp0, $4  }
0x34b: {  	[sflag:s1] =	ssyncadd.s32 $0xFFFFD800  }
0x34c: {  	[spmem:s2] =	stream.indirect.scatter.add.f32 [tilespmem:s0], [sflag:$0x2], $0x80, s22, s31, $0xb8;
	[tilespmem:$0x17CA0] =	vst v63  }
0x34d: {  	_ =	swait.ge [sflag:s29], $0x2800  }
0x34e: {  	s25 =	sadd.s32 $0xFA, s25;
	s23 =	rddreg [dreg:$0x5];
	[sflag:s29] =	ssyncset.done $0x0  }
0x34f: {  	[sflag:s29] =	ssyncadd.s32 $0xFFFFD800;
	s23 =	sadd.s32 s24, s23  }
0x350: {  	[tilespmem:s3], [sflag:$0x2] =	stream.linear.gather [hbm4b:s23+s3], $0x7D0, $0x38;
	[tilespmem:$0x17CA0] =	vst v63  }
0x351: {  	_ =	swait.ge [sflag:s29], $0x7D0  }
0x352: {  	s25 =	rddreg [dreg:$0x4];
	[sflag:s29] =	ssyncset.done $0x0  }
0x353: {  	s23 =	sadd.s32 s24, s25;
	[sflag:s29] =	ssyncadd.s32 $0xFFFFF830  }
0x354: {  	[tilespmem:s26], [sflag:$0x2] =	stream.linear.gather [hbm4b:s23+s3], $0x7D0, $0x38;
	[tilespmem:$0x17CA0] =	vst v63  }
0x355: {  	_ =	swait.ge [sflag:s29], $0x7D0  }
0x356: {  	[sflag:s29] =	ssyncset.done $0x0  }
0x357: {  	[sflag:s29] =	ssyncadd.s32 $0xFFFFF830  }
0x358: {  	[tilespmem:s0], [sflag:$0x1] =	stream.indirect.gather [hbm4b:s30+s31], $0x80, s3, s31, $0xb8;
	[tilespmem:$0x17CA0] =	vst v63  }
0x359: {  	_ =	swait.ge [sflag:s1], $0x2800  }
0x35a: {  	[sflag:s1] =	ssyncset.done $0x0  }
0x35b: {  	[sflag:s1] =	ssyncadd.s32 $0xFFFFD800  }
0x35c: {  	[spmem:s2] =	stream.indirect.scatter.add.f32 [tilespmem:s0], [sflag:$0x2], $0x80, s26, s31, $0xb8;
	[tilespmem:$0x17CA0] =	vst v63  }
0x35d: {  	_ =	swait.ge [sflag:s29], $0x2800  }
0x35e: {  	[sflag:s29] =	ssyncset.done $0x0  }
0x35f: {  	[sflag:s29] =	ssyncadd.s32 $0xFFFFD800  }
0x360: {  	[tilespmem:s0], [sflag:$0x1] =	stream.indirect.gather [hbm4b:s30+s31], $0x80, s31, s31, $0xb8;
	[tilespmem:$0x17CA0] =	vst v63  }
0x361: {  	_ =	swait.ge [sflag:s1], $0x2800  }
0x362: {  	[sflag:s1] =	ssyncset.done $0x0  }
0x363: {  	s25 =	rddreg [dreg:$0x6];
	[sflag:s1] =	ssyncadd.s32 $0xFFFFD800  }
0x364: {  	[spmem:s2] =	stream.indirect.scatter.add.f32 [tilespmem:s0], [sflag:$0x2], $0x80, s25, s31, $0xb8;
	[tilespmem:$0x17CA0] =	vst v63  }
0x365: {  	_ =	swait.ge [sflag:s29], $0x2800  }
0x366: {  	[sflag:s29] =	ssyncset.done $0x0  }
0x367: {  	s24 =	rddreg [dreg:$0x7];
	[sflag:s29] =	ssyncadd.s32 $0xFFFFD800  }
0x368: {  	[tilespmem:s0], [sflag:$0x1] =	stream.indirect.gather [hbm4b:s30+s31], $0x80, s24, s31, $0xb8;
	[tilespmem:$0x17CA0] =	vst v63  }
0x369: {  	_ =	swait.ge [sflag:s1], $0x2800  }
0x36a: {  	[sflag:s1] =	ssyncset.done $0x0  }
0x36b: {  	s25 =	rddreg [dreg:$0x8];
	[sflag:s1] =	ssyncadd.s32 $0xFFFFD800  }
0x36c: {  	[spmem:s2] =	stream.indirect.scatter.add.f32 [tilespmem:s0], [sflag:$0x2], $0x80, s25, s31, $0xb8;
	[tilespmem:$0x17CA0] =	vst v63  }
0x36d: {  	_ =	swait.ge [sflag:s29], $0x2800  }
0x36e: {  	[sflag:s29] =	ssyncset.done $0x0  }
0x36f: {  	s24 =	rddreg [dreg:$0x9];
	[sflag:s29] =	ssyncadd.s32 $0xFFFFD800  }
0x370: {  	[tilespmem:s0], [sflag:$0x1] =	stream.indirect.gather [hbm4b:s30+s31], $0x80, s24, s31, $0xb8;
	[tilespmem:$0x17CA0] =	vst v63  }
0x371: {  	_ =	swait.ge [sflag:s1], $0x2800  }
0x372: {  	[sflag:s1] =	ssyncset.done $0x0  }
0x373: {  	s25 =	rddreg [dreg:$0xa];
	[sflag:s1] =	ssyncadd.s32 $0xFFFFD800  }
0x374: {  	[spmem:s2] =	stream.indirect.scatter.add.f32 [tilespmem:s0], [sflag:$0x2], $0x80, s25, s31, $0xb8;
	[tilespmem:$0x17CA0] =	vst v63  }
0x375: {  	_ =	swait.ge [sflag:s29], $0x2800  }
0x376: {  	[sflag:s29] =	ssyncset.done $0x0  }
0x377: {  	s24 =	rddreg [dreg:$0xb];
	[sflag:s29] =	ssyncadd.s32 $0xFFFFD800  }
0x378: {  	[tilespmem:s0], [sflag:$0x1] =	stream.indirect.gather [hbm4b:s30+s31], $0x80, s24, s31, $0xb8;
	[tilespmem:$0x17CA0] =	vst v63  }
0x379: {  	_ =	swait.ge [sflag:s1], $0x2800  }
0x37a: {  	[sflag:s1] =	ssyncset.done $0x0  }
0x37b: {  	s25 =	rddreg [dreg:$0xc];
	[sflag:s1] =	ssyncadd.s32 $0xFFFFD800  }
0x37c: {  	[spmem:s2] =	stream.indirect.scatter.add.f32 [tilespmem:s0], [sflag:$0x2], $0x80, s25, s31, $0xb8;
	[tilespmem:$0x17CA0] =	vst v63  }
0x37d: {  	_ =	swait.ge [sflag:s29], $0x2800  }
0x37e: {  	[sflag:s29] =	ssyncset.done $0x0  }
0x37f: {  	s24 =	rddreg [dreg:$0xd];
	[sflag:s29] =	ssyncadd.s32 $0xFFFFD800  }
0x380: {  	[tilespmem:s0], [sflag:$0x1] =	stream.indirect.gather [hbm4b:s30+s31], $0x80, s24, s31, $0xb8;
	[tilespmem:$0x17CA0] =	vst v63  }
0x381: {  	_ =	swait.ge [sflag:s1], $0x2800  }
0x382: {  	[sflag:s1] =	ssyncset.done $0x0  }
0x383: {  	s25 =	rddreg [dreg:$0xe];
	[sflag:s1] =	ssyncadd.s32 $0xFFFFD800  }
0x384: {  	[spmem:s2] =	stream.indirect.scatter.add.f32 [tilespmem:s0], [sflag:$0x2], $0x80, s25, s31, $0xb8;
	[tilespmem:$0x17CA0] =	vst v63  }
0x385: {  	_ =	swait.ge [sflag:s29], $0x2800  }
0x386: {  	[sflag:s29] =	ssyncset.done $0x0  }
0x387: {  	s24 =	rddreg [dreg:$0xf];
	[sflag:s29] =	ssyncadd.s32 $0xFFFFD800  }
0x388: {  	[tilespmem:s0], [sflag:$0x1] =	stream.indirect.gather [hbm4b:s30+s31], $0x80, s24, s31, $0xb8;
	[tilespmem:$0x17CA0] =	vst v63  }
0x389: {  	_ =	swait.ge [sflag:s1], $0x2800  }
0x38a: {  	[sflag:s1] =	ssyncset.done $0x0  }
0x38b: {  	s25 =	rddreg [dreg:$0x10];
	[sflag:s1] =	ssyncadd.s32 $0xFFFFD800  }
0x38c: {  	[spmem:s2] =	stream.indirect.scatter.add.f32 [tilespmem:s0], [sflag:$0x2], $0x80, s25, s31, $0xb8;
	[tilespmem:$0x17CA0] =	vst v63  }
0x38d: {  	_ =	swait.ge [sflag:s29], $0x2800  }
0x38e: {  	[sflag:s29] =	ssyncset.done $0x0  }
0x38f: {  	s24 =	rddreg [dreg:$0x11];
	[sflag:s29] =	ssyncadd.s32 $0xFFFFD800  }
0x390: {  	[tilespmem:s0], [sflag:$0x1] =	stream.indirect.gather [hbm4b:s30+s31], $0x80, s24, s31, $0xb8;
	[tilespmem:$0x17CA0] =	vst v63  }
0x391: {  	_ =	swait.ge [sflag:s1], $0x2800  }
0x392: {  	[sflag:s1] =	ssyncset.done $0x0  }
0x393: {  	s25 =	rddreg [dreg:$0x12];
	[sflag:s1] =	ssyncadd.s32 $0xFFFFD800  }
0x394: {  	[spmem:s2] =	stream.indirect.scatter.add.f32 [tilespmem:s0], [sflag:$0x2], $0x80, s25, s31, $0xb8;
	[tilespmem:$0x17CA0] =	vst v63  }
0x395: {  	_ =	swait.ge [sflag:s29], $0x2800  }
0x396: {  	[sflag:s29] =	ssyncset.done $0x0  }
0x397: {  	s24 =	rddreg [dreg:$0x13];
	[sflag:s29] =	ssyncadd.s32 $0xFFFFD800  }
0x398: {  	[tilespmem:s0], [sflag:$0x1] =	stream.indirect.gather [hbm4b:s30+s31], $0x80, s24, s31, $0xb8;
	[tilespmem:$0x17CA0] =	vst v63  }
0x399: {  	_ =	swait.ge [sflag:s1], $0x2800  }
0x39a: {  	[sflag:s1] =	ssyncset.done $0x0  }
0x39b: {  	s25 =	rddreg [dreg:$0x14];
	[sflag:s1] =	ssyncadd.s32 $0xFFFFD800  }
0x39c: {  	[spmem:s2] =	stream.indirect.scatter.add.f32 [tilespmem:s0], [sflag:$0x2], $0x80, s25, s31, $0xb8;
	[tilespmem:$0x17CA0] =	vst v63  }
0x39d: {  	_ =	swait.ge [sflag:s29], $0x2800  }
0x39e: {  	[sflag:s29] =	ssyncset.done $0x0  }
0x39f: {  	s24 =	rddreg [dreg:$0x15];
	[sflag:s29] =	ssyncadd.s32 $0xFFFFD800  }
0x3a0: {  	[tilespmem:s0], [sflag:$0x1] =	stream.indirect.gather [hbm4b:s30+s31], $0x80, s24, s31, $0xb8;
	[tilespmem:$0x17CA0] =	vst v63  }
0x3a1: {  	_ =	swait.ge [sflag:s1], $0x2800  }
0x3a2: {  	[sflag:s1] =	ssyncset.done $0x0  }
0x3a3: {  	s25 =	rddreg [dreg:$0x16];
	[sflag:s1] =	ssyncadd.s32 $0xFFFFD800  }
0x3a4: {  	[spmem:s2] =	stream.indirect.scatter.add.f32 [tilespmem:s0], [sflag:$0x2], $0x80, s25, s31, $0xb8;
	[tilespmem:$0x17CA0] =	vst v63  }
0x3a5: {  	_ =	swait.ge [sflag:s29], $0x2800  }
0x3a6: {  	[sflag:s29] =	ssyncset.done $0x0  }
0x3a7: {  	s24 =	rddreg [dreg:$0x17];
	[sflag:s29] =	ssyncadd.s32 $0xFFFFD800  }
0x3a8: {  	[tilespmem:s0], [sflag:$0x1] =	stream.indirect.gather [hbm4b:s30+s31], $0x80, s24, s31, $0xb8;
	[tilespmem:$0x17CA0] =	vst v63  }
0x3a9: {  	_ =	swait.ge [sflag:s1], $0x2800  }
0x3aa: {  	[sflag:s1] =	ssyncset.done $0x0  }
0x3ab: {  	s25 =	rddreg [dreg:$0x18];
	[sflag:s1] =	ssyncadd.s32 $0xFFFFD800  }
0x3ac: {  	[spmem:s2] =	stream.indirect.scatter.add.f32 [tilespmem:s0], [sflag:$0x2], $0x80, s25, s31, $0xb8;
	[tilespmem:$0x17CA0] =	vst v63  }
0x3ad: {  	_ =	swait.ge [sflag:s29], $0x2800  }
0x3ae: {  	[sflag:s29] =	ssyncset.done $0x0  }
0x3af: {  	s24 =	rddreg [dreg:$0x19];
	[sflag:s29] =	ssyncadd.s32 $0xFFFFD800  }
0x3b0: {  	[tilespmem:s0], [sflag:$0x1] =	stream.indirect.gather [hbm4b:s30+s31], $0x80, s24, s31, $0xb8;
	[tilespmem:$0x17CA0] =	vst v63  }
0x3b1: {  	_ =	swait.ge [sflag:s1], $0x2800  }
0x3b2: {  	[sflag:s1] =	ssyncset.done $0x0  }
0x3b3: {  	s25 =	rddreg [dreg:$0x1a];
	[sflag:s1] =	ssyncadd.s32 $0xFFFFD800  }
0x3b4: {  	[spmem:s2] =	stream.indirect.scatter.add.f32 [tilespmem:s0], [sflag:$0x2], $0x80, s25, s31, $0xb8;
	[tilespmem:$0x17CA0] =	vst v63  }
0x3b5: {  	_ =	swait.ge [sflag:s29], $0x2800  }
0x3b6: {  	[sflag:s29] =	ssyncset.done $0x0  }
0x3b7: {  	s24 =	rddreg [dreg:$0x1b];
	[sflag:s29] =	ssyncadd.s32 $0xFFFFD800  }
0x3b8: {  	[tilespmem:s0], [sflag:$0x1] =	stream.indirect.gather [hbm4b:s30+s31], $0x80, s24, s31, $0xb8;
	[tilespmem:$0x17CA0] =	vst v63  }
0x3b9: {  	_ =	swait.ge [sflag:s1], $0x2800  }
0x3ba: {  	[sflag:s1] =	ssyncset.done $0x0  }
0x3bb: {  	s25 =	rddreg [dreg:$0x1c];
	[sflag:s1] =	ssyncadd.s32 $0xFFFFD800  }
0x3bc: {  	[spmem:s2] =	stream.indirect.scatter.add.f32 [tilespmem:s0], [sflag:$0x2], $0x80, s25, s31, $0xb8;
	[tilespmem:$0x17CA0] =	vst v63  }
0x3bd: {  	_ =	swait.ge [sflag:s29], $0x2800  }
0x3be: {  	[sflag:s29] =	ssyncset.done $0x0  }
0x3bf: {  	s24 =	rddreg [dreg:$0x1d];
	[sflag:s29] =	ssyncadd.s32 $0xFFFFD800  }
0x3c0: {  	[tilespmem:s0], [sflag:$0x1] =	stream.indirect.gather [hbm4b:s30+s31], $0x80, s24, s31, $0xb8;
	[tilespmem:$0x17CA0] =	vst v63  }
0x3c1: {  	_ =	swait.ge [sflag:s1], $0x2800  }
0x3c2: {  	[sflag:s1] =	ssyncset.done $0x0  }
0x3c3: {  	s25 =	rddreg [dreg:$0x1e];
	[sflag:s1] =	ssyncadd.s32 $0xFFFFD800  }
0x3c4: {  	[spmem:s2] =	stream.indirect.scatter.add.f32 [tilespmem:s0], [sflag:$0x2], $0x80, s25, s31, $0xb8;
	[tilespmem:$0x17CA0] =	vst v63  }
0x3c5: {  	_ =	swait.ge [sflag:s29], $0x2800  }
0x3c6: {  	[sflag:s29] =	ssyncset.done $0x0  }
0x3c7: {  	s24 =	rddreg [dreg:$0x1f];
	[sflag:s29] =	ssyncadd.s32 $0xFFFFD800  }
0x3c8: {  	[tilespmem:s0], [sflag:$0x1] =	stream.indirect.gather [hbm4b:s30+s31], $0x80, s24, s31, $0xb8;
	[tilespmem:$0x17CA0] =	vst v63  }
0x3c9: {  	_ =	swait.ge [sflag:s1], $0x2800  }
0x3ca: {  	s25 =	sld [smem:$0x7DE]  }
0x3cb: {  	[sflag:s1] =	ssyncset.done $0x0  }
0x3cc: {  	[sflag:s1] =	ssyncadd.s32 $0xFFFFD800  }
0x3cd: {  	[spmem:s2] =	stream.indirect.scatter.add.f32 [tilespmem:s0], [sflag:$0x2], $0x80, s25, s31, $0xb8;
	[tilespmem:$0x17CA0] =	vst v63  }
0x3ce: {  	_ =	swait.ge [sflag:s29], $0x2800  }
0x3cf: {  	s24 =	sld [smem:$0x7DF]  }
0x3d0: {  	[sflag:s29] =	ssyncset.done $0x0  }
0x3d1: {  	[sflag:s29] =	ssyncadd.s32 $0xFFFFD800  }
0x3d2: {  	[tilespmem:s0], [sflag:$0x1] =	stream.indirect.gather [hbm4b:s30+s31], $0x80, s24, s31, $0xb8;
	[tilespmem:$0x17CA0] =	vst v63  }
0x3d3: {  	_ =	swait.ge [sflag:s1], $0x2800  }
0x3d4: {  	[sflag:s1] =	ssyncset.done $0x0  }
0x3d5: {  	[sflag:s1] =	ssyncadd.s32 $0xFFFFD800  }
0x3d6: {  	[spmem:s2] =	stream.indirect.scatter.add.f32 [tilespmem:s0], [sflag:$0x2], $0x80, s4, s31, $0xb8;
	[tilespmem:$0x17CA0] =	vst v63  }
0x3d7: {  	_ =	swait.ge [sflag:s29], $0x2800  }
0x3d8: {  	[sflag:s29] =	ssyncset.done $0x0  }
0x3d9: {  	[sflag:s29] =	ssyncadd.s32 $0xFFFFD800  }
0x3da: {  	[tilespmem:s0], [sflag:$0x1] =	stream.indirect.gather [hbm4b:s30+s31], $0x80, s5, s31, $0xb8;
	[tilespmem:$0x17CA0] =	vst v63  }
0x3db: {  	_ =	swait.ge [sflag:s1], $0x2800  }
0x3dc: {  	[sflag:s1] =	ssyncset.done $0x0  }
0x3dd: {  	[sflag:s1] =	ssyncadd.s32 $0xFFFFD800  }
0x3de: {  	[spmem:s2] =	stream.indirect.scatter.add.f32 [tilespmem:s0], [sflag:$0x2], $0x80, s6, s31, $0xb8;
	[tilespmem:$0x17CA0] =	vst v63  }
0x3df: {  	_ =	swait.ge [sflag:s29], $0x2800  }
0x3e0: {  	[sflag:s29] =	ssyncset.done $0x0  }
0x3e1: {  	[sflag:s29] =	ssyncadd.s32 $0xFFFFD800  }
0x3e2: {  	[tilespmem:s0], [sflag:$0x1] =	stream.indirect.gather [hbm4b:s30+s31], $0x80, s7, s31, $0xb8;
	[tilespmem:$0x17CA0] =	vst v63  }
0x3e3: {  	_ =	swait.ge [sflag:s1], $0x2800  }
0x3e4: {  	[sflag:s1] =	ssyncset.done $0x0  }
0x3e5: {  	[sflag:s1] =	ssyncadd.s32 $0xFFFFD800  }
0x3e6: {  	[spmem:s2] =	stream.indirect.scatter.add.f32 [tilespmem:s0], [sflag:$0x2], $0x80, s8, s31, $0xb8;
	[tilespmem:$0x17CA0] =	vst v63  }
0x3e7: {  	_ =	swait.ge [sflag:s29], $0x2800  }
0x3e8: {  	[sflag:s29] =	ssyncset.done $0x0  }
0x3e9: {  	[sflag:s29] =	ssyncadd.s32 $0xFFFFD800  }
0x3ea: {  	[tilespmem:s0], [sflag:$0x1] =	stream.indirect.gather [hbm4b:s30+s31], $0x80, s9, s31, $0xb8;
	[tilespmem:$0x17CA0] =	vst v63  }
0x3eb: {  	_ =	swait.ge [sflag:s1], $0x2800  }
0x3ec: {  	[sflag:s1] =	ssyncset.done $0x0  }
0x3ed: {  	[sflag:s1] =	ssyncadd.s32 $0xFFFFD800  }
0x3ee: {  	[spmem:s2] =	stream.indirect.scatter.add.f32 [tilespmem:s0], [sflag:$0x2], $0x80, s10, s31, $0xb8;
	[tilespmem:$0x17CA0] =	vst v63  }
0x3ef: {  	_ =	swait.ge [sflag:s29], $0x2800  }
0x3f0: {  	[sflag:s29] =	ssyncset.done $0x0  }
0x3f1: {  	[sflag:s29] =	ssyncadd.s32 $0xFFFFD800  }
0x3f2: {  	[tilespmem:s0], [sflag:$0x1] =	stream.indirect.gather [hbm4b:s30+s31], $0x80, s11, s31, $0xb8;
	[tilespmem:$0x17CA0] =	vst v63  }
0x3f3: {  	_ =	swait.ge [sflag:s1], $0x2800  }
0x3f4: {  	[sflag:s1] =	ssyncset.done $0x0  }
0x3f5: {  	[sflag:s1] =	ssyncadd.s32 $0xFFFFD800  }
0x3f6: {  	[spmem:s2] =	stream.indirect.scatter.add.f32 [tilespmem:s0], [sflag:$0x2], $0x80, s12, s31, $0xb8;
	[tilespmem:$0x17CA0] =	vst v63  }
0x3f7: {  	_ =	swait.ge [sflag:s29], $0x2800  }
0x3f8: {  	[sflag:s29] =	ssyncset.done $0x0  }
0x3f9: {  	[sflag:s29] =	ssyncadd.s32 $0xFFFFD800  }
0x3fa: {  	[tilespmem:s0], [sflag:$0x1] =	stream.indirect.gather [hbm4b:s30+s31], $0x80, s13, s31, $0xb8;
	[tilespmem:$0x17CA0] =	vst v63  }
0x3fb: {  	_ =	swait.ge [sflag:s1], $0x2800  }
0x3fc: {  	[sflag:s1] =	ssyncset.done $0x0  }
0x3fd: {  	[sflag:s1] =	ssyncadd.s32 $0xFFFFD800  }
0x3fe: {  	[spmem:s2] =	stream.indirect.scatter.add.f32 [tilespmem:s0], [sflag:$0x2], $0x80, s14, s31, $0xb8;
	[tilespmem:$0x17CA0] =	vst v63  }
0x3ff: {  	_ =	swait.ge [sflag:s29], $0x2800  }
0x400: {  	[sflag:s29] =	ssyncset.done $0x0  }
0x401: {  	[sflag:s29] =	ssyncadd.s32 $0xFFFFD800  }
0x402: {  	[tilespmem:s0], [sflag:$0x1] =	stream.indirect.gather [hbm4b:s30+s31], $0x80, s15, s31, $0xb8;
	[tilespmem:$0x17CA0] =	vst v63  }
0x403: {  	_ =	swait.ge [sflag:s1], $0x2800  }
0x404: {  	[sflag:s1] =	ssyncset.done $0x0  }
0x405: {  	[sflag:s1] =	ssyncadd.s32 $0xFFFFD800  }
0x406: {  	[spmem:s2] =	stream.indirect.scatter.add.f32 [tilespmem:s0], [sflag:$0x2], $0x80, s16, s31, $0xb8;
	[tilespmem:$0x17CA0] =	vst v63  }
0x407: {  	_ =	swait.ge [sflag:s29], $0x2800  }
0x408: {  	[sflag:s29] =	ssyncset.done $0x0  }
0x409: {  	[sflag:s29] =	ssyncadd.s32 $0xFFFFD800  }
0x40a: {  	[tilespmem:s0], [sflag:$0x1] =	stream.indirect.gather [hbm4b:s30+s31], $0x80, s17, s31, $0xb8;
	[tilespmem:$0x17CA0] =	vst v63  }
0x40b: {  	_ =	swait.ge [sflag:s1], $0x2800  }
0x40c: {  	[sflag:s1] =	ssyncset.done $0x0  }
0x40d: {  	[sflag:s1] =	ssyncadd.s32 $0xFFFFD800  }
0x40e: {  	[spmem:s2] =	stream.indirect.scatter.add.f32 [tilespmem:s0], [sflag:$0x2], $0x80, s18, s31, $0xb8;
	[tilespmem:$0x17CA0] =	vst v63  }
0x40f: {  	_ =	swait.ge [sflag:s29], $0x2800  }
0x410: {  	[sflag:s29] =	ssyncset.done $0x0  }
0x411: {  	[sflag:s29] =	ssyncadd.s32 $0xFFFFD800  }
0x412: {  	[tilespmem:s0], [sflag:$0x1] =	stream.indirect.gather [hbm4b:s30+s31], $0x80, s19, s31, $0xb8;
	[tilespmem:$0x17CA0] =	vst v63  }
0x413: {  	_ =	swait.ge [sflag:s1], $0x2800  }
0x414: {  	[sflag:s1] =	ssyncset.done $0x0  }
0x415: {  	[sflag:s1] =	ssyncadd.s32 $0xFFFFD800  }
0x416: {  	[spmem:s2] =	stream.indirect.scatter.add.f32 [tilespmem:s0], [sflag:$0x2], $0x80, s20, s31, $0xb8;
	[tilespmem:$0x17CA0] =	vst v63  }
0x417: {  	_ =	swait.ge [sflag:s29], $0x2800  }
0x418: {  	[sflag:s29] =	ssyncset.done $0x0  }
0x419: {  	[sflag:s29] =	ssyncadd.s32 $0xFFFFD800  }
0x41a: {  	[tilespmem:s0], [sflag:$0x1] =	stream.indirect.gather [hbm4b:s30+s31], $0x80, s21, s31, $0xb8;
	[tilespmem:$0x17CA0] =	vst v63  }
0x41b: {  	_ =	swait.ge [sflag:s1], $0x2800  }
0x41c: {  	[sflag:s1] =	ssyncset.done $0x0  }
0x41d: {  	[sflag:s1] =	ssyncadd.s32 $0xFFFFD800  }
0x41e: {  	[spmem:s2] =	stream.indirect.scatter.add.f32 [tilespmem:s0], [sflag:$0x2], $0x80, s22, s31, $0xb8;
	[tilespmem:$0x17CA0] =	vst v63  }
0x41f: {  	_ =	swait.ge [sflag:s29], $0x2800  }
0x420: {  	[sflag:s29] =	ssyncset.done $0x0  }
0x421: {  	[sflag:s29] =	ssyncadd.s32 $0xFFFFD800  }
0x422: {  	[bflag:$0x0] =	sbarrier.arrive $0xFFFF  }
0x423: {  	s25 =	sld [smem:$0x7E0];
	_ =	sdelay $0x1  }
0x424: {  	s24 =	simm.s32 $0x37A0  }
0x425: {  	[tilespmem:s24], [sflag:$0x2] =	stream.linear.gather [spmem:s25], $0xC80, $0x38;
	[tilespmem:$0x17CA0] =	vst v63  }
0x426: {  	_ =	swait.ge [sflag:s29], $0xC80  }
0x427: {  	s25 =	sld [smem:$0x7C5]  }
0x428: {  	[sflag:s29] =	ssyncset.done $0x0  }
0x429: {  	[sflag:s29] =	ssyncadd.s32 $0xFFFFF380  }
0x42a: {  	[hbm4b:s25+s3] =	stream.linear.scatter [tilespmem:s24], [sflag:$0x2], $0xC80, $0x38;
	[tilespmem:$0x17CA0] =	vst v63  }
0x42b: {  	_ =	swait.ge [sflag:s29], $0xC80  }
0x42c: {  	s25 =	sld [smem:$0x7E2]  }
0x42d: {  	[sflag:s29] =	ssyncset.done $0x0  }
0x42e: {  	[sflag:s29] =	ssyncadd.s32 $0xFFFFF380  }
0x42f: {  	[tilespmem:s24], [sflag:$0x2] =	stream.linear.gather [spmem:s25], $0xC80, $0x38;
	[tilespmem:$0x17CA0] =	vst v63  }
0x430: {  	_ =	swait.ge [sflag:s29], $0xC80  }
0x431: {  	s25 =	sld [smem:$0x7C6]  }
0x432: {  	[sflag:s29] =	ssyncset.done $0x0  }
0x433: {  	[sflag:s29] =	ssyncadd.s32 $0xFFFFF380  }
0x434: {  	[hbm4b:s25+s3] =	stream.linear.scatter [tilespmem:s24], [sflag:$0x2], $0xC80, $0x38;
	[tilespmem:$0x17CA0] =	vst v63  }
0x435: {  	_ =	swait.ge [sflag:s29], $0xC80  }
0x436: {  	s25 =	sld [smem:$0x7E4]  }
0x437: {  	[sflag:s29] =	ssyncset.done $0x0  }
0x438: {  	[sflag:s29] =	ssyncadd.s32 $0xFFFFF380  }
0x439: {  	[tilespmem:s24], [sflag:$0x2] =	stream.linear.gather [spmem:s25], $0xC80, $0x38;
	[tilespmem:$0x17CA0] =	vst v63  }
0x43a: {  	_ =	swait.ge [sflag:s29], $0xC80  }
0x43b: {  	s25 =	sld [smem:$0x7C7]  }
0x43c: {  	[sflag:s29] =	ssyncset.done $0x0  }
0x43d: {  	[sflag:s29] =	ssyncadd.s32 $0xFFFFF380  }
0x43e: {  	[hbm4b:s25+s3] =	stream.linear.scatter [tilespmem:s24], [sflag:$0x2], $0xC80, $0x38;
	[tilespmem:$0x17CA0] =	vst v63  }
0x43f: {  	_ =	swait.ge [sflag:s29], $0xC80  }
0x440: {  	s25 =	sld [smem:$0x7E5]  }
0x441: {  	[sflag:s29] =	ssyncset.done $0x0  }
0x442: {  	[sflag:s29] =	ssyncadd.s32 $0xFFFFF380  }
0x443: {  	[tilespmem:s24], [sflag:$0x2] =	stream.linear.gather [spmem:s25], $0xC80, $0x38;
	[tilespmem:$0x17CA0] =	vst v63  }
0x444: {  	_ =	swait.ge [sflag:s29], $0xC80  }
0x445: {  	s25 =	sld [smem:$0x7C8]  }
0x446: {  	[sflag:s29] =	ssyncset.done $0x0  }
0x447: {  	[sflag:s29] =	ssyncadd.s32 $0xFFFFF380  }
0x448: {  	[hbm4b:s25+s3] =	stream.linear.scatter [tilespmem:s24], [sflag:$0x2], $0xC80, $0x38;
	[tilespmem:$0x17CA0] =	vst v63  }
0x449: {  	_ =	swait.ge [sflag:s29], $0xC80  }
0x44a: {  	s25 =	sld [smem:$0x7E6]  }
0x44b: {  	[sflag:s29] =	ssyncset.done $0x0  }
0x44c: {  	[sflag:s29] =	ssyncadd.s32 $0xFFFFF380  }
0x44d: {  	[tilespmem:s24], [sflag:$0x2] =	stream.linear.gather [spmem:s25], $0xC80, $0x38;
	[tilespmem:$0x17CA0] =	vst v63  }
0x44e: {  	_ =	swait.ge [sflag:s29], $0xC80  }
0x44f: {  	s25 =	sld [smem:$0x7C9]  }
0x450: {  	[sflag:s29] =	ssyncset.done $0x0  }
0x451: {  	[sflag:s29] =	ssyncadd.s32 $0xFFFFF380  }
0x452: {  	[hbm4b:s25+s3] =	stream.linear.scatter [tilespmem:s24], [sflag:$0x2], $0xC80, $0x38;
	[tilespmem:$0x17CA0] =	vst v63  }
0x453: {  	_ =	swait.ge [sflag:s29], $0xC80  }
0x454: {  	s25 =	sld [smem:$0x7E7]  }
0x455: {  	[sflag:s29] =	ssyncset.done $0x0  }
0x456: {  	[sflag:s29] =	ssyncadd.s32 $0xFFFFF380  }
0x457: {  	[tilespmem:s24], [sflag:$0x2] =	stream.linear.gather [spmem:s25], $0xC80, $0x38;
	[tilespmem:$0x17CA0] =	vst v63  }
0x458: {  	_ =	swait.ge [sflag:s29], $0xC80  }
0x459: {  	s25 =	sld [smem:$0x7CA]  }
0x45a: {  	[sflag:s29] =	ssyncset.done $0x0  }
0x45b: {  	[sflag:s29] =	ssyncadd.s32 $0xFFFFF380  }
0x45c: {  	[hbm4b:s25+s3] =	stream.linear.scatter [tilespmem:s24], [sflag:$0x2], $0xC80, $0x38;
	[tilespmem:$0x17CA0] =	vst v63  }
0x45d: {  	_ =	swait.ge [sflag:s29], $0xC80  }
0x45e: {  	s25 =	sld [smem:$0x7E8]  }
0x45f: {  	[sflag:s29] =	ssyncset.done $0x0  }
0x460: {  	[sflag:s29] =	ssyncadd.s32 $0xFFFFF380  }
0x461: {  	[tilespmem:s24], [sflag:$0x2] =	stream.linear.gather [spmem:s25], $0xC80, $0x38;
	[tilespmem:$0x17CA0] =	vst v63  }
0x462: {  	_ =	swait.ge [sflag:s29], $0xC80  }
0x463: {  	s25 =	sld [smem:$0x7CB]  }
0x464: {  	[sflag:s29] =	ssyncset.done $0x0  }
0x465: {  	[sflag:s29] =	ssyncadd.s32 $0xFFFFF380  }
0x466: {  	[hbm4b:s25+s3] =	stream.linear.scatter [tilespmem:s24], [sflag:$0x2], $0xC80, $0x38;
	[tilespmem:$0x17CA0] =	vst v63  }
0x467: {  	_ =	swait.ge [sflag:s29], $0xC80  }
0x468: {  	s25 =	sld [smem:$0x7E9]  }
0x469: {  	[sflag:s29] =	ssyncset.done $0x0  }
0x46a: {  	[sflag:s29] =	ssyncadd.s32 $0xFFFFF380  }
0x46b: {  	[tilespmem:s24], [sflag:$0x2] =	stream.linear.gather [spmem:s25], $0xC80, $0x38;
	[tilespmem:$0x17CA0] =	vst v63  }
0x46c: {  	_ =	swait.ge [sflag:s29], $0xC80  }
0x46d: {  	s25 =	sld [smem:$0x7CC]  }
0x46e: {  	[sflag:s29] =	ssyncset.done $0x0  }
0x46f: {  	[sflag:s29] =	ssyncadd.s32 $0xFFFFF380  }
0x470: {  	[hbm4b:s25+s3] =	stream.linear.scatter [tilespmem:s24], [sflag:$0x2], $0xC80, $0x38;
	[tilespmem:$0x17CA0] =	vst v63  }
0x471: {  	_ =	swait.ge [sflag:s29], $0xC80  }
0x472: {  	s25 =	sld [smem:$0x7EA]  }
0x473: {  	[sflag:s29] =	ssyncset.done $0x0  }
0x474: {  	[sflag:s29] =	ssyncadd.s32 $0xFFFFF380  }
0x475: {  	[tilespmem:s24], [sflag:$0x2] =	stream.linear.gather [spmem:s25], $0xC80, $0x38;
	[tilespmem:$0x17CA0] =	vst v63  }
0x476: {  	_ =	swait.ge [sflag:s29], $0xC80  }
0x477: {  	s25 =	sld [smem:$0x7CD]  }
0x478: {  	[sflag:s29] =	ssyncset.done $0x0  }
0x479: {  	[sflag:s29] =	ssyncadd.s32 $0xFFFFF380  }
0x47a: {  	[hbm4b:s25+s3] =	stream.linear.scatter [tilespmem:s24], [sflag:$0x2], $0xC80, $0x38;
	[tilespmem:$0x17CA0] =	vst v63  }
0x47b: {  	_ =	swait.ge [sflag:s29], $0xC80  }
0x47c: {  	s25 =	sld [smem:$0x7EB]  }
0x47d: {  	[sflag:s29] =	ssyncset.done $0x0  }
0x47e: {  	[sflag:s29] =	ssyncadd.s32 $0xFFFFF380  }
0x47f: {  	[tilespmem:s24], [sflag:$0x2] =	stream.linear.gather [spmem:s25], $0xC80, $0x38;
	[tilespmem:$0x17CA0] =	vst v63  }
0x480: {  	_ =	swait.ge [sflag:s29], $0xC80  }
0x481: {  	s25 =	sld [smem:$0x7CE]  }
0x482: {  	[sflag:s29] =	ssyncset.done $0x0  }
0x483: {  	[sflag:s29] =	ssyncadd.s32 $0xFFFFF380  }
0x484: {  	[hbm4b:s25+s3] =	stream.linear.scatter [tilespmem:s24], [sflag:$0x2], $0xC80, $0x38;
	[tilespmem:$0x17CA0] =	vst v63  }
0x485: {  	_ =	swait.ge [sflag:s29], $0xC80  }
0x486: {  	s25 =	sld [smem:$0x7EC]  }
0x487: {  	[sflag:s29] =	ssyncset.done $0x0  }
0x488: {  	[sflag:s29] =	ssyncadd.s32 $0xFFFFF380  }
0x489: {  	[tilespmem:s24], [sflag:$0x2] =	stream.linear.gather [spmem:s25], $0xC80, $0x38;
	[tilespmem:$0x17CA0] =	vst v63  }
0x48a: {  	_ =	swait.ge [sflag:s29], $0xC80  }
0x48b: {  	s25 =	sld [smem:$0x7CF]  }
0x48c: {  	[sflag:s29] =	ssyncset.done $0x0  }
0x48d: {  	[sflag:s29] =	ssyncadd.s32 $0xFFFFF380  }
0x48e: {  	[hbm4b:s25+s3] =	stream.linear.scatter [tilespmem:s24], [sflag:$0x2], $0xC80, $0x38;
	[tilespmem:$0x17CA0] =	vst v63  }
0x48f: {  	_ =	swait.ge [sflag:s29], $0xC80  }
0x490: {  	s25 =	sld [smem:$0x7ED]  }
0x491: {  	[sflag:s29] =	ssyncset.done $0x0  }
0x492: {  	[sflag:s29] =	ssyncadd.s32 $0xFFFFF380  }
0x493: {  	[tilespmem:s24], [sflag:$0x2] =	stream.linear.gather [spmem:s25], $0xC80, $0x38;
	[tilespmem:$0x17CA0] =	vst v63  }
0x494: {  	_ =	swait.ge [sflag:s29], $0xC80  }
0x495: {  	s25 =	sld [smem:$0x7D0]  }
0x496: {  	[sflag:s29] =	ssyncset.done $0x0  }
0x497: {  	[sflag:s29] =	ssyncadd.s32 $0xFFFFF380  }
0x498: {  	[hbm4b:s25+s3] =	stream.linear.scatter [tilespmem:s24], [sflag:$0x2], $0xC80, $0x38;
	[tilespmem:$0x17CA0] =	vst v63  }
0x499: {  	_ =	swait.ge [sflag:s29], $0xC80  }
0x49a: {  	s25 =	sld [smem:$0x7EE]  }
0x49b: {  	[sflag:s29] =	ssyncset.done $0x0  }
0x49c: {  	[sflag:s29] =	ssyncadd.s32 $0xFFFFF380  }
0x49d: {  	[tilespmem:s24], [sflag:$0x2] =	stream.linear.gather [spmem:s25], $0xC80, $0x38;
	[tilespmem:$0x17CA0] =	vst v63  }
0x49e: {  	_ =	swait.ge [sflag:s29], $0xC80  }
0x49f: {  	s25 =	sld [smem:$0x7D1]  }
0x4a0: {  	[sflag:s29] =	ssyncset.done $0x0  }
0x4a1: {  	[sflag:s29] =	ssyncadd.s32 $0xFFFFF380  }
0x4a2: {  	[hbm4b:s25+s3] =	stream.linear.scatter [tilespmem:s24], [sflag:$0x2], $0xC80, $0x38;
	[tilespmem:$0x17CA0] =	vst v63  }
0x4a3: {  	_ =	swait.ge [sflag:s29], $0xC80  }
0x4a4: {  	s25 =	sld [smem:$0x7EF]  }
0x4a5: {  	[sflag:s29] =	ssyncset.done $0x0  }
0x4a6: {  	[sflag:s29] =	ssyncadd.s32 $0xFFFFF380  }
0x4a7: {  	[tilespmem:s24], [sflag:$0x2] =	stream.linear.gather [spmem:s25], $0xC80, $0x38;
	[tilespmem:$0x17CA0] =	vst v63  }
0x4a8: {  	_ =	swait.ge [sflag:s29], $0xC80  }
0x4a9: {  	s25 =	sld [smem:$0x7D2]  }
0x4aa: {  	[sflag:s29] =	ssyncset.done $0x0  }
0x4ab: {  	[sflag:s29] =	ssyncadd.s32 $0xFFFFF380  }
0x4ac: {  	[hbm4b:s25+s3] =	stream.linear.scatter [tilespmem:s24], [sflag:$0x2], $0xC80, $0x38;
	[tilespmem:$0x17CA0] =	vst v63  }
0x4ad: {  	_ =	swait.ge [sflag:s29], $0xC80  }
0x4ae: {  	s25 =	sld [smem:$0x7F0]  }
0x4af: {  	[sflag:s29] =	ssyncset.done $0x0  }
0x4b0: {  	[sflag:s29] =	ssyncadd.s32 $0xFFFFF380  }
0x4b1: {  	[tilespmem:s24], [sflag:$0x2] =	stream.linear.gather [spmem:s25], $0xC80, $0x38;
	[tilespmem:$0x17CA0] =	vst v63  }
0x4b2: {  	_ =	swait.ge [sflag:s29], $0xC80  }
0x4b3: {  	s25 =	sld [smem:$0x7D3]  }
0x4b4: {  	[sflag:s29] =	ssyncset.done $0x0  }
0x4b5: {  	[sflag:s29] =	ssyncadd.s32 $0xFFFFF380  }
0x4b6: {  	[hbm4b:s25+s3] =	stream.linear.scatter [tilespmem:s24], [sflag:$0x2], $0xC80, $0x38;
	[tilespmem:$0x17CA0] =	vst v63  }
0x4b7: {  	_ =	swait.ge [sflag:s29], $0xC80  }
0x4b8: {  	s25 =	sld [smem:$0x7F1]  }
0x4b9: {  	[sflag:s29] =	ssyncset.done $0x0  }
0x4ba: {  	[sflag:s29] =	ssyncadd.s32 $0xFFFFF380  }
0x4bb: {  	[tilespmem:s24], [sflag:$0x2] =	stream.linear.gather [spmem:s25], $0xC80, $0x38;
	[tilespmem:$0x17CA0] =	vst v63  }
0x4bc: {  	_ =	swait.ge [sflag:s29], $0xC80  }
0x4bd: {  	s25 =	sld [smem:$0x7D4]  }
0x4be: {  	[sflag:s29] =	ssyncset.done $0x0  }
0x4bf: {  	[sflag:s29] =	ssyncadd.s32 $0xFFFFF380  }
0x4c0: {  	[hbm4b:s25+s3] =	stream.linear.scatter [tilespmem:s24], [sflag:$0x2], $0xC80, $0x38;
	[tilespmem:$0x17CA0] =	vst v63  }
0x4c1: {  	_ =	swait.ge [sflag:s29], $0xC80  }
0x4c2: {  	s25 =	sld [smem:$0x7F2]  }
0x4c3: {  	[sflag:s29] =	ssyncset.done $0x0  }
0x4c4: {  	[sflag:s29] =	ssyncadd.s32 $0xFFFFF380  }
0x4c5: {  	[tilespmem:s24], [sflag:$0x2] =	stream.linear.gather [spmem:s25], $0xC80, $0x38;
	[tilespmem:$0x17CA0] =	vst v63  }
0x4c6: {  	_ =	swait.ge [sflag:s29], $0xC80  }
0x4c7: {  	s25 =	sld [smem:$0x7D5]  }
0x4c8: {  	[sflag:s29] =	ssyncset.done $0x0  }
0x4c9: {  	[sflag:s29] =	ssyncadd.s32 $0xFFFFF380  }
0x4ca: {  	[hbm4b:s25+s3] =	stream.linear.scatter [tilespmem:s24], [sflag:$0x2], $0xC80, $0x38;
	[tilespmem:$0x17CA0] =	vst v63  }
0x4cb: {  	_ =	swait.ge [sflag:s29], $0xC80  }
0x4cc: {  	s28 =	sld [smem:$0x7FC]  }
0x4cd: {  	[sflag:s29] =	ssyncset.done $0x0  }
0x4ce: {  	[sflag:s29] =	ssyncadd.s32 $0xFFFFF380  }
0x4cf: {  	[tilespmem:s24], [sflag:$0x2] =	stream.linear.gather [spmem:s28], $0xC80, $0x38;
	[tilespmem:$0x17CA0] =	vst v63  }
0x4d0: {  	_ =	swait.ge [sflag:s29], $0xC80  }
0x4d1: {  	s25 =	sld [smem:$0x7D6]  }
0x4d2: {  	[sflag:s29] =	ssyncset.done $0x0  }
0x4d3: {  	[sflag:s29] =	ssyncadd.s32 $0xFFFFF380  }
0x4d4: {  	[hbm4b:s25+s3] =	stream.linear.scatter [tilespmem:s24], [sflag:$0x2], $0xC80, $0x38;
	[tilespmem:$0x17CA0] =	vst v63  }
0x4d5: {  	_ =	swait.ge [sflag:s29], $0xC80  }
0x4d6: {  	s25 =	sld [smem:$0x7FD]  }
0x4d7: {  	[sflag:s29] =	ssyncset.done $0x0  }
0x4d8: {  	[sflag:s29] =	ssyncadd.s32 $0xFFFFF380  }
0x4d9: {  	[tilespmem:s24], [sflag:$0x2] =	stream.linear.gather [spmem:s25], $0xC80, $0x38;
	[tilespmem:$0x17CA0] =	vst v63  }
0x4da: {  	_ =	swait.ge [sflag:s29], $0xC80  }
0x4db: {  	s23 =	sld [smem:$0x7D7]  }
0x4dc: {  	[sflag:s29] =	ssyncset.done $0x0  }
0x4dd: {  	[sflag:s29] =	ssyncadd.s32 $0xFFFFF380  }
0x4de: {  	[hbm4b:s23+s3] =	stream.linear.scatter [tilespmem:s24], [sflag:$0x2], $0xC80, $0x38;
	[tilespmem:$0x17CA0] =	vst v63  }
0x4df: {  	_ =	swait.ge [sflag:s29], $0xC80  }
0x4e0: {  	s23 =	sld [smem:$0x7F3]  }
0x4e1: {  	[sflag:s29] =	ssyncset.done $0x0  }
0x4e2: {  	[sflag:s29] =	ssyncadd.s32 $0xFFFFF380  }
0x4e3: {  	[tilespmem:s24], [sflag:$0x2] =	stream.linear.gather [spmem:s23], $0xC80, $0x38;
	[tilespmem:$0x17CA0] =	vst v63  }
0x4e4: {  	_ =	swait.ge [sflag:s29], $0xC80  }
0x4e5: {  	s23 =	sld [smem:$0x7D8]  }
0x4e6: {  	[sflag:s29] =	ssyncset.done $0x0  }
0x4e7: {  	[sflag:s29] =	ssyncadd.s32 $0xFFFFF380  }
0x4e8: {  	[hbm4b:s23+s3] =	stream.linear.scatter [tilespmem:s24], [sflag:$0x2], $0xC80, $0x38;
	[tilespmem:$0x17CA0] =	vst v63  }
0x4e9: {  	_ =	swait.ge [sflag:s29], $0xC80  }
0x4ea: {  	s23 =	sld [smem:$0x7F4]  }
0x4eb: {  	[sflag:s29] =	ssyncset.done $0x0  }
0x4ec: {  	[sflag:s29] =	ssyncadd.s32 $0xFFFFF380  }
0x4ed: {  	[tilespmem:s24], [sflag:$0x2] =	stream.linear.gather [spmem:s23], $0xC80, $0x38;
	[tilespmem:$0x17CA0] =	vst v63  }
0x4ee: {  	_ =	swait.ge [sflag:s29], $0xC80  }
0x4ef: {  	s23 =	sld [smem:$0x7D9]  }
0x4f0: {  	[sflag:s29] =	ssyncset.done $0x0  }
0x4f1: {  	[sflag:s29] =	ssyncadd.s32 $0xFFFFF380  }
0x4f2: {  	[hbm4b:s23+s3] =	stream.linear.scatter [tilespmem:s24], [sflag:$0x2], $0xC80, $0x38;
	[tilespmem:$0x17CA0] =	vst v63  }
0x4f3: {  	_ =	swait.ge [sflag:s29], $0xC80  }
0x4f4: {  	s23 =	sld [smem:$0x7F5]  }
0x4f5: {  	[sflag:s29] =	ssyncset.done $0x0  }
0x4f6: {  	[sflag:s29] =	ssyncadd.s32 $0xFFFFF380  }
0x4f7: {  	[tilespmem:s24], [sflag:$0x2] =	stream.linear.gather [spmem:s23], $0xC80, $0x38;
	[tilespmem:$0x17CA0] =	vst v63  }
0x4f8: {  	_ =	swait.ge [sflag:s29], $0xC80  }
0x4f9: {  	s23 =	sld [smem:$0x7DA]  }
0x4fa: {  	[sflag:s29] =	ssyncset.done $0x0  }
0x4fb: {  	[sflag:s29] =	ssyncadd.s32 $0xFFFFF380  }
0x4fc: {  	[hbm4b:s23+s3] =	stream.linear.scatter [tilespmem:s24], [sflag:$0x2], $0xC80, $0x38;
	[tilespmem:$0x17CA0] =	vst v63  }
0x4fd: {  	_ =	swait.ge [sflag:s29], $0xC80  }
0x4fe: {  	s23 =	sld [smem:$0x7F6]  }
0x4ff: {  	[sflag:s29] =	ssyncset.done $0x0  }
0x500: {  	[sflag:s29] =	ssyncadd.s32 $0xFFFFF380  }
0x501: {  	[tilespmem:s24], [sflag:$0x2] =	stream.linear.gather [spmem:s23], $0xC80, $0x38;
	[tilespmem:$0x17CA0] =	vst v63  }
0x502: {  	_ =	swait.ge [sflag:s29], $0xC80  }
0x503: {  	s23 =	sld [smem:$0x7DB]  }
0x504: {  	[sflag:s29] =	ssyncset.done $0x0  }
0x505: {  	[sflag:s29] =	ssyncadd.s32 $0xFFFFF380  }
0x506: {  	[hbm4b:s23+s3] =	stream.linear.scatter [tilespmem:s24], [sflag:$0x2], $0xC80, $0x38;
	[tilespmem:$0x17CA0] =	vst v63  }
0x507: {  	_ =	swait.ge [sflag:s29], $0xC80  }
0x508: {  	s23 =	sld [smem:$0x7F7]  }
0x509: {  	[sflag:s29] =	ssyncset.done $0x0  }
0x50a: {  	[sflag:s29] =	ssyncadd.s32 $0xFFFFF380  }
0x50b: {  	[tilespmem:s24], [sflag:$0x2] =	stream.linear.gather [spmem:s23], $0xC80, $0x38;
	[tilespmem:$0x17CA0] =	vst v63  }
0x50c: {  	_ =	swait.ge [sflag:s29], $0xC80  }
0x50d: {  	s23 =	sld [smem:$0x7DC]  }
0x50e: {  	[sflag:s29] =	ssyncset.done $0x0  }
0x50f: {  	[sflag:s29] =	ssyncadd.s32 $0xFFFFF380  }
0x510: {  	[hbm4b:s23+s3] =	stream.linear.scatter [tilespmem:s24], [sflag:$0x2], $0xC80, $0x38;
	[tilespmem:$0x17CA0] =	vst v63  }
0x511: {  	_ =	swait.ge [sflag:s29], $0xC80  }
0x512: {  	s23 =	sld [smem:$0x7F8]  }
0x513: {  	[sflag:s29] =	ssyncset.done $0x0  }
0x514: {  	[sflag:s29] =	ssyncadd.s32 $0xFFFFF380  }
0x515: {  	[tilespmem:s24], [sflag:$0x2] =	stream.linear.gather [spmem:s23], $0xC80, $0x38;
	[tilespmem:$0x17CA0] =	vst v63  }
0x516: {  	_ =	swait.ge [sflag:s29], $0xC80  }
0x517: {  	s23 =	sld [smem:$0x7DD]  }
0x518: {  	[sflag:s29] =	ssyncset.done $0x0  }
0x519: {  	[sflag:s29] =	ssyncadd.s32 $0xFFFFF380  }
0x51a: {  	[hbm4b:s23+s3] =	stream.linear.scatter [tilespmem:s24], [sflag:$0x2], $0xC80, $0x38;
	[tilespmem:$0x17CA0] =	vst v63  }
0x51b: {  	_ =	swait.ge [sflag:s29], $0xC80  }
0x51c: {  	s23 =	sld [smem:$0x7FB];
	_ =	sdelay $0x2  }
0x51d: {  	s24 =	sadd.s32 $0x1, s23;
	s23 =	sld [smem:$0x7FA];
	_ =	sdelay $0x2  }
0x51e: {  	p0 =	sne.s32 s24, s23  }
.Ltmp1:
0x51f: {  	_ = 	snop;
	(pc) =	sbr.rel @p0 .LBB2_1-.Ltmp1, $3  }
0x520: {  	_ =	sdelay $0x1  }
0x521: {  	[sflag:s29] =	ssyncset.done $0x0  }
0x522: {  	[sflag:s29] =	ssyncadd.s32 $0xFFFFF380;
	[smem:$0x7FB] =	sst s24;
	s23 =	simm.s32 $0x37A0  }
0x523: {  	_ =	sfence.sel $0x180000  }
0x524: {  	[bflag:$0x0] =	sbarrier.arrive $0xFFFF  }
0x525: {  	_ =	strace $0x90000047  }
0x526: {  	s0 =	stileid.u32;
	[bflag:$0x2] =	sbarrier.arrive $0xFFFF  }
0x527: {  	p0 =	sne.s32 s0, $0x0;
	s0 =	rddreg [dreg:$0x3]  }
0x528: {  	s0 =	sadd.s32 @!p0 $0x100000, s0  }
0x529: {  	[sflag:s0] =	ssyncadd.tile.s32 @!p0 $0x1;
	_ =	shalt  }
.Lfunc_end2:
_tile_overlayer_lowered:
.L_overlay_start_2:
0x52a: {  	(tag) =	ssettag $0x2  }
0x52b: {  	s0 =	rddreg [dreg:$0x0];
	s2 =	stileid.u32  }
0x52c: {  	s1 =	rddreg [dreg:$0x1];
	p0 =	sne.s32 s2, $0x0  }
0x52d: {  	s3 =	rddreg [dreg:$0x2];
	[bflag:$0x3] =	sbarrier.arrive $0xFFFF;
	s2 =	simm.s32 @!p0 $0x1C02  }
0x52e: {  	[timem:s3], [sflag:s2] =	dma.local @!p0 [hbm:s0], s1  }
0x52f: {  	s0 =	simm.s32 @!p0 $0x2  }
0x530: {  	_ =	swait.ge @!p0 [sflag:s0], s1  }
0x531: {  	s1 =	ssub.s32 @!p0 $0x0, s1;
	[sflag:s0] =	ssyncset.done @!p0 $0x0  }
0x532: {  	[sflag:s0] =	ssyncadd.s32 @!p0 s1  }
0x533: {  	[bflag:$0x3] =	sbarrier.arrive $0xFFFF  }
0x534: {  	_ =	shalt  }

</sc_bundles>
